<compile_context>
chip_gen: v7x
topology: tpu7x:2x2x1
jax: 0.10.2.dev20260603
libtpu: 0.0.44.dev20260713+nightly
codegen_flags: <defaults>
</compile_context>

<pallas_src>
import functools

import jax
import jax.numpy as jnp
from jax import lax
from jax.experimental import pallas as pl
from jax.experimental.pallas import tpu as pltpu
from jax.experimental.pallas import tpu_sc as plsc

NUM_EMB = 1000000
DIM = 64
SEQ = 16384
NUM_WORKERS = 32
B_PER_W = SEQ // NUM_WORKERS
FLIGHT = 32
NG = B_PER_W // FLIGHT
DEPTH = 4


def _body(table_hbm, idx_hbm, out_hbm, idx_v, rows_v, sem0, sem1):
    wid = lax.axis_index("s") * 2 + lax.axis_index("c")
    base = wid * B_PER_W
    pltpu.sync_copy(idx_hbm.at[pl.ds(base, B_PER_W)], idx_v)
    sems = (sem0, sem1)

    def fire_s(g, sem):
        gb = g * FLIGHT
        for v16 in range(FLIGHT // 16):
            vec = idx_v[pl.ds(gb + v16 * 16, 16)]
            for i in range(16):
                row = vec[i]
                pltpu.async_copy(
                    table_hbm.at[pl.ds(row, 1), :],
                    rows_v.at[pl.ds(gb + v16 * 16 + i, 1), :],
                    sem,
                )

    def drain_s(g, sem):
        pltpu.make_async_copy(
            table_hbm.at[pl.ds(0, FLIGHT), :],
            rows_v.at[pl.ds(g * FLIGHT, FLIGHT), :],
            sem,
        ).wait()

    for g in range(DEPTH):
        fire_s(g, sems[g % 2])

    def pair(p, _):
        g = 2 * p
        drain_s(g, sems[0])
        fire_s(g + DEPTH, sems[0])
        drain_s(g + 1, sems[1])
        fire_s(g + DEPTH + 1, sems[1])
        return ()

    lax.fori_loop(0, (NG - DEPTH) // 2, pair, ())
    for g in range(NG - DEPTH, NG):
        drain_s(g, sems[g % 2])
    pltpu.sync_copy(rows_v, out_hbm.at[pl.ds(base, B_PER_W)])


def kernel(token_ids, embedding_matrix):
    mesh = plsc.VectorSubcoreMesh(core_axis_name="c", subcore_axis_name="s")
    k = pl.kernel(
        _body,
        mesh=mesh,
        out_type=jax.ShapeDtypeStruct((SEQ, DIM), jnp.float32),
        scratch_types=[
            pltpu.VMEM((B_PER_W,), jnp.int32),
            pltpu.VMEM((B_PER_W, DIM), jnp.float32),
            pltpu.SemaphoreType.DMA,
            pltpu.SemaphoreType.DMA,
        ],
    )
    return k(embedding_matrix, token_ids.astype(jnp.int32))

# --- scband reference (transcript-rebuilt; emitter-appended) ---
"""Pipeline reference for scband-embedding-32676111188720 (READ-ONLY COPY).

The authoritative reference and input builder live on the scoring server;
editing this copy changes nothing except your own understanding.
"""

import jax, jax.numpy as jnp
import numpy as np

NUM_EMBEDDINGS = 1000000
EMBEDDING_DIM = 64
SEQ_LEN = 16384

def setup_inputs(seed: int = 0) -> dict:
    key = jax.random.key(seed)
    k1, k2 = jax.random.split(key)
    token_ids = jax.random.randint(k1, (SEQ_LEN,), 0, NUM_EMBEDDINGS, dtype=jnp.int64 if jax.config.jax_enable_x64 else jnp.int32)
    # Original module initializes the table to zeros; use small random values so output is non-trivial
    embedding_matrix = jax.random.normal(k2, (NUM_EMBEDDINGS, EMBEDDING_DIM), dtype=jnp.float32) * 0.02
    return {"token_ids": token_ids, "embedding_matrix": embedding_matrix}

def reference(token_ids, embedding_matrix):
    # Faithful translation of: return self.embedding_matrix[token_ids]
    return jnp.take(embedding_matrix, token_ids, axis=0)

if __name__ == "__main__":
    import jax
    _d = setup_inputs()
    print(jax.jit(kernel)(*tuple(_d.values())))

</pallas_src>

<mosaic_0001>
#map = affine_map<(d0, d1) -> (0, 0)>
#map1 = affine_map<(d0, d1) -> (0)>
module attributes {stable_mosaic.version = 14 : i64} {
  func.func @_body(%arg0: i32, %arg1: i32, %arg2: memref<1000000x64xf32, #tpu.memory_space<hbm>>, %arg3: memref<16384xi32, #tpu.memory_space<hbm>>, %arg4: memref<16384x64xf32, #tpu.memory_space<hbm>>, %arg5: memref<512xi32, #tpu.memory_space<vmem>>, %arg6: memref<512x64xf32, #tpu.memory_space<vmem>>, %arg7: memref<!tpu.dma_semaphore, #tpu.memory_space<semaphore_mem>>, %arg8: memref<!tpu.dma_semaphore, #tpu.memory_space<semaphore_mem>>) attributes {dimension_semantics = [#tpu.dimension_semantics<core_parallel>, #tpu.dimension_semantics<subcore_parallel>], iteration_bounds = array<i64: 2, 16>, scalar_prefetch = 0 : i64, scratch_operands = 4 : i64, tpu.core_type = #tpu.core_type<sc_vector_subcore>, window_params = [{transform_indices = #map}, {transform_indices = #map1}, {transform_indices = #map}]} {
    %mul3A = arith.constant 2 : i32
    %mul3A_0 = arith.muli %arg1, %mul3A : i32
    %add3A = arith.addi %mul3A_0, %arg0 : i32
    %mul3A_1 = arith.constant 512 : i32
    %mul3A_2 = arith.muli %add3A, %mul3A_1 : i32
    "tpu.region"() ({
      %run_scoped3A = tpu.sem_alloc : memref<!tpu.dma_semaphore, #tpu.memory_space<semaphore_mem>>
      %dma_start3A_1610 = tpu.memref_slice %arg3[%mul3A_2] : memref<16384xi32, #tpu.memory_space<hbm>> -> memref<512xi32, #tpu.memory_space<hbm>>
      %dma_start3A_1611 = tpu.memref_slice %arg3[%mul3A_2] : memref<16384xi32, #tpu.memory_space<hbm>> -> memref<512xi32, #tpu.memory_space<hbm>>
      tpu.enqueue_dma source(%dma_start3A_1611 : memref<512xi32, #tpu.memory_space<hbm>>) target(%arg5 : memref<512xi32, #tpu.memory_space<vmem>>) target_semaphore(%run_scoped3A : memref<!tpu.dma_semaphore, #tpu.memory_space<semaphore_mem>>)
      %dma_wait3A_1612 = tpu.memref_slice %arg3[%mul3A_2] : memref<16384xi32, #tpu.memory_space<hbm>> -> memref<512xi32, #tpu.memory_space<hbm>>
      %dma_wait3A_1613 = tpu.memref_slice %arg3[%mul3A_2] : memref<16384xi32, #tpu.memory_space<hbm>> -> memref<512xi32, #tpu.memory_space<hbm>>
      tpu.wait_dma2 semaphore(%run_scoped3A : memref<!tpu.dma_semaphore, #tpu.memory_space<semaphore_mem>>) src(%dma_wait3A_1613 : memref<512xi32, #tpu.memory_space<hbm>>) dst(%arg5 : memref<512xi32, #tpu.memory_space<vmem>>)
      tpu.yield
    }) : () -> ()
    %get3A = arith.constant 0 : index
    %get3A_3 = tpu.vector_load %arg5[%get3A] {strides = array<i32>} : memref<512xi32, #tpu.memory_space<vmem>>, vector<16xi32>,
    %get3A_4 = vector.shape_cast %get3A_3 : vector<16xi32> to vector<16xi32>
    %slice3A = vector.extract_strided_slice %get3A_4 {offsets = [0], sizes = [1], strides = [1]} : vector<16xi32> to vector<1xi32>
    %squeeze3A = vector.extract %slice3A[0] : i32 from vector<1xi32>
    %dma_start3A = arith.constant 0 : i32
    %dma_start3A_5 = arith.constant 0 : i32
    %dma_start3A_6 = tpu.memref_slice %arg6[%dma_start3A, %dma_start3A_5] : memref<512x64xf32, #tpu.memory_space<vmem>> -> memref<1x64xf32, #tpu.memory_space<vmem>>
    %dma_start3A_7 = arith.constant 0 : i32
    %dma_start3A_8 = tpu.memref_slice %arg2[%squeeze3A, %dma_start3A_7] : memref<1000000x64xf32, #tpu.memory_space<hbm>> -> memref<1x64xf32, #tpu.memory_space<hbm>>
    %dma_start3A_9 = arith.constant 0 : i32
    %dma_start3A_10 = arith.constant 0 : i32
    %dma_start3A_11 = tpu.memref_slice %arg6[%dma_start3A_9, %dma_start3A_10] : memref<512x64xf32, #tpu.memory_space<vmem>> -> memref<1x64xf32, #tpu.memory_space<vmem>>
    %dma_start3A_12 = arith.constant 0 : i32
    %dma_start3A_13 = tpu.memref_slice %arg2[%squeeze3A, %dma_start3A_12] : memref<1000000x64xf32, #tpu.memory_space<hbm>> -> memref<1x64xf32, #tpu.memory_space<hbm>>
    tpu.enqueue_dma source(%dma_start3A_13 : memref<1x64xf32, #tpu.memory_space<hbm>>) target(%dma_start3A_11 : memref<1x64xf32, #tpu.memory_space<vmem>>) target_semaphore(%arg7 : memref<!tpu.dma_semaphore, #tpu.memory_space<semaphore_mem>>)
    %slice3A_14 = vector.extract_strided_slice %get3A_4 {offsets = [1], sizes = [1], strides = [1]} : vector<16xi32> to vector<1xi32>
    %squeeze3A_15 = vector.extract %slice3A_14[0] : i32 from vector<1xi32>
    %dma_start3A_16 = arith.constant 1 : i32
    %dma_start3A_17 = arith.constant 0 : i32
    %dma_start3A_18 = tpu.memref_slice %arg6[%dma_start3A_16, %dma_start3A_17] : memref<512x64xf32, #tpu.memory_space<vmem>> -> memref<1x64xf32, #tpu.memory_space<vmem>>
    %dma_start3A_19 = arith.constant 0 : i32
    %dma_start3A_20 = tpu.memref_slice %arg2[%squeeze3A_15, %dma_start3A_19] : memref<1000000x64xf32, #tpu.memory_space<hbm>> -> memref<1x64xf32, #tpu.memory_space<hbm>>
    %dma_start3A_21 = arith.constant 1 : i32
    %dma_start3A_22 = arith.constant 0 : i32
    %dma_start3A_23 = tpu.memref_slice %arg6[%dma_start3A_21, %dma_start3A_22] : memref<512x64xf32, #tpu.memory_space<vmem>> -> memref<1x64xf32, #tpu.memory_space<vmem>>
    %dma_start3A_24 = arith.constant 0 : i32
    %dma_start3A_25 = tpu.memref_slice %arg2[%squeeze3A_15, %dma_start3A_24] : memref<1000000x64xf32, #tpu.memory_space<hbm>> -> memref<1x64xf32, #tpu.memory_space<hbm>>
    tpu.enqueue_dma source(%dma_start3A_25 : memref<1x64xf32, #tpu.memory_space<hbm>>) target(%dma_start3A_23 : memref<1x64xf32, #tpu.memory_space<vmem>>) target_semaphore(%arg7 : memref<!tpu.dma_semaphore, #tpu.memory_space<semaphore_mem>>)
    %slice3A_26 = vector.extract_strided_slice %get3A_4 {offsets = [2], sizes = [1], strides = [1]} : vector<16xi32> to vector<1xi32>
    %squeeze3A_27 = vector.extract %slice3A_26[0] : i32 from vector<1xi32>
    %dma_start3A_28 = arith.constant 2 : i32
    %dma_start3A_29 = arith.constant 0 : i32
    %dma_start3A_30 = tpu.memref_slice %arg6[%dma_start3A_28, %dma_start3A_29] : memref<512x64xf32, #tpu.memory_space<vmem>> -> memref<1x64xf32, #tpu.memory_space<vmem>>
    %dma_start3A_31 = arith.constant 0 : i32
    %dma_start3A_32 = tpu.memref_slice %arg2[%squeeze3A_27, %dma_start3A_31] : memref<1000000x64xf32, #tpu.memory_space<hbm>> -> memref<1x64xf32, #tpu.memory_space<hbm>>
    %dma_start3A_33 = arith.constant 2 : i32
    %dma_start3A_34 = arith.constant 0 : i32
    %dma_start3A_35 = tpu.memref_slice %arg6[%dma_start3A_33, %dma_start3A_34] : memref<512x64xf32, #tpu.memory_space<vmem>> -> memref<1x64xf32, #tpu.memory_space<vmem>>
    %dma_start3A_36 = arith.constant 0 : i32
    %dma_start3A_37 = tpu.memref_slice %arg2[%squeeze3A_27, %dma_start3A_36] : memref<1000000x64xf32, #tpu.memory_space<hbm>> -> memref<1x64xf32, #tpu.memory_space<hbm>>
    tpu.enqueue_dma source(%dma_start3A_37 : memref<1x64xf32, #tpu.memory_space<hbm>>) target(%dma_start3A_35 : memref<1x64xf32, #tpu.memory_space<vmem>>) target_semaphore(%arg7 : memref<!tpu.dma_semaphore, #tpu.memory_space<semaphore_mem>>)
    %slice3A_38 = vector.extract_strided_slice %get3A_4 {offsets = [3], sizes = [1], strides = [1]} : vector<16xi32> to vector<1xi32>
    %squeeze3A_39 = vector.extract %slice3A_38[0] : i32 from vector<1xi32>
    %dma_start3A_40 = arith.constant 3 : i32
    %dma_start3A_41 = arith.constant 0 : i32
    %dma_start3A_42 = tpu.memref_slice %arg6[%dma_start3A_40, %dma_start3A_41] : memref<512x64xf32, #tpu.memory_space<vmem>> -> memref<1x64xf32, #tpu.memory_space<vmem>>
    %dma_start3A_43 = arith.constant 0 : i32
    %dma_start3A_44 = tpu.memref_slice %arg2[%squeeze3A_39, %dma_start3A_43] : memref<1000000x64xf32, #tpu.memory_space<hbm>> -> memref<1x64xf32, #tpu.memory_space<hbm>>
    %dma_start3A_45 = arith.constant 3 : i32
    %dma_start3A_46 = arith.constant 0 : i32
    %dma_start3A_47 = tpu.memref_slice %arg6[%dma_start3A_45, %dma_start3A_46] : memref<512x64xf32, #tpu.memory_space<vmem>> -> memref<1x64xf32, #tpu.memory_space<vmem>>
    %dma_start3A_48 = arith.constant 0 : i32
    %dma_start3A_49 = tpu.memref_slice %arg2[%squeeze3A_39, %dma_start3A_48] : memref<1000000x64xf32, #tpu.memory_space<hbm>> -> memref<1x64xf32, #tpu.memory_space<hbm>>
    tpu.enqueue_dma source(%dma_start3A_49 : memref<1x64xf32, #tpu.memory_space<hbm>>) target(%dma_start3A_47 : memref<1x64xf32, #tpu.memory_space<vmem>>) target_semaphore(%arg7 : memref<!tpu.dma_semaphore, #tpu.memory_space<semaphore_mem>>)
    %slice3A_50 = vector.extract_strided_slice %get3A_4 {offsets = [4], sizes = [1], strides = [1]} : vector<16xi32> to vector<1xi32>
    %squeeze3A_51 = vector.extract %slice3A_50[0] : i32 from vector<1xi32>
    %dma_start3A_52 = arith.constant 4 : i32
    %dma_start3A_53 = arith.constant 0 : i32
    %dma_start3A_54 = tpu.memref_slice %arg6[%dma_start3A_52, %dma_start3A_53] : memref<512x64xf32, #tpu.memory_space<vmem>> -> memref<1x64xf32, #tpu.memory_space<vmem>>
    %dma_start3A_55 = arith.constant 0 : i32
    %dma_start3A_56 = tpu.memref_slice %arg2[%squeeze3A_51, %dma_start3A_55] : memref<1000000x64xf32, #tpu.memory_space<hbm>> -> memref<1x64xf32, #tpu.memory_space<hbm>>
    %dma_start3A_57 = arith.constant 4 : i32
    %dma_start3A_58 = arith.constant 0 : i32
    %dma_start3A_59 = tpu.memref_slice %arg6[%dma_start3A_57, %dma_start3A_58] : memref<512x64xf32, #tpu.memory_space<vmem>> -> memref<1x64xf32, #tpu.memory_space<vmem>>
    %dma_start3A_60 = arith.constant 0 : i32
    %dma_start3A_61 = tpu.memref_slice %arg2[%squeeze3A_51, %dma_start3A_60] : memref<1000000x64xf32, #tpu.memory_space<hbm>> -> memref<1x64xf32, #tpu.memory_space<hbm>>
    tpu.enqueue_dma source(%dma_start3A_61 : memref<1x64xf32, #tpu.memory_space<hbm>>) target(%dma_start3A_59 : memref<1x64xf32, #tpu.memory_space<vmem>>) target_semaphore(%arg7 : memref<!tpu.dma_semaphore, #tpu.memory_space<semaphore_mem>>)
    %slice3A_62 = vector.extract_strided_slice %get3A_4 {offsets = [5], sizes = [1], strides = [1]} : vector<16xi32> to vector<1xi32>
    %squeeze3A_63 = vector.extract %slice3A_62[0] : i32 from vector<1xi32>
    %dma_start3A_64 = arith.constant 5 : i32
    %dma_start3A_65 = arith.constant 0 : i32
    %dma_start3A_66 = tpu.memref_slice %arg6[%dma_start3A_64, %dma_start3A_65] : memref<512x64xf32, #tpu.memory_space<vmem>> -> memref<1x64xf32, #tpu.memory_space<vmem>>
    %dma_start3A_67 = arith.constant 0 : i32
    %dma_start3A_68 = tpu.memref_slice %arg2[%squeeze3A_63, %dma_start3A_67] : memref<1000000x64xf32, #tpu.memory_space<hbm>> -> memref<1x64xf32, #tpu.memory_space<hbm>>
    %dma_start3A_69 = arith.constant 5 : i32
    %dma_start3A_70 = arith.constant 0 : i32
    %dma_start3A_71 = tpu.memref_slice %arg6[%dma_start3A_69, %dma_start3A_70] : memref<512x64xf32, #tpu.memory_space<vmem>> -> memref<1x64xf32, #tpu.memory_space<vmem>>
    %dma_start3A_72 = arith.constant 0 : i32
    %dma_start3A_73 = tpu.memref_slice %arg2[%squeeze3A_63, %dma_start3A_72] : memref<1000000x64xf32, #tpu.memory_space<hbm>> -> memref<1x64xf32, #tpu.memory_space<hbm>>
    tpu.enqueue_dma source(%dma_start3A_73 : memref<1x64xf32, #tpu.memory_space<hbm>>) target(%dma_start3A_71 : memref<1x64xf32, #tpu.memory_space<vmem>>) target_semaphore(%arg7 : memref<!tpu.dma_semaphore, #tpu.memory_space<semaphore_mem>>)
    %slice3A_74 = vector.extract_strided_slice %get3A_4 {offsets = [6], sizes = [1], strides = [1]} : vector<16xi32> to vector<1xi32>
    %squeeze3A_75 = vector.extract %slice3A_74[0] : i32 from vector<1xi32>
    %dma_start3A_76 = arith.constant 6 : i32
    %dma_start3A_77 = arith.constant 0 : i32
    %dma_start3A_78 = tpu.memref_slice %arg6[%dma_start3A_76, %dma_start3A_77] : memref<512x64xf32, #tpu.memory_space<vmem>> -> memref<1x64xf32, #tpu.memory_space<vmem>>
    %dma_start3A_79 = arith.constant 0 : i32
    %dma_start3A_80 = tpu.memref_slice %arg2[%squeeze3A_75, %dma_start3A_79] : memref<1000000x64xf32, #tpu.memory_space<hbm>> -> memref<1x64xf32, #tpu.memory_space<hbm>>
    %dma_start3A_81 = arith.constant 6 : i32
    %dma_start3A_82 = arith.constant 0 : i32
    %dma_start3A_83 = tpu.memref_slice %arg6[%dma_start3A_81, %dma_start3A_82] : memref<512x64xf32, #tpu.memory_space<vmem>> -> memref<1x64xf32, #tpu.memory_space<vmem>>
    %dma_start3A_84 = arith.constant 0 : i32
    %dma_start3A_85 = tpu.memref_slice %arg2[%squeeze3A_75, %dma_start3A_84] : memref<1000000x64xf32, #tpu.memory_space<hbm>> -> memref<1x64xf32, #tpu.memory_space<hbm>>
    tpu.enqueue_dma source(%dma_start3A_85 : memref<1x64xf32, #tpu.memory_space<hbm>>) target(%dma_start3A_83 : memref<1x64xf32, #tpu.memory_space<vmem>>) target_semaphore(%arg7 : memref<!tpu.dma_semaphore, #tpu.memory_space<semaphore_mem>>)
    %slice3A_86 = vector.extract_strided_slice %get3A_4 {offsets = [7], sizes = [1], strides = [1]} : vector<16xi32> to vector<1xi32>
    %squeeze3A_87 = vector.extract %slice3A_86[0] : i32 from vector<1xi32>
    %dma_start3A_88 = arith.constant 7 : i32
    %dma_start3A_89 = arith.constant 0 : i32
    %dma_start3A_90 = tpu.memref_slice %arg6[%dma_start3A_88, %dma_start3A_89] : memref<512x64xf32, #tpu.memory_space<vmem>> -> memref<1x64xf32, #tpu.memory_space<vmem>>
    %dma_start3A_91 = arith.constant 0 : i32
    %dma_start3A_92 = tpu.memref_slice %arg2[%squeeze3A_87, %dma_start3A_91] : memref<1000000x64xf32, #tpu.memory_space<hbm>> -> memref<1x64xf32, #tpu.memory_space<hbm>>
    %dma_start3A_93 = arith.constant 7 : i32
    %dma_start3A_94 = arith.constant 0 : i32
    %dma_start3A_95 = tpu.memref_slice %arg6[%dma_start3A_93, %dma_start3A_94] : memref<512x64xf32, #tpu.memory_space<vmem>> -> memref<1x64xf32, #tpu.memory_space<vmem>>
    %dma_start3A_96 = arith.constant 0 : i32
    %dma_start3A_97 = tpu.memref_slice %arg2[%squeeze3A_87, %dma_start3A_96] : memref<1000000x64xf32, #tpu.memory_space<hbm>> -> memref<1x64xf32, #tpu.memory_space<hbm>>
    tpu.enqueue_dma source(%dma_start3A_97 : memref<1x64xf32, #tpu.memory_space<hbm>>) target(%dma_start3A_95 : memref<1x64xf32, #tpu.memory_space<vmem>>) target_semaphore(%arg7 : memref<!tpu.dma_semaphore, #tpu.memory_space<semaphore_mem>>)
    %slice3A_98 = vector.extract_strided_slice %get3A_4 {offsets = [8], sizes = [1], strides = [1]} : vector<16xi32> to vector<1xi32>
    %squeeze3A_99 = vector.extract %slice3A_98[0] : i32 from vector<1xi32>
    %dma_start3A_100 = arith.constant 8 : i32
    %dma_start3A_101 = arith.constant 0 : i32
    %dma_start3A_102 = tpu.memref_slice %arg6[%dma_start3A_100, %dma_start3A_101] : memref<512x64xf32, #tpu.memory_space<vmem>> -> memref<1x64xf32, #tpu.memory_space<vmem>>
    %dma_start3A_103 = arith.constant 0 : i32
    %dma_start3A_104 = tpu.memref_slice %arg2[%squeeze3A_99, %dma_start3A_103] : memref<1000000x64xf32, #tpu.memory_space<hbm>> -> memref<1x64xf32, #tpu.memory_space<hbm>>
    %dma_start3A_105 = arith.constant 8 : i32
    %dma_start3A_106 = arith.constant 0 : i32
    %dma_start3A_107 = tpu.memref_slice %arg6[%dma_start3A_105, %dma_start3A_106] : memref<512x64xf32, #tpu.memory_space<vmem>> -> memref<1x64xf32, #tpu.memory_space<vmem>>
    %dma_start3A_108 = arith.constant 0 : i32
    %dma_start3A_109 = tpu.memref_slice %arg2[%squeeze3A_99, %dma_start3A_108] : memref<1000000x64xf32, #tpu.memory_space<hbm>> -> memref<1x64xf32, #tpu.memory_space<hbm>>
    tpu.enqueue_dma source(%dma_start3A_109 : memref<1x64xf32, #tpu.memory_space<hbm>>) target(%dma_start3A_107 : memref<1x64xf32, #tpu.memory_space<vmem>>) target_semaphore(%arg7 : memref<!tpu.dma_semaphore, #tpu.memory_space<semaphore_mem>>)
    %slice3A_110 = vector.extract_strided_slice %get3A_4 {offsets = [9], sizes = [1], strides = [1]} : vector<16xi32> to vector<1xi32>
    %squeeze3A_111 = vector.extract %slice3A_110[0] : i32 from vector<1xi32>
    %dma_start3A_112 = arith.constant 9 : i32
    %dma_start3A_113 = arith.constant 0 : i32
    %dma_start3A_114 = tpu.memref_slice %arg6[%dma_start3A_112, %dma_start3A_113] : memref<512x64xf32, #tpu.memory_space<vmem>> -> memref<1x64xf32, #tpu.memory_space<vmem>>
    %dma_start3A_115 = arith.constant 0 : i32
    %dma_start3A_116 = tpu.memref_slice %arg2[%squeeze3A_111, %dma_start3A_115] : memref<1000000x64xf32, #tpu.memory_space<hbm>> -> memref<1x64xf32, #tpu.memory_space<hbm>>
    %dma_start3A_117 = arith.constant 9 : i32
    %dma_start3A_118 = arith.constant 0 : i32
    %dma_start3A_119 = tpu.memref_slice %arg6[%dma_start3A_117, %dma_start3A_118] : memref<512x64xf32, #tpu.memory_space<vmem>> -> memref<1x64xf32, #tpu.memory_space<vmem>>
    %dma_start3A_120 = arith.constant 0 : i32
    %dma_start3A_121 = tpu.memref_slice %arg2[%squeeze3A_111, %dma_start3A_120] : memref<1000000x64xf32, #tpu.memory_space<hbm>> -> memref<1x64xf32, #tpu.memory_space<hbm>>
    tpu.enqueue_dma source(%dma_start3A_121 : memref<1x64xf32, #tpu.memory_space<hbm>>) target(%dma_start3A_119 : memref<1x64xf32, #tpu.memory_space<vmem>>) target_semaphore(%arg7 : memref<!tpu.dma_semaphore, #tpu.memory_space<semaphore_mem>>)
    %slice3A_122 = vector.extract_strided_slice %get3A_4 {offsets = [10], sizes = [1], strides = [1]} : vector<16xi32> to vector<1xi32>
    %squeeze3A_123 = vector.extract %slice3A_122[0] : i32 from vector<1xi32>
    %dma_start3A_124 = arith.constant 10 : i32
    %dma_start3A_125 = arith.constant 0 : i32
    %dma_start3A_126 = tpu.memref_slice %arg6[%dma_start3A_124, %dma_start3A_125] : memref<512x64xf32, #tpu.memory_space<vmem>> -> memref<1x64xf32, #tpu.memory_space<vmem>>
    %dma_start3A_127 = arith.constant 0 : i32
    %dma_start3A_128 = tpu.memref_slice %arg2[%squeeze3A_123, %dma_start3A_127] : memref<1000000x64xf32, #tpu.memory_space<hbm>> -> memref<1x64xf32, #tpu.memory_space<hbm>>
    %dma_start3A_129 = arith.constant 10 : i32
    %dma_start3A_130 = arith.constant 0 : i32
    %dma_start3A_131 = tpu.memref_slice %arg6[%dma_start3A_129, %dma_start3A_130] : memref<512x64xf32, #tpu.memory_space<vmem>> -> memref<1x64xf32, #tpu.memory_space<vmem>>
    %dma_start3A_132 = arith.constant 0 : i32
    %dma_start3A_133 = tpu.memref_slice %arg2[%squeeze3A_123, %dma_start3A_132] : memref<1000000x64xf32, #tpu.memory_space<hbm>> -> memref<1x64xf32, #tpu.memory_space<hbm>>
    tpu.enqueue_dma source(%dma_start3A_133 : memref<1x64xf32, #tpu.memory_space<hbm>>) target(%dma_start3A_131 : memref<1x64xf32, #tpu.memory_space<vmem>>) target_semaphore(%arg7 : memref<!tpu.dma_semaphore, #tpu.memory_space<semaphore_mem>>)
    %slice3A_134 = vector.extract_strided_slice %get3A_4 {offsets = [11], sizes = [1], strides = [1]} : vector<16xi32> to vector<1xi32>
    %squeeze3A_135 = vector.extract %slice3A_134[0] : i32 from vector<1xi32>
    %dma_start3A_136 = arith.constant 11 : i32
    %dma_start3A_137 = arith.constant 0 : i32
    %dma_start3A_138 = tpu.memref_slice %arg6[%dma_start3A_136, %dma_start3A_137] : memref<512x64xf32, #tpu.memory_space<vmem>> -> memref<1x64xf32, #tpu.memory_space<vmem>>
    %dma_start3A_139 = arith.constant 0 : i32
    %dma_start3A_140 = tpu.memref_slice %arg2[%squeeze3A_135, %dma_start3A_139] : memref<1000000x64xf32, #tpu.memory_space<hbm>> -> memref<1x64xf32, #tpu.memory_space<hbm>>
    %dma_start3A_141 = arith.constant 11 : i32
    %dma_start3A_142 = arith.constant 0 : i32
    %dma_start3A_143 = tpu.memref_slice %arg6[%dma_start3A_141, %dma_start3A_142] : memref<512x64xf32, #tpu.memory_space<vmem>> -> memref<1x64xf32, #tpu.memory_space<vmem>>
    %dma_start3A_144 = arith.constant 0 : i32
    %dma_start3A_145 = tpu.memref_slice %arg2[%squeeze3A_135, %dma_start3A_144] : memref<1000000x64xf32, #tpu.memory_space<hbm>> -> memref<1x64xf32, #tpu.memory_space<hbm>>
    tpu.enqueue_dma source(%dma_start3A_145 : memref<1x64xf32, #tpu.memory_space<hbm>>) target(%dma_start3A_143 : memref<1x64xf32, #tpu.memory_space<vmem>>) target_semaphore(%arg7 : memref<!tpu.dma_semaphore, #tpu.memory_space<semaphore_mem>>)
    %slice3A_146 = vector.extract_strided_slice %get3A_4 {offsets = [12], sizes = [1], strides = [1]} : vector<16xi32> to vector<1xi32>
    %squeeze3A_147 = vector.extract %slice3A_146[0] : i32 from vector<1xi32>
    %dma_start3A_148 = arith.constant 12 : i32
    %dma_start3A_149 = arith.constant 0 : i32
    %dma_start3A_150 = tpu.memref_slice %arg6[%dma_start3A_148, %dma_start3A_149] : memref<512x64xf32, #tpu.memory_space<vmem>> -> memref<1x64xf32, #tpu.memory_space<vmem>>
    %dma_start3A_151 = arith.constant 0 : i32
    %dma_start3A_152 = tpu.memref_slice %arg2[%squeeze3A_147, %dma_start3A_151] : memref<1000000x64xf32, #tpu.memory_space<hbm>> -> memref<1x64xf32, #tpu.memory_space<hbm>>
    %dma_start3A_153 = arith.constant 12 : i32
    %dma_start3A_154 = arith.constant 0 : i32
    %dma_start3A_155 = tpu.memref_slice %arg6[%dma_start3A_153, %dma_start3A_154] : memref<512x64xf32, #tpu.memory_space<vmem>> -> memref<1x64xf32, #tpu.memory_space<vmem>>
    %dma_start3A_156 = arith.constant 0 : i32
    %dma_start3A_157 = tpu.memref_slice %arg2[%squeeze3A_147, %dma_start3A_156] : memref<1000000x64xf32, #tpu.memory_space<hbm>> -> memref<1x64xf32, #tpu.memory_space<hbm>>
    tpu.enqueue_dma source(%dma_start3A_157 : memref<1x64xf32, #tpu.memory_space<hbm>>) target(%dma_start3A_155 : memref<1x64xf32, #tpu.memory_space<vmem>>) target_semaphore(%arg7 : memref<!tpu.dma_semaphore, #tpu.memory_space<semaphore_mem>>)
    %slice3A_158 = vector.extract_strided_slice %get3A_4 {offsets = [13], sizes = [1], strides = [1]} : vector<16xi32> to vector<1xi32>
    %squeeze3A_159 = vector.extract %slice3A_158[0] : i32 from vector<1xi32>
    %dma_start3A_160 = arith.constant 13 : i32
    %dma_start3A_161 = arith.constant 0 : i32
    %dma_start3A_162 = tpu.memref_slice %arg6[%dma_start3A_160, %dma_start3A_161] : memref<512x64xf32, #tpu.memory_space<vmem>> -> memref<1x64xf32, #tpu.memory_space<vmem>>
    %dma_start3A_163 = arith.constant 0 : i32
    %dma_start3A_164 = tpu.memref_slice %arg2[%squeeze3A_159, %dma_start3A_163] : memref<1000000x64xf32, #tpu.memory_space<hbm>> -> memref<1x64xf32, #tpu.memory_space<hbm>>
    %dma_start3A_165 = arith.constant 13 : i32
    %dma_start3A_166 = arith.constant 0 : i32
    %dma_start3A_167 = tpu.memref_slice %arg6[%dma_start3A_165, %dma_start3A_166] : memref<512x64xf32, #tpu.memory_space<vmem>> -> memref<1x64xf32, #tpu.memory_space<vmem>>
    %dma_start3A_168 = arith.constant 0 : i32
    %dma_start3A_169 = tpu.memref_slice %arg2[%squeeze3A_159, %dma_start3A_168] : memref<1000000x64xf32, #tpu.memory_space<hbm>> -> memref<1x64xf32, #tpu.memory_space<hbm>>
    tpu.enqueue_dma source(%dma_start3A_169 : memref<1x64xf32, #tpu.memory_space<hbm>>) target(%dma_start3A_167 : memref<1x64xf32, #tpu.memory_space<vmem>>) target_semaphore(%arg7 : memref<!tpu.dma_semaphore, #tpu.memory_space<semaphore_mem>>)
    %slice3A_170 = vector.extract_strided_slice %get3A_4 {offsets = [14], sizes = [1], strides = [1]} : vector<16xi32> to vector<1xi32>
    %squeeze3A_171 = vector.extract %slice3A_170[0] : i32 from vector<1xi32>
    %dma_start3A_172 = arith.constant 14 : i32
    %dma_start3A_173 = arith.constant 0 : i32
    %dma_start3A_174 = tpu.memref_slice %arg6[%dma_start3A_172, %dma_start3A_173] : memref<512x64xf32, #tpu.memory_space<vmem>> -> memref<1x64xf32, #tpu.memory_space<vmem>>
    %dma_start3A_175 = arith.constant 0 : i32
    %dma_start3A_176 = tpu.memref_slice %arg2[%squeeze3A_171, %dma_start3A_175] : memref<1000000x64xf32, #tpu.memory_space<hbm>> -> memref<1x64xf32, #tpu.memory_space<hbm>>
    %dma_start3A_177 = arith.constant 14 : i32
    %dma_start3A_178 = arith.constant 0 : i32
    %dma_start3A_179 = tpu.memref_slice %arg6[%dma_start3A_177, %dma_start3A_178] : memref<512x64xf32, #tpu.memory_space<vmem>> -> memref<1x64xf32, #tpu.memory_space<vmem>>
    %dma_start3A_180 = arith.constant 0 : i32
    %dma_start3A_181 = tpu.memref_slice %arg2[%squeeze3A_171, %dma_start3A_180] : memref<1000000x64xf32, #tpu.memory_space<hbm>> -> memref<1x64xf32, #tpu.memory_space<hbm>>
    tpu.enqueue_dma source(%dma_start3A_181 : memref<1x64xf32, #tpu.memory_space<hbm>>) target(%dma_start3A_179 : memref<1x64xf32, #tpu.memory_space<vmem>>) target_semaphore(%arg7 : memref<!tpu.dma_semaphore, #tpu.memory_space<semaphore_mem>>)
    %slice3A_182 = vector.extract_strided_slice %get3A_4 {offsets = [15], sizes = [1], strides = [1]} : vector<16xi32> to vector<1xi32>
    %squeeze3A_183 = vector.extract %slice3A_182[0] : i32 from vector<1xi32>
    %dma_start3A_184 = arith.constant 15 : i32
    %dma_start3A_185 = arith.constant 0 : i32
    %dma_start3A_186 = tpu.memref_slice %arg6[%dma_start3A_184, %dma_start3A_185] : memref<512x64xf32, #tpu.memory_space<vmem>> -> memref<1x64xf32, #tpu.memory_space<vmem>>
    %dma_start3A_187 = arith.constant 0 : i32
    %dma_start3A_188 = tpu.memref_slice %arg2[%squeeze3A_183, %dma_start3A_187] : memref<1000000x64xf32, #tpu.memory_space<hbm>> -> memref<1x64xf32, #tpu.memory_space<hbm>>
    %dma_start3A_189 = arith.constant 15 : i32
    %dma_start3A_190 = arith.constant 0 : i32
    %dma_start3A_191 = tpu.memref_slice %arg6[%dma_start3A_189, %dma_start3A_190] : memref<512x64xf32, #tpu.memory_space<vmem>> -> memref<1x64xf32, #tpu.memory_space<vmem>>
    %dma_start3A_192 = arith.constant 0 : i32
    %dma_start3A_193 = tpu.memref_slice %arg2[%squeeze3A_183, %dma_start3A_192] : memref<1000000x64xf32, #tpu.memory_space<hbm>> -> memref<1x64xf32, #tpu.memory_space<hbm>>
    tpu.enqueue_dma source(%dma_start3A_193 : memref<1x64xf32, #tpu.memory_space<hbm>>) target(%dma_start3A_191 : memref<1x64xf32, #tpu.memory_space<vmem>>) target_semaphore(%arg7 : memref<!tpu.dma_semaphore, #tpu.memory_space<semaphore_mem>>)
    %get3A_194 = arith.constant 16 : index
    %get3A_195 = tpu.vector_load %arg5[%get3A_194] {strides = array<i32>} : memref<512xi32, #tpu.memory_space<vmem>>, vector<16xi32>,
    %get3A_196 = vector.shape_cast %get3A_195 : vector<16xi32> to vector<16xi32>
    %slice3A_197 = vector.extract_strided_slice %get3A_196 {offsets = [0], sizes = [1], strides = [1]} : vector<16xi32> to vector<1xi32>
    %squeeze3A_198 = vector.extract %slice3A_197[0] : i32 from vector<1xi32>
    %dma_start3A_199 = arith.constant 16 : i32
    %dma_start3A_200 = arith.constant 0 : i32
    %dma_start3A_201 = tpu.memref_slice %arg6[%dma_start3A_199, %dma_start3A_200] : memref<512x64xf32, #tpu.memory_space<vmem>> -> memref<1x64xf32, #tpu.memory_space<vmem>>
    %dma_start3A_202 = arith.constant 0 : i32
    %dma_start3A_203 = tpu.memref_slice %arg2[%squeeze3A_198, %dma_start3A_202] : memref<1000000x64xf32, #tpu.memory_space<hbm>> -> memref<1x64xf32, #tpu.memory_space<hbm>>
    %dma_start3A_204 = arith.constant 16 : i32
    %dma_start3A_205 = arith.constant 0 : i32
    %dma_start3A_206 = tpu.memref_slice %arg6[%dma_start3A_204, %dma_start3A_205] : memref<512x64xf32, #tpu.memory_space<vmem>> -> memref<1x64xf32, #tpu.memory_space<vmem>>
    %dma_start3A_207 = arith.constant 0 : i32
    %dma_start3A_208 = tpu.memref_slice %arg2[%squeeze3A_198, %dma_start3A_207] : memref<1000000x64xf32, #tpu.memory_space<hbm>> -> memref<1x64xf32, #tpu.memory_space<hbm>>
    tpu.enqueue_dma source(%dma_start3A_208 : memref<1x64xf32, #tpu.memory_space<hbm>>) target(%dma_start3A_206 : memref<1x64xf32, #tpu.memory_space<vmem>>) target_semaphore(%arg7 : memref<!tpu.dma_semaphore, #tpu.memory_space<semaphore_mem>>)
    %slice3A_209 = vector.extract_strided_slice %get3A_196 {offsets = [1], sizes = [1], strides = [1]} : vector<16xi32> to vector<1xi32>
    %squeeze3A_210 = vector.extract %slice3A_209[0] : i32 from vector<1xi32>
    %dma_start3A_211 = arith.constant 17 : i32
    %dma_start3A_212 = arith.constant 0 : i32
    %dma_start3A_213 = tpu.memref_slice %arg6[%dma_start3A_211, %dma_start3A_212] : memref<512x64xf32, #tpu.memory_space<vmem>> -> memref<1x64xf32, #tpu.memory_space<vmem>>
    %dma_start3A_214 = arith.constant 0 : i32
    %dma_start3A_215 = tpu.memref_slice %arg2[%squeeze3A_210, %dma_start3A_214] : memref<1000000x64xf32, #tpu.memory_space<hbm>> -> memref<1x64xf32, #tpu.memory_space<hbm>>
    %dma_start3A_216 = arith.constant 17 : i32
    %dma_start3A_217 = arith.constant 0 : i32
    %dma_start3A_218 = tpu.memref_slice %arg6[%dma_start3A_216, %dma_start3A_217] : memref<512x64xf32, #tpu.memory_space<vmem>> -> memref<1x64xf32, #tpu.memory_space<vmem>>
    %dma_start3A_219 = arith.constant 0 : i32
    %dma_start3A_220 = tpu.memref_slice %arg2[%squeeze3A_210, %dma_start3A_219] : memref<1000000x64xf32, #tpu.memory_space<hbm>> -> memref<1x64xf32, #tpu.memory_space<hbm>>
    tpu.enqueue_dma source(%dma_start3A_220 : memref<1x64xf32, #tpu.memory_space<hbm>>) target(%dma_start3A_218 : memref<1x64xf32, #tpu.memory_space<vmem>>) target_semaphore(%arg7 : memref<!tpu.dma_semaphore, #tpu.memory_space<semaphore_mem>>)
    %slice3A_221 = vector.extract_strided_slice %get3A_196 {offsets = [2], sizes = [1], strides = [1]} : vector<16xi32> to vector<1xi32>
    %squeeze3A_222 = vector.extract %slice3A_221[0] : i32 from vector<1xi32>
    %dma_start3A_223 = arith.constant 18 : i32
    %dma_start3A_224 = arith.constant 0 : i32
    %dma_start3A_225 = tpu.memref_slice %arg6[%dma_start3A_223, %dma_start3A_224] : memref<512x64xf32, #tpu.memory_space<vmem>> -> memref<1x64xf32, #tpu.memory_space<vmem>>
    %dma_start3A_226 = arith.constant 0 : i32
    %dma_start3A_227 = tpu.memref_slice %arg2[%squeeze3A_222, %dma_start3A_226] : memref<1000000x64xf32, #tpu.memory_space<hbm>> -> memref<1x64xf32, #tpu.memory_space<hbm>>
    %dma_start3A_228 = arith.constant 18 : i32
    %dma_start3A_229 = arith.constant 0 : i32
    %dma_start3A_230 = tpu.memref_slice %arg6[%dma_start3A_228, %dma_start3A_229] : memref<512x64xf32, #tpu.memory_space<vmem>> -> memref<1x64xf32, #tpu.memory_space<vmem>>
    %dma_start3A_231 = arith.constant 0 : i32
    %dma_start3A_232 = tpu.memref_slice %arg2[%squeeze3A_222, %dma_start3A_231] : memref<1000000x64xf32, #tpu.memory_space<hbm>> -> memref<1x64xf32, #tpu.memory_space<hbm>>
    tpu.enqueue_dma source(%dma_start3A_232 : memref<1x64xf32, #tpu.memory_space<hbm>>) target(%dma_start3A_230 : memref<1x64xf32, #tpu.memory_space<vmem>>) target_semaphore(%arg7 : memref<!tpu.dma_semaphore, #tpu.memory_space<semaphore_mem>>)
    %slice3A_233 = vector.extract_strided_slice %get3A_196 {offsets = [3], sizes = [1], strides = [1]} : vector<16xi32> to vector<1xi32>
    %squeeze3A_234 = vector.extract %slice3A_233[0] : i32 from vector<1xi32>
    %dma_start3A_235 = arith.constant 19 : i32
    %dma_start3A_236 = arith.constant 0 : i32
    %dma_start3A_237 = tpu.memref_slice %arg6[%dma_start3A_235, %dma_start3A_236] : memref<512x64xf32, #tpu.memory_space<vmem>> -> memref<1x64xf32, #tpu.memory_space<vmem>>
    %dma_start3A_238 = arith.constant 0 : i32
    %dma_start3A_239 = tpu.memref_slice %arg2[%squeeze3A_234, %dma_start3A_238] : memref<1000000x64xf32, #tpu.memory_space<hbm>> -> memref<1x64xf32, #tpu.memory_space<hbm>>
    %dma_start3A_240 = arith.constant 19 : i32
    %dma_start3A_241 = arith.constant 0 : i32
    %dma_start3A_242 = tpu.memref_slice %arg6[%dma_start3A_240, %dma_start3A_241] : memref<512x64xf32, #tpu.memory_space<vmem>> -> memref<1x64xf32, #tpu.memory_space<vmem>>
    %dma_start3A_243 = arith.constant 0 : i32
    %dma_start3A_244 = tpu.memref_slice %arg2[%squeeze3A_234, %dma_start3A_243] : memref<1000000x64xf32, #tpu.memory_space<hbm>> -> memref<1x64xf32, #tpu.memory_space<hbm>>
    tpu.enqueue_dma source(%dma_start3A_244 : memref<1x64xf32, #tpu.memory_space<hbm>>) target(%dma_start3A_242 : memref<1x64xf32, #tpu.memory_space<vmem>>) target_semaphore(%arg7 : memref<!tpu.dma_semaphore, #tpu.memory_space<semaphore_mem>>)
    %slice3A_245 = vector.extract_strided_slice %get3A_196 {offsets = [4], sizes = [1], strides = [1]} : vector<16xi32> to vector<1xi32>
    %squeeze3A_246 = vector.extract %slice3A_245[0] : i32 from vector<1xi32>
    %dma_start3A_247 = arith.constant 20 : i32
    %dma_start3A_248 = arith.constant 0 : i32
    %dma_start3A_249 = tpu.memref_slice %arg6[%dma_start3A_247, %dma_start3A_248] : memref<512x64xf32, #tpu.memory_space<vmem>> -> memref<1x64xf32, #tpu.memory_space<vmem>>
    %dma_start3A_250 = arith.constant 0 : i32
    %dma_start3A_251 = tpu.memref_slice %arg2[%squeeze3A_246, %dma_start3A_250] : memref<1000000x64xf32, #tpu.memory_space<hbm>> -> memref<1x64xf32, #tpu.memory_space<hbm>>
    %dma_start3A_252 = arith.constant 20 : i32
    %dma_start3A_253 = arith.constant 0 : i32
    %dma_start3A_254 = tpu.memref_slice %arg6[%dma_start3A_252, %dma_start3A_253] : memref<512x64xf32, #tpu.memory_space<vmem>> -> memref<1x64xf32, #tpu.memory_space<vmem>>
    %dma_start3A_255 = arith.constant 0 : i32
    %dma_start3A_256 = tpu.memref_slice %arg2[%squeeze3A_246, %dma_start3A_255] : memref<1000000x64xf32, #tpu.memory_space<hbm>> -> memref<1x64xf32, #tpu.memory_space<hbm>>
    tpu.enqueue_dma source(%dma_start3A_256 : memref<1x64xf32, #tpu.memory_space<hbm>>) target(%dma_start3A_254 : memref<1x64xf32, #tpu.memory_space<vmem>>) target_semaphore(%arg7 : memref<!tpu.dma_semaphore, #tpu.memory_space<semaphore_mem>>)
    %slice3A_257 = vector.extract_strided_slice %get3A_196 {offsets = [5], sizes = [1], strides = [1]} : vector<16xi32> to vector<1xi32>
    %squeeze3A_258 = vector.extract %slice3A_257[0] : i32 from vector<1xi32>
    %dma_start3A_259 = arith.constant 21 : i32
    %dma_start3A_260 = arith.constant 0 : i32
    %dma_start3A_261 = tpu.memref_slice %arg6[%dma_start3A_259, %dma_start3A_260] : memref<512x64xf32, #tpu.memory_space<vmem>> -> memref<1x64xf32, #tpu.memory_space<vmem>>
    %dma_start3A_262 = arith.constant 0 : i32
    %dma_start3A_263 = tpu.memref_slice %arg2[%squeeze3A_258, %dma_start3A_262] : memref<1000000x64xf32, #tpu.memory_space<hbm>> -> memref<1x64xf32, #tpu.memory_space<hbm>>
    %dma_start3A_264 = arith.constant 21 : i32
    %dma_start3A_265 = arith.constant 0 : i32
    %dma_start3A_266 = tpu.memref_slice %arg6[%dma_start3A_264, %dma_start3A_265] : memref<512x64xf32, #tpu.memory_space<vmem>> -> memref<1x64xf32, #tpu.memory_space<vmem>>
    %dma_start3A_267 = arith.constant 0 : i32
    %dma_start3A_268 = tpu.memref_slice %arg2[%squeeze3A_258, %dma_start3A_267] : memref<1000000x64xf32, #tpu.memory_space<hbm>> -> memref<1x64xf32, #tpu.memory_space<hbm>>
    tpu.enqueue_dma source(%dma_start3A_268 : memref<1x64xf32, #tpu.memory_space<hbm>>) target(%dma_start3A_266 : memref<1x64xf32, #tpu.memory_space<vmem>>) target_semaphore(%arg7 : memref<!tpu.dma_semaphore, #tpu.memory_space<semaphore_mem>>)
    %slice3A_269 = vector.extract_strided_slice %get3A_196 {offsets = [6], sizes = [1], strides = [1]} : vector<16xi32> to vector<1xi32>
    %squeeze3A_270 = vector.extract %slice3A_269[0] : i32 from vector<1xi32>
    %dma_start3A_271 = arith.constant 22 : i32
    %dma_start3A_272 = arith.constant 0 : i32
    %dma_start3A_273 = tpu.memref_slice %arg6[%dma_start3A_271, %dma_start3A_272] : memref<512x64xf32, #tpu.memory_space<vmem>> -> memref<1x64xf32, #tpu.memory_space<vmem>>
    %dma_start3A_274 = arith.constant 0 : i32
    %dma_start3A_275 = tpu.memref_slice %arg2[%squeeze3A_270, %dma_start3A_274] : memref<1000000x64xf32, #tpu.memory_space<hbm>> -> memref<1x64xf32, #tpu.memory_space<hbm>>
    %dma_start3A_276 = arith.constant 22 : i32
    %dma_start3A_277 = arith.constant 0 : i32
    %dma_start3A_278 = tpu.memref_slice %arg6[%dma_start3A_276, %dma_start3A_277] : memref<512x64xf32, #tpu.memory_space<vmem>> -> memref<1x64xf32, #tpu.memory_space<vmem>>
    %dma_start3A_279 = arith.constant 0 : i32
    %dma_start3A_280 = tpu.memref_slice %arg2[%squeeze3A_270, %dma_start3A_279] : memref<1000000x64xf32, #tpu.memory_space<hbm>> -> memref<1x64xf32, #tpu.memory_space<hbm>>
    tpu.enqueue_dma source(%dma_start3A_280 : memref<1x64xf32, #tpu.memory_space<hbm>>) target(%dma_start3A_278 : memref<1x64xf32, #tpu.memory_space<vmem>>) target_semaphore(%arg7 : memref<!tpu.dma_semaphore, #tpu.memory_space<semaphore_mem>>)
    %slice3A_281 = vector.extract_strided_slice %get3A_196 {offsets = [7], sizes = [1], strides = [1]} : vector<16xi32> to vector<1xi32>
    %squeeze3A_282 = vector.extract %slice3A_281[0] : i32 from vector<1xi32>
    %dma_start3A_283 = arith.constant 23 : i32
    %dma_start3A_284 = arith.constant 0 : i32
    %dma_start3A_285 = tpu.memref_slice %arg6[%dma_start3A_283, %dma_start3A_284] : memref<512x64xf32, #tpu.memory_space<vmem>> -> memref<1x64xf32, #tpu.memory_space<vmem>>
    %dma_start3A_286 = arith.constant 0 : i32
    %dma_start3A_287 = tpu.memref_slice %arg2[%squeeze3A_282, %dma_start3A_286] : memref<1000000x64xf32, #tpu.memory_space<hbm>> -> memref<1x64xf32, #tpu.memory_space<hbm>>
    %dma_start3A_288 = arith.constant 23 : i32
    %dma_start3A_289 = arith.constant 0 : i32
    %dma_start3A_290 = tpu.memref_slice %arg6[%dma_start3A_288, %dma_start3A_289] : memref<512x64xf32, #tpu.memory_space<vmem>> -> memref<1x64xf32, #tpu.memory_space<vmem>>
    %dma_start3A_291 = arith.constant 0 : i32
    %dma_start3A_292 = tpu.memref_slice %arg2[%squeeze3A_282, %dma_start3A_291] : memref<1000000x64xf32, #tpu.memory_space<hbm>> -> memref<1x64xf32, #tpu.memory_space<hbm>>
    tpu.enqueue_dma source(%dma_start3A_292 : memref<1x64xf32, #tpu.memory_space<hbm>>) target(%dma_start3A_290 : memref<1x64xf32, #tpu.memory_space<vmem>>) target_semaphore(%arg7 : memref<!tpu.dma_semaphore, #tpu.memory_space<semaphore_mem>>)
    %slice3A_293 = vector.extract_strided_slice %get3A_196 {offsets = [8], sizes = [1], strides = [1]} : vector<16xi32> to vector<1xi32>
    %squeeze3A_294 = vector.extract %slice3A_293[0] : i32 from vector<1xi32>
    %dma_start3A_295 = arith.constant 24 : i32
    %dma_start3A_296 = arith.constant 0 : i32
    %dma_start3A_297 = tpu.memref_slice %arg6[%dma_start3A_295, %dma_start3A_296] : memref<512x64xf32, #tpu.memory_space<vmem>> -> memref<1x64xf32, #tpu.memory_space<vmem>>
    %dma_start3A_298 = arith.constant 0 : i32
    %dma_start3A_299 = tpu.memref_slice %arg2[%squeeze3A_294, %dma_start3A_298] : memref<1000000x64xf32, #tpu.memory_space<hbm>> -> memref<1x64xf32, #tpu.memory_space<hbm>>
    %dma_start3A_300 = arith.constant 24 : i32
    %dma_start3A_301 = arith.constant 0 : i32
    %dma_start3A_302 = tpu.memref_slice %arg6[%dma_start3A_300, %dma_start3A_301] : memref<512x64xf32, #tpu.memory_space<vmem>> -> memref<1x64xf32, #tpu.memory_space<vmem>>
    %dma_start3A_303 = arith.constant 0 : i32
    %dma_start3A_304 = tpu.memref_slice %arg2[%squeeze3A_294, %dma_start3A_303] : memref<1000000x64xf32, #tpu.memory_space<hbm>> -> memref<1x64xf32, #tpu.memory_space<hbm>>
    tpu.enqueue_dma source(%dma_start3A_304 : memref<1x64xf32, #tpu.memory_space<hbm>>) target(%dma_start3A_302 : memref<1x64xf32, #tpu.memory_space<vmem>>) target_semaphore(%arg7 : memref<!tpu.dma_semaphore, #tpu.memory_space<semaphore_mem>>)
    %slice3A_305 = vector.extract_strided_slice %get3A_196 {offsets = [9], sizes = [1], strides = [1]} : vector<16xi32> to vector<1xi32>
    %squeeze3A_306 = vector.extract %slice3A_305[0] : i32 from vector<1xi32>
    %dma_start3A_307 = arith.constant 25 : i32
    %dma_start3A_308 = arith.constant 0 : i32
    %dma_start3A_309 = tpu.memref_slice %arg6[%dma_start3A_307, %dma_start3A_308] : memref<512x64xf32, #tpu.memory_space<vmem>> -> memref<1x64xf32, #tpu.memory_space<vmem>>
    %dma_start3A_310 = arith.constant 0 : i32
    %dma_start3A_311 = tpu.memref_slice %arg2[%squeeze3A_306, %dma_start3A_310] : memref<1000000x64xf32, #tpu.memory_space<hbm>> -> memref<1x64xf32, #tpu.memory_space<hbm>>
    %dma_start3A_312 = arith.constant 25 : i32
    %dma_start3A_313 = arith.constant 0 : i32
    %dma_start3A_314 = tpu.memref_slice %arg6[%dma_start3A_312, %dma_start3A_313] : memref<512x64xf32, #tpu.memory_space<vmem>> -> memref<1x64xf32, #tpu.memory_space<vmem>>
    %dma_start3A_315 = arith.constant 0 : i32
    %dma_start3A_316 = tpu.memref_slice %arg2[%squeeze3A_306, %dma_start3A_315] : memref<1000000x64xf32, #tpu.memory_space<hbm>> -> memref<1x64xf32, #tpu.memory_space<hbm>>
    tpu.enqueue_dma source(%dma_start3A_316 : memref<1x64xf32, #tpu.memory_space<hbm>>) target(%dma_start3A_314 : memref<1x64xf32, #tpu.memory_space<vmem>>) target_semaphore(%arg7 : memref<!tpu.dma_semaphore, #tpu.memory_space<semaphore_mem>>)
    %slice3A_317 = vector.extract_strided_slice %get3A_196 {offsets = [10], sizes = [1], strides = [1]} : vector<16xi32> to vector<1xi32>
    %squeeze3A_318 = vector.extract %slice3A_317[0] : i32 from vector<1xi32>
    %dma_start3A_319 = arith.constant 26 : i32
    %dma_start3A_320 = arith.constant 0 : i32
    %dma_start3A_321 = tpu.memref_slice %arg6[%dma_start3A_319, %dma_start3A_320] : memref<512x64xf32, #tpu.memory_space<vmem>> -> memref<1x64xf32, #tpu.memory_space<vmem>>
    %dma_start3A_322 = arith.constant 0 : i32
    %dma_start3A_323 = tpu.memref_slice %arg2[%squeeze3A_318, %dma_start3A_322] : memref<1000000x64xf32, #tpu.memory_space<hbm>> -> memref<1x64xf32, #tpu.memory_space<hbm>>
    %dma_start3A_324 = arith.constant 26 : i32
    %dma_start3A_325 = arith.constant 0 : i32
    %dma_start3A_326 = tpu.memref_slice %arg6[%dma_start3A_324, %dma_start3A_325] : memref<512x64xf32, #tpu.memory_space<vmem>> -> memref<1x64xf32, #tpu.memory_space<vmem>>
    %dma_start3A_327 = arith.constant 0 : i32
    %dma_start3A_328 = tpu.memref_slice %arg2[%squeeze3A_318, %dma_start3A_327] : memref<1000000x64xf32, #tpu.memory_space<hbm>> -> memref<1x64xf32, #tpu.memory_space<hbm>>
    tpu.enqueue_dma source(%dma_start3A_328 : memref<1x64xf32, #tpu.memory_space<hbm>>) target(%dma_start3A_326 : memref<1x64xf32, #tpu.memory_space<vmem>>) target_semaphore(%arg7 : memref<!tpu.dma_semaphore, #tpu.memory_space<semaphore_mem>>)
    %slice3A_329 = vector.extract_strided_slice %get3A_196 {offsets = [11], sizes = [1], strides = [1]} : vector<16xi32> to vector<1xi32>
    %squeeze3A_330 = vector.extract %slice3A_329[0] : i32 from vector<1xi32>
    %dma_start3A_331 = arith.constant 27 : i32
    %dma_start3A_332 = arith.constant 0 : i32
    %dma_start3A_333 = tpu.memref_slice %arg6[%dma_start3A_331, %dma_start3A_332] : memref<512x64xf32, #tpu.memory_space<vmem>> -> memref<1x64xf32, #tpu.memory_space<vmem>>
    %dma_start3A_334 = arith.constant 0 : i32
    %dma_start3A_335 = tpu.memref_slice %arg2[%squeeze3A_330, %dma_start3A_334] : memref<1000000x64xf32, #tpu.memory_space<hbm>> -> memref<1x64xf32, #tpu.memory_space<hbm>>
    %dma_start3A_336 = arith.constant 27 : i32
    %dma_start3A_337 = arith.constant 0 : i32
    %dma_start3A_338 = tpu.memref_slice %arg6[%dma_start3A_336, %dma_start3A_337] : memref<512x64xf32, #tpu.memory_space<vmem>> -> memref<1x64xf32, #tpu.memory_space<vmem>>
    %dma_start3A_339 = arith.constant 0 : i32
    %dma_start3A_340 = tpu.memref_slice %arg2[%squeeze3A_330, %dma_start3A_339] : memref<1000000x64xf32, #tpu.memory_space<hbm>> -> memref<1x64xf32, #tpu.memory_space<hbm>>
    tpu.enqueue_dma source(%dma_start3A_340 : memref<1x64xf32, #tpu.memory_space<hbm>>) target(%dma_start3A_338 : memref<1x64xf32, #tpu.memory_space<vmem>>) target_semaphore(%arg7 : memref<!tpu.dma_semaphore, #tpu.memory_space<semaphore_mem>>)
    %slice3A_341 = vector.extract_strided_slice %get3A_196 {offsets = [12], sizes = [1], strides = [1]} : vector<16xi32> to vector<1xi32>
    %squeeze3A_342 = vector.extract %slice3A_341[0] : i32 from vector<1xi32>
    %dma_start3A_343 = arith.constant 28 : i32
    %dma_start3A_344 = arith.constant 0 : i32
    %dma_start3A_345 = tpu.memref_slice %arg6[%dma_start3A_343, %dma_start3A_344] : memref<512x64xf32, #tpu.memory_space<vmem>> -> memref<1x64xf32, #tpu.memory_space<vmem>>
    %dma_start3A_346 = arith.constant 0 : i32
    %dma_start3A_347 = tpu.memref_slice %arg2[%squeeze3A_342, %dma_start3A_346] : memref<1000000x64xf32, #tpu.memory_space<hbm>> -> memref<1x64xf32, #tpu.memory_space<hbm>>
    %dma_start3A_348 = arith.constant 28 : i32
    %dma_start3A_349 = arith.constant 0 : i32
    %dma_start3A_350 = tpu.memref_slice %arg6[%dma_start3A_348, %dma_start3A_349] : memref<512x64xf32, #tpu.memory_space<vmem>> -> memref<1x64xf32, #tpu.memory_space<vmem>>
    %dma_start3A_351 = arith.constant 0 : i32
    %dma_start3A_352 = tpu.memref_slice %arg2[%squeeze3A_342, %dma_start3A_351] : memref<1000000x64xf32, #tpu.memory_space<hbm>> -> memref<1x64xf32, #tpu.memory_space<hbm>>
    tpu.enqueue_dma source(%dma_start3A_352 : memref<1x64xf32, #tpu.memory_space<hbm>>) target(%dma_start3A_350 : memref<1x64xf32, #tpu.memory_space<vmem>>) target_semaphore(%arg7 : memref<!tpu.dma_semaphore, #tpu.memory_space<semaphore_mem>>)
    %slice3A_353 = vector.extract_strided_slice %get3A_196 {offsets = [13], sizes = [1], strides = [1]} : vector<16xi32> to vector<1xi32>
    %squeeze3A_354 = vector.extract %slice3A_353[0] : i32 from vector<1xi32>
    %dma_start3A_355 = arith.constant 29 : i32
    %dma_start3A_356 = arith.constant 0 : i32
    %dma_start3A_357 = tpu.memref_slice %arg6[%dma_start3A_355, %dma_start3A_356] : memref<512x64xf32, #tpu.memory_space<vmem>> -> memref<1x64xf32, #tpu.memory_space<vmem>>
    %dma_start3A_358 = arith.constant 0 : i32
    %dma_start3A_359 = tpu.memref_slice %arg2[%squeeze3A_354, %dma_start3A_358] : memref<1000000x64xf32, #tpu.memory_space<hbm>> -> memref<1x64xf32, #tpu.memory_space<hbm>>
    %dma_start3A_360 = arith.constant 29 : i32
    %dma_start3A_361 = arith.constant 0 : i32
    %dma_start3A_362 = tpu.memref_slice %arg6[%dma_start3A_360, %dma_start3A_361] : memref<512x64xf32, #tpu.memory_space<vmem>> -> memref<1x64xf32, #tpu.memory_space<vmem>>
    %dma_start3A_363 = arith.constant 0 : i32
    %dma_start3A_364 = tpu.memref_slice %arg2[%squeeze3A_354, %dma_start3A_363] : memref<1000000x64xf32, #tpu.memory_space<hbm>> -> memref<1x64xf32, #tpu.memory_space<hbm>>
    tpu.enqueue_dma source(%dma_start3A_364 : memref<1x64xf32, #tpu.memory_space<hbm>>) target(%dma_start3A_362 : memref<1x64xf32, #tpu.memory_space<vmem>>) target_semaphore(%arg7 : memref<!tpu.dma_semaphore, #tpu.memory_space<semaphore_mem>>)
    %slice3A_365 = vector.extract_strided_slice %get3A_196 {offsets = [14], sizes = [1], strides = [1]} : vector<16xi32> to vector<1xi32>
    %squeeze3A_366 = vector.extract %slice3A_365[0] : i32 from vector<1xi32>
    %dma_start3A_367 = arith.constant 30 : i32
    %dma_start3A_368 = arith.constant 0 : i32
    %dma_start3A_369 = tpu.memref_slice %arg6[%dma_start3A_367, %dma_start3A_368] : memref<512x64xf32, #tpu.memory_space<vmem>> -> memref<1x64xf32, #tpu.memory_space<vmem>>
    %dma_start3A_370 = arith.constant 0 : i32
    %dma_start3A_371 = tpu.memref_slice %arg2[%squeeze3A_366, %dma_start3A_370] : memref<1000000x64xf32, #tpu.memory_space<hbm>> -> memref<1x64xf32, #tpu.memory_space<hbm>>
    %dma_start3A_372 = arith.constant 30 : i32
    %dma_start3A_373 = arith.constant 0 : i32
    %dma_start3A_374 = tpu.memref_slice %arg6[%dma_start3A_372, %dma_start3A_373] : memref<512x64xf32, #tpu.memory_space<vmem>> -> memref<1x64xf32, #tpu.memory_space<vmem>>
    %dma_start3A_375 = arith.constant 0 : i32
    %dma_start3A_376 = tpu.memref_slice %arg2[%squeeze3A_366, %dma_start3A_375] : memref<1000000x64xf32, #tpu.memory_space<hbm>> -> memref<1x64xf32, #tpu.memory_space<hbm>>
    tpu.enqueue_dma source(%dma_start3A_376 : memref<1x64xf32, #tpu.memory_space<hbm>>) target(%dma_start3A_374 : memref<1x64xf32, #tpu.memory_space<vmem>>) target_semaphore(%arg7 : memref<!tpu.dma_semaphore, #tpu.memory_space<semaphore_mem>>)
    %slice3A_377 = vector.extract_strided_slice %get3A_196 {offsets = [15], sizes = [1], strides = [1]} : vector<16xi32> to vector<1xi32>
    %squeeze3A_378 = vector.extract %slice3A_377[0] : i32 from vector<1xi32>
    %dma_start3A_379 = arith.constant 31 : i32
    %dma_start3A_380 = arith.constant 0 : i32
    %dma_start3A_381 = tpu.memref_slice %arg6[%dma_start3A_379, %dma_start3A_380] : memref<512x64xf32, #tpu.memory_space<vmem>> -> memref<1x64xf32, #tpu.memory_space<vmem>>
    %dma_start3A_382 = arith.constant 0 : i32
    %dma_start3A_383 = tpu.memref_slice %arg2[%squeeze3A_378, %dma_start3A_382] : memref<1000000x64xf32, #tpu.memory_space<hbm>> -> memref<1x64xf32, #tpu.memory_space<hbm>>
    %dma_start3A_384 = arith.constant 31 : i32
    %dma_start3A_385 = arith.constant 0 : i32
    %dma_start3A_386 = tpu.memref_slice %arg6[%dma_start3A_384, %dma_start3A_385] : memref<512x64xf32, #tpu.memory_space<vmem>> -> memref<1x64xf32, #tpu.memory_space<vmem>>
    %dma_start3A_387 = arith.constant 0 : i32
    %dma_start3A_388 = tpu.memref_slice %arg2[%squeeze3A_378, %dma_start3A_387] : memref<1000000x64xf32, #tpu.memory_space<hbm>> -> memref<1x64xf32, #tpu.memory_space<hbm>>
    tpu.enqueue_dma source(%dma_start3A_388 : memref<1x64xf32, #tpu.memory_space<hbm>>) target(%dma_start3A_386 : memref<1x64xf32, #tpu.memory_space<vmem>>) target_semaphore(%arg7 : memref<!tpu.dma_semaphore, #tpu.memory_space<semaphore_mem>>)
    %get3A_389 = arith.constant 32 : index
    %get3A_390 = tpu.vector_load %arg5[%get3A_389] {strides = array<i32>} : memref<512xi32, #tpu.memory_space<vmem>>, vector<16xi32>,
    %get3A_391 = vector.shape_cast %get3A_390 : vector<16xi32> to vector<16xi32>
    %slice3A_392 = vector.extract_strided_slice %get3A_391 {offsets = [0], sizes = [1], strides = [1]} : vector<16xi32> to vector<1xi32>
    %squeeze3A_393 = vector.extract %slice3A_392[0] : i32 from vector<1xi32>
    %dma_start3A_394 = arith.constant 32 : i32
    %dma_start3A_395 = arith.constant 0 : i32
    %dma_start3A_396 = tpu.memref_slice %arg6[%dma_start3A_394, %dma_start3A_395] : memref<512x64xf32, #tpu.memory_space<vmem>> -> memref<1x64xf32, #tpu.memory_space<vmem>>
    %dma_start3A_397 = arith.constant 0 : i32
    %dma_start3A_398 = tpu.memref_slice %arg2[%squeeze3A_393, %dma_start3A_397] : memref<1000000x64xf32, #tpu.memory_space<hbm>> -> memref<1x64xf32, #tpu.memory_space<hbm>>
    %dma_start3A_399 = arith.constant 32 : i32
    %dma_start3A_400 = arith.constant 0 : i32
    %dma_start3A_401 = tpu.memref_slice %arg6[%dma_start3A_399, %dma_start3A_400] : memref<512x64xf32, #tpu.memory_space<vmem>> -> memref<1x64xf32, #tpu.memory_space<vmem>>
    %dma_start3A_402 = arith.constant 0 : i32
    %dma_start3A_403 = tpu.memref_slice %arg2[%squeeze3A_393, %dma_start3A_402] : memref<1000000x64xf32, #tpu.memory_space<hbm>> -> memref<1x64xf32, #tpu.memory_space<hbm>>
    tpu.enqueue_dma source(%dma_start3A_403 : memref<1x64xf32, #tpu.memory_space<hbm>>) target(%dma_start3A_401 : memref<1x64xf32, #tpu.memory_space<vmem>>) target_semaphore(%arg8 : memref<!tpu.dma_semaphore, #tpu.memory_space<semaphore_mem>>)
    %slice3A_404 = vector.extract_strided_slice %get3A_391 {offsets = [1], sizes = [1], strides = [1]} : vector<16xi32> to vector<1xi32>
    %squeeze3A_405 = vector.extract %slice3A_404[0] : i32 from vector<1xi32>
    %dma_start3A_406 = arith.constant 33 : i32
    %dma_start3A_407 = arith.constant 0 : i32
    %dma_start3A_408 = tpu.memref_slice %arg6[%dma_start3A_406, %dma_start3A_407] : memref<512x64xf32, #tpu.memory_space<vmem>> -> memref<1x64xf32, #tpu.memory_space<vmem>>
    %dma_start3A_409 = arith.constant 0 : i32
    %dma_start3A_410 = tpu.memref_slice %arg2[%squeeze3A_405, %dma_start3A_409] : memref<1000000x64xf32, #tpu.memory_space<hbm>> -> memref<1x64xf32, #tpu.memory_space<hbm>>
    %dma_start3A_411 = arith.constant 33 : i32
    %dma_start3A_412 = arith.constant 0 : i32
    %dma_start3A_413 = tpu.memref_slice %arg6[%dma_start3A_411, %dma_start3A_412] : memref<512x64xf32, #tpu.memory_space<vmem>> -> memref<1x64xf32, #tpu.memory_space<vmem>>
    %dma_start3A_414 = arith.constant 0 : i32
    %dma_start3A_415 = tpu.memref_slice %arg2[%squeeze3A_405, %dma_start3A_414] : memref<1000000x64xf32, #tpu.memory_space<hbm>> -> memref<1x64xf32, #tpu.memory_space<hbm>>
    tpu.enqueue_dma source(%dma_start3A_415 : memref<1x64xf32, #tpu.memory_space<hbm>>) target(%dma_start3A_413 : memref<1x64xf32, #tpu.memory_space<vmem>>) target_semaphore(%arg8 : memref<!tpu.dma_semaphore, #tpu.memory_space<semaphore_mem>>)
    %slice3A_416 = vector.extract_strided_slice %get3A_391 {offsets = [2], sizes = [1], strides = [1]} : vector<16xi32> to vector<1xi32>
    %squeeze3A_417 = vector.extract %slice3A_416[0] : i32 from vector<1xi32>
    %dma_start3A_418 = arith.constant 34 : i32
    %dma_start3A_419 = arith.constant 0 : i32
    %dma_start3A_420 = tpu.memref_slice %arg6[%dma_start3A_418, %dma_start3A_419] : memref<512x64xf32, #tpu.memory_space<vmem>> -> memref<1x64xf32, #tpu.memory_space<vmem>>
    %dma_start3A_421 = arith.constant 0 : i32
    %dma_start3A_422 = tpu.memref_slice %arg2[%squeeze3A_417, %dma_start3A_421] : memref<1000000x64xf32, #tpu.memory_space<hbm>> -> memref<1x64xf32, #tpu.memory_space<hbm>>
    %dma_start3A_423 = arith.constant 34 : i32
    %dma_start3A_424 = arith.constant 0 : i32
    %dma_start3A_425 = tpu.memref_slice %arg6[%dma_start3A_423, %dma_start3A_424] : memref<512x64xf32, #tpu.memory_space<vmem>> -> memref<1x64xf32, #tpu.memory_space<vmem>>
    %dma_start3A_426 = arith.constant 0 : i32
    %dma_start3A_427 = tpu.memref_slice %arg2[%squeeze3A_417, %dma_start3A_426] : memref<1000000x64xf32, #tpu.memory_space<hbm>> -> memref<1x64xf32, #tpu.memory_space<hbm>>
    tpu.enqueue_dma source(%dma_start3A_427 : memref<1x64xf32, #tpu.memory_space<hbm>>) target(%dma_start3A_425 : memref<1x64xf32, #tpu.memory_space<vmem>>) target_semaphore(%arg8 : memref<!tpu.dma_semaphore, #tpu.memory_space<semaphore_mem>>)
    %slice3A_428 = vector.extract_strided_slice %get3A_391 {offsets = [3], sizes = [1], strides = [1]} : vector<16xi32> to vector<1xi32>
    %squeeze3A_429 = vector.extract %slice3A_428[0] : i32 from vector<1xi32>
    %dma_start3A_430 = arith.constant 35 : i32
    %dma_start3A_431 = arith.constant 0 : i32
    %dma_start3A_432 = tpu.memref_slice %arg6[%dma_start3A_430, %dma_start3A_431] : memref<512x64xf32, #tpu.memory_space<vmem>> -> memref<1x64xf32, #tpu.memory_space<vmem>>
    %dma_start3A_433 = arith.constant 0 : i32
    %dma_start3A_434 = tpu.memref_slice %arg2[%squeeze3A_429, %dma_start3A_433] : memref<1000000x64xf32, #tpu.memory_space<hbm>> -> memref<1x64xf32, #tpu.memory_space<hbm>>
    %dma_start3A_435 = arith.constant 35 : i32
    %dma_start3A_436 = arith.constant 0 : i32
    %dma_start3A_437 = tpu.memref_slice %arg6[%dma_start3A_435, %dma_start3A_436] : memref<512x64xf32, #tpu.memory_space<vmem>> -> memref<1x64xf32, #tpu.memory_space<vmem>>
    %dma_start3A_438 = arith.constant 0 : i32
    %dma_start3A_439 = tpu.memref_slice %arg2[%squeeze3A_429, %dma_start3A_438] : memref<1000000x64xf32, #tpu.memory_space<hbm>> -> memref<1x64xf32, #tpu.memory_space<hbm>>
    tpu.enqueue_dma source(%dma_start3A_439 : memref<1x64xf32, #tpu.memory_space<hbm>>) target(%dma_start3A_437 : memref<1x64xf32, #tpu.memory_space<vmem>>) target_semaphore(%arg8 : memref<!tpu.dma_semaphore, #tpu.memory_space<semaphore_mem>>)
    %slice3A_440 = vector.extract_strided_slice %get3A_391 {offsets = [4], sizes = [1], strides = [1]} : vector<16xi32> to vector<1xi32>
    %squeeze3A_441 = vector.extract %slice3A_440[0] : i32 from vector<1xi32>
    %dma_start3A_442 = arith.constant 36 : i32
    %dma_start3A_443 = arith.constant 0 : i32
    %dma_start3A_444 = tpu.memref_slice %arg6[%dma_start3A_442, %dma_start3A_443] : memref<512x64xf32, #tpu.memory_space<vmem>> -> memref<1x64xf32, #tpu.memory_space<vmem>>
    %dma_start3A_445 = arith.constant 0 : i32
    %dma_start3A_446 = tpu.memref_slice %arg2[%squeeze3A_441, %dma_start3A_445] : memref<1000000x64xf32, #tpu.memory_space<hbm>> -> memref<1x64xf32, #tpu.memory_space<hbm>>
    %dma_start3A_447 = arith.constant 36 : i32
    %dma_start3A_448 = arith.constant 0 : i32
    %dma_start3A_449 = tpu.memref_slice %arg6[%dma_start3A_447, %dma_start3A_448] : memref<512x64xf32, #tpu.memory_space<vmem>> -> memref<1x64xf32, #tpu.memory_space<vmem>>
    %dma_start3A_450 = arith.constant 0 : i32
    %dma_start3A_451 = tpu.memref_slice %arg2[%squeeze3A_441, %dma_start3A_450] : memref<1000000x64xf32, #tpu.memory_space<hbm>> -> memref<1x64xf32, #tpu.memory_space<hbm>>
    tpu.enqueue_dma source(%dma_start3A_451 : memref<1x64xf32, #tpu.memory_space<hbm>>) target(%dma_start3A_449 : memref<1x64xf32, #tpu.memory_space<vmem>>) target_semaphore(%arg8 : memref<!tpu.dma_semaphore, #tpu.memory_space<semaphore_mem>>)
    %slice3A_452 = vector.extract_strided_slice %get3A_391 {offsets = [5], sizes = [1], strides = [1]} : vector<16xi32> to vector<1xi32>
    %squeeze3A_453 = vector.extract %slice3A_452[0] : i32 from vector<1xi32>
    %dma_start3A_454 = arith.constant 37 : i32
    %dma_start3A_455 = arith.constant 0 : i32
    %dma_start3A_456 = tpu.memref_slice %arg6[%dma_start3A_454, %dma_start3A_455] : memref<512x64xf32, #tpu.memory_space<vmem>> -> memref<1x64xf32, #tpu.memory_space<vmem>>
    %dma_start3A_457 = arith.constant 0 : i32
    %dma_start3A_458 = tpu.memref_slice %arg2[%squeeze3A_453, %dma_start3A_457] : memref<1000000x64xf32, #tpu.memory_space<hbm>> -> memref<1x64xf32, #tpu.memory_space<hbm>>
    %dma_start3A_459 = arith.constant 37 : i32
    %dma_start3A_460 = arith.constant 0 : i32
    %dma_start3A_461 = tpu.memref_slice %arg6[%dma_start3A_459, %dma_start3A_460] : memref<512x64xf32, #tpu.memory_space<vmem>> -> memref<1x64xf32, #tpu.memory_space<vmem>>
    %dma_start3A_462 = arith.constant 0 : i32
    %dma_start3A_463 = tpu.memref_slice %arg2[%squeeze3A_453, %dma_start3A_462] : memref<1000000x64xf32, #tpu.memory_space<hbm>> -> memref<1x64xf32, #tpu.memory_space<hbm>>
    tpu.enqueue_dma source(%dma_start3A_463 : memref<1x64xf32, #tpu.memory_space<hbm>>) target(%dma_start3A_461 : memref<1x64xf32, #tpu.memory_space<vmem>>) target_semaphore(%arg8 : memref<!tpu.dma_semaphore, #tpu.memory_space<semaphore_mem>>)
    %slice3A_464 = vector.extract_strided_slice %get3A_391 {offsets = [6], sizes = [1], strides = [1]} : vector<16xi32> to vector<1xi32>
    %squeeze3A_465 = vector.extract %slice3A_464[0] : i32 from vector<1xi32>
    %dma_start3A_466 = arith.constant 38 : i32
    %dma_start3A_467 = arith.constant 0 : i32
    %dma_start3A_468 = tpu.memref_slice %arg6[%dma_start3A_466, %dma_start3A_467] : memref<512x64xf32, #tpu.memory_space<vmem>> -> memref<1x64xf32, #tpu.memory_space<vmem>>
    %dma_start3A_469 = arith.constant 0 : i32
    %dma_start3A_470 = tpu.memref_slice %arg2[%squeeze3A_465, %dma_start3A_469] : memref<1000000x64xf32, #tpu.memory_space<hbm>> -> memref<1x64xf32, #tpu.memory_space<hbm>>
    %dma_start3A_471 = arith.constant 38 : i32
    %dma_start3A_472 = arith.constant 0 : i32
    %dma_start3A_473 = tpu.memref_slice %arg6[%dma_start3A_471, %dma_start3A_472] : memref<512x64xf32, #tpu.memory_space<vmem>> -> memref<1x64xf32, #tpu.memory_space<vmem>>
    %dma_start3A_474 = arith.constant 0 : i32
    %dma_start3A_475 = tpu.memref_slice %arg2[%squeeze3A_465, %dma_start3A_474] : memref<1000000x64xf32, #tpu.memory_space<hbm>> -> memref<1x64xf32, #tpu.memory_space<hbm>>
    tpu.enqueue_dma source(%dma_start3A_475 : memref<1x64xf32, #tpu.memory_space<hbm>>) target(%dma_start3A_473 : memref<1x64xf32, #tpu.memory_space<vmem>>) target_semaphore(%arg8 : memref<!tpu.dma_semaphore, #tpu.memory_space<semaphore_mem>>)
    %slice3A_476 = vector.extract_strided_slice %get3A_391 {offsets = [7], sizes = [1], strides = [1]} : vector<16xi32> to vector<1xi32>
    %squeeze3A_477 = vector.extract %slice3A_476[0] : i32 from vector<1xi32>
    %dma_start3A_478 = arith.constant 39 : i32
    %dma_start3A_479 = arith.constant 0 : i32
    %dma_start3A_480 = tpu.memref_slice %arg6[%dma_start3A_478, %dma_start3A_479] : memref<512x64xf32, #tpu.memory_space<vmem>> -> memref<1x64xf32, #tpu.memory_space<vmem>>
    %dma_start3A_481 = arith.constant 0 : i32
    %dma_start3A_482 = tpu.memref_slice %arg2[%squeeze3A_477, %dma_start3A_481] : memref<1000000x64xf32, #tpu.memory_space<hbm>> -> memref<1x64xf32, #tpu.memory_space<hbm>>
    %dma_start3A_483 = arith.constant 39 : i32
    %dma_start3A_484 = arith.constant 0 : i32
    %dma_start3A_485 = tpu.memref_slice %arg6[%dma_start3A_483, %dma_start3A_484] : memref<512x64xf32, #tpu.memory_space<vmem>> -> memref<1x64xf32, #tpu.memory_space<vmem>>
    %dma_start3A_486 = arith.constant 0 : i32
    %dma_start3A_487 = tpu.memref_slice %arg2[%squeeze3A_477, %dma_start3A_486] : memref<1000000x64xf32, #tpu.memory_space<hbm>> -> memref<1x64xf32, #tpu.memory_space<hbm>>
    tpu.enqueue_dma source(%dma_start3A_487 : memref<1x64xf32, #tpu.memory_space<hbm>>) target(%dma_start3A_485 : memref<1x64xf32, #tpu.memory_space<vmem>>) target_semaphore(%arg8 : memref<!tpu.dma_semaphore, #tpu.memory_space<semaphore_mem>>)
    %slice3A_488 = vector.extract_strided_slice %get3A_391 {offsets = [8], sizes = [1], strides = [1]} : vector<16xi32> to vector<1xi32>
    %squeeze3A_489 = vector.extract %slice3A_488[0] : i32 from vector<1xi32>
    %dma_start3A_490 = arith.constant 40 : i32
    %dma_start3A_491 = arith.constant 0 : i32
    %dma_start3A_492 = tpu.memref_slice %arg6[%dma_start3A_490, %dma_start3A_491] : memref<512x64xf32, #tpu.memory_space<vmem>> -> memref<1x64xf32, #tpu.memory_space<vmem>>
    %dma_start3A_493 = arith.constant 0 : i32
    %dma_start3A_494 = tpu.memref_slice %arg2[%squeeze3A_489, %dma_start3A_493] : memref<1000000x64xf32, #tpu.memory_space<hbm>> -> memref<1x64xf32, #tpu.memory_space<hbm>>
    %dma_start3A_495 = arith.constant 40 : i32
    %dma_start3A_496 = arith.constant 0 : i32
    %dma_start3A_497 = tpu.memref_slice %arg6[%dma_start3A_495, %dma_start3A_496] : memref<512x64xf32, #tpu.memory_space<vmem>> -> memref<1x64xf32, #tpu.memory_space<vmem>>
    %dma_start3A_498 = arith.constant 0 : i32
    %dma_start3A_499 = tpu.memref_slice %arg2[%squeeze3A_489, %dma_start3A_498] : memref<1000000x64xf32, #tpu.memory_space<hbm>> -> memref<1x64xf32, #tpu.memory_space<hbm>>
    tpu.enqueue_dma source(%dma_start3A_499 : memref<1x64xf32, #tpu.memory_space<hbm>>) target(%dma_start3A_497 : memref<1x64xf32, #tpu.memory_space<vmem>>) target_semaphore(%arg8 : memref<!tpu.dma_semaphore, #tpu.memory_space<semaphore_mem>>)
    %slice3A_500 = vector.extract_strided_slice %get3A_391 {offsets = [9], sizes = [1], strides = [1]} : vector<16xi32> to vector<1xi32>
    %squeeze3A_501 = vector.extract %slice3A_500[0] : i32 from vector<1xi32>
    %dma_start3A_502 = arith.constant 41 : i32
    %dma_start3A_503 = arith.constant 0 : i32
    %dma_start3A_504 = tpu.memref_slice %arg6[%dma_start3A_502, %dma_start3A_503] : memref<512x64xf32, #tpu.memory_space<vmem>> -> memref<1x64xf32, #tpu.memory_space<vmem>>
    %dma_start3A_505 = arith.constant 0 : i32
    %dma_start3A_506 = tpu.memref_slice %arg2[%squeeze3A_501, %dma_start3A_505] : memref<1000000x64xf32, #tpu.memory_space<hbm>> -> memref<1x64xf32, #tpu.memory_space<hbm>>
    %dma_start3A_507 = arith.constant 41 : i32
    %dma_start3A_508 = arith.constant 0 : i32
    %dma_start3A_509 = tpu.memref_slice %arg6[%dma_start3A_507, %dma_start3A_508] : memref<512x64xf32, #tpu.memory_space<vmem>> -> memref<1x64xf32, #tpu.memory_space<vmem>>
    %dma_start3A_510 = arith.constant 0 : i32
    %dma_start3A_511 = tpu.memref_slice %arg2[%squeeze3A_501, %dma_start3A_510] : memref<1000000x64xf32, #tpu.memory_space<hbm>> -> memref<1x64xf32, #tpu.memory_space<hbm>>
    tpu.enqueue_dma source(%dma_start3A_511 : memref<1x64xf32, #tpu.memory_space<hbm>>) target(%dma_start3A_509 : memref<1x64xf32, #tpu.memory_space<vmem>>) target_semaphore(%arg8 : memref<!tpu.dma_semaphore, #tpu.memory_space<semaphore_mem>>)
    %slice3A_512 = vector.extract_strided_slice %get3A_391 {offsets = [10], sizes = [1], strides = [1]} : vector<16xi32> to vector<1xi32>
    %squeeze3A_513 = vector.extract %slice3A_512[0] : i32 from vector<1xi32>
    %dma_start3A_514 = arith.constant 42 : i32
    %dma_start3A_515 = arith.constant 0 : i32
    %dma_start3A_516 = tpu.memref_slice %arg6[%dma_start3A_514, %dma_start3A_515] : memref<512x64xf32, #tpu.memory_space<vmem>> -> memref<1x64xf32, #tpu.memory_space<vmem>>
    %dma_start3A_517 = arith.constant 0 : i32
    %dma_start3A_518 = tpu.memref_slice %arg2[%squeeze3A_513, %dma_start3A_517] : memref<1000000x64xf32, #tpu.memory_space<hbm>> -> memref<1x64xf32, #tpu.memory_space<hbm>>
    %dma_start3A_519 = arith.constant 42 : i32
    %dma_start3A_520 = arith.constant 0 : i32
    %dma_start3A_521 = tpu.memref_slice %arg6[%dma_start3A_519, %dma_start3A_520] : memref<512x64xf32, #tpu.memory_space<vmem>> -> memref<1x64xf32, #tpu.memory_space<vmem>>
    %dma_start3A_522 = arith.constant 0 : i32
    %dma_start3A_523 = tpu.memref_slice %arg2[%squeeze3A_513, %dma_start3A_522] : memref<1000000x64xf32, #tpu.memory_space<hbm>> -> memref<1x64xf32, #tpu.memory_space<hbm>>
    tpu.enqueue_dma source(%dma_start3A_523 : memref<1x64xf32, #tpu.memory_space<hbm>>) target(%dma_start3A_521 : memref<1x64xf32, #tpu.memory_space<vmem>>) target_semaphore(%arg8 : memref<!tpu.dma_semaphore, #tpu.memory_space<semaphore_mem>>)
    %slice3A_524 = vector.extract_strided_slice %get3A_391 {offsets = [11], sizes = [1], strides = [1]} : vector<16xi32> to vector<1xi32>
    %squeeze3A_525 = vector.extract %slice3A_524[0] : i32 from vector<1xi32>
    %dma_start3A_526 = arith.constant 43 : i32
    %dma_start3A_527 = arith.constant 0 : i32
    %dma_start3A_528 = tpu.memref_slice %arg6[%dma_start3A_526, %dma_start3A_527] : memref<512x64xf32, #tpu.memory_space<vmem>> -> memref<1x64xf32, #tpu.memory_space<vmem>>
    %dma_start3A_529 = arith.constant 0 : i32
    %dma_start3A_530 = tpu.memref_slice %arg2[%squeeze3A_525, %dma_start3A_529] : memref<1000000x64xf32, #tpu.memory_space<hbm>> -> memref<1x64xf32, #tpu.memory_space<hbm>>
    %dma_start3A_531 = arith.constant 43 : i32
    %dma_start3A_532 = arith.constant 0 : i32
    %dma_start3A_533 = tpu.memref_slice %arg6[%dma_start3A_531, %dma_start3A_532] : memref<512x64xf32, #tpu.memory_space<vmem>> -> memref<1x64xf32, #tpu.memory_space<vmem>>
    %dma_start3A_534 = arith.constant 0 : i32
    %dma_start3A_535 = tpu.memref_slice %arg2[%squeeze3A_525, %dma_start3A_534] : memref<1000000x64xf32, #tpu.memory_space<hbm>> -> memref<1x64xf32, #tpu.memory_space<hbm>>
    tpu.enqueue_dma source(%dma_start3A_535 : memref<1x64xf32, #tpu.memory_space<hbm>>) target(%dma_start3A_533 : memref<1x64xf32, #tpu.memory_space<vmem>>) target_semaphore(%arg8 : memref<!tpu.dma_semaphore, #tpu.memory_space<semaphore_mem>>)
    %slice3A_536 = vector.extract_strided_slice %get3A_391 {offsets = [12], sizes = [1], strides = [1]} : vector<16xi32> to vector<1xi32>
    %squeeze3A_537 = vector.extract %slice3A_536[0] : i32 from vector<1xi32>
    %dma_start3A_538 = arith.constant 44 : i32
    %dma_start3A_539 = arith.constant 0 : i32
    %dma_start3A_540 = tpu.memref_slice %arg6[%dma_start3A_538, %dma_start3A_539] : memref<512x64xf32, #tpu.memory_space<vmem>> -> memref<1x64xf32, #tpu.memory_space<vmem>>
    %dma_start3A_541 = arith.constant 0 : i32
    %dma_start3A_542 = tpu.memref_slice %arg2[%squeeze3A_537, %dma_start3A_541] : memref<1000000x64xf32, #tpu.memory_space<hbm>> -> memref<1x64xf32, #tpu.memory_space<hbm>>
    %dma_start3A_543 = arith.constant 44 : i32
    %dma_start3A_544 = arith.constant 0 : i32
    %dma_start3A_545 = tpu.memref_slice %arg6[%dma_start3A_543, %dma_start3A_544] : memref<512x64xf32, #tpu.memory_space<vmem>> -> memref<1x64xf32, #tpu.memory_space<vmem>>
    %dma_start3A_546 = arith.constant 0 : i32
    %dma_start3A_547 = tpu.memref_slice %arg2[%squeeze3A_537, %dma_start3A_546] : memref<1000000x64xf32, #tpu.memory_space<hbm>> -> memref<1x64xf32, #tpu.memory_space<hbm>>
    tpu.enqueue_dma source(%dma_start3A_547 : memref<1x64xf32, #tpu.memory_space<hbm>>) target(%dma_start3A_545 : memref<1x64xf32, #tpu.memory_space<vmem>>) target_semaphore(%arg8 : memref<!tpu.dma_semaphore, #tpu.memory_space<semaphore_mem>>)
    %slice3A_548 = vector.extract_strided_slice %get3A_391 {offsets = [13], sizes = [1], strides = [1]} : vector<16xi32> to vector<1xi32>
    %squeeze3A_549 = vector.extract %slice3A_548[0] : i32 from vector<1xi32>
    %dma_start3A_550 = arith.constant 45 : i32
    %dma_start3A_551 = arith.constant 0 : i32
    %dma_start3A_552 = tpu.memref_slice %arg6[%dma_start3A_550, %dma_start3A_551] : memref<512x64xf32, #tpu.memory_space<vmem>> -> memref<1x64xf32, #tpu.memory_space<vmem>>
    %dma_start3A_553 = arith.constant 0 : i32
    %dma_start3A_554 = tpu.memref_slice %arg2[%squeeze3A_549, %dma_start3A_553] : memref<1000000x64xf32, #tpu.memory_space<hbm>> -> memref<1x64xf32, #tpu.memory_space<hbm>>
    %dma_start3A_555 = arith.constant 45 : i32
    %dma_start3A_556 = arith.constant 0 : i32
    %dma_start3A_557 = tpu.memref_slice %arg6[%dma_start3A_555, %dma_start3A_556] : memref<512x64xf32, #tpu.memory_space<vmem>> -> memref<1x64xf32, #tpu.memory_space<vmem>>
    %dma_start3A_558 = arith.constant 0 : i32
    %dma_start3A_559 = tpu.memref_slice %arg2[%squeeze3A_549, %dma_start3A_558] : memref<1000000x64xf32, #tpu.memory_space<hbm>> -> memref<1x64xf32, #tpu.memory_space<hbm>>
    tpu.enqueue_dma source(%dma_start3A_559 : memref<1x64xf32, #tpu.memory_space<hbm>>) target(%dma_start3A_557 : memref<1x64xf32, #tpu.memory_space<vmem>>) target_semaphore(%arg8 : memref<!tpu.dma_semaphore, #tpu.memory_space<semaphore_mem>>)
    %slice3A_560 = vector.extract_strided_slice %get3A_391 {offsets = [14], sizes = [1], strides = [1]} : vector<16xi32> to vector<1xi32>
    %squeeze3A_561 = vector.extract %slice3A_560[0] : i32 from vector<1xi32>
    %dma_start3A_562 = arith.constant 46 : i32
    %dma_start3A_563 = arith.constant 0 : i32
    %dma_start3A_564 = tpu.memref_slice %arg6[%dma_start3A_562, %dma_start3A_563] : memref<512x64xf32, #tpu.memory_space<vmem>> -> memref<1x64xf32, #tpu.memory_space<vmem>>
    %dma_start3A_565 = arith.constant 0 : i32
    %dma_start3A_566 = tpu.memref_slice %arg2[%squeeze3A_561, %dma_start3A_565] : memref<1000000x64xf32, #tpu.memory_space<hbm>> -> memref<1x64xf32, #tpu.memory_space<hbm>>
    %dma_start3A_567 = arith.constant 46 : i32
    %dma_start3A_568 = arith.constant 0 : i32
    %dma_start3A_569 = tpu.memref_slice %arg6[%dma_start3A_567, %dma_start3A_568] : memref<512x64xf32, #tpu.memory_space<vmem>> -> memref<1x64xf32, #tpu.memory_space<vmem>>
    %dma_start3A_570 = arith.constant 0 : i32
    %dma_start3A_571 = tpu.memref_slice %arg2[%squeeze3A_561, %dma_start3A_570] : memref<1000000x64xf32, #tpu.memory_space<hbm>> -> memref<1x64xf32, #tpu.memory_space<hbm>>
    tpu.enqueue_dma source(%dma_start3A_571 : memref<1x64xf32, #tpu.memory_space<hbm>>) target(%dma_start3A_569 : memref<1x64xf32, #tpu.memory_space<vmem>>) target_semaphore(%arg8 : memref<!tpu.dma_semaphore, #tpu.memory_space<semaphore_mem>>)
    %slice3A_572 = vector.extract_strided_slice %get3A_391 {offsets = [15], sizes = [1], strides = [1]} : vector<16xi32> to vector<1xi32>
    %squeeze3A_573 = vector.extract %slice3A_572[0] : i32 from vector<1xi32>
    %dma_start3A_574 = arith.constant 47 : i32
    %dma_start3A_575 = arith.constant 0 : i32
    %dma_start3A_576 = tpu.memref_slice %arg6[%dma_start3A_574, %dma_start3A_575] : memref<512x64xf32, #tpu.memory_space<vmem>> -> memref<1x64xf32, #tpu.memory_space<vmem>>
    %dma_start3A_577 = arith.constant 0 : i32
    %dma_start3A_578 = tpu.memref_slice %arg2[%squeeze3A_573, %dma_start3A_577] : memref<1000000x64xf32, #tpu.memory_space<hbm>> -> memref<1x64xf32, #tpu.memory_space<hbm>>
    %dma_start3A_579 = arith.constant 47 : i32
    %dma_start3A_580 = arith.constant 0 : i32
    %dma_start3A_581 = tpu.memref_slice %arg6[%dma_start3A_579, %dma_start3A_580] : memref<512x64xf32, #tpu.memory_space<vmem>> -> memref<1x64xf32, #tpu.memory_space<vmem>>
    %dma_start3A_582 = arith.constant 0 : i32
    %dma_start3A_583 = tpu.memref_slice %arg2[%squeeze3A_573, %dma_start3A_582] : memref<1000000x64xf32, #tpu.memory_space<hbm>> -> memref<1x64xf32, #tpu.memory_space<hbm>>
    tpu.enqueue_dma source(%dma_start3A_583 : memref<1x64xf32, #tpu.memory_space<hbm>>) target(%dma_start3A_581 : memref<1x64xf32, #tpu.memory_space<vmem>>) target_semaphore(%arg8 : memref<!tpu.dma_semaphore, #tpu.memory_space<semaphore_mem>>)
    %get3A_584 = arith.constant 48 : index
    %get3A_585 = tpu.vector_load %arg5[%get3A_584] {strides = array<i32>} : memref<512xi32, #tpu.memory_space<vmem>>, vector<16xi32>,
    %get3A_586 = vector.shape_cast %get3A_585 : vector<16xi32> to vector<16xi32>
    %slice3A_587 = vector.extract_strided_slice %get3A_586 {offsets = [0], sizes = [1], strides = [1]} : vector<16xi32> to vector<1xi32>
    %squeeze3A_588 = vector.extract %slice3A_587[0] : i32 from vector<1xi32>
    %dma_start3A_589 = arith.constant 48 : i32
    %dma_start3A_590 = arith.constant 0 : i32
    %dma_start3A_591 = tpu.memref_slice %arg6[%dma_start3A_589, %dma_start3A_590] : memref<512x64xf32, #tpu.memory_space<vmem>> -> memref<1x64xf32, #tpu.memory_space<vmem>>
    %dma_start3A_592 = arith.constant 0 : i32
    %dma_start3A_593 = tpu.memref_slice %arg2[%squeeze3A_588, %dma_start3A_592] : memref<1000000x64xf32, #tpu.memory_space<hbm>> -> memref<1x64xf32, #tpu.memory_space<hbm>>
    %dma_start3A_594 = arith.constant 48 : i32
    %dma_start3A_595 = arith.constant 0 : i32
    %dma_start3A_596 = tpu.memref_slice %arg6[%dma_start3A_594, %dma_start3A_595] : memref<512x64xf32, #tpu.memory_space<vmem>> -> memref<1x64xf32, #tpu.memory_space<vmem>>
    %dma_start3A_597 = arith.constant 0 : i32
    %dma_start3A_598 = tpu.memref_slice %arg2[%squeeze3A_588, %dma_start3A_597] : memref<1000000x64xf32, #tpu.memory_space<hbm>> -> memref<1x64xf32, #tpu.memory_space<hbm>>
    tpu.enqueue_dma source(%dma_start3A_598 : memref<1x64xf32, #tpu.memory_space<hbm>>) target(%dma_start3A_596 : memref<1x64xf32, #tpu.memory_space<vmem>>) target_semaphore(%arg8 : memref<!tpu.dma_semaphore, #tpu.memory_space<semaphore_mem>>)
    %slice3A_599 = vector.extract_strided_slice %get3A_586 {offsets = [1], sizes = [1], strides = [1]} : vector<16xi32> to vector<1xi32>
    %squeeze3A_600 = vector.extract %slice3A_599[0] : i32 from vector<1xi32>
    %dma_start3A_601 = arith.constant 49 : i32
    %dma_start3A_602 = arith.constant 0 : i32
    %dma_start3A_603 = tpu.memref_slice %arg6[%dma_start3A_601, %dma_start3A_602] : memref<512x64xf32, #tpu.memory_space<vmem>> -> memref<1x64xf32, #tpu.memory_space<vmem>>
    %dma_start3A_604 = arith.constant 0 : i32
    %dma_start3A_605 = tpu.memref_slice %arg2[%squeeze3A_600, %dma_start3A_604] : memref<1000000x64xf32, #tpu.memory_space<hbm>> -> memref<1x64xf32, #tpu.memory_space<hbm>>
    %dma_start3A_606 = arith.constant 49 : i32
    %dma_start3A_607 = arith.constant 0 : i32
    %dma_start3A_608 = tpu.memref_slice %arg6[%dma_start3A_606, %dma_start3A_607] : memref<512x64xf32, #tpu.memory_space<vmem>> -> memref<1x64xf32, #tpu.memory_space<vmem>>
    %dma_start3A_609 = arith.constant 0 : i32
    %dma_start3A_610 = tpu.memref_slice %arg2[%squeeze3A_600, %dma_start3A_609] : memref<1000000x64xf32, #tpu.memory_space<hbm>> -> memref<1x64xf32, #tpu.memory_space<hbm>>
    tpu.enqueue_dma source(%dma_start3A_610 : memref<1x64xf32, #tpu.memory_space<hbm>>) target(%dma_start3A_608 : memref<1x64xf32, #tpu.memory_space<vmem>>) target_semaphore(%arg8 : memref<!tpu.dma_semaphore, #tpu.memory_space<semaphore_mem>>)
    %slice3A_611 = vector.extract_strided_slice %get3A_586 {offsets = [2], sizes = [1], strides = [1]} : vector<16xi32> to vector<1xi32>
    %squeeze3A_612 = vector.extract %slice3A_611[0] : i32 from vector<1xi32>
    %dma_start3A_613 = arith.constant 50 : i32
    %dma_start3A_614 = arith.constant 0 : i32
    %dma_start3A_615 = tpu.memref_slice %arg6[%dma_start3A_613, %dma_start3A_614] : memref<512x64xf32, #tpu.memory_space<vmem>> -> memref<1x64xf32, #tpu.memory_space<vmem>>
    %dma_start3A_616 = arith.constant 0 : i32
    %dma_start3A_617 = tpu.memref_slice %arg2[%squeeze3A_612, %dma_start3A_616] : memref<1000000x64xf32, #tpu.memory_space<hbm>> -> memref<1x64xf32, #tpu.memory_space<hbm>>
    %dma_start3A_618 = arith.constant 50 : i32
    %dma_start3A_619 = arith.constant 0 : i32
    %dma_start3A_620 = tpu.memref_slice %arg6[%dma_start3A_618, %dma_start3A_619] : memref<512x64xf32, #tpu.memory_space<vmem>> -> memref<1x64xf32, #tpu.memory_space<vmem>>
    %dma_start3A_621 = arith.constant 0 : i32
    %dma_start3A_622 = tpu.memref_slice %arg2[%squeeze3A_612, %dma_start3A_621] : memref<1000000x64xf32, #tpu.memory_space<hbm>> -> memref<1x64xf32, #tpu.memory_space<hbm>>
    tpu.enqueue_dma source(%dma_start3A_622 : memref<1x64xf32, #tpu.memory_space<hbm>>) target(%dma_start3A_620 : memref<1x64xf32, #tpu.memory_space<vmem>>) target_semaphore(%arg8 : memref<!tpu.dma_semaphore, #tpu.memory_space<semaphore_mem>>)
    %slice3A_623 = vector.extract_strided_slice %get3A_586 {offsets = [3], sizes = [1], strides = [1]} : vector<16xi32> to vector<1xi32>
    %squeeze3A_624 = vector.extract %slice3A_623[0] : i32 from vector<1xi32>
    %dma_start3A_625 = arith.constant 51 : i32
    %dma_start3A_626 = arith.constant 0 : i32
    %dma_start3A_627 = tpu.memref_slice %arg6[%dma_start3A_625, %dma_start3A_626] : memref<512x64xf32, #tpu.memory_space<vmem>> -> memref<1x64xf32, #tpu.memory_space<vmem>>
    %dma_start3A_628 = arith.constant 0 : i32
    %dma_start3A_629 = tpu.memref_slice %arg2[%squeeze3A_624, %dma_start3A_628] : memref<1000000x64xf32, #tpu.memory_space<hbm>> -> memref<1x64xf32, #tpu.memory_space<hbm>>
    %dma_start3A_630 = arith.constant 51 : i32
    %dma_start3A_631 = arith.constant 0 : i32
    %dma_start3A_632 = tpu.memref_slice %arg6[%dma_start3A_630, %dma_start3A_631] : memref<512x64xf32, #tpu.memory_space<vmem>> -> memref<1x64xf32, #tpu.memory_space<vmem>>
    %dma_start3A_633 = arith.constant 0 : i32
    %dma_start3A_634 = tpu.memref_slice %arg2[%squeeze3A_624, %dma_start3A_633] : memref<1000000x64xf32, #tpu.memory_space<hbm>> -> memref<1x64xf32, #tpu.memory_space<hbm>>
    tpu.enqueue_dma source(%dma_start3A_634 : memref<1x64xf32, #tpu.memory_space<hbm>>) target(%dma_start3A_632 : memref<1x64xf32, #tpu.memory_space<vmem>>) target_semaphore(%arg8 : memref<!tpu.dma_semaphore, #tpu.memory_space<semaphore_mem>>)
    %slice3A_635 = vector.extract_strided_slice %get3A_586 {offsets = [4], sizes = [1], strides = [1]} : vector<16xi32> to vector<1xi32>
    %squeeze3A_636 = vector.extract %slice3A_635[0] : i32 from vector<1xi32>
    %dma_start3A_637 = arith.constant 52 : i32
    %dma_start3A_638 = arith.constant 0 : i32
    %dma_start3A_639 = tpu.memref_slice %arg6[%dma_start3A_637, %dma_start3A_638] : memref<512x64xf32, #tpu.memory_space<vmem>> -> memref<1x64xf32, #tpu.memory_space<vmem>>
    %dma_start3A_640 = arith.constant 0 : i32
    %dma_start3A_641 = tpu.memref_slice %arg2[%squeeze3A_636, %dma_start3A_640] : memref<1000000x64xf32, #tpu.memory_space<hbm>> -> memref<1x64xf32, #tpu.memory_space<hbm>>
    %dma_start3A_642 = arith.constant 52 : i32
    %dma_start3A_643 = arith.constant 0 : i32
    %dma_start3A_644 = tpu.memref_slice %arg6[%dma_start3A_642, %dma_start3A_643] : memref<512x64xf32, #tpu.memory_space<vmem>> -> memref<1x64xf32, #tpu.memory_space<vmem>>
    %dma_start3A_645 = arith.constant 0 : i32
    %dma_start3A_646 = tpu.memref_slice %arg2[%squeeze3A_636, %dma_start3A_645] : memref<1000000x64xf32, #tpu.memory_space<hbm>> -> memref<1x64xf32, #tpu.memory_space<hbm>>
    tpu.enqueue_dma source(%dma_start3A_646 : memref<1x64xf32, #tpu.memory_space<hbm>>) target(%dma_start3A_644 : memref<1x64xf32, #tpu.memory_space<vmem>>) target_semaphore(%arg8 : memref<!tpu.dma_semaphore, #tpu.memory_space<semaphore_mem>>)
    %slice3A_647 = vector.extract_strided_slice %get3A_586 {offsets = [5], sizes = [1], strides = [1]} : vector<16xi32> to vector<1xi32>
    %squeeze3A_648 = vector.extract %slice3A_647[0] : i32 from vector<1xi32>
    %dma_start3A_649 = arith.constant 53 : i32
    %dma_start3A_650 = arith.constant 0 : i32
    %dma_start3A_651 = tpu.memref_slice %arg6[%dma_start3A_649, %dma_start3A_650] : memref<512x64xf32, #tpu.memory_space<vmem>> -> memref<1x64xf32, #tpu.memory_space<vmem>>
    %dma_start3A_652 = arith.constant 0 : i32
    %dma_start3A_653 = tpu.memref_slice %arg2[%squeeze3A_648, %dma_start3A_652] : memref<1000000x64xf32, #tpu.memory_space<hbm>> -> memref<1x64xf32, #tpu.memory_space<hbm>>
    %dma_start3A_654 = arith.constant 53 : i32
    %dma_start3A_655 = arith.constant 0 : i32
    %dma_start3A_656 = tpu.memref_slice %arg6[%dma_start3A_654, %dma_start3A_655] : memref<512x64xf32, #tpu.memory_space<vmem>> -> memref<1x64xf32, #tpu.memory_space<vmem>>
    %dma_start3A_657 = arith.constant 0 : i32
    %dma_start3A_658 = tpu.memref_slice %arg2[%squeeze3A_648, %dma_start3A_657] : memref<1000000x64xf32, #tpu.memory_space<hbm>> -> memref<1x64xf32, #tpu.memory_space<hbm>>
    tpu.enqueue_dma source(%dma_start3A_658 : memref<1x64xf32, #tpu.memory_space<hbm>>) target(%dma_start3A_656 : memref<1x64xf32, #tpu.memory_space<vmem>>) target_semaphore(%arg8 : memref<!tpu.dma_semaphore, #tpu.memory_space<semaphore_mem>>)
    %slice3A_659 = vector.extract_strided_slice %get3A_586 {offsets = [6], sizes = [1], strides = [1]} : vector<16xi32> to vector<1xi32>
    %squeeze3A_660 = vector.extract %slice3A_659[0] : i32 from vector<1xi32>
    %dma_start3A_661 = arith.constant 54 : i32
    %dma_start3A_662 = arith.constant 0 : i32
    %dma_start3A_663 = tpu.memref_slice %arg6[%dma_start3A_661, %dma_start3A_662] : memref<512x64xf32, #tpu.memory_space<vmem>> -> memref<1x64xf32, #tpu.memory_space<vmem>>
    %dma_start3A_664 = arith.constant 0 : i32
    %dma_start3A_665 = tpu.memref_slice %arg2[%squeeze3A_660, %dma_start3A_664] : memref<1000000x64xf32, #tpu.memory_space<hbm>> -> memref<1x64xf32, #tpu.memory_space<hbm>>
    %dma_start3A_666 = arith.constant 54 : i32
    %dma_start3A_667 = arith.constant 0 : i32
    %dma_start3A_668 = tpu.memref_slice %arg6[%dma_start3A_666, %dma_start3A_667] : memref<512x64xf32, #tpu.memory_space<vmem>> -> memref<1x64xf32, #tpu.memory_space<vmem>>
    %dma_start3A_669 = arith.constant 0 : i32
    %dma_start3A_670 = tpu.memref_slice %arg2[%squeeze3A_660, %dma_start3A_669] : memref<1000000x64xf32, #tpu.memory_space<hbm>> -> memref<1x64xf32, #tpu.memory_space<hbm>>
    tpu.enqueue_dma source(%dma_start3A_670 : memref<1x64xf32, #tpu.memory_space<hbm>>) target(%dma_start3A_668 : memref<1x64xf32, #tpu.memory_space<vmem>>) target_semaphore(%arg8 : memref<!tpu.dma_semaphore, #tpu.memory_space<semaphore_mem>>)
    %slice3A_671 = vector.extract_strided_slice %get3A_586 {offsets = [7], sizes = [1], strides = [1]} : vector<16xi32> to vector<1xi32>
    %squeeze3A_672 = vector.extract %slice3A_671[0] : i32 from vector<1xi32>
    %dma_start3A_673 = arith.constant 55 : i32
    %dma_start3A_674 = arith.constant 0 : i32
    %dma_start3A_675 = tpu.memref_slice %arg6[%dma_start3A_673, %dma_start3A_674] : memref<512x64xf32, #tpu.memory_space<vmem>> -> memref<1x64xf32, #tpu.memory_space<vmem>>
    %dma_start3A_676 = arith.constant 0 : i32
    %dma_start3A_677 = tpu.memref_slice %arg2[%squeeze3A_672, %dma_start3A_676] : memref<1000000x64xf32, #tpu.memory_space<hbm>> -> memref<1x64xf32, #tpu.memory_space<hbm>>
    %dma_start3A_678 = arith.constant 55 : i32
    %dma_start3A_679 = arith.constant 0 : i32
    %dma_start3A_680 = tpu.memref_slice %arg6[%dma_start3A_678, %dma_start3A_679] : memref<512x64xf32, #tpu.memory_space<vmem>> -> memref<1x64xf32, #tpu.memory_space<vmem>>
    %dma_start3A_681 = arith.constant 0 : i32
    %dma_start3A_682 = tpu.memref_slice %arg2[%squeeze3A_672, %dma_start3A_681] : memref<1000000x64xf32, #tpu.memory_space<hbm>> -> memref<1x64xf32, #tpu.memory_space<hbm>>
    tpu.enqueue_dma source(%dma_start3A_682 : memref<1x64xf32, #tpu.memory_space<hbm>>) target(%dma_start3A_680 : memref<1x64xf32, #tpu.memory_space<vmem>>) target_semaphore(%arg8 : memref<!tpu.dma_semaphore, #tpu.memory_space<semaphore_mem>>)
    %slice3A_683 = vector.extract_strided_slice %get3A_586 {offsets = [8], sizes = [1], strides = [1]} : vector<16xi32> to vector<1xi32>
    %squeeze3A_684 = vector.extract %slice3A_683[0] : i32 from vector<1xi32>
    %dma_start3A_685 = arith.constant 56 : i32
    %dma_start3A_686 = arith.constant 0 : i32
    %dma_start3A_687 = tpu.memref_slice %arg6[%dma_start3A_685, %dma_start3A_686] : memref<512x64xf32, #tpu.memory_space<vmem>> -> memref<1x64xf32, #tpu.memory_space<vmem>>
    %dma_start3A_688 = arith.constant 0 : i32
    %dma_start3A_689 = tpu.memref_slice %arg2[%squeeze3A_684, %dma_start3A_688] : memref<1000000x64xf32, #tpu.memory_space<hbm>> -> memref<1x64xf32, #tpu.memory_space<hbm>>
    %dma_start3A_690 = arith.constant 56 : i32
    %dma_start3A_691 = arith.constant 0 : i32
    %dma_start3A_692 = tpu.memref_slice %arg6[%dma_start3A_690, %dma_start3A_691] : memref<512x64xf32, #tpu.memory_space<vmem>> -> memref<1x64xf32, #tpu.memory_space<vmem>>
    %dma_start3A_693 = arith.constant 0 : i32
    %dma_start3A_694 = tpu.memref_slice %arg2[%squeeze3A_684, %dma_start3A_693] : memref<1000000x64xf32, #tpu.memory_space<hbm>> -> memref<1x64xf32, #tpu.memory_space<hbm>>
    tpu.enqueue_dma source(%dma_start3A_694 : memref<1x64xf32, #tpu.memory_space<hbm>>) target(%dma_start3A_692 : memref<1x64xf32, #tpu.memory_space<vmem>>) target_semaphore(%arg8 : memref<!tpu.dma_semaphore, #tpu.memory_space<semaphore_mem>>)
    %slice3A_695 = vector.extract_strided_slice %get3A_586 {offsets = [9], sizes = [1], strides = [1]} : vector<16xi32> to vector<1xi32>
    %squeeze3A_696 = vector.extract %slice3A_695[0] : i32 from vector<1xi32>
    %dma_start3A_697 = arith.constant 57 : i32
    %dma_start3A_698 = arith.constant 0 : i32
    %dma_start3A_699 = tpu.memref_slice %arg6[%dma_start3A_697, %dma_start3A_698] : memref<512x64xf32, #tpu.memory_space<vmem>> -> memref<1x64xf32, #tpu.memory_space<vmem>>
    %dma_start3A_700 = arith.constant 0 : i32
    %dma_start3A_701 = tpu.memref_slice %arg2[%squeeze3A_696, %dma_start3A_700] : memref<1000000x64xf32, #tpu.memory_space<hbm>> -> memref<1x64xf32, #tpu.memory_space<hbm>>
    %dma_start3A_702 = arith.constant 57 : i32
    %dma_start3A_703 = arith.constant 0 : i32
    %dma_start3A_704 = tpu.memref_slice %arg6[%dma_start3A_702, %dma_start3A_703] : memref<512x64xf32, #tpu.memory_space<vmem>> -> memref<1x64xf32, #tpu.memory_space<vmem>>
    %dma_start3A_705 = arith.constant 0 : i32
    %dma_start3A_706 = tpu.memref_slice %arg2[%squeeze3A_696, %dma_start3A_705] : memref<1000000x64xf32, #tpu.memory_space<hbm>> -> memref<1x64xf32, #tpu.memory_space<hbm>>
    tpu.enqueue_dma source(%dma_start3A_706 : memref<1x64xf32, #tpu.memory_space<hbm>>) target(%dma_start3A_704 : memref<1x64xf32, #tpu.memory_space<vmem>>) target_semaphore(%arg8 : memref<!tpu.dma_semaphore, #tpu.memory_space<semaphore_mem>>)
    %slice3A_707 = vector.extract_strided_slice %get3A_586 {offsets = [10], sizes = [1], strides = [1]} : vector<16xi32> to vector<1xi32>
    %squeeze3A_708 = vector.extract %slice3A_707[0] : i32 from vector<1xi32>
    %dma_start3A_709 = arith.constant 58 : i32
    %dma_start3A_710 = arith.constant 0 : i32
    %dma_start3A_711 = tpu.memref_slice %arg6[%dma_start3A_709, %dma_start3A_710] : memref<512x64xf32, #tpu.memory_space<vmem>> -> memref<1x64xf32, #tpu.memory_space<vmem>>
    %dma_start3A_712 = arith.constant 0 : i32
    %dma_start3A_713 = tpu.memref_slice %arg2[%squeeze3A_708, %dma_start3A_712] : memref<1000000x64xf32, #tpu.memory_space<hbm>> -> memref<1x64xf32, #tpu.memory_space<hbm>>
    %dma_start3A_714 = arith.constant 58 : i32
    %dma_start3A_715 = arith.constant 0 : i32
    %dma_start3A_716 = tpu.memref_slice %arg6[%dma_start3A_714, %dma_start3A_715] : memref<512x64xf32, #tpu.memory_space<vmem>> -> memref<1x64xf32, #tpu.memory_space<vmem>>
    %dma_start3A_717 = arith.constant 0 : i32
    %dma_start3A_718 = tpu.memref_slice %arg2[%squeeze3A_708, %dma_start3A_717] : memref<1000000x64xf32, #tpu.memory_space<hbm>> -> memref<1x64xf32, #tpu.memory_space<hbm>>
    tpu.enqueue_dma source(%dma_start3A_718 : memref<1x64xf32, #tpu.memory_space<hbm>>) target(%dma_start3A_716 : memref<1x64xf32, #tpu.memory_space<vmem>>) target_semaphore(%arg8 : memref<!tpu.dma_semaphore, #tpu.memory_space<semaphore_mem>>)
    %slice3A_719 = vector.extract_strided_slice %get3A_586 {offsets = [11], sizes = [1], strides = [1]} : vector<16xi32> to vector<1xi32>
    %squeeze3A_720 = vector.extract %slice3A_719[0] : i32 from vector<1xi32>
    %dma_start3A_721 = arith.constant 59 : i32
    %dma_start3A_722 = arith.constant 0 : i32
    %dma_start3A_723 = tpu.memref_slice %arg6[%dma_start3A_721, %dma_start3A_722] : memref<512x64xf32, #tpu.memory_space<vmem>> -> memref<1x64xf32, #tpu.memory_space<vmem>>
    %dma_start3A_724 = arith.constant 0 : i32
    %dma_start3A_725 = tpu.memref_slice %arg2[%squeeze3A_720, %dma_start3A_724] : memref<1000000x64xf32, #tpu.memory_space<hbm>> -> memref<1x64xf32, #tpu.memory_space<hbm>>
    %dma_start3A_726 = arith.constant 59 : i32
    %dma_start3A_727 = arith.constant 0 : i32
    %dma_start3A_728 = tpu.memref_slice %arg6[%dma_start3A_726, %dma_start3A_727] : memref<512x64xf32, #tpu.memory_space<vmem>> -> memref<1x64xf32, #tpu.memory_space<vmem>>
    %dma_start3A_729 = arith.constant 0 : i32
    %dma_start3A_730 = tpu.memref_slice %arg2[%squeeze3A_720, %dma_start3A_729] : memref<1000000x64xf32, #tpu.memory_space<hbm>> -> memref<1x64xf32, #tpu.memory_space<hbm>>
    tpu.enqueue_dma source(%dma_start3A_730 : memref<1x64xf32, #tpu.memory_space<hbm>>) target(%dma_start3A_728 : memref<1x64xf32, #tpu.memory_space<vmem>>) target_semaphore(%arg8 : memref<!tpu.dma_semaphore, #tpu.memory_space<semaphore_mem>>)
    %slice3A_731 = vector.extract_strided_slice %get3A_586 {offsets = [12], sizes = [1], strides = [1]} : vector<16xi32> to vector<1xi32>
    %squeeze3A_732 = vector.extract %slice3A_731[0] : i32 from vector<1xi32>
    %dma_start3A_733 = arith.constant 60 : i32
    %dma_start3A_734 = arith.constant 0 : i32
    %dma_start3A_735 = tpu.memref_slice %arg6[%dma_start3A_733, %dma_start3A_734] : memref<512x64xf32, #tpu.memory_space<vmem>> -> memref<1x64xf32, #tpu.memory_space<vmem>>
    %dma_start3A_736 = arith.constant 0 : i32
    %dma_start3A_737 = tpu.memref_slice %arg2[%squeeze3A_732, %dma_start3A_736] : memref<1000000x64xf32, #tpu.memory_space<hbm>> -> memref<1x64xf32, #tpu.memory_space<hbm>>
    %dma_start3A_738 = arith.constant 60 : i32
    %dma_start3A_739 = arith.constant 0 : i32
    %dma_start3A_740 = tpu.memref_slice %arg6[%dma_start3A_738, %dma_start3A_739] : memref<512x64xf32, #tpu.memory_space<vmem>> -> memref<1x64xf32, #tpu.memory_space<vmem>>
    %dma_start3A_741 = arith.constant 0 : i32
    %dma_start3A_742 = tpu.memref_slice %arg2[%squeeze3A_732, %dma_start3A_741] : memref<1000000x64xf32, #tpu.memory_space<hbm>> -> memref<1x64xf32, #tpu.memory_space<hbm>>
    tpu.enqueue_dma source(%dma_start3A_742 : memref<1x64xf32, #tpu.memory_space<hbm>>) target(%dma_start3A_740 : memref<1x64xf32, #tpu.memory_space<vmem>>) target_semaphore(%arg8 : memref<!tpu.dma_semaphore, #tpu.memory_space<semaphore_mem>>)
    %slice3A_743 = vector.extract_strided_slice %get3A_586 {offsets = [13], sizes = [1], strides = [1]} : vector<16xi32> to vector<1xi32>
    %squeeze3A_744 = vector.extract %slice3A_743[0] : i32 from vector<1xi32>
    %dma_start3A_745 = arith.constant 61 : i32
    %dma_start3A_746 = arith.constant 0 : i32
    %dma_start3A_747 = tpu.memref_slice %arg6[%dma_start3A_745, %dma_start3A_746] : memref<512x64xf32, #tpu.memory_space<vmem>> -> memref<1x64xf32, #tpu.memory_space<vmem>>
    %dma_start3A_748 = arith.constant 0 : i32
    %dma_start3A_749 = tpu.memref_slice %arg2[%squeeze3A_744, %dma_start3A_748] : memref<1000000x64xf32, #tpu.memory_space<hbm>> -> memref<1x64xf32, #tpu.memory_space<hbm>>
    %dma_start3A_750 = arith.constant 61 : i32
    %dma_start3A_751 = arith.constant 0 : i32
    %dma_start3A_752 = tpu.memref_slice %arg6[%dma_start3A_750, %dma_start3A_751] : memref<512x64xf32, #tpu.memory_space<vmem>> -> memref<1x64xf32, #tpu.memory_space<vmem>>
    %dma_start3A_753 = arith.constant 0 : i32
    %dma_start3A_754 = tpu.memref_slice %arg2[%squeeze3A_744, %dma_start3A_753] : memref<1000000x64xf32, #tpu.memory_space<hbm>> -> memref<1x64xf32, #tpu.memory_space<hbm>>
    tpu.enqueue_dma source(%dma_start3A_754 : memref<1x64xf32, #tpu.memory_space<hbm>>) target(%dma_start3A_752 : memref<1x64xf32, #tpu.memory_space<vmem>>) target_semaphore(%arg8 : memref<!tpu.dma_semaphore, #tpu.memory_space<semaphore_mem>>)
    %slice3A_755 = vector.extract_strided_slice %get3A_586 {offsets = [14], sizes = [1], strides = [1]} : vector<16xi32> to vector<1xi32>
    %squeeze3A_756 = vector.extract %slice3A_755[0] : i32 from vector<1xi32>
    %dma_start3A_757 = arith.constant 62 : i32
    %dma_start3A_758 = arith.constant 0 : i32
    %dma_start3A_759 = tpu.memref_slice %arg6[%dma_start3A_757, %dma_start3A_758] : memref<512x64xf32, #tpu.memory_space<vmem>> -> memref<1x64xf32, #tpu.memory_space<vmem>>
    %dma_start3A_760 = arith.constant 0 : i32
    %dma_start3A_761 = tpu.memref_slice %arg2[%squeeze3A_756, %dma_start3A_760] : memref<1000000x64xf32, #tpu.memory_space<hbm>> -> memref<1x64xf32, #tpu.memory_space<hbm>>
    %dma_start3A_762 = arith.constant 62 : i32
    %dma_start3A_763 = arith.constant 0 : i32
    %dma_start3A_764 = tpu.memref_slice %arg6[%dma_start3A_762, %dma_start3A_763] : memref<512x64xf32, #tpu.memory_space<vmem>> -> memref<1x64xf32, #tpu.memory_space<vmem>>
    %dma_start3A_765 = arith.constant 0 : i32
    %dma_start3A_766 = tpu.memref_slice %arg2[%squeeze3A_756, %dma_start3A_765] : memref<1000000x64xf32, #tpu.memory_space<hbm>> -> memref<1x64xf32, #tpu.memory_space<hbm>>
    tpu.enqueue_dma source(%dma_start3A_766 : memref<1x64xf32, #tpu.memory_space<hbm>>) target(%dma_start3A_764 : memref<1x64xf32, #tpu.memory_space<vmem>>) target_semaphore(%arg8 : memref<!tpu.dma_semaphore, #tpu.memory_space<semaphore_mem>>)
    %slice3A_767 = vector.extract_strided_slice %get3A_586 {offsets = [15], sizes = [1], strides = [1]} : vector<16xi32> to vector<1xi32>
    %squeeze3A_768 = vector.extract %slice3A_767[0] : i32 from vector<1xi32>
    %dma_start3A_769 = arith.constant 63 : i32
    %dma_start3A_770 = arith.constant 0 : i32
    %dma_start3A_771 = tpu.memref_slice %arg6[%dma_start3A_769, %dma_start3A_770] : memref<512x64xf32, #tpu.memory_space<vmem>> -> memref<1x64xf32, #tpu.memory_space<vmem>>
    %dma_start3A_772 = arith.constant 0 : i32
    %dma_start3A_773 = tpu.memref_slice %arg2[%squeeze3A_768, %dma_start3A_772] : memref<1000000x64xf32, #tpu.memory_space<hbm>> -> memref<1x64xf32, #tpu.memory_space<hbm>>
    %dma_start3A_774 = arith.constant 63 : i32
    %dma_start3A_775 = arith.constant 0 : i32
    %dma_start3A_776 = tpu.memref_slice %arg6[%dma_start3A_774, %dma_start3A_775] : memref<512x64xf32, #tpu.memory_space<vmem>> -> memref<1x64xf32, #tpu.memory_space<vmem>>
    %dma_start3A_777 = arith.constant 0 : i32
    %dma_start3A_778 = tpu.memref_slice %arg2[%squeeze3A_768, %dma_start3A_777] : memref<1000000x64xf32, #tpu.memory_space<hbm>> -> memref<1x64xf32, #tpu.memory_space<hbm>>
    tpu.enqueue_dma source(%dma_start3A_778 : memref<1x64xf32, #tpu.memory_space<hbm>>) target(%dma_start3A_776 : memref<1x64xf32, #tpu.memory_space<vmem>>) target_semaphore(%arg8 : memref<!tpu.dma_semaphore, #tpu.memory_space<semaphore_mem>>)
    %get3A_779 = arith.constant 64 : index
    %get3A_780 = tpu.vector_load %arg5[%get3A_779] {strides = array<i32>} : memref<512xi32, #tpu.memory_space<vmem>>, vector<16xi32>,
    %get3A_781 = vector.shape_cast %get3A_780 : vector<16xi32> to vector<16xi32>
    %slice3A_782 = vector.extract_strided_slice %get3A_781 {offsets = [0], sizes = [1], strides = [1]} : vector<16xi32> to vector<1xi32>
    %squeeze3A_783 = vector.extract %slice3A_782[0] : i32 from vector<1xi32>
    %dma_start3A_784 = arith.constant 64 : i32
    %dma_start3A_785 = arith.constant 0 : i32
    %dma_start3A_786 = tpu.memref_slice %arg6[%dma_start3A_784, %dma_start3A_785] : memref<512x64xf32, #tpu.memory_space<vmem>> -> memref<1x64xf32, #tpu.memory_space<vmem>>
    %dma_start3A_787 = arith.constant 0 : i32
    %dma_start3A_788 = tpu.memref_slice %arg2[%squeeze3A_783, %dma_start3A_787] : memref<1000000x64xf32, #tpu.memory_space<hbm>> -> memref<1x64xf32, #tpu.memory_space<hbm>>
    %dma_start3A_789 = arith.constant 64 : i32
    %dma_start3A_790 = arith.constant 0 : i32
    %dma_start3A_791 = tpu.memref_slice %arg6[%dma_start3A_789, %dma_start3A_790] : memref<512x64xf32, #tpu.memory_space<vmem>> -> memref<1x64xf32, #tpu.memory_space<vmem>>
    %dma_start3A_792 = arith.constant 0 : i32
    %dma_start3A_793 = tpu.memref_slice %arg2[%squeeze3A_783, %dma_start3A_792] : memref<1000000x64xf32, #tpu.memory_space<hbm>> -> memref<1x64xf32, #tpu.memory_space<hbm>>
    tpu.enqueue_dma source(%dma_start3A_793 : memref<1x64xf32, #tpu.memory_space<hbm>>) target(%dma_start3A_791 : memref<1x64xf32, #tpu.memory_space<vmem>>) target_semaphore(%arg7 : memref<!tpu.dma_semaphore, #tpu.memory_space<semaphore_mem>>)
    %slice3A_794 = vector.extract_strided_slice %get3A_781 {offsets = [1], sizes = [1], strides = [1]} : vector<16xi32> to vector<1xi32>
    %squeeze3A_795 = vector.extract %slice3A_794[0] : i32 from vector<1xi32>
    %dma_start3A_796 = arith.constant 65 : i32
    %dma_start3A_797 = arith.constant 0 : i32
    %dma_start3A_798 = tpu.memref_slice %arg6[%dma_start3A_796, %dma_start3A_797] : memref<512x64xf32, #tpu.memory_space<vmem>> -> memref<1x64xf32, #tpu.memory_space<vmem>>
    %dma_start3A_799 = arith.constant 0 : i32
    %dma_start3A_800 = tpu.memref_slice %arg2[%squeeze3A_795, %dma_start3A_799] : memref<1000000x64xf32, #tpu.memory_space<hbm>> -> memref<1x64xf32, #tpu.memory_space<hbm>>
    %dma_start3A_801 = arith.constant 65 : i32
    %dma_start3A_802 = arith.constant 0 : i32
    %dma_start3A_803 = tpu.memref_slice %arg6[%dma_start3A_801, %dma_start3A_802] : memref<512x64xf32, #tpu.memory_space<vmem>> -> memref<1x64xf32, #tpu.memory_space<vmem>>
    %dma_start3A_804 = arith.constant 0 : i32
    %dma_start3A_805 = tpu.memref_slice %arg2[%squeeze3A_795, %dma_start3A_804] : memref<1000000x64xf32, #tpu.memory_space<hbm>> -> memref<1x64xf32, #tpu.memory_space<hbm>>
    tpu.enqueue_dma source(%dma_start3A_805 : memref<1x64xf32, #tpu.memory_space<hbm>>) target(%dma_start3A_803 : memref<1x64xf32, #tpu.memory_space<vmem>>) target_semaphore(%arg7 : memref<!tpu.dma_semaphore, #tpu.memory_space<semaphore_mem>>)
    %slice3A_806 = vector.extract_strided_slice %get3A_781 {offsets = [2], sizes = [1], strides = [1]} : vector<16xi32> to vector<1xi32>
    %squeeze3A_807 = vector.extract %slice3A_806[0] : i32 from vector<1xi32>
    %dma_start3A_808 = arith.constant 66 : i32
    %dma_start3A_809 = arith.constant 0 : i32
    %dma_start3A_810 = tpu.memref_slice %arg6[%dma_start3A_808, %dma_start3A_809] : memref<512x64xf32, #tpu.memory_space<vmem>> -> memref<1x64xf32, #tpu.memory_space<vmem>>
    %dma_start3A_811 = arith.constant 0 : i32
    %dma_start3A_812 = tpu.memref_slice %arg2[%squeeze3A_807, %dma_start3A_811] : memref<1000000x64xf32, #tpu.memory_space<hbm>> -> memref<1x64xf32, #tpu.memory_space<hbm>>
    %dma_start3A_813 = arith.constant 66 : i32
    %dma_start3A_814 = arith.constant 0 : i32
    %dma_start3A_815 = tpu.memref_slice %arg6[%dma_start3A_813, %dma_start3A_814] : memref<512x64xf32, #tpu.memory_space<vmem>> -> memref<1x64xf32, #tpu.memory_space<vmem>>
    %dma_start3A_816 = arith.constant 0 : i32
    %dma_start3A_817 = tpu.memref_slice %arg2[%squeeze3A_807, %dma_start3A_816] : memref<1000000x64xf32, #tpu.memory_space<hbm>> -> memref<1x64xf32, #tpu.memory_space<hbm>>
    tpu.enqueue_dma source(%dma_start3A_817 : memref<1x64xf32, #tpu.memory_space<hbm>>) target(%dma_start3A_815 : memref<1x64xf32, #tpu.memory_space<vmem>>) target_semaphore(%arg7 : memref<!tpu.dma_semaphore, #tpu.memory_space<semaphore_mem>>)
    %slice3A_818 = vector.extract_strided_slice %get3A_781 {offsets = [3], sizes = [1], strides = [1]} : vector<16xi32> to vector<1xi32>
    %squeeze3A_819 = vector.extract %slice3A_818[0] : i32 from vector<1xi32>
    %dma_start3A_820 = arith.constant 67 : i32
    %dma_start3A_821 = arith.constant 0 : i32
    %dma_start3A_822 = tpu.memref_slice %arg6[%dma_start3A_820, %dma_start3A_821] : memref<512x64xf32, #tpu.memory_space<vmem>> -> memref<1x64xf32, #tpu.memory_space<vmem>>
    %dma_start3A_823 = arith.constant 0 : i32
    %dma_start3A_824 = tpu.memref_slice %arg2[%squeeze3A_819, %dma_start3A_823] : memref<1000000x64xf32, #tpu.memory_space<hbm>> -> memref<1x64xf32, #tpu.memory_space<hbm>>
    %dma_start3A_825 = arith.constant 67 : i32
    %dma_start3A_826 = arith.constant 0 : i32
    %dma_start3A_827 = tpu.memref_slice %arg6[%dma_start3A_825, %dma_start3A_826] : memref<512x64xf32, #tpu.memory_space<vmem>> -> memref<1x64xf32, #tpu.memory_space<vmem>>
    %dma_start3A_828 = arith.constant 0 : i32
    %dma_start3A_829 = tpu.memref_slice %arg2[%squeeze3A_819, %dma_start3A_828] : memref<1000000x64xf32, #tpu.memory_space<hbm>> -> memref<1x64xf32, #tpu.memory_space<hbm>>
    tpu.enqueue_dma source(%dma_start3A_829 : memref<1x64xf32, #tpu.memory_space<hbm>>) target(%dma_start3A_827 : memref<1x64xf32, #tpu.memory_space<vmem>>) target_semaphore(%arg7 : memref<!tpu.dma_semaphore, #tpu.memory_space<semaphore_mem>>)
    %slice3A_830 = vector.extract_strided_slice %get3A_781 {offsets = [4], sizes = [1], strides = [1]} : vector<16xi32> to vector<1xi32>
    %squeeze3A_831 = vector.extract %slice3A_830[0] : i32 from vector<1xi32>
    %dma_start3A_832 = arith.constant 68 : i32
    %dma_start3A_833 = arith.constant 0 : i32
    %dma_start3A_834 = tpu.memref_slice %arg6[%dma_start3A_832, %dma_start3A_833] : memref<512x64xf32, #tpu.memory_space<vmem>> -> memref<1x64xf32, #tpu.memory_space<vmem>>
    %dma_start3A_835 = arith.constant 0 : i32
    %dma_start3A_836 = tpu.memref_slice %arg2[%squeeze3A_831, %dma_start3A_835] : memref<1000000x64xf32, #tpu.memory_space<hbm>> -> memref<1x64xf32, #tpu.memory_space<hbm>>
    %dma_start3A_837 = arith.constant 68 : i32
    %dma_start3A_838 = arith.constant 0 : i32
    %dma_start3A_839 = tpu.memref_slice %arg6[%dma_start3A_837, %dma_start3A_838] : memref<512x64xf32, #tpu.memory_space<vmem>> -> memref<1x64xf32, #tpu.memory_space<vmem>>
    %dma_start3A_840 = arith.constant 0 : i32
    %dma_start3A_841 = tpu.memref_slice %arg2[%squeeze3A_831, %dma_start3A_840] : memref<1000000x64xf32, #tpu.memory_space<hbm>> -> memref<1x64xf32, #tpu.memory_space<hbm>>
    tpu.enqueue_dma source(%dma_start3A_841 : memref<1x64xf32, #tpu.memory_space<hbm>>) target(%dma_start3A_839 : memref<1x64xf32, #tpu.memory_space<vmem>>) target_semaphore(%arg7 : memref<!tpu.dma_semaphore, #tpu.memory_space<semaphore_mem>>)
    %slice3A_842 = vector.extract_strided_slice %get3A_781 {offsets = [5], sizes = [1], strides = [1]} : vector<16xi32> to vector<1xi32>
    %squeeze3A_843 = vector.extract %slice3A_842[0] : i32 from vector<1xi32>
    %dma_start3A_844 = arith.constant 69 : i32
    %dma_start3A_845 = arith.constant 0 : i32
    %dma_start3A_846 = tpu.memref_slice %arg6[%dma_start3A_844, %dma_start3A_845] : memref<512x64xf32, #tpu.memory_space<vmem>> -> memref<1x64xf32, #tpu.memory_space<vmem>>
    %dma_start3A_847 = arith.constant 0 : i32
    %dma_start3A_848 = tpu.memref_slice %arg2[%squeeze3A_843, %dma_start3A_847] : memref<1000000x64xf32, #tpu.memory_space<hbm>> -> memref<1x64xf32, #tpu.memory_space<hbm>>
    %dma_start3A_849 = arith.constant 69 : i32
    %dma_start3A_850 = arith.constant 0 : i32
    %dma_start3A_851 = tpu.memref_slice %arg6[%dma_start3A_849, %dma_start3A_850] : memref<512x64xf32, #tpu.memory_space<vmem>> -> memref<1x64xf32, #tpu.memory_space<vmem>>
    %dma_start3A_852 = arith.constant 0 : i32
    %dma_start3A_853 = tpu.memref_slice %arg2[%squeeze3A_843, %dma_start3A_852] : memref<1000000x64xf32, #tpu.memory_space<hbm>> -> memref<1x64xf32, #tpu.memory_space<hbm>>
    tpu.enqueue_dma source(%dma_start3A_853 : memref<1x64xf32, #tpu.memory_space<hbm>>) target(%dma_start3A_851 : memref<1x64xf32, #tpu.memory_space<vmem>>) target_semaphore(%arg7 : memref<!tpu.dma_semaphore, #tpu.memory_space<semaphore_mem>>)
    %slice3A_854 = vector.extract_strided_slice %get3A_781 {offsets = [6], sizes = [1], strides = [1]} : vector<16xi32> to vector<1xi32>
    %squeeze3A_855 = vector.extract %slice3A_854[0] : i32 from vector<1xi32>
    %dma_start3A_856 = arith.constant 70 : i32
    %dma_start3A_857 = arith.constant 0 : i32
    %dma_start3A_858 = tpu.memref_slice %arg6[%dma_start3A_856, %dma_start3A_857] : memref<512x64xf32, #tpu.memory_space<vmem>> -> memref<1x64xf32, #tpu.memory_space<vmem>>
    %dma_start3A_859 = arith.constant 0 : i32
    %dma_start3A_860 = tpu.memref_slice %arg2[%squeeze3A_855, %dma_start3A_859] : memref<1000000x64xf32, #tpu.memory_space<hbm>> -> memref<1x64xf32, #tpu.memory_space<hbm>>
    %dma_start3A_861 = arith.constant 70 : i32
    %dma_start3A_862 = arith.constant 0 : i32
    %dma_start3A_863 = tpu.memref_slice %arg6[%dma_start3A_861, %dma_start3A_862] : memref<512x64xf32, #tpu.memory_space<vmem>> -> memref<1x64xf32, #tpu.memory_space<vmem>>
    %dma_start3A_864 = arith.constant 0 : i32
    %dma_start3A_865 = tpu.memref_slice %arg2[%squeeze3A_855, %dma_start3A_864] : memref<1000000x64xf32, #tpu.memory_space<hbm>> -> memref<1x64xf32, #tpu.memory_space<hbm>>
    tpu.enqueue_dma source(%dma_start3A_865 : memref<1x64xf32, #tpu.memory_space<hbm>>) target(%dma_start3A_863 : memref<1x64xf32, #tpu.memory_space<vmem>>) target_semaphore(%arg7 : memref<!tpu.dma_semaphore, #tpu.memory_space<semaphore_mem>>)
    %slice3A_866 = vector.extract_strided_slice %get3A_781 {offsets = [7], sizes = [1], strides = [1]} : vector<16xi32> to vector<1xi32>
    %squeeze3A_867 = vector.extract %slice3A_866[0] : i32 from vector<1xi32>
    %dma_start3A_868 = arith.constant 71 : i32
    %dma_start3A_869 = arith.constant 0 : i32
    %dma_start3A_870 = tpu.memref_slice %arg6[%dma_start3A_868, %dma_start3A_869] : memref<512x64xf32, #tpu.memory_space<vmem>> -> memref<1x64xf32, #tpu.memory_space<vmem>>
    %dma_start3A_871 = arith.constant 0 : i32
    %dma_start3A_872 = tpu.memref_slice %arg2[%squeeze3A_867, %dma_start3A_871] : memref<1000000x64xf32, #tpu.memory_space<hbm>> -> memref<1x64xf32, #tpu.memory_space<hbm>>
    %dma_start3A_873 = arith.constant 71 : i32
    %dma_start3A_874 = arith.constant 0 : i32
    %dma_start3A_875 = tpu.memref_slice %arg6[%dma_start3A_873, %dma_start3A_874] : memref<512x64xf32, #tpu.memory_space<vmem>> -> memref<1x64xf32, #tpu.memory_space<vmem>>
    %dma_start3A_876 = arith.constant 0 : i32
    %dma_start3A_877 = tpu.memref_slice %arg2[%squeeze3A_867, %dma_start3A_876] : memref<1000000x64xf32, #tpu.memory_space<hbm>> -> memref<1x64xf32, #tpu.memory_space<hbm>>
    tpu.enqueue_dma source(%dma_start3A_877 : memref<1x64xf32, #tpu.memory_space<hbm>>) target(%dma_start3A_875 : memref<1x64xf32, #tpu.memory_space<vmem>>) target_semaphore(%arg7 : memref<!tpu.dma_semaphore, #tpu.memory_space<semaphore_mem>>)
    %slice3A_878 = vector.extract_strided_slice %get3A_781 {offsets = [8], sizes = [1], strides = [1]} : vector<16xi32> to vector<1xi32>
    %squeeze3A_879 = vector.extract %slice3A_878[0] : i32 from vector<1xi32>
    %dma_start3A_880 = arith.constant 72 : i32
    %dma_start3A_881 = arith.constant 0 : i32
    %dma_start3A_882 = tpu.memref_slice %arg6[%dma_start3A_880, %dma_start3A_881] : memref<512x64xf32, #tpu.memory_space<vmem>> -> memref<1x64xf32, #tpu.memory_space<vmem>>
    %dma_start3A_883 = arith.constant 0 : i32
    %dma_start3A_884 = tpu.memref_slice %arg2[%squeeze3A_879, %dma_start3A_883] : memref<1000000x64xf32, #tpu.memory_space<hbm>> -> memref<1x64xf32, #tpu.memory_space<hbm>>
    %dma_start3A_885 = arith.constant 72 : i32
    %dma_start3A_886 = arith.constant 0 : i32
    %dma_start3A_887 = tpu.memref_slice %arg6[%dma_start3A_885, %dma_start3A_886] : memref<512x64xf32, #tpu.memory_space<vmem>> -> memref<1x64xf32, #tpu.memory_space<vmem>>
    %dma_start3A_888 = arith.constant 0 : i32
    %dma_start3A_889 = tpu.memref_slice %arg2[%squeeze3A_879, %dma_start3A_888] : memref<1000000x64xf32, #tpu.memory_space<hbm>> -> memref<1x64xf32, #tpu.memory_space<hbm>>
    tpu.enqueue_dma source(%dma_start3A_889 : memref<1x64xf32, #tpu.memory_space<hbm>>) target(%dma_start3A_887 : memref<1x64xf32, #tpu.memory_space<vmem>>) target_semaphore(%arg7 : memref<!tpu.dma_semaphore, #tpu.memory_space<semaphore_mem>>)
    %slice3A_890 = vector.extract_strided_slice %get3A_781 {offsets = [9], sizes = [1], strides = [1]} : vector<16xi32> to vector<1xi32>
    %squeeze3A_891 = vector.extract %slice3A_890[0] : i32 from vector<1xi32>
    %dma_start3A_892 = arith.constant 73 : i32
    %dma_start3A_893 = arith.constant 0 : i32
    %dma_start3A_894 = tpu.memref_slice %arg6[%dma_start3A_892, %dma_start3A_893] : memref<512x64xf32, #tpu.memory_space<vmem>> -> memref<1x64xf32, #tpu.memory_space<vmem>>
    %dma_start3A_895 = arith.constant 0 : i32
    %dma_start3A_896 = tpu.memref_slice %arg2[%squeeze3A_891, %dma_start3A_895] : memref<1000000x64xf32, #tpu.memory_space<hbm>> -> memref<1x64xf32, #tpu.memory_space<hbm>>
    %dma_start3A_897 = arith.constant 73 : i32
    %dma_start3A_898 = arith.constant 0 : i32
    %dma_start3A_899 = tpu.memref_slice %arg6[%dma_start3A_897, %dma_start3A_898] : memref<512x64xf32, #tpu.memory_space<vmem>> -> memref<1x64xf32, #tpu.memory_space<vmem>>
    %dma_start3A_900 = arith.constant 0 : i32
    %dma_start3A_901 = tpu.memref_slice %arg2[%squeeze3A_891, %dma_start3A_900] : memref<1000000x64xf32, #tpu.memory_space<hbm>> -> memref<1x64xf32, #tpu.memory_space<hbm>>
    tpu.enqueue_dma source(%dma_start3A_901 : memref<1x64xf32, #tpu.memory_space<hbm>>) target(%dma_start3A_899 : memref<1x64xf32, #tpu.memory_space<vmem>>) target_semaphore(%arg7 : memref<!tpu.dma_semaphore, #tpu.memory_space<semaphore_mem>>)
    %slice3A_902 = vector.extract_strided_slice %get3A_781 {offsets = [10], sizes = [1], strides = [1]} : vector<16xi32> to vector<1xi32>
    %squeeze3A_903 = vector.extract %slice3A_902[0] : i32 from vector<1xi32>
    %dma_start3A_904 = arith.constant 74 : i32
    %dma_start3A_905 = arith.constant 0 : i32
    %dma_start3A_906 = tpu.memref_slice %arg6[%dma_start3A_904, %dma_start3A_905] : memref<512x64xf32, #tpu.memory_space<vmem>> -> memref<1x64xf32, #tpu.memory_space<vmem>>
    %dma_start3A_907 = arith.constant 0 : i32
    %dma_start3A_908 = tpu.memref_slice %arg2[%squeeze3A_903, %dma_start3A_907] : memref<1000000x64xf32, #tpu.memory_space<hbm>> -> memref<1x64xf32, #tpu.memory_space<hbm>>
    %dma_start3A_909 = arith.constant 74 : i32
    %dma_start3A_910 = arith.constant 0 : i32
    %dma_start3A_911 = tpu.memref_slice %arg6[%dma_start3A_909, %dma_start3A_910] : memref<512x64xf32, #tpu.memory_space<vmem>> -> memref<1x64xf32, #tpu.memory_space<vmem>>
    %dma_start3A_912 = arith.constant 0 : i32
    %dma_start3A_913 = tpu.memref_slice %arg2[%squeeze3A_903, %dma_start3A_912] : memref<1000000x64xf32, #tpu.memory_space<hbm>> -> memref<1x64xf32, #tpu.memory_space<hbm>>
    tpu.enqueue_dma source(%dma_start3A_913 : memref<1x64xf32, #tpu.memory_space<hbm>>) target(%dma_start3A_911 : memref<1x64xf32, #tpu.memory_space<vmem>>) target_semaphore(%arg7 : memref<!tpu.dma_semaphore, #tpu.memory_space<semaphore_mem>>)
    %slice3A_914 = vector.extract_strided_slice %get3A_781 {offsets = [11], sizes = [1], strides = [1]} : vector<16xi32> to vector<1xi32>
    %squeeze3A_915 = vector.extract %slice3A_914[0] : i32 from vector<1xi32>
    %dma_start3A_916 = arith.constant 75 : i32
    %dma_start3A_917 = arith.constant 0 : i32
    %dma_start3A_918 = tpu.memref_slice %arg6[%dma_start3A_916, %dma_start3A_917] : memref<512x64xf32, #tpu.memory_space<vmem>> -> memref<1x64xf32, #tpu.memory_space<vmem>>
    %dma_start3A_919 = arith.constant 0 : i32
    %dma_start3A_920 = tpu.memref_slice %arg2[%squeeze3A_915, %dma_start3A_919] : memref<1000000x64xf32, #tpu.memory_space<hbm>> -> memref<1x64xf32, #tpu.memory_space<hbm>>
    %dma_start3A_921 = arith.constant 75 : i32
    %dma_start3A_922 = arith.constant 0 : i32
    %dma_start3A_923 = tpu.memref_slice %arg6[%dma_start3A_921, %dma_start3A_922] : memref<512x64xf32, #tpu.memory_space<vmem>> -> memref<1x64xf32, #tpu.memory_space<vmem>>
    %dma_start3A_924 = arith.constant 0 : i32
    %dma_start3A_925 = tpu.memref_slice %arg2[%squeeze3A_915, %dma_start3A_924] : memref<1000000x64xf32, #tpu.memory_space<hbm>> -> memref<1x64xf32, #tpu.memory_space<hbm>>
    tpu.enqueue_dma source(%dma_start3A_925 : memref<1x64xf32, #tpu.memory_space<hbm>>) target(%dma_start3A_923 : memref<1x64xf32, #tpu.memory_space<vmem>>) target_semaphore(%arg7 : memref<!tpu.dma_semaphore, #tpu.memory_space<semaphore_mem>>)
    %slice3A_926 = vector.extract_strided_slice %get3A_781 {offsets = [12], sizes = [1], strides = [1]} : vector<16xi32> to vector<1xi32>
    %squeeze3A_927 = vector.extract %slice3A_926[0] : i32 from vector<1xi32>
    %dma_start3A_928 = arith.constant 76 : i32
    %dma_start3A_929 = arith.constant 0 : i32
    %dma_start3A_930 = tpu.memref_slice %arg6[%dma_start3A_928, %dma_start3A_929] : memref<512x64xf32, #tpu.memory_space<vmem>> -> memref<1x64xf32, #tpu.memory_space<vmem>>
    %dma_start3A_931 = arith.constant 0 : i32
    %dma_start3A_932 = tpu.memref_slice %arg2[%squeeze3A_927, %dma_start3A_931] : memref<1000000x64xf32, #tpu.memory_space<hbm>> -> memref<1x64xf32, #tpu.memory_space<hbm>>
    %dma_start3A_933 = arith.constant 76 : i32
    %dma_start3A_934 = arith.constant 0 : i32
    %dma_start3A_935 = tpu.memref_slice %arg6[%dma_start3A_933, %dma_start3A_934] : memref<512x64xf32, #tpu.memory_space<vmem>> -> memref<1x64xf32, #tpu.memory_space<vmem>>
    %dma_start3A_936 = arith.constant 0 : i32
    %dma_start3A_937 = tpu.memref_slice %arg2[%squeeze3A_927, %dma_start3A_936] : memref<1000000x64xf32, #tpu.memory_space<hbm>> -> memref<1x64xf32, #tpu.memory_space<hbm>>
    tpu.enqueue_dma source(%dma_start3A_937 : memref<1x64xf32, #tpu.memory_space<hbm>>) target(%dma_start3A_935 : memref<1x64xf32, #tpu.memory_space<vmem>>) target_semaphore(%arg7 : memref<!tpu.dma_semaphore, #tpu.memory_space<semaphore_mem>>)
    %slice3A_938 = vector.extract_strided_slice %get3A_781 {offsets = [13], sizes = [1], strides = [1]} : vector<16xi32> to vector<1xi32>
    %squeeze3A_939 = vector.extract %slice3A_938[0] : i32 from vector<1xi32>
    %dma_start3A_940 = arith.constant 77 : i32
    %dma_start3A_941 = arith.constant 0 : i32
    %dma_start3A_942 = tpu.memref_slice %arg6[%dma_start3A_940, %dma_start3A_941] : memref<512x64xf32, #tpu.memory_space<vmem>> -> memref<1x64xf32, #tpu.memory_space<vmem>>
    %dma_start3A_943 = arith.constant 0 : i32
    %dma_start3A_944 = tpu.memref_slice %arg2[%squeeze3A_939, %dma_start3A_943] : memref<1000000x64xf32, #tpu.memory_space<hbm>> -> memref<1x64xf32, #tpu.memory_space<hbm>>
    %dma_start3A_945 = arith.constant 77 : i32
    %dma_start3A_946 = arith.constant 0 : i32
    %dma_start3A_947 = tpu.memref_slice %arg6[%dma_start3A_945, %dma_start3A_946] : memref<512x64xf32, #tpu.memory_space<vmem>> -> memref<1x64xf32, #tpu.memory_space<vmem>>
    %dma_start3A_948 = arith.constant 0 : i32
    %dma_start3A_949 = tpu.memref_slice %arg2[%squeeze3A_939, %dma_start3A_948] : memref<1000000x64xf32, #tpu.memory_space<hbm>> -> memref<1x64xf32, #tpu.memory_space<hbm>>
    tpu.enqueue_dma source(%dma_start3A_949 : memref<1x64xf32, #tpu.memory_space<hbm>>) target(%dma_start3A_947 : memref<1x64xf32, #tpu.memory_space<vmem>>) target_semaphore(%arg7 : memref<!tpu.dma_semaphore, #tpu.memory_space<semaphore_mem>>)
    %slice3A_950 = vector.extract_strided_slice %get3A_781 {offsets = [14], sizes = [1], strides = [1]} : vector<16xi32> to vector<1xi32>
    %squeeze3A_951 = vector.extract %slice3A_950[0] : i32 from vector<1xi32>
    %dma_start3A_952 = arith.constant 78 : i32
    %dma_start3A_953 = arith.constant 0 : i32
    %dma_start3A_954 = tpu.memref_slice %arg6[%dma_start3A_952, %dma_start3A_953] : memref<512x64xf32, #tpu.memory_space<vmem>> -> memref<1x64xf32, #tpu.memory_space<vmem>>
    %dma_start3A_955 = arith.constant 0 : i32
    %dma_start3A_956 = tpu.memref_slice %arg2[%squeeze3A_951, %dma_start3A_955] : memref<1000000x64xf32, #tpu.memory_space<hbm>> -> memref<1x64xf32, #tpu.memory_space<hbm>>
    %dma_start3A_957 = arith.constant 78 : i32
    %dma_start3A_958 = arith.constant 0 : i32
    %dma_start3A_959 = tpu.memref_slice %arg6[%dma_start3A_957, %dma_start3A_958] : memref<512x64xf32, #tpu.memory_space<vmem>> -> memref<1x64xf32, #tpu.memory_space<vmem>>
    %dma_start3A_960 = arith.constant 0 : i32
    %dma_start3A_961 = tpu.memref_slice %arg2[%squeeze3A_951, %dma_start3A_960] : memref<1000000x64xf32, #tpu.memory_space<hbm>> -> memref<1x64xf32, #tpu.memory_space<hbm>>
    tpu.enqueue_dma source(%dma_start3A_961 : memref<1x64xf32, #tpu.memory_space<hbm>>) target(%dma_start3A_959 : memref<1x64xf32, #tpu.memory_space<vmem>>) target_semaphore(%arg7 : memref<!tpu.dma_semaphore, #tpu.memory_space<semaphore_mem>>)
    %slice3A_962 = vector.extract_strided_slice %get3A_781 {offsets = [15], sizes = [1], strides = [1]} : vector<16xi32> to vector<1xi32>
    %squeeze3A_963 = vector.extract %slice3A_962[0] : i32 from vector<1xi32>
    %dma_start3A_964 = arith.constant 79 : i32
    %dma_start3A_965 = arith.constant 0 : i32
    %dma_start3A_966 = tpu.memref_slice %arg6[%dma_start3A_964, %dma_start3A_965] : memref<512x64xf32, #tpu.memory_space<vmem>> -> memref<1x64xf32, #tpu.memory_space<vmem>>
    %dma_start3A_967 = arith.constant 0 : i32
    %dma_start3A_968 = tpu.memref_slice %arg2[%squeeze3A_963, %dma_start3A_967] : memref<1000000x64xf32, #tpu.memory_space<hbm>> -> memref<1x64xf32, #tpu.memory_space<hbm>>
    %dma_start3A_969 = arith.constant 79 : i32
    %dma_start3A_970 = arith.constant 0 : i32
    %dma_start3A_971 = tpu.memref_slice %arg6[%dma_start3A_969, %dma_start3A_970] : memref<512x64xf32, #tpu.memory_space<vmem>> -> memref<1x64xf32, #tpu.memory_space<vmem>>
    %dma_start3A_972 = arith.constant 0 : i32
    %dma_start3A_973 = tpu.memref_slice %arg2[%squeeze3A_963, %dma_start3A_972] : memref<1000000x64xf32, #tpu.memory_space<hbm>> -> memref<1x64xf32, #tpu.memory_space<hbm>>
    tpu.enqueue_dma source(%dma_start3A_973 : memref<1x64xf32, #tpu.memory_space<hbm>>) target(%dma_start3A_971 : memref<1x64xf32, #tpu.memory_space<vmem>>) target_semaphore(%arg7 : memref<!tpu.dma_semaphore, #tpu.memory_space<semaphore_mem>>)
    %get3A_974 = arith.constant 80 : index
    %get3A_975 = tpu.vector_load %arg5[%get3A_974] {strides = array<i32>} : memref<512xi32, #tpu.memory_space<vmem>>, vector<16xi32>,
    %get3A_976 = vector.shape_cast %get3A_975 : vector<16xi32> to vector<16xi32>
    %slice3A_977 = vector.extract_strided_slice %get3A_976 {offsets = [0], sizes = [1], strides = [1]} : vector<16xi32> to vector<1xi32>
    %squeeze3A_978 = vector.extract %slice3A_977[0] : i32 from vector<1xi32>
    %dma_start3A_979 = arith.constant 80 : i32
    %dma_start3A_980 = arith.constant 0 : i32
    %dma_start3A_981 = tpu.memref_slice %arg6[%dma_start3A_979, %dma_start3A_980] : memref<512x64xf32, #tpu.memory_space<vmem>> -> memref<1x64xf32, #tpu.memory_space<vmem>>
    %dma_start3A_982 = arith.constant 0 : i32
    %dma_start3A_983 = tpu.memref_slice %arg2[%squeeze3A_978, %dma_start3A_982] : memref<1000000x64xf32, #tpu.memory_space<hbm>> -> memref<1x64xf32, #tpu.memory_space<hbm>>
    %dma_start3A_984 = arith.constant 80 : i32
    %dma_start3A_985 = arith.constant 0 : i32
    %dma_start3A_986 = tpu.memref_slice %arg6[%dma_start3A_984, %dma_start3A_985] : memref<512x64xf32, #tpu.memory_space<vmem>> -> memref<1x64xf32, #tpu.memory_space<vmem>>
    %dma_start3A_987 = arith.constant 0 : i32
    %dma_start3A_988 = tpu.memref_slice %arg2[%squeeze3A_978, %dma_start3A_987] : memref<1000000x64xf32, #tpu.memory_space<hbm>> -> memref<1x64xf32, #tpu.memory_space<hbm>>
    tpu.enqueue_dma source(%dma_start3A_988 : memref<1x64xf32, #tpu.memory_space<hbm>>) target(%dma_start3A_986 : memref<1x64xf32, #tpu.memory_space<vmem>>) target_semaphore(%arg7 : memref<!tpu.dma_semaphore, #tpu.memory_space<semaphore_mem>>)
    %slice3A_989 = vector.extract_strided_slice %get3A_976 {offsets = [1], sizes = [1], strides = [1]} : vector<16xi32> to vector<1xi32>
    %squeeze3A_990 = vector.extract %slice3A_989[0] : i32 from vector<1xi32>
    %dma_start3A_991 = arith.constant 81 : i32
    %dma_start3A_992 = arith.constant 0 : i32
    %dma_start3A_993 = tpu.memref_slice %arg6[%dma_start3A_991, %dma_start3A_992] : memref<512x64xf32, #tpu.memory_space<vmem>> -> memref<1x64xf32, #tpu.memory_space<vmem>>
    %dma_start3A_994 = arith.constant 0 : i32
    %dma_start3A_995 = tpu.memref_slice %arg2[%squeeze3A_990, %dma_start3A_994] : memref<1000000x64xf32, #tpu.memory_space<hbm>> -> memref<1x64xf32, #tpu.memory_space<hbm>>
    %dma_start3A_996 = arith.constant 81 : i32
    %dma_start3A_997 = arith.constant 0 : i32
    %dma_start3A_998 = tpu.memref_slice %arg6[%dma_start3A_996, %dma_start3A_997] : memref<512x64xf32, #tpu.memory_space<vmem>> -> memref<1x64xf32, #tpu.memory_space<vmem>>
    %dma_start3A_999 = arith.constant 0 : i32
    %dma_start3A_1000 = tpu.memref_slice %arg2[%squeeze3A_990, %dma_start3A_999] : memref<1000000x64xf32, #tpu.memory_space<hbm>> -> memref<1x64xf32, #tpu.memory_space<hbm>>
    tpu.enqueue_dma source(%dma_start3A_1000 : memref<1x64xf32, #tpu.memory_space<hbm>>) target(%dma_start3A_998 : memref<1x64xf32, #tpu.memory_space<vmem>>) target_semaphore(%arg7 : memref<!tpu.dma_semaphore, #tpu.memory_space<semaphore_mem>>)
    %slice3A_1001 = vector.extract_strided_slice %get3A_976 {offsets = [2], sizes = [1], strides = [1]} : vector<16xi32> to vector<1xi32>
    %squeeze3A_1002 = vector.extract %slice3A_1001[0] : i32 from vector<1xi32>
    %dma_start3A_1003 = arith.constant 82 : i32
    %dma_start3A_1004 = arith.constant 0 : i32
    %dma_start3A_1005 = tpu.memref_slice %arg6[%dma_start3A_1003, %dma_start3A_1004] : memref<512x64xf32, #tpu.memory_space<vmem>> -> memref<1x64xf32, #tpu.memory_space<vmem>>
    %dma_start3A_1006 = arith.constant 0 : i32
    %dma_start3A_1007 = tpu.memref_slice %arg2[%squeeze3A_1002, %dma_start3A_1006] : memref<1000000x64xf32, #tpu.memory_space<hbm>> -> memref<1x64xf32, #tpu.memory_space<hbm>>
    %dma_start3A_1008 = arith.constant 82 : i32
    %dma_start3A_1009 = arith.constant 0 : i32
    %dma_start3A_1010 = tpu.memref_slice %arg6[%dma_start3A_1008, %dma_start3A_1009] : memref<512x64xf32, #tpu.memory_space<vmem>> -> memref<1x64xf32, #tpu.memory_space<vmem>>
    %dma_start3A_1011 = arith.constant 0 : i32
    %dma_start3A_1012 = tpu.memref_slice %arg2[%squeeze3A_1002, %dma_start3A_1011] : memref<1000000x64xf32, #tpu.memory_space<hbm>> -> memref<1x64xf32, #tpu.memory_space<hbm>>
    tpu.enqueue_dma source(%dma_start3A_1012 : memref<1x64xf32, #tpu.memory_space<hbm>>) target(%dma_start3A_1010 : memref<1x64xf32, #tpu.memory_space<vmem>>) target_semaphore(%arg7 : memref<!tpu.dma_semaphore, #tpu.memory_space<semaphore_mem>>)
    %slice3A_1013 = vector.extract_strided_slice %get3A_976 {offsets = [3], sizes = [1], strides = [1]} : vector<16xi32> to vector<1xi32>
    %squeeze3A_1014 = vector.extract %slice3A_1013[0] : i32 from vector<1xi32>
    %dma_start3A_1015 = arith.constant 83 : i32
    %dma_start3A_1016 = arith.constant 0 : i32
    %dma_start3A_1017 = tpu.memref_slice %arg6[%dma_start3A_1015, %dma_start3A_1016] : memref<512x64xf32, #tpu.memory_space<vmem>> -> memref<1x64xf32, #tpu.memory_space<vmem>>
    %dma_start3A_1018 = arith.constant 0 : i32
    %dma_start3A_1019 = tpu.memref_slice %arg2[%squeeze3A_1014, %dma_start3A_1018] : memref<1000000x64xf32, #tpu.memory_space<hbm>> -> memref<1x64xf32, #tpu.memory_space<hbm>>
    %dma_start3A_1020 = arith.constant 83 : i32
    %dma_start3A_1021 = arith.constant 0 : i32
    %dma_start3A_1022 = tpu.memref_slice %arg6[%dma_start3A_1020, %dma_start3A_1021] : memref<512x64xf32, #tpu.memory_space<vmem>> -> memref<1x64xf32, #tpu.memory_space<vmem>>
    %dma_start3A_1023 = arith.constant 0 : i32
    %dma_start3A_1024 = tpu.memref_slice %arg2[%squeeze3A_1014, %dma_start3A_1023] : memref<1000000x64xf32, #tpu.memory_space<hbm>> -> memref<1x64xf32, #tpu.memory_space<hbm>>
    tpu.enqueue_dma source(%dma_start3A_1024 : memref<1x64xf32, #tpu.memory_space<hbm>>) target(%dma_start3A_1022 : memref<1x64xf32, #tpu.memory_space<vmem>>) target_semaphore(%arg7 : memref<!tpu.dma_semaphore, #tpu.memory_space<semaphore_mem>>)
    %slice3A_1025 = vector.extract_strided_slice %get3A_976 {offsets = [4], sizes = [1], strides = [1]} : vector<16xi32> to vector<1xi32>
    %squeeze3A_1026 = vector.extract %slice3A_1025[0] : i32 from vector<1xi32>
    %dma_start3A_1027 = arith.constant 84 : i32
    %dma_start3A_1028 = arith.constant 0 : i32
    %dma_start3A_1029 = tpu.memref_slice %arg6[%dma_start3A_1027, %dma_start3A_1028] : memref<512x64xf32, #tpu.memory_space<vmem>> -> memref<1x64xf32, #tpu.memory_space<vmem>>
    %dma_start3A_1030 = arith.constant 0 : i32
    %dma_start3A_1031 = tpu.memref_slice %arg2[%squeeze3A_1026, %dma_start3A_1030] : memref<1000000x64xf32, #tpu.memory_space<hbm>> -> memref<1x64xf32, #tpu.memory_space<hbm>>
    %dma_start3A_1032 = arith.constant 84 : i32
    %dma_start3A_1033 = arith.constant 0 : i32
    %dma_start3A_1034 = tpu.memref_slice %arg6[%dma_start3A_1032, %dma_start3A_1033] : memref<512x64xf32, #tpu.memory_space<vmem>> -> memref<1x64xf32, #tpu.memory_space<vmem>>
    %dma_start3A_1035 = arith.constant 0 : i32
    %dma_start3A_1036 = tpu.memref_slice %arg2[%squeeze3A_1026, %dma_start3A_1035] : memref<1000000x64xf32, #tpu.memory_space<hbm>> -> memref<1x64xf32, #tpu.memory_space<hbm>>
    tpu.enqueue_dma source(%dma_start3A_1036 : memref<1x64xf32, #tpu.memory_space<hbm>>) target(%dma_start3A_1034 : memref<1x64xf32, #tpu.memory_space<vmem>>) target_semaphore(%arg7 : memref<!tpu.dma_semaphore, #tpu.memory_space<semaphore_mem>>)
    %slice3A_1037 = vector.extract_strided_slice %get3A_976 {offsets = [5], sizes = [1], strides = [1]} : vector<16xi32> to vector<1xi32>
    %squeeze3A_1038 = vector.extract %slice3A_1037[0] : i32 from vector<1xi32>
    %dma_start3A_1039 = arith.constant 85 : i32
    %dma_start3A_1040 = arith.constant 0 : i32
    %dma_start3A_1041 = tpu.memref_slice %arg6[%dma_start3A_1039, %dma_start3A_1040] : memref<512x64xf32, #tpu.memory_space<vmem>> -> memref<1x64xf32, #tpu.memory_space<vmem>>
    %dma_start3A_1042 = arith.constant 0 : i32
    %dma_start3A_1043 = tpu.memref_slice %arg2[%squeeze3A_1038, %dma_start3A_1042] : memref<1000000x64xf32, #tpu.memory_space<hbm>> -> memref<1x64xf32, #tpu.memory_space<hbm>>
    %dma_start3A_1044 = arith.constant 85 : i32
    %dma_start3A_1045 = arith.constant 0 : i32
    %dma_start3A_1046 = tpu.memref_slice %arg6[%dma_start3A_1044, %dma_start3A_1045] : memref<512x64xf32, #tpu.memory_space<vmem>> -> memref<1x64xf32, #tpu.memory_space<vmem>>
    %dma_start3A_1047 = arith.constant 0 : i32
    %dma_start3A_1048 = tpu.memref_slice %arg2[%squeeze3A_1038, %dma_start3A_1047] : memref<1000000x64xf32, #tpu.memory_space<hbm>> -> memref<1x64xf32, #tpu.memory_space<hbm>>
    tpu.enqueue_dma source(%dma_start3A_1048 : memref<1x64xf32, #tpu.memory_space<hbm>>) target(%dma_start3A_1046 : memref<1x64xf32, #tpu.memory_space<vmem>>) target_semaphore(%arg7 : memref<!tpu.dma_semaphore, #tpu.memory_space<semaphore_mem>>)
    %slice3A_1049 = vector.extract_strided_slice %get3A_976 {offsets = [6], sizes = [1], strides = [1]} : vector<16xi32> to vector<1xi32>
    %squeeze3A_1050 = vector.extract %slice3A_1049[0] : i32 from vector<1xi32>
    %dma_start3A_1051 = arith.constant 86 : i32
    %dma_start3A_1052 = arith.constant 0 : i32
    %dma_start3A_1053 = tpu.memref_slice %arg6[%dma_start3A_1051, %dma_start3A_1052] : memref<512x64xf32, #tpu.memory_space<vmem>> -> memref<1x64xf32, #tpu.memory_space<vmem>>
    %dma_start3A_1054 = arith.constant 0 : i32
    %dma_start3A_1055 = tpu.memref_slice %arg2[%squeeze3A_1050, %dma_start3A_1054] : memref<1000000x64xf32, #tpu.memory_space<hbm>> -> memref<1x64xf32, #tpu.memory_space<hbm>>
    %dma_start3A_1056 = arith.constant 86 : i32
    %dma_start3A_1057 = arith.constant 0 : i32
    %dma_start3A_1058 = tpu.memref_slice %arg6[%dma_start3A_1056, %dma_start3A_1057] : memref<512x64xf32, #tpu.memory_space<vmem>> -> memref<1x64xf32, #tpu.memory_space<vmem>>
    %dma_start3A_1059 = arith.constant 0 : i32
    %dma_start3A_1060 = tpu.memref_slice %arg2[%squeeze3A_1050, %dma_start3A_1059] : memref<1000000x64xf32, #tpu.memory_space<hbm>> -> memref<1x64xf32, #tpu.memory_space<hbm>>
    tpu.enqueue_dma source(%dma_start3A_1060 : memref<1x64xf32, #tpu.memory_space<hbm>>) target(%dma_start3A_1058 : memref<1x64xf32, #tpu.memory_space<vmem>>) target_semaphore(%arg7 : memref<!tpu.dma_semaphore, #tpu.memory_space<semaphore_mem>>)
    %slice3A_1061 = vector.extract_strided_slice %get3A_976 {offsets = [7], sizes = [1], strides = [1]} : vector<16xi32> to vector<1xi32>
    %squeeze3A_1062 = vector.extract %slice3A_1061[0] : i32 from vector<1xi32>
    %dma_start3A_1063 = arith.constant 87 : i32
    %dma_start3A_1064 = arith.constant 0 : i32
    %dma_start3A_1065 = tpu.memref_slice %arg6[%dma_start3A_1063, %dma_start3A_1064] : memref<512x64xf32, #tpu.memory_space<vmem>> -> memref<1x64xf32, #tpu.memory_space<vmem>>
    %dma_start3A_1066 = arith.constant 0 : i32
    %dma_start3A_1067 = tpu.memref_slice %arg2[%squeeze3A_1062, %dma_start3A_1066] : memref<1000000x64xf32, #tpu.memory_space<hbm>> -> memref<1x64xf32, #tpu.memory_space<hbm>>
    %dma_start3A_1068 = arith.constant 87 : i32
    %dma_start3A_1069 = arith.constant 0 : i32
    %dma_start3A_1070 = tpu.memref_slice %arg6[%dma_start3A_1068, %dma_start3A_1069] : memref<512x64xf32, #tpu.memory_space<vmem>> -> memref<1x64xf32, #tpu.memory_space<vmem>>
    %dma_start3A_1071 = arith.constant 0 : i32
    %dma_start3A_1072 = tpu.memref_slice %arg2[%squeeze3A_1062, %dma_start3A_1071] : memref<1000000x64xf32, #tpu.memory_space<hbm>> -> memref<1x64xf32, #tpu.memory_space<hbm>>
    tpu.enqueue_dma source(%dma_start3A_1072 : memref<1x64xf32, #tpu.memory_space<hbm>>) target(%dma_start3A_1070 : memref<1x64xf32, #tpu.memory_space<vmem>>) target_semaphore(%arg7 : memref<!tpu.dma_semaphore, #tpu.memory_space<semaphore_mem>>)
    %slice3A_1073 = vector.extract_strided_slice %get3A_976 {offsets = [8], sizes = [1], strides = [1]} : vector<16xi32> to vector<1xi32>
    %squeeze3A_1074 = vector.extract %slice3A_1073[0] : i32 from vector<1xi32>
    %dma_start3A_1075 = arith.constant 88 : i32
    %dma_start3A_1076 = arith.constant 0 : i32
    %dma_start3A_1077 = tpu.memref_slice %arg6[%dma_start3A_1075, %dma_start3A_1076] : memref<512x64xf32, #tpu.memory_space<vmem>> -> memref<1x64xf32, #tpu.memory_space<vmem>>
    %dma_start3A_1078 = arith.constant 0 : i32
    %dma_start3A_1079 = tpu.memref_slice %arg2[%squeeze3A_1074, %dma_start3A_1078] : memref<1000000x64xf32, #tpu.memory_space<hbm>> -> memref<1x64xf32, #tpu.memory_space<hbm>>
    %dma_start3A_1080 = arith.constant 88 : i32
    %dma_start3A_1081 = arith.constant 0 : i32
    %dma_start3A_1082 = tpu.memref_slice %arg6[%dma_start3A_1080, %dma_start3A_1081] : memref<512x64xf32, #tpu.memory_space<vmem>> -> memref<1x64xf32, #tpu.memory_space<vmem>>
    %dma_start3A_1083 = arith.constant 0 : i32
    %dma_start3A_1084 = tpu.memref_slice %arg2[%squeeze3A_1074, %dma_start3A_1083] : memref<1000000x64xf32, #tpu.memory_space<hbm>> -> memref<1x64xf32, #tpu.memory_space<hbm>>
    tpu.enqueue_dma source(%dma_start3A_1084 : memref<1x64xf32, #tpu.memory_space<hbm>>) target(%dma_start3A_1082 : memref<1x64xf32, #tpu.memory_space<vmem>>) target_semaphore(%arg7 : memref<!tpu.dma_semaphore, #tpu.memory_space<semaphore_mem>>)
    %slice3A_1085 = vector.extract_strided_slice %get3A_976 {offsets = [9], sizes = [1], strides = [1]} : vector<16xi32> to vector<1xi32>
    %squeeze3A_1086 = vector.extract %slice3A_1085[0] : i32 from vector<1xi32>
    %dma_start3A_1087 = arith.constant 89 : i32
    %dma_start3A_1088 = arith.constant 0 : i32
    %dma_start3A_1089 = tpu.memref_slice %arg6[%dma_start3A_1087, %dma_start3A_1088] : memref<512x64xf32, #tpu.memory_space<vmem>> -> memref<1x64xf32, #tpu.memory_space<vmem>>
    %dma_start3A_1090 = arith.constant 0 : i32
    %dma_start3A_1091 = tpu.memref_slice %arg2[%squeeze3A_1086, %dma_start3A_1090] : memref<1000000x64xf32, #tpu.memory_space<hbm>> -> memref<1x64xf32, #tpu.memory_space<hbm>>
    %dma_start3A_1092 = arith.constant 89 : i32
    %dma_start3A_1093 = arith.constant 0 : i32
    %dma_start3A_1094 = tpu.memref_slice %arg6[%dma_start3A_1092, %dma_start3A_1093] : memref<512x64xf32, #tpu.memory_space<vmem>> -> memref<1x64xf32, #tpu.memory_space<vmem>>
    %dma_start3A_1095 = arith.constant 0 : i32
    %dma_start3A_1096 = tpu.memref_slice %arg2[%squeeze3A_1086, %dma_start3A_1095] : memref<1000000x64xf32, #tpu.memory_space<hbm>> -> memref<1x64xf32, #tpu.memory_space<hbm>>
    tpu.enqueue_dma source(%dma_start3A_1096 : memref<1x64xf32, #tpu.memory_space<hbm>>) target(%dma_start3A_1094 : memref<1x64xf32, #tpu.memory_space<vmem>>) target_semaphore(%arg7 : memref<!tpu.dma_semaphore, #tpu.memory_space<semaphore_mem>>)
    %slice3A_1097 = vector.extract_strided_slice %get3A_976 {offsets = [10], sizes = [1], strides = [1]} : vector<16xi32> to vector<1xi32>
    %squeeze3A_1098 = vector.extract %slice3A_1097[0] : i32 from vector<1xi32>
    %dma_start3A_1099 = arith.constant 90 : i32
    %dma_start3A_1100 = arith.constant 0 : i32
    %dma_start3A_1101 = tpu.memref_slice %arg6[%dma_start3A_1099, %dma_start3A_1100] : memref<512x64xf32, #tpu.memory_space<vmem>> -> memref<1x64xf32, #tpu.memory_space<vmem>>
    %dma_start3A_1102 = arith.constant 0 : i32
    %dma_start3A_1103 = tpu.memref_slice %arg2[%squeeze3A_1098, %dma_start3A_1102] : memref<1000000x64xf32, #tpu.memory_space<hbm>> -> memref<1x64xf32, #tpu.memory_space<hbm>>
    %dma_start3A_1104 = arith.constant 90 : i32
    %dma_start3A_1105 = arith.constant 0 : i32
    %dma_start3A_1106 = tpu.memref_slice %arg6[%dma_start3A_1104, %dma_start3A_1105] : memref<512x64xf32, #tpu.memory_space<vmem>> -> memref<1x64xf32, #tpu.memory_space<vmem>>
    %dma_start3A_1107 = arith.constant 0 : i32
    %dma_start3A_1108 = tpu.memref_slice %arg2[%squeeze3A_1098, %dma_start3A_1107] : memref<1000000x64xf32, #tpu.memory_space<hbm>> -> memref<1x64xf32, #tpu.memory_space<hbm>>
    tpu.enqueue_dma source(%dma_start3A_1108 : memref<1x64xf32, #tpu.memory_space<hbm>>) target(%dma_start3A_1106 : memref<1x64xf32, #tpu.memory_space<vmem>>) target_semaphore(%arg7 : memref<!tpu.dma_semaphore, #tpu.memory_space<semaphore_mem>>)
    %slice3A_1109 = vector.extract_strided_slice %get3A_976 {offsets = [11], sizes = [1], strides = [1]} : vector<16xi32> to vector<1xi32>
    %squeeze3A_1110 = vector.extract %slice3A_1109[0] : i32 from vector<1xi32>
    %dma_start3A_1111 = arith.constant 91 : i32
    %dma_start3A_1112 = arith.constant 0 : i32
    %dma_start3A_1113 = tpu.memref_slice %arg6[%dma_start3A_1111, %dma_start3A_1112] : memref<512x64xf32, #tpu.memory_space<vmem>> -> memref<1x64xf32, #tpu.memory_space<vmem>>
    %dma_start3A_1114 = arith.constant 0 : i32
    %dma_start3A_1115 = tpu.memref_slice %arg2[%squeeze3A_1110, %dma_start3A_1114] : memref<1000000x64xf32, #tpu.memory_space<hbm>> -> memref<1x64xf32, #tpu.memory_space<hbm>>
    %dma_start3A_1116 = arith.constant 91 : i32
    %dma_start3A_1117 = arith.constant 0 : i32
    %dma_start3A_1118 = tpu.memref_slice %arg6[%dma_start3A_1116, %dma_start3A_1117] : memref<512x64xf32, #tpu.memory_space<vmem>> -> memref<1x64xf32, #tpu.memory_space<vmem>>
    %dma_start3A_1119 = arith.constant 0 : i32
    %dma_start3A_1120 = tpu.memref_slice %arg2[%squeeze3A_1110, %dma_start3A_1119] : memref<1000000x64xf32, #tpu.memory_space<hbm>> -> memref<1x64xf32, #tpu.memory_space<hbm>>
    tpu.enqueue_dma source(%dma_start3A_1120 : memref<1x64xf32, #tpu.memory_space<hbm>>) target(%dma_start3A_1118 : memref<1x64xf32, #tpu.memory_space<vmem>>) target_semaphore(%arg7 : memref<!tpu.dma_semaphore, #tpu.memory_space<semaphore_mem>>)
    %slice3A_1121 = vector.extract_strided_slice %get3A_976 {offsets = [12], sizes = [1], strides = [1]} : vector<16xi32> to vector<1xi32>
    %squeeze3A_1122 = vector.extract %slice3A_1121[0] : i32 from vector<1xi32>
    %dma_start3A_1123 = arith.constant 92 : i32
    %dma_start3A_1124 = arith.constant 0 : i32
    %dma_start3A_1125 = tpu.memref_slice %arg6[%dma_start3A_1123, %dma_start3A_1124] : memref<512x64xf32, #tpu.memory_space<vmem>> -> memref<1x64xf32, #tpu.memory_space<vmem>>
    %dma_start3A_1126 = arith.constant 0 : i32
    %dma_start3A_1127 = tpu.memref_slice %arg2[%squeeze3A_1122, %dma_start3A_1126] : memref<1000000x64xf32, #tpu.memory_space<hbm>> -> memref<1x64xf32, #tpu.memory_space<hbm>>
    %dma_start3A_1128 = arith.constant 92 : i32
    %dma_start3A_1129 = arith.constant 0 : i32
    %dma_start3A_1130 = tpu.memref_slice %arg6[%dma_start3A_1128, %dma_start3A_1129] : memref<512x64xf32, #tpu.memory_space<vmem>> -> memref<1x64xf32, #tpu.memory_space<vmem>>
    %dma_start3A_1131 = arith.constant 0 : i32
    %dma_start3A_1132 = tpu.memref_slice %arg2[%squeeze3A_1122, %dma_start3A_1131] : memref<1000000x64xf32, #tpu.memory_space<hbm>> -> memref<1x64xf32, #tpu.memory_space<hbm>>
    tpu.enqueue_dma source(%dma_start3A_1132 : memref<1x64xf32, #tpu.memory_space<hbm>>) target(%dma_start3A_1130 : memref<1x64xf32, #tpu.memory_space<vmem>>) target_semaphore(%arg7 : memref<!tpu.dma_semaphore, #tpu.memory_space<semaphore_mem>>)
    %slice3A_1133 = vector.extract_strided_slice %get3A_976 {offsets = [13], sizes = [1], strides = [1]} : vector<16xi32> to vector<1xi32>
    %squeeze3A_1134 = vector.extract %slice3A_1133[0] : i32 from vector<1xi32>
    %dma_start3A_1135 = arith.constant 93 : i32
    %dma_start3A_1136 = arith.constant 0 : i32
    %dma_start3A_1137 = tpu.memref_slice %arg6[%dma_start3A_1135, %dma_start3A_1136] : memref<512x64xf32, #tpu.memory_space<vmem>> -> memref<1x64xf32, #tpu.memory_space<vmem>>
    %dma_start3A_1138 = arith.constant 0 : i32
    %dma_start3A_1139 = tpu.memref_slice %arg2[%squeeze3A_1134, %dma_start3A_1138] : memref<1000000x64xf32, #tpu.memory_space<hbm>> -> memref<1x64xf32, #tpu.memory_space<hbm>>
    %dma_start3A_1140 = arith.constant 93 : i32
    %dma_start3A_1141 = arith.constant 0 : i32
    %dma_start3A_1142 = tpu.memref_slice %arg6[%dma_start3A_1140, %dma_start3A_1141] : memref<512x64xf32, #tpu.memory_space<vmem>> -> memref<1x64xf32, #tpu.memory_space<vmem>>
    %dma_start3A_1143 = arith.constant 0 : i32
    %dma_start3A_1144 = tpu.memref_slice %arg2[%squeeze3A_1134, %dma_start3A_1143] : memref<1000000x64xf32, #tpu.memory_space<hbm>> -> memref<1x64xf32, #tpu.memory_space<hbm>>
    tpu.enqueue_dma source(%dma_start3A_1144 : memref<1x64xf32, #tpu.memory_space<hbm>>) target(%dma_start3A_1142 : memref<1x64xf32, #tpu.memory_space<vmem>>) target_semaphore(%arg7 : memref<!tpu.dma_semaphore, #tpu.memory_space<semaphore_mem>>)
    %slice3A_1145 = vector.extract_strided_slice %get3A_976 {offsets = [14], sizes = [1], strides = [1]} : vector<16xi32> to vector<1xi32>
    %squeeze3A_1146 = vector.extract %slice3A_1145[0] : i32 from vector<1xi32>
    %dma_start3A_1147 = arith.constant 94 : i32
    %dma_start3A_1148 = arith.constant 0 : i32
    %dma_start3A_1149 = tpu.memref_slice %arg6[%dma_start3A_1147, %dma_start3A_1148] : memref<512x64xf32, #tpu.memory_space<vmem>> -> memref<1x64xf32, #tpu.memory_space<vmem>>
    %dma_start3A_1150 = arith.constant 0 : i32
    %dma_start3A_1151 = tpu.memref_slice %arg2[%squeeze3A_1146, %dma_start3A_1150] : memref<1000000x64xf32, #tpu.memory_space<hbm>> -> memref<1x64xf32, #tpu.memory_space<hbm>>
    %dma_start3A_1152 = arith.constant 94 : i32
    %dma_start3A_1153 = arith.constant 0 : i32
    %dma_start3A_1154 = tpu.memref_slice %arg6[%dma_start3A_1152, %dma_start3A_1153] : memref<512x64xf32, #tpu.memory_space<vmem>> -> memref<1x64xf32, #tpu.memory_space<vmem>>
    %dma_start3A_1155 = arith.constant 0 : i32
    %dma_start3A_1156 = tpu.memref_slice %arg2[%squeeze3A_1146, %dma_start3A_1155] : memref<1000000x64xf32, #tpu.memory_space<hbm>> -> memref<1x64xf32, #tpu.memory_space<hbm>>
    tpu.enqueue_dma source(%dma_start3A_1156 : memref<1x64xf32, #tpu.memory_space<hbm>>) target(%dma_start3A_1154 : memref<1x64xf32, #tpu.memory_space<vmem>>) target_semaphore(%arg7 : memref<!tpu.dma_semaphore, #tpu.memory_space<semaphore_mem>>)
    %slice3A_1157 = vector.extract_strided_slice %get3A_976 {offsets = [15], sizes = [1], strides = [1]} : vector<16xi32> to vector<1xi32>
    %squeeze3A_1158 = vector.extract %slice3A_1157[0] : i32 from vector<1xi32>
    %dma_start3A_1159 = arith.constant 95 : i32
    %dma_start3A_1160 = arith.constant 0 : i32
    %dma_start3A_1161 = tpu.memref_slice %arg6[%dma_start3A_1159, %dma_start3A_1160] : memref<512x64xf32, #tpu.memory_space<vmem>> -> memref<1x64xf32, #tpu.memory_space<vmem>>
    %dma_start3A_1162 = arith.constant 0 : i32
    %dma_start3A_1163 = tpu.memref_slice %arg2[%squeeze3A_1158, %dma_start3A_1162] : memref<1000000x64xf32, #tpu.memory_space<hbm>> -> memref<1x64xf32, #tpu.memory_space<hbm>>
    %dma_start3A_1164 = arith.constant 95 : i32
    %dma_start3A_1165 = arith.constant 0 : i32
    %dma_start3A_1166 = tpu.memref_slice %arg6[%dma_start3A_1164, %dma_start3A_1165] : memref<512x64xf32, #tpu.memory_space<vmem>> -> memref<1x64xf32, #tpu.memory_space<vmem>>
    %dma_start3A_1167 = arith.constant 0 : i32
    %dma_start3A_1168 = tpu.memref_slice %arg2[%squeeze3A_1158, %dma_start3A_1167] : memref<1000000x64xf32, #tpu.memory_space<hbm>> -> memref<1x64xf32, #tpu.memory_space<hbm>>
    tpu.enqueue_dma source(%dma_start3A_1168 : memref<1x64xf32, #tpu.memory_space<hbm>>) target(%dma_start3A_1166 : memref<1x64xf32, #tpu.memory_space<vmem>>) target_semaphore(%arg7 : memref<!tpu.dma_semaphore, #tpu.memory_space<semaphore_mem>>)
    %get3A_1169 = arith.constant 96 : index
    %get3A_1170 = tpu.vector_load %arg5[%get3A_1169] {strides = array<i32>} : memref<512xi32, #tpu.memory_space<vmem>>, vector<16xi32>,
    %get3A_1171 = vector.shape_cast %get3A_1170 : vector<16xi32> to vector<16xi32>
    %slice3A_1172 = vector.extract_strided_slice %get3A_1171 {offsets = [0], sizes = [1], strides = [1]} : vector<16xi32> to vector<1xi32>
    %squeeze3A_1173 = vector.extract %slice3A_1172[0] : i32 from vector<1xi32>
    %dma_start3A_1174 = arith.constant 96 : i32
    %dma_start3A_1175 = arith.constant 0 : i32
    %dma_start3A_1176 = tpu.memref_slice %arg6[%dma_start3A_1174, %dma_start3A_1175] : memref<512x64xf32, #tpu.memory_space<vmem>> -> memref<1x64xf32, #tpu.memory_space<vmem>>
    %dma_start3A_1177 = arith.constant 0 : i32
    %dma_start3A_1178 = tpu.memref_slice %arg2[%squeeze3A_1173, %dma_start3A_1177] : memref<1000000x64xf32, #tpu.memory_space<hbm>> -> memref<1x64xf32, #tpu.memory_space<hbm>>
    %dma_start3A_1179 = arith.constant 96 : i32
    %dma_start3A_1180 = arith.constant 0 : i32
    %dma_start3A_1181 = tpu.memref_slice %arg6[%dma_start3A_1179, %dma_start3A_1180] : memref<512x64xf32, #tpu.memory_space<vmem>> -> memref<1x64xf32, #tpu.memory_space<vmem>>
    %dma_start3A_1182 = arith.constant 0 : i32
    %dma_start3A_1183 = tpu.memref_slice %arg2[%squeeze3A_1173, %dma_start3A_1182] : memref<1000000x64xf32, #tpu.memory_space<hbm>> -> memref<1x64xf32, #tpu.memory_space<hbm>>
    tpu.enqueue_dma source(%dma_start3A_1183 : memref<1x64xf32, #tpu.memory_space<hbm>>) target(%dma_start3A_1181 : memref<1x64xf32, #tpu.memory_space<vmem>>) target_semaphore(%arg8 : memref<!tpu.dma_semaphore, #tpu.memory_space<semaphore_mem>>)
    %slice3A_1184 = vector.extract_strided_slice %get3A_1171 {offsets = [1], sizes = [1], strides = [1]} : vector<16xi32> to vector<1xi32>
    %squeeze3A_1185 = vector.extract %slice3A_1184[0] : i32 from vector<1xi32>
    %dma_start3A_1186 = arith.constant 97 : i32
    %dma_start3A_1187 = arith.constant 0 : i32
    %dma_start3A_1188 = tpu.memref_slice %arg6[%dma_start3A_1186, %dma_start3A_1187] : memref<512x64xf32, #tpu.memory_space<vmem>> -> memref<1x64xf32, #tpu.memory_space<vmem>>
    %dma_start3A_1189 = arith.constant 0 : i32
    %dma_start3A_1190 = tpu.memref_slice %arg2[%squeeze3A_1185, %dma_start3A_1189] : memref<1000000x64xf32, #tpu.memory_space<hbm>> -> memref<1x64xf32, #tpu.memory_space<hbm>>
    %dma_start3A_1191 = arith.constant 97 : i32
    %dma_start3A_1192 = arith.constant 0 : i32
    %dma_start3A_1193 = tpu.memref_slice %arg6[%dma_start3A_1191, %dma_start3A_1192] : memref<512x64xf32, #tpu.memory_space<vmem>> -> memref<1x64xf32, #tpu.memory_space<vmem>>
    %dma_start3A_1194 = arith.constant 0 : i32
    %dma_start3A_1195 = tpu.memref_slice %arg2[%squeeze3A_1185, %dma_start3A_1194] : memref<1000000x64xf32, #tpu.memory_space<hbm>> -> memref<1x64xf32, #tpu.memory_space<hbm>>
    tpu.enqueue_dma source(%dma_start3A_1195 : memref<1x64xf32, #tpu.memory_space<hbm>>) target(%dma_start3A_1193 : memref<1x64xf32, #tpu.memory_space<vmem>>) target_semaphore(%arg8 : memref<!tpu.dma_semaphore, #tpu.memory_space<semaphore_mem>>)
    %slice3A_1196 = vector.extract_strided_slice %get3A_1171 {offsets = [2], sizes = [1], strides = [1]} : vector<16xi32> to vector<1xi32>
    %squeeze3A_1197 = vector.extract %slice3A_1196[0] : i32 from vector<1xi32>
    %dma_start3A_1198 = arith.constant 98 : i32
    %dma_start3A_1199 = arith.constant 0 : i32
    %dma_start3A_1200 = tpu.memref_slice %arg6[%dma_start3A_1198, %dma_start3A_1199] : memref<512x64xf32, #tpu.memory_space<vmem>> -> memref<1x64xf32, #tpu.memory_space<vmem>>
    %dma_start3A_1201 = arith.constant 0 : i32
    %dma_start3A_1202 = tpu.memref_slice %arg2[%squeeze3A_1197, %dma_start3A_1201] : memref<1000000x64xf32, #tpu.memory_space<hbm>> -> memref<1x64xf32, #tpu.memory_space<hbm>>
    %dma_start3A_1203 = arith.constant 98 : i32
    %dma_start3A_1204 = arith.constant 0 : i32
    %dma_start3A_1205 = tpu.memref_slice %arg6[%dma_start3A_1203, %dma_start3A_1204] : memref<512x64xf32, #tpu.memory_space<vmem>> -> memref<1x64xf32, #tpu.memory_space<vmem>>
    %dma_start3A_1206 = arith.constant 0 : i32
    %dma_start3A_1207 = tpu.memref_slice %arg2[%squeeze3A_1197, %dma_start3A_1206] : memref<1000000x64xf32, #tpu.memory_space<hbm>> -> memref<1x64xf32, #tpu.memory_space<hbm>>
    tpu.enqueue_dma source(%dma_start3A_1207 : memref<1x64xf32, #tpu.memory_space<hbm>>) target(%dma_start3A_1205 : memref<1x64xf32, #tpu.memory_space<vmem>>) target_semaphore(%arg8 : memref<!tpu.dma_semaphore, #tpu.memory_space<semaphore_mem>>)
    %slice3A_1208 = vector.extract_strided_slice %get3A_1171 {offsets = [3], sizes = [1], strides = [1]} : vector<16xi32> to vector<1xi32>
    %squeeze3A_1209 = vector.extract %slice3A_1208[0] : i32 from vector<1xi32>
    %dma_start3A_1210 = arith.constant 99 : i32
    %dma_start3A_1211 = arith.constant 0 : i32
    %dma_start3A_1212 = tpu.memref_slice %arg6[%dma_start3A_1210, %dma_start3A_1211] : memref<512x64xf32, #tpu.memory_space<vmem>> -> memref<1x64xf32, #tpu.memory_space<vmem>>
    %dma_start3A_1213 = arith.constant 0 : i32
    %dma_start3A_1214 = tpu.memref_slice %arg2[%squeeze3A_1209, %dma_start3A_1213] : memref<1000000x64xf32, #tpu.memory_space<hbm>> -> memref<1x64xf32, #tpu.memory_space<hbm>>
    %dma_start3A_1215 = arith.constant 99 : i32
    %dma_start3A_1216 = arith.constant 0 : i32
    %dma_start3A_1217 = tpu.memref_slice %arg6[%dma_start3A_1215, %dma_start3A_1216] : memref<512x64xf32, #tpu.memory_space<vmem>> -> memref<1x64xf32, #tpu.memory_space<vmem>>
    %dma_start3A_1218 = arith.constant 0 : i32
    %dma_start3A_1219 = tpu.memref_slice %arg2[%squeeze3A_1209, %dma_start3A_1218] : memref<1000000x64xf32, #tpu.memory_space<hbm>> -> memref<1x64xf32, #tpu.memory_space<hbm>>
    tpu.enqueue_dma source(%dma_start3A_1219 : memref<1x64xf32, #tpu.memory_space<hbm>>) target(%dma_start3A_1217 : memref<1x64xf32, #tpu.memory_space<vmem>>) target_semaphore(%arg8 : memref<!tpu.dma_semaphore, #tpu.memory_space<semaphore_mem>>)
    %slice3A_1220 = vector.extract_strided_slice %get3A_1171 {offsets = [4], sizes = [1], strides = [1]} : vector<16xi32> to vector<1xi32>
    %squeeze3A_1221 = vector.extract %slice3A_1220[0] : i32 from vector<1xi32>
    %dma_start3A_1222 = arith.constant 100 : i32
    %dma_start3A_1223 = arith.constant 0 : i32
    %dma_start3A_1224 = tpu.memref_slice %arg6[%dma_start3A_1222, %dma_start3A_1223] : memref<512x64xf32, #tpu.memory_space<vmem>> -> memref<1x64xf32, #tpu.memory_space<vmem>>
    %dma_start3A_1225 = arith.constant 0 : i32
    %dma_start3A_1226 = tpu.memref_slice %arg2[%squeeze3A_1221, %dma_start3A_1225] : memref<1000000x64xf32, #tpu.memory_space<hbm>> -> memref<1x64xf32, #tpu.memory_space<hbm>>
    %dma_start3A_1227 = arith.constant 100 : i32
    %dma_start3A_1228 = arith.constant 0 : i32
    %dma_start3A_1229 = tpu.memref_slice %arg6[%dma_start3A_1227, %dma_start3A_1228] : memref<512x64xf32, #tpu.memory_space<vmem>> -> memref<1x64xf32, #tpu.memory_space<vmem>>
    %dma_start3A_1230 = arith.constant 0 : i32
    %dma_start3A_1231 = tpu.memref_slice %arg2[%squeeze3A_1221, %dma_start3A_1230] : memref<1000000x64xf32, #tpu.memory_space<hbm>> -> memref<1x64xf32, #tpu.memory_space<hbm>>
    tpu.enqueue_dma source(%dma_start3A_1231 : memref<1x64xf32, #tpu.memory_space<hbm>>) target(%dma_start3A_1229 : memref<1x64xf32, #tpu.memory_space<vmem>>) target_semaphore(%arg8 : memref<!tpu.dma_semaphore, #tpu.memory_space<semaphore_mem>>)
    %slice3A_1232 = vector.extract_strided_slice %get3A_1171 {offsets = [5], sizes = [1], strides = [1]} : vector<16xi32> to vector<1xi32>
    %squeeze3A_1233 = vector.extract %slice3A_1232[0] : i32 from vector<1xi32>
    %dma_start3A_1234 = arith.constant 101 : i32
    %dma_start3A_1235 = arith.constant 0 : i32
    %dma_start3A_1236 = tpu.memref_slice %arg6[%dma_start3A_1234, %dma_start3A_1235] : memref<512x64xf32, #tpu.memory_space<vmem>> -> memref<1x64xf32, #tpu.memory_space<vmem>>
    %dma_start3A_1237 = arith.constant 0 : i32
    %dma_start3A_1238 = tpu.memref_slice %arg2[%squeeze3A_1233, %dma_start3A_1237] : memref<1000000x64xf32, #tpu.memory_space<hbm>> -> memref<1x64xf32, #tpu.memory_space<hbm>>
    %dma_start3A_1239 = arith.constant 101 : i32
    %dma_start3A_1240 = arith.constant 0 : i32
    %dma_start3A_1241 = tpu.memref_slice %arg6[%dma_start3A_1239, %dma_start3A_1240] : memref<512x64xf32, #tpu.memory_space<vmem>> -> memref<1x64xf32, #tpu.memory_space<vmem>>
    %dma_start3A_1242 = arith.constant 0 : i32
    %dma_start3A_1243 = tpu.memref_slice %arg2[%squeeze3A_1233, %dma_start3A_1242] : memref<1000000x64xf32, #tpu.memory_space<hbm>> -> memref<1x64xf32, #tpu.memory_space<hbm>>
    tpu.enqueue_dma source(%dma_start3A_1243 : memref<1x64xf32, #tpu.memory_space<hbm>>) target(%dma_start3A_1241 : memref<1x64xf32, #tpu.memory_space<vmem>>) target_semaphore(%arg8 : memref<!tpu.dma_semaphore, #tpu.memory_space<semaphore_mem>>)
    %slice3A_1244 = vector.extract_strided_slice %get3A_1171 {offsets = [6], sizes = [1], strides = [1]} : vector<16xi32> to vector<1xi32>
    %squeeze3A_1245 = vector.extract %slice3A_1244[0] : i32 from vector<1xi32>
    %dma_start3A_1246 = arith.constant 102 : i32
    %dma_start3A_1247 = arith.constant 0 : i32
    %dma_start3A_1248 = tpu.memref_slice %arg6[%dma_start3A_1246, %dma_start3A_1247] : memref<512x64xf32, #tpu.memory_space<vmem>> -> memref<1x64xf32, #tpu.memory_space<vmem>>
    %dma_start3A_1249 = arith.constant 0 : i32
    %dma_start3A_1250 = tpu.memref_slice %arg2[%squeeze3A_1245, %dma_start3A_1249] : memref<1000000x64xf32, #tpu.memory_space<hbm>> -> memref<1x64xf32, #tpu.memory_space<hbm>>
    %dma_start3A_1251 = arith.constant 102 : i32
    %dma_start3A_1252 = arith.constant 0 : i32
    %dma_start3A_1253 = tpu.memref_slice %arg6[%dma_start3A_1251, %dma_start3A_1252] : memref<512x64xf32, #tpu.memory_space<vmem>> -> memref<1x64xf32, #tpu.memory_space<vmem>>
    %dma_start3A_1254 = arith.constant 0 : i32
    %dma_start3A_1255 = tpu.memref_slice %arg2[%squeeze3A_1245, %dma_start3A_1254] : memref<1000000x64xf32, #tpu.memory_space<hbm>> -> memref<1x64xf32, #tpu.memory_space<hbm>>
    tpu.enqueue_dma source(%dma_start3A_1255 : memref<1x64xf32, #tpu.memory_space<hbm>>) target(%dma_start3A_1253 : memref<1x64xf32, #tpu.memory_space<vmem>>) target_semaphore(%arg8 : memref<!tpu.dma_semaphore, #tpu.memory_space<semaphore_mem>>)
    %slice3A_1256 = vector.extract_strided_slice %get3A_1171 {offsets = [7], sizes = [1], strides = [1]} : vector<16xi32> to vector<1xi32>
    %squeeze3A_1257 = vector.extract %slice3A_1256[0] : i32 from vector<1xi32>
    %dma_start3A_1258 = arith.constant 103 : i32
    %dma_start3A_1259 = arith.constant 0 : i32
    %dma_start3A_1260 = tpu.memref_slice %arg6[%dma_start3A_1258, %dma_start3A_1259] : memref<512x64xf32, #tpu.memory_space<vmem>> -> memref<1x64xf32, #tpu.memory_space<vmem>>
    %dma_start3A_1261 = arith.constant 0 : i32
    %dma_start3A_1262 = tpu.memref_slice %arg2[%squeeze3A_1257, %dma_start3A_1261] : memref<1000000x64xf32, #tpu.memory_space<hbm>> -> memref<1x64xf32, #tpu.memory_space<hbm>>
    %dma_start3A_1263 = arith.constant 103 : i32
    %dma_start3A_1264 = arith.constant 0 : i32
    %dma_start3A_1265 = tpu.memref_slice %arg6[%dma_start3A_1263, %dma_start3A_1264] : memref<512x64xf32, #tpu.memory_space<vmem>> -> memref<1x64xf32, #tpu.memory_space<vmem>>
    %dma_start3A_1266 = arith.constant 0 : i32
    %dma_start3A_1267 = tpu.memref_slice %arg2[%squeeze3A_1257, %dma_start3A_1266] : memref<1000000x64xf32, #tpu.memory_space<hbm>> -> memref<1x64xf32, #tpu.memory_space<hbm>>
    tpu.enqueue_dma source(%dma_start3A_1267 : memref<1x64xf32, #tpu.memory_space<hbm>>) target(%dma_start3A_1265 : memref<1x64xf32, #tpu.memory_space<vmem>>) target_semaphore(%arg8 : memref<!tpu.dma_semaphore, #tpu.memory_space<semaphore_mem>>)
    %slice3A_1268 = vector.extract_strided_slice %get3A_1171 {offsets = [8], sizes = [1], strides = [1]} : vector<16xi32> to vector<1xi32>
    %squeeze3A_1269 = vector.extract %slice3A_1268[0] : i32 from vector<1xi32>
    %dma_start3A_1270 = arith.constant 104 : i32
    %dma_start3A_1271 = arith.constant 0 : i32
    %dma_start3A_1272 = tpu.memref_slice %arg6[%dma_start3A_1270, %dma_start3A_1271] : memref<512x64xf32, #tpu.memory_space<vmem>> -> memref<1x64xf32, #tpu.memory_space<vmem>>
    %dma_start3A_1273 = arith.constant 0 : i32
    %dma_start3A_1274 = tpu.memref_slice %arg2[%squeeze3A_1269, %dma_start3A_1273] : memref<1000000x64xf32, #tpu.memory_space<hbm>> -> memref<1x64xf32, #tpu.memory_space<hbm>>
    %dma_start3A_1275 = arith.constant 104 : i32
    %dma_start3A_1276 = arith.constant 0 : i32
    %dma_start3A_1277 = tpu.memref_slice %arg6[%dma_start3A_1275, %dma_start3A_1276] : memref<512x64xf32, #tpu.memory_space<vmem>> -> memref<1x64xf32, #tpu.memory_space<vmem>>
    %dma_start3A_1278 = arith.constant 0 : i32
    %dma_start3A_1279 = tpu.memref_slice %arg2[%squeeze3A_1269, %dma_start3A_1278] : memref<1000000x64xf32, #tpu.memory_space<hbm>> -> memref<1x64xf32, #tpu.memory_space<hbm>>
    tpu.enqueue_dma source(%dma_start3A_1279 : memref<1x64xf32, #tpu.memory_space<hbm>>) target(%dma_start3A_1277 : memref<1x64xf32, #tpu.memory_space<vmem>>) target_semaphore(%arg8 : memref<!tpu.dma_semaphore, #tpu.memory_space<semaphore_mem>>)
    %slice3A_1280 = vector.extract_strided_slice %get3A_1171 {offsets = [9], sizes = [1], strides = [1]} : vector<16xi32> to vector<1xi32>
    %squeeze3A_1281 = vector.extract %slice3A_1280[0] : i32 from vector<1xi32>
    %dma_start3A_1282 = arith.constant 105 : i32
    %dma_start3A_1283 = arith.constant 0 : i32
    %dma_start3A_1284 = tpu.memref_slice %arg6[%dma_start3A_1282, %dma_start3A_1283] : memref<512x64xf32, #tpu.memory_space<vmem>> -> memref<1x64xf32, #tpu.memory_space<vmem>>
    %dma_start3A_1285 = arith.constant 0 : i32
    %dma_start3A_1286 = tpu.memref_slice %arg2[%squeeze3A_1281, %dma_start3A_1285] : memref<1000000x64xf32, #tpu.memory_space<hbm>> -> memref<1x64xf32, #tpu.memory_space<hbm>>
    %dma_start3A_1287 = arith.constant 105 : i32
    %dma_start3A_1288 = arith.constant 0 : i32
    %dma_start3A_1289 = tpu.memref_slice %arg6[%dma_start3A_1287, %dma_start3A_1288] : memref<512x64xf32, #tpu.memory_space<vmem>> -> memref<1x64xf32, #tpu.memory_space<vmem>>
    %dma_start3A_1290 = arith.constant 0 : i32
    %dma_start3A_1291 = tpu.memref_slice %arg2[%squeeze3A_1281, %dma_start3A_1290] : memref<1000000x64xf32, #tpu.memory_space<hbm>> -> memref<1x64xf32, #tpu.memory_space<hbm>>
    tpu.enqueue_dma source(%dma_start3A_1291 : memref<1x64xf32, #tpu.memory_space<hbm>>) target(%dma_start3A_1289 : memref<1x64xf32, #tpu.memory_space<vmem>>) target_semaphore(%arg8 : memref<!tpu.dma_semaphore, #tpu.memory_space<semaphore_mem>>)
    %slice3A_1292 = vector.extract_strided_slice %get3A_1171 {offsets = [10], sizes = [1], strides = [1]} : vector<16xi32> to vector<1xi32>
    %squeeze3A_1293 = vector.extract %slice3A_1292[0] : i32 from vector<1xi32>
    %dma_start3A_1294 = arith.constant 106 : i32
    %dma_start3A_1295 = arith.constant 0 : i32
    %dma_start3A_1296 = tpu.memref_slice %arg6[%dma_start3A_1294, %dma_start3A_1295] : memref<512x64xf32, #tpu.memory_space<vmem>> -> memref<1x64xf32, #tpu.memory_space<vmem>>
    %dma_start3A_1297 = arith.constant 0 : i32
    %dma_start3A_1298 = tpu.memref_slice %arg2[%squeeze3A_1293, %dma_start3A_1297] : memref<1000000x64xf32, #tpu.memory_space<hbm>> -> memref<1x64xf32, #tpu.memory_space<hbm>>
    %dma_start3A_1299 = arith.constant 106 : i32
    %dma_start3A_1300 = arith.constant 0 : i32
    %dma_start3A_1301 = tpu.memref_slice %arg6[%dma_start3A_1299, %dma_start3A_1300] : memref<512x64xf32, #tpu.memory_space<vmem>> -> memref<1x64xf32, #tpu.memory_space<vmem>>
    %dma_start3A_1302 = arith.constant 0 : i32
    %dma_start3A_1303 = tpu.memref_slice %arg2[%squeeze3A_1293, %dma_start3A_1302] : memref<1000000x64xf32, #tpu.memory_space<hbm>> -> memref<1x64xf32, #tpu.memory_space<hbm>>
    tpu.enqueue_dma source(%dma_start3A_1303 : memref<1x64xf32, #tpu.memory_space<hbm>>) target(%dma_start3A_1301 : memref<1x64xf32, #tpu.memory_space<vmem>>) target_semaphore(%arg8 : memref<!tpu.dma_semaphore, #tpu.memory_space<semaphore_mem>>)
    %slice3A_1304 = vector.extract_strided_slice %get3A_1171 {offsets = [11], sizes = [1], strides = [1]} : vector<16xi32> to vector<1xi32>
    %squeeze3A_1305 = vector.extract %slice3A_1304[0] : i32 from vector<1xi32>
    %dma_start3A_1306 = arith.constant 107 : i32
    %dma_start3A_1307 = arith.constant 0 : i32
    %dma_start3A_1308 = tpu.memref_slice %arg6[%dma_start3A_1306, %dma_start3A_1307] : memref<512x64xf32, #tpu.memory_space<vmem>> -> memref<1x64xf32, #tpu.memory_space<vmem>>
    %dma_start3A_1309 = arith.constant 0 : i32
    %dma_start3A_1310 = tpu.memref_slice %arg2[%squeeze3A_1305, %dma_start3A_1309] : memref<1000000x64xf32, #tpu.memory_space<hbm>> -> memref<1x64xf32, #tpu.memory_space<hbm>>
    %dma_start3A_1311 = arith.constant 107 : i32
    %dma_start3A_1312 = arith.constant 0 : i32
    %dma_start3A_1313 = tpu.memref_slice %arg6[%dma_start3A_1311, %dma_start3A_1312] : memref<512x64xf32, #tpu.memory_space<vmem>> -> memref<1x64xf32, #tpu.memory_space<vmem>>
    %dma_start3A_1314 = arith.constant 0 : i32
    %dma_start3A_1315 = tpu.memref_slice %arg2[%squeeze3A_1305, %dma_start3A_1314] : memref<1000000x64xf32, #tpu.memory_space<hbm>> -> memref<1x64xf32, #tpu.memory_space<hbm>>
    tpu.enqueue_dma source(%dma_start3A_1315 : memref<1x64xf32, #tpu.memory_space<hbm>>) target(%dma_start3A_1313 : memref<1x64xf32, #tpu.memory_space<vmem>>) target_semaphore(%arg8 : memref<!tpu.dma_semaphore, #tpu.memory_space<semaphore_mem>>)
    %slice3A_1316 = vector.extract_strided_slice %get3A_1171 {offsets = [12], sizes = [1], strides = [1]} : vector<16xi32> to vector<1xi32>
    %squeeze3A_1317 = vector.extract %slice3A_1316[0] : i32 from vector<1xi32>
    %dma_start3A_1318 = arith.constant 108 : i32
    %dma_start3A_1319 = arith.constant 0 : i32
    %dma_start3A_1320 = tpu.memref_slice %arg6[%dma_start3A_1318, %dma_start3A_1319] : memref<512x64xf32, #tpu.memory_space<vmem>> -> memref<1x64xf32, #tpu.memory_space<vmem>>
    %dma_start3A_1321 = arith.constant 0 : i32
    %dma_start3A_1322 = tpu.memref_slice %arg2[%squeeze3A_1317, %dma_start3A_1321] : memref<1000000x64xf32, #tpu.memory_space<hbm>> -> memref<1x64xf32, #tpu.memory_space<hbm>>
    %dma_start3A_1323 = arith.constant 108 : i32
    %dma_start3A_1324 = arith.constant 0 : i32
    %dma_start3A_1325 = tpu.memref_slice %arg6[%dma_start3A_1323, %dma_start3A_1324] : memref<512x64xf32, #tpu.memory_space<vmem>> -> memref<1x64xf32, #tpu.memory_space<vmem>>
    %dma_start3A_1326 = arith.constant 0 : i32
    %dma_start3A_1327 = tpu.memref_slice %arg2[%squeeze3A_1317, %dma_start3A_1326] : memref<1000000x64xf32, #tpu.memory_space<hbm>> -> memref<1x64xf32, #tpu.memory_space<hbm>>
    tpu.enqueue_dma source(%dma_start3A_1327 : memref<1x64xf32, #tpu.memory_space<hbm>>) target(%dma_start3A_1325 : memref<1x64xf32, #tpu.memory_space<vmem>>) target_semaphore(%arg8 : memref<!tpu.dma_semaphore, #tpu.memory_space<semaphore_mem>>)
    %slice3A_1328 = vector.extract_strided_slice %get3A_1171 {offsets = [13], sizes = [1], strides = [1]} : vector<16xi32> to vector<1xi32>
    %squeeze3A_1329 = vector.extract %slice3A_1328[0] : i32 from vector<1xi32>
    %dma_start3A_1330 = arith.constant 109 : i32
    %dma_start3A_1331 = arith.constant 0 : i32
    %dma_start3A_1332 = tpu.memref_slice %arg6[%dma_start3A_1330, %dma_start3A_1331] : memref<512x64xf32, #tpu.memory_space<vmem>> -> memref<1x64xf32, #tpu.memory_space<vmem>>
    %dma_start3A_1333 = arith.constant 0 : i32
    %dma_start3A_1334 = tpu.memref_slice %arg2[%squeeze3A_1329, %dma_start3A_1333] : memref<1000000x64xf32, #tpu.memory_space<hbm>> -> memref<1x64xf32, #tpu.memory_space<hbm>>
    %dma_start3A_1335 = arith.constant 109 : i32
    %dma_start3A_1336 = arith.constant 0 : i32
    %dma_start3A_1337 = tpu.memref_slice %arg6[%dma_start3A_1335, %dma_start3A_1336] : memref<512x64xf32, #tpu.memory_space<vmem>> -> memref<1x64xf32, #tpu.memory_space<vmem>>
    %dma_start3A_1338 = arith.constant 0 : i32
    %dma_start3A_1339 = tpu.memref_slice %arg2[%squeeze3A_1329, %dma_start3A_1338] : memref<1000000x64xf32, #tpu.memory_space<hbm>> -> memref<1x64xf32, #tpu.memory_space<hbm>>
    tpu.enqueue_dma source(%dma_start3A_1339 : memref<1x64xf32, #tpu.memory_space<hbm>>) target(%dma_start3A_1337 : memref<1x64xf32, #tpu.memory_space<vmem>>) target_semaphore(%arg8 : memref<!tpu.dma_semaphore, #tpu.memory_space<semaphore_mem>>)
    %slice3A_1340 = vector.extract_strided_slice %get3A_1171 {offsets = [14], sizes = [1], strides = [1]} : vector<16xi32> to vector<1xi32>
    %squeeze3A_1341 = vector.extract %slice3A_1340[0] : i32 from vector<1xi32>
    %dma_start3A_1342 = arith.constant 110 : i32
    %dma_start3A_1343 = arith.constant 0 : i32
    %dma_start3A_1344 = tpu.memref_slice %arg6[%dma_start3A_1342, %dma_start3A_1343] : memref<512x64xf32, #tpu.memory_space<vmem>> -> memref<1x64xf32, #tpu.memory_space<vmem>>
    %dma_start3A_1345 = arith.constant 0 : i32
    %dma_start3A_1346 = tpu.memref_slice %arg2[%squeeze3A_1341, %dma_start3A_1345] : memref<1000000x64xf32, #tpu.memory_space<hbm>> -> memref<1x64xf32, #tpu.memory_space<hbm>>
    %dma_start3A_1347 = arith.constant 110 : i32
    %dma_start3A_1348 = arith.constant 0 : i32
    %dma_start3A_1349 = tpu.memref_slice %arg6[%dma_start3A_1347, %dma_start3A_1348] : memref<512x64xf32, #tpu.memory_space<vmem>> -> memref<1x64xf32, #tpu.memory_space<vmem>>
    %dma_start3A_1350 = arith.constant 0 : i32
    %dma_start3A_1351 = tpu.memref_slice %arg2[%squeeze3A_1341, %dma_start3A_1350] : memref<1000000x64xf32, #tpu.memory_space<hbm>> -> memref<1x64xf32, #tpu.memory_space<hbm>>
    tpu.enqueue_dma source(%dma_start3A_1351 : memref<1x64xf32, #tpu.memory_space<hbm>>) target(%dma_start3A_1349 : memref<1x64xf32, #tpu.memory_space<vmem>>) target_semaphore(%arg8 : memref<!tpu.dma_semaphore, #tpu.memory_space<semaphore_mem>>)
    %slice3A_1352 = vector.extract_strided_slice %get3A_1171 {offsets = [15], sizes = [1], strides = [1]} : vector<16xi32> to vector<1xi32>
    %squeeze3A_1353 = vector.extract %slice3A_1352[0] : i32 from vector<1xi32>
    %dma_start3A_1354 = arith.constant 111 : i32
    %dma_start3A_1355 = arith.constant 0 : i32
    %dma_start3A_1356 = tpu.memref_slice %arg6[%dma_start3A_1354, %dma_start3A_1355] : memref<512x64xf32, #tpu.memory_space<vmem>> -> memref<1x64xf32, #tpu.memory_space<vmem>>
    %dma_start3A_1357 = arith.constant 0 : i32
    %dma_start3A_1358 = tpu.memref_slice %arg2[%squeeze3A_1353, %dma_start3A_1357] : memref<1000000x64xf32, #tpu.memory_space<hbm>> -> memref<1x64xf32, #tpu.memory_space<hbm>>
    %dma_start3A_1359 = arith.constant 111 : i32
    %dma_start3A_1360 = arith.constant 0 : i32
    %dma_start3A_1361 = tpu.memref_slice %arg6[%dma_start3A_1359, %dma_start3A_1360] : memref<512x64xf32, #tpu.memory_space<vmem>> -> memref<1x64xf32, #tpu.memory_space<vmem>>
    %dma_start3A_1362 = arith.constant 0 : i32
    %dma_start3A_1363 = tpu.memref_slice %arg2[%squeeze3A_1353, %dma_start3A_1362] : memref<1000000x64xf32, #tpu.memory_space<hbm>> -> memref<1x64xf32, #tpu.memory_space<hbm>>
    tpu.enqueue_dma source(%dma_start3A_1363 : memref<1x64xf32, #tpu.memory_space<hbm>>) target(%dma_start3A_1361 : memref<1x64xf32, #tpu.memory_space<vmem>>) target_semaphore(%arg8 : memref<!tpu.dma_semaphore, #tpu.memory_space<semaphore_mem>>)
    %get3A_1364 = arith.constant 112 : index
    %get3A_1365 = tpu.vector_load %arg5[%get3A_1364] {strides = array<i32>} : memref<512xi32, #tpu.memory_space<vmem>>, vector<16xi32>,
    %get3A_1366 = vector.shape_cast %get3A_1365 : vector<16xi32> to vector<16xi32>
    %slice3A_1367 = vector.extract_strided_slice %get3A_1366 {offsets = [0], sizes = [1], strides = [1]} : vector<16xi32> to vector<1xi32>
    %squeeze3A_1368 = vector.extract %slice3A_1367[0] : i32 from vector<1xi32>
    %dma_start3A_1369 = arith.constant 112 : i32
    %dma_start3A_1370 = arith.constant 0 : i32
    %dma_start3A_1371 = tpu.memref_slice %arg6[%dma_start3A_1369, %dma_start3A_1370] : memref<512x64xf32, #tpu.memory_space<vmem>> -> memref<1x64xf32, #tpu.memory_space<vmem>>
    %dma_start3A_1372 = arith.constant 0 : i32
    %dma_start3A_1373 = tpu.memref_slice %arg2[%squeeze3A_1368, %dma_start3A_1372] : memref<1000000x64xf32, #tpu.memory_space<hbm>> -> memref<1x64xf32, #tpu.memory_space<hbm>>
    %dma_start3A_1374 = arith.constant 112 : i32
    %dma_start3A_1375 = arith.constant 0 : i32
    %dma_start3A_1376 = tpu.memref_slice %arg6[%dma_start3A_1374, %dma_start3A_1375] : memref<512x64xf32, #tpu.memory_space<vmem>> -> memref<1x64xf32, #tpu.memory_space<vmem>>
    %dma_start3A_1377 = arith.constant 0 : i32
    %dma_start3A_1378 = tpu.memref_slice %arg2[%squeeze3A_1368, %dma_start3A_1377] : memref<1000000x64xf32, #tpu.memory_space<hbm>> -> memref<1x64xf32, #tpu.memory_space<hbm>>
    tpu.enqueue_dma source(%dma_start3A_1378 : memref<1x64xf32, #tpu.memory_space<hbm>>) target(%dma_start3A_1376 : memref<1x64xf32, #tpu.memory_space<vmem>>) target_semaphore(%arg8 : memref<!tpu.dma_semaphore, #tpu.memory_space<semaphore_mem>>)
    %slice3A_1379 = vector.extract_strided_slice %get3A_1366 {offsets = [1], sizes = [1], strides = [1]} : vector<16xi32> to vector<1xi32>
    %squeeze3A_1380 = vector.extract %slice3A_1379[0] : i32 from vector<1xi32>
    %dma_start3A_1381 = arith.constant 113 : i32
    %dma_start3A_1382 = arith.constant 0 : i32
    %dma_start3A_1383 = tpu.memref_slice %arg6[%dma_start3A_1381, %dma_start3A_1382] : memref<512x64xf32, #tpu.memory_space<vmem>> -> memref<1x64xf32, #tpu.memory_space<vmem>>
    %dma_start3A_1384 = arith.constant 0 : i32
    %dma_start3A_1385 = tpu.memref_slice %arg2[%squeeze3A_1380, %dma_start3A_1384] : memref<1000000x64xf32, #tpu.memory_space<hbm>> -> memref<1x64xf32, #tpu.memory_space<hbm>>
    %dma_start3A_1386 = arith.constant 113 : i32
    %dma_start3A_1387 = arith.constant 0 : i32
    %dma_start3A_1388 = tpu.memref_slice %arg6[%dma_start3A_1386, %dma_start3A_1387] : memref<512x64xf32, #tpu.memory_space<vmem>> -> memref<1x64xf32, #tpu.memory_space<vmem>>
    %dma_start3A_1389 = arith.constant 0 : i32
    %dma_start3A_1390 = tpu.memref_slice %arg2[%squeeze3A_1380, %dma_start3A_1389] : memref<1000000x64xf32, #tpu.memory_space<hbm>> -> memref<1x64xf32, #tpu.memory_space<hbm>>
    tpu.enqueue_dma source(%dma_start3A_1390 : memref<1x64xf32, #tpu.memory_space<hbm>>) target(%dma_start3A_1388 : memref<1x64xf32, #tpu.memory_space<vmem>>) target_semaphore(%arg8 : memref<!tpu.dma_semaphore, #tpu.memory_space<semaphore_mem>>)
    %slice3A_1391 = vector.extract_strided_slice %get3A_1366 {offsets = [2], sizes = [1], strides = [1]} : vector<16xi32> to vector<1xi32>
    %squeeze3A_1392 = vector.extract %slice3A_1391[0] : i32 from vector<1xi32>
    %dma_start3A_1393 = arith.constant 114 : i32
    %dma_start3A_1394 = arith.constant 0 : i32
    %dma_start3A_1395 = tpu.memref_slice %arg6[%dma_start3A_1393, %dma_start3A_1394] : memref<512x64xf32, #tpu.memory_space<vmem>> -> memref<1x64xf32, #tpu.memory_space<vmem>>
    %dma_start3A_1396 = arith.constant 0 : i32
    %dma_start3A_1397 = tpu.memref_slice %arg2[%squeeze3A_1392, %dma_start3A_1396] : memref<1000000x64xf32, #tpu.memory_space<hbm>> -> memref<1x64xf32, #tpu.memory_space<hbm>>
    %dma_start3A_1398 = arith.constant 114 : i32
    %dma_start3A_1399 = arith.constant 0 : i32
    %dma_start3A_1400 = tpu.memref_slice %arg6[%dma_start3A_1398, %dma_start3A_1399] : memref<512x64xf32, #tpu.memory_space<vmem>> -> memref<1x64xf32, #tpu.memory_space<vmem>>
    %dma_start3A_1401 = arith.constant 0 : i32
    %dma_start3A_1402 = tpu.memref_slice %arg2[%squeeze3A_1392, %dma_start3A_1401] : memref<1000000x64xf32, #tpu.memory_space<hbm>> -> memref<1x64xf32, #tpu.memory_space<hbm>>
    tpu.enqueue_dma source(%dma_start3A_1402 : memref<1x64xf32, #tpu.memory_space<hbm>>) target(%dma_start3A_1400 : memref<1x64xf32, #tpu.memory_space<vmem>>) target_semaphore(%arg8 : memref<!tpu.dma_semaphore, #tpu.memory_space<semaphore_mem>>)
    %slice3A_1403 = vector.extract_strided_slice %get3A_1366 {offsets = [3], sizes = [1], strides = [1]} : vector<16xi32> to vector<1xi32>
    %squeeze3A_1404 = vector.extract %slice3A_1403[0] : i32 from vector<1xi32>
    %dma_start3A_1405 = arith.constant 115 : i32
    %dma_start3A_1406 = arith.constant 0 : i32
    %dma_start3A_1407 = tpu.memref_slice %arg6[%dma_start3A_1405, %dma_start3A_1406] : memref<512x64xf32, #tpu.memory_space<vmem>> -> memref<1x64xf32, #tpu.memory_space<vmem>>
    %dma_start3A_1408 = arith.constant 0 : i32
    %dma_start3A_1409 = tpu.memref_slice %arg2[%squeeze3A_1404, %dma_start3A_1408] : memref<1000000x64xf32, #tpu.memory_space<hbm>> -> memref<1x64xf32, #tpu.memory_space<hbm>>
    %dma_start3A_1410 = arith.constant 115 : i32
    %dma_start3A_1411 = arith.constant 0 : i32
    %dma_start3A_1412 = tpu.memref_slice %arg6[%dma_start3A_1410, %dma_start3A_1411] : memref<512x64xf32, #tpu.memory_space<vmem>> -> memref<1x64xf32, #tpu.memory_space<vmem>>
    %dma_start3A_1413 = arith.constant 0 : i32
    %dma_start3A_1414 = tpu.memref_slice %arg2[%squeeze3A_1404, %dma_start3A_1413] : memref<1000000x64xf32, #tpu.memory_space<hbm>> -> memref<1x64xf32, #tpu.memory_space<hbm>>
    tpu.enqueue_dma source(%dma_start3A_1414 : memref<1x64xf32, #tpu.memory_space<hbm>>) target(%dma_start3A_1412 : memref<1x64xf32, #tpu.memory_space<vmem>>) target_semaphore(%arg8 : memref<!tpu.dma_semaphore, #tpu.memory_space<semaphore_mem>>)
    %slice3A_1415 = vector.extract_strided_slice %get3A_1366 {offsets = [4], sizes = [1], strides = [1]} : vector<16xi32> to vector<1xi32>
    %squeeze3A_1416 = vector.extract %slice3A_1415[0] : i32 from vector<1xi32>
    %dma_start3A_1417 = arith.constant 116 : i32
    %dma_start3A_1418 = arith.constant 0 : i32
    %dma_start3A_1419 = tpu.memref_slice %arg6[%dma_start3A_1417, %dma_start3A_1418] : memref<512x64xf32, #tpu.memory_space<vmem>> -> memref<1x64xf32, #tpu.memory_space<vmem>>
    %dma_start3A_1420 = arith.constant 0 : i32
    %dma_start3A_1421 = tpu.memref_slice %arg2[%squeeze3A_1416, %dma_start3A_1420] : memref<1000000x64xf32, #tpu.memory_space<hbm>> -> memref<1x64xf32, #tpu.memory_space<hbm>>
    %dma_start3A_1422 = arith.constant 116 : i32
    %dma_start3A_1423 = arith.constant 0 : i32
    %dma_start3A_1424 = tpu.memref_slice %arg6[%dma_start3A_1422, %dma_start3A_1423] : memref<512x64xf32, #tpu.memory_space<vmem>> -> memref<1x64xf32, #tpu.memory_space<vmem>>
    %dma_start3A_1425 = arith.constant 0 : i32
    %dma_start3A_1426 = tpu.memref_slice %arg2[%squeeze3A_1416, %dma_start3A_1425] : memref<1000000x64xf32, #tpu.memory_space<hbm>> -> memref<1x64xf32, #tpu.memory_space<hbm>>
    tpu.enqueue_dma source(%dma_start3A_1426 : memref<1x64xf32, #tpu.memory_space<hbm>>) target(%dma_start3A_1424 : memref<1x64xf32, #tpu.memory_space<vmem>>) target_semaphore(%arg8 : memref<!tpu.dma_semaphore, #tpu.memory_space<semaphore_mem>>)
    %slice3A_1427 = vector.extract_strided_slice %get3A_1366 {offsets = [5], sizes = [1], strides = [1]} : vector<16xi32> to vector<1xi32>
    %squeeze3A_1428 = vector.extract %slice3A_1427[0] : i32 from vector<1xi32>
    %dma_start3A_1429 = arith.constant 117 : i32
    %dma_start3A_1430 = arith.constant 0 : i32
    %dma_start3A_1431 = tpu.memref_slice %arg6[%dma_start3A_1429, %dma_start3A_1430] : memref<512x64xf32, #tpu.memory_space<vmem>> -> memref<1x64xf32, #tpu.memory_space<vmem>>
    %dma_start3A_1432 = arith.constant 0 : i32
    %dma_start3A_1433 = tpu.memref_slice %arg2[%squeeze3A_1428, %dma_start3A_1432] : memref<1000000x64xf32, #tpu.memory_space<hbm>> -> memref<1x64xf32, #tpu.memory_space<hbm>>
    %dma_start3A_1434 = arith.constant 117 : i32
    %dma_start3A_1435 = arith.constant 0 : i32
    %dma_start3A_1436 = tpu.memref_slice %arg6[%dma_start3A_1434, %dma_start3A_1435] : memref<512x64xf32, #tpu.memory_space<vmem>> -> memref<1x64xf32, #tpu.memory_space<vmem>>
    %dma_start3A_1437 = arith.constant 0 : i32
    %dma_start3A_1438 = tpu.memref_slice %arg2[%squeeze3A_1428, %dma_start3A_1437] : memref<1000000x64xf32, #tpu.memory_space<hbm>> -> memref<1x64xf32, #tpu.memory_space<hbm>>
    tpu.enqueue_dma source(%dma_start3A_1438 : memref<1x64xf32, #tpu.memory_space<hbm>>) target(%dma_start3A_1436 : memref<1x64xf32, #tpu.memory_space<vmem>>) target_semaphore(%arg8 : memref<!tpu.dma_semaphore, #tpu.memory_space<semaphore_mem>>)
    %slice3A_1439 = vector.extract_strided_slice %get3A_1366 {offsets = [6], sizes = [1], strides = [1]} : vector<16xi32> to vector<1xi32>
    %squeeze3A_1440 = vector.extract %slice3A_1439[0] : i32 from vector<1xi32>
    %dma_start3A_1441 = arith.constant 118 : i32
    %dma_start3A_1442 = arith.constant 0 : i32
    %dma_start3A_1443 = tpu.memref_slice %arg6[%dma_start3A_1441, %dma_start3A_1442] : memref<512x64xf32, #tpu.memory_space<vmem>> -> memref<1x64xf32, #tpu.memory_space<vmem>>
    %dma_start3A_1444 = arith.constant 0 : i32
    %dma_start3A_1445 = tpu.memref_slice %arg2[%squeeze3A_1440, %dma_start3A_1444] : memref<1000000x64xf32, #tpu.memory_space<hbm>> -> memref<1x64xf32, #tpu.memory_space<hbm>>
    %dma_start3A_1446 = arith.constant 118 : i32
    %dma_start3A_1447 = arith.constant 0 : i32
    %dma_start3A_1448 = tpu.memref_slice %arg6[%dma_start3A_1446, %dma_start3A_1447] : memref<512x64xf32, #tpu.memory_space<vmem>> -> memref<1x64xf32, #tpu.memory_space<vmem>>
    %dma_start3A_1449 = arith.constant 0 : i32
    %dma_start3A_1450 = tpu.memref_slice %arg2[%squeeze3A_1440, %dma_start3A_1449] : memref<1000000x64xf32, #tpu.memory_space<hbm>> -> memref<1x64xf32, #tpu.memory_space<hbm>>
    tpu.enqueue_dma source(%dma_start3A_1450 : memref<1x64xf32, #tpu.memory_space<hbm>>) target(%dma_start3A_1448 : memref<1x64xf32, #tpu.memory_space<vmem>>) target_semaphore(%arg8 : memref<!tpu.dma_semaphore, #tpu.memory_space<semaphore_mem>>)
    %slice3A_1451 = vector.extract_strided_slice %get3A_1366 {offsets = [7], sizes = [1], strides = [1]} : vector<16xi32> to vector<1xi32>
    %squeeze3A_1452 = vector.extract %slice3A_1451[0] : i32 from vector<1xi32>
    %dma_start3A_1453 = arith.constant 119 : i32
    %dma_start3A_1454 = arith.constant 0 : i32
    %dma_start3A_1455 = tpu.memref_slice %arg6[%dma_start3A_1453, %dma_start3A_1454] : memref<512x64xf32, #tpu.memory_space<vmem>> -> memref<1x64xf32, #tpu.memory_space<vmem>>
    %dma_start3A_1456 = arith.constant 0 : i32
    %dma_start3A_1457 = tpu.memref_slice %arg2[%squeeze3A_1452, %dma_start3A_1456] : memref<1000000x64xf32, #tpu.memory_space<hbm>> -> memref<1x64xf32, #tpu.memory_space<hbm>>
    %dma_start3A_1458 = arith.constant 119 : i32
    %dma_start3A_1459 = arith.constant 0 : i32
    %dma_start3A_1460 = tpu.memref_slice %arg6[%dma_start3A_1458, %dma_start3A_1459] : memref<512x64xf32, #tpu.memory_space<vmem>> -> memref<1x64xf32, #tpu.memory_space<vmem>>
    %dma_start3A_1461 = arith.constant 0 : i32
    %dma_start3A_1462 = tpu.memref_slice %arg2[%squeeze3A_1452, %dma_start3A_1461] : memref<1000000x64xf32, #tpu.memory_space<hbm>> -> memref<1x64xf32, #tpu.memory_space<hbm>>
    tpu.enqueue_dma source(%dma_start3A_1462 : memref<1x64xf32, #tpu.memory_space<hbm>>) target(%dma_start3A_1460 : memref<1x64xf32, #tpu.memory_space<vmem>>) target_semaphore(%arg8 : memref<!tpu.dma_semaphore, #tpu.memory_space<semaphore_mem>>)
    %slice3A_1463 = vector.extract_strided_slice %get3A_1366 {offsets = [8], sizes = [1], strides = [1]} : vector<16xi32> to vector<1xi32>
    %squeeze3A_1464 = vector.extract %slice3A_1463[0] : i32 from vector<1xi32>
    %dma_start3A_1465 = arith.constant 120 : i32
    %dma_start3A_1466 = arith.constant 0 : i32
    %dma_start3A_1467 = tpu.memref_slice %arg6[%dma_start3A_1465, %dma_start3A_1466] : memref<512x64xf32, #tpu.memory_space<vmem>> -> memref<1x64xf32, #tpu.memory_space<vmem>>
    %dma_start3A_1468 = arith.constant 0 : i32
    %dma_start3A_1469 = tpu.memref_slice %arg2[%squeeze3A_1464, %dma_start3A_1468] : memref<1000000x64xf32, #tpu.memory_space<hbm>> -> memref<1x64xf32, #tpu.memory_space<hbm>>
    %dma_start3A_1470 = arith.constant 120 : i32
    %dma_start3A_1471 = arith.constant 0 : i32
    %dma_start3A_1472 = tpu.memref_slice %arg6[%dma_start3A_1470, %dma_start3A_1471] : memref<512x64xf32, #tpu.memory_space<vmem>> -> memref<1x64xf32, #tpu.memory_space<vmem>>
    %dma_start3A_1473 = arith.constant 0 : i32
    %dma_start3A_1474 = tpu.memref_slice %arg2[%squeeze3A_1464, %dma_start3A_1473] : memref<1000000x64xf32, #tpu.memory_space<hbm>> -> memref<1x64xf32, #tpu.memory_space<hbm>>
    tpu.enqueue_dma source(%dma_start3A_1474 : memref<1x64xf32, #tpu.memory_space<hbm>>) target(%dma_start3A_1472 : memref<1x64xf32, #tpu.memory_space<vmem>>) target_semaphore(%arg8 : memref<!tpu.dma_semaphore, #tpu.memory_space<semaphore_mem>>)
    %slice3A_1475 = vector.extract_strided_slice %get3A_1366 {offsets = [9], sizes = [1], strides = [1]} : vector<16xi32> to vector<1xi32>
    %squeeze3A_1476 = vector.extract %slice3A_1475[0] : i32 from vector<1xi32>
    %dma_start3A_1477 = arith.constant 121 : i32
    %dma_start3A_1478 = arith.constant 0 : i32
    %dma_start3A_1479 = tpu.memref_slice %arg6[%dma_start3A_1477, %dma_start3A_1478] : memref<512x64xf32, #tpu.memory_space<vmem>> -> memref<1x64xf32, #tpu.memory_space<vmem>>
    %dma_start3A_1480 = arith.constant 0 : i32
    %dma_start3A_1481 = tpu.memref_slice %arg2[%squeeze3A_1476, %dma_start3A_1480] : memref<1000000x64xf32, #tpu.memory_space<hbm>> -> memref<1x64xf32, #tpu.memory_space<hbm>>
    %dma_start3A_1482 = arith.constant 121 : i32
    %dma_start3A_1483 = arith.constant 0 : i32
    %dma_start3A_1484 = tpu.memref_slice %arg6[%dma_start3A_1482, %dma_start3A_1483] : memref<512x64xf32, #tpu.memory_space<vmem>> -> memref<1x64xf32, #tpu.memory_space<vmem>>
    %dma_start3A_1485 = arith.constant 0 : i32
    %dma_start3A_1486 = tpu.memref_slice %arg2[%squeeze3A_1476, %dma_start3A_1485] : memref<1000000x64xf32, #tpu.memory_space<hbm>> -> memref<1x64xf32, #tpu.memory_space<hbm>>
    tpu.enqueue_dma source(%dma_start3A_1486 : memref<1x64xf32, #tpu.memory_space<hbm>>) target(%dma_start3A_1484 : memref<1x64xf32, #tpu.memory_space<vmem>>) target_semaphore(%arg8 : memref<!tpu.dma_semaphore, #tpu.memory_space<semaphore_mem>>)
    %slice3A_1487 = vector.extract_strided_slice %get3A_1366 {offsets = [10], sizes = [1], strides = [1]} : vector<16xi32> to vector<1xi32>
    %squeeze3A_1488 = vector.extract %slice3A_1487[0] : i32 from vector<1xi32>
    %dma_start3A_1489 = arith.constant 122 : i32
    %dma_start3A_1490 = arith.constant 0 : i32
    %dma_start3A_1491 = tpu.memref_slice %arg6[%dma_start3A_1489, %dma_start3A_1490] : memref<512x64xf32, #tpu.memory_space<vmem>> -> memref<1x64xf32, #tpu.memory_space<vmem>>
    %dma_start3A_1492 = arith.constant 0 : i32
    %dma_start3A_1493 = tpu.memref_slice %arg2[%squeeze3A_1488, %dma_start3A_1492] : memref<1000000x64xf32, #tpu.memory_space<hbm>> -> memref<1x64xf32, #tpu.memory_space<hbm>>
    %dma_start3A_1494 = arith.constant 122 : i32
    %dma_start3A_1495 = arith.constant 0 : i32
    %dma_start3A_1496 = tpu.memref_slice %arg6[%dma_start3A_1494, %dma_start3A_1495] : memref<512x64xf32, #tpu.memory_space<vmem>> -> memref<1x64xf32, #tpu.memory_space<vmem>>
    %dma_start3A_1497 = arith.constant 0 : i32
    %dma_start3A_1498 = tpu.memref_slice %arg2[%squeeze3A_1488, %dma_start3A_1497] : memref<1000000x64xf32, #tpu.memory_space<hbm>> -> memref<1x64xf32, #tpu.memory_space<hbm>>
    tpu.enqueue_dma source(%dma_start3A_1498 : memref<1x64xf32, #tpu.memory_space<hbm>>) target(%dma_start3A_1496 : memref<1x64xf32, #tpu.memory_space<vmem>>) target_semaphore(%arg8 : memref<!tpu.dma_semaphore, #tpu.memory_space<semaphore_mem>>)
    %slice3A_1499 = vector.extract_strided_slice %get3A_1366 {offsets = [11], sizes = [1], strides = [1]} : vector<16xi32> to vector<1xi32>
    %squeeze3A_1500 = vector.extract %slice3A_1499[0] : i32 from vector<1xi32>
    %dma_start3A_1501 = arith.constant 123 : i32
    %dma_start3A_1502 = arith.constant 0 : i32
    %dma_start3A_1503 = tpu.memref_slice %arg6[%dma_start3A_1501, %dma_start3A_1502] : memref<512x64xf32, #tpu.memory_space<vmem>> -> memref<1x64xf32, #tpu.memory_space<vmem>>
    %dma_start3A_1504 = arith.constant 0 : i32
    %dma_start3A_1505 = tpu.memref_slice %arg2[%squeeze3A_1500, %dma_start3A_1504] : memref<1000000x64xf32, #tpu.memory_space<hbm>> -> memref<1x64xf32, #tpu.memory_space<hbm>>
    %dma_start3A_1506 = arith.constant 123 : i32
    %dma_start3A_1507 = arith.constant 0 : i32
    %dma_start3A_1508 = tpu.memref_slice %arg6[%dma_start3A_1506, %dma_start3A_1507] : memref<512x64xf32, #tpu.memory_space<vmem>> -> memref<1x64xf32, #tpu.memory_space<vmem>>
    %dma_start3A_1509 = arith.constant 0 : i32
    %dma_start3A_1510 = tpu.memref_slice %arg2[%squeeze3A_1500, %dma_start3A_1509] : memref<1000000x64xf32, #tpu.memory_space<hbm>> -> memref<1x64xf32, #tpu.memory_space<hbm>>
    tpu.enqueue_dma source(%dma_start3A_1510 : memref<1x64xf32, #tpu.memory_space<hbm>>) target(%dma_start3A_1508 : memref<1x64xf32, #tpu.memory_space<vmem>>) target_semaphore(%arg8 : memref<!tpu.dma_semaphore, #tpu.memory_space<semaphore_mem>>)
    %slice3A_1511 = vector.extract_strided_slice %get3A_1366 {offsets = [12], sizes = [1], strides = [1]} : vector<16xi32> to vector<1xi32>
    %squeeze3A_1512 = vector.extract %slice3A_1511[0] : i32 from vector<1xi32>
    %dma_start3A_1513 = arith.constant 124 : i32
    %dma_start3A_1514 = arith.constant 0 : i32
    %dma_start3A_1515 = tpu.memref_slice %arg6[%dma_start3A_1513, %dma_start3A_1514] : memref<512x64xf32, #tpu.memory_space<vmem>> -> memref<1x64xf32, #tpu.memory_space<vmem>>
    %dma_start3A_1516 = arith.constant 0 : i32
    %dma_start3A_1517 = tpu.memref_slice %arg2[%squeeze3A_1512, %dma_start3A_1516] : memref<1000000x64xf32, #tpu.memory_space<hbm>> -> memref<1x64xf32, #tpu.memory_space<hbm>>
    %dma_start3A_1518 = arith.constant 124 : i32
    %dma_start3A_1519 = arith.constant 0 : i32
    %dma_start3A_1520 = tpu.memref_slice %arg6[%dma_start3A_1518, %dma_start3A_1519] : memref<512x64xf32, #tpu.memory_space<vmem>> -> memref<1x64xf32, #tpu.memory_space<vmem>>
    %dma_start3A_1521 = arith.constant 0 : i32
    %dma_start3A_1522 = tpu.memref_slice %arg2[%squeeze3A_1512, %dma_start3A_1521] : memref<1000000x64xf32, #tpu.memory_space<hbm>> -> memref<1x64xf32, #tpu.memory_space<hbm>>
    tpu.enqueue_dma source(%dma_start3A_1522 : memref<1x64xf32, #tpu.memory_space<hbm>>) target(%dma_start3A_1520 : memref<1x64xf32, #tpu.memory_space<vmem>>) target_semaphore(%arg8 : memref<!tpu.dma_semaphore, #tpu.memory_space<semaphore_mem>>)
    %slice3A_1523 = vector.extract_strided_slice %get3A_1366 {offsets = [13], sizes = [1], strides = [1]} : vector<16xi32> to vector<1xi32>
    %squeeze3A_1524 = vector.extract %slice3A_1523[0] : i32 from vector<1xi32>
    %dma_start3A_1525 = arith.constant 125 : i32
    %dma_start3A_1526 = arith.constant 0 : i32
    %dma_start3A_1527 = tpu.memref_slice %arg6[%dma_start3A_1525, %dma_start3A_1526] : memref<512x64xf32, #tpu.memory_space<vmem>> -> memref<1x64xf32, #tpu.memory_space<vmem>>
    %dma_start3A_1528 = arith.constant 0 : i32
    %dma_start3A_1529 = tpu.memref_slice %arg2[%squeeze3A_1524, %dma_start3A_1528] : memref<1000000x64xf32, #tpu.memory_space<hbm>> -> memref<1x64xf32, #tpu.memory_space<hbm>>
    %dma_start3A_1530 = arith.constant 125 : i32
    %dma_start3A_1531 = arith.constant 0 : i32
    %dma_start3A_1532 = tpu.memref_slice %arg6[%dma_start3A_1530, %dma_start3A_1531] : memref<512x64xf32, #tpu.memory_space<vmem>> -> memref<1x64xf32, #tpu.memory_space<vmem>>
    %dma_start3A_1533 = arith.constant 0 : i32
    %dma_start3A_1534 = tpu.memref_slice %arg2[%squeeze3A_1524, %dma_start3A_1533] : memref<1000000x64xf32, #tpu.memory_space<hbm>> -> memref<1x64xf32, #tpu.memory_space<hbm>>
    tpu.enqueue_dma source(%dma_start3A_1534 : memref<1x64xf32, #tpu.memory_space<hbm>>) target(%dma_start3A_1532 : memref<1x64xf32, #tpu.memory_space<vmem>>) target_semaphore(%arg8 : memref<!tpu.dma_semaphore, #tpu.memory_space<semaphore_mem>>)
    %slice3A_1535 = vector.extract_strided_slice %get3A_1366 {offsets = [14], sizes = [1], strides = [1]} : vector<16xi32> to vector<1xi32>
    %squeeze3A_1536 = vector.extract %slice3A_1535[0] : i32 from vector<1xi32>
    %dma_start3A_1537 = arith.constant 126 : i32
    %dma_start3A_1538 = arith.constant 0 : i32
    %dma_start3A_1539 = tpu.memref_slice %arg6[%dma_start3A_1537, %dma_start3A_1538] : memref<512x64xf32, #tpu.memory_space<vmem>> -> memref<1x64xf32, #tpu.memory_space<vmem>>
    %dma_start3A_1540 = arith.constant 0 : i32
    %dma_start3A_1541 = tpu.memref_slice %arg2[%squeeze3A_1536, %dma_start3A_1540] : memref<1000000x64xf32, #tpu.memory_space<hbm>> -> memref<1x64xf32, #tpu.memory_space<hbm>>
    %dma_start3A_1542 = arith.constant 126 : i32
    %dma_start3A_1543 = arith.constant 0 : i32
    %dma_start3A_1544 = tpu.memref_slice %arg6[%dma_start3A_1542, %dma_start3A_1543] : memref<512x64xf32, #tpu.memory_space<vmem>> -> memref<1x64xf32, #tpu.memory_space<vmem>>
    %dma_start3A_1545 = arith.constant 0 : i32
    %dma_start3A_1546 = tpu.memref_slice %arg2[%squeeze3A_1536, %dma_start3A_1545] : memref<1000000x64xf32, #tpu.memory_space<hbm>> -> memref<1x64xf32, #tpu.memory_space<hbm>>
    tpu.enqueue_dma source(%dma_start3A_1546 : memref<1x64xf32, #tpu.memory_space<hbm>>) target(%dma_start3A_1544 : memref<1x64xf32, #tpu.memory_space<vmem>>) target_semaphore(%arg8 : memref<!tpu.dma_semaphore, #tpu.memory_space<semaphore_mem>>)
    %slice3A_1547 = vector.extract_strided_slice %get3A_1366 {offsets = [15], sizes = [1], strides = [1]} : vector<16xi32> to vector<1xi32>
    %squeeze3A_1548 = vector.extract %slice3A_1547[0] : i32 from vector<1xi32>
    %dma_start3A_1549 = arith.constant 127 : i32
    %dma_start3A_1550 = arith.constant 0 : i32
    %dma_start3A_1551 = tpu.memref_slice %arg6[%dma_start3A_1549, %dma_start3A_1550] : memref<512x64xf32, #tpu.memory_space<vmem>> -> memref<1x64xf32, #tpu.memory_space<vmem>>
    %dma_start3A_1552 = arith.constant 0 : i32
    %dma_start3A_1553 = tpu.memref_slice %arg2[%squeeze3A_1548, %dma_start3A_1552] : memref<1000000x64xf32, #tpu.memory_space<hbm>> -> memref<1x64xf32, #tpu.memory_space<hbm>>
    %dma_start3A_1554 = arith.constant 127 : i32
    %dma_start3A_1555 = arith.constant 0 : i32
    %dma_start3A_1556 = tpu.memref_slice %arg6[%dma_start3A_1554, %dma_start3A_1555] : memref<512x64xf32, #tpu.memory_space<vmem>> -> memref<1x64xf32, #tpu.memory_space<vmem>>
    %dma_start3A_1557 = arith.constant 0 : i32
    %dma_start3A_1558 = tpu.memref_slice %arg2[%squeeze3A_1548, %dma_start3A_1557] : memref<1000000x64xf32, #tpu.memory_space<hbm>> -> memref<1x64xf32, #tpu.memory_space<hbm>>
    tpu.enqueue_dma source(%dma_start3A_1558 : memref<1x64xf32, #tpu.memory_space<hbm>>) target(%dma_start3A_1556 : memref<1x64xf32, #tpu.memory_space<vmem>>) target_semaphore(%arg8 : memref<!tpu.dma_semaphore, #tpu.memory_space<semaphore_mem>>)
    %scan3A = arith.constant 0 : i32
    %scan3A_1559 = arith.constant 6 : i32
    %scan3A_1560 = arith.addi %scan3A, %scan3A_1559 : i32
    %scan3A_1561 = arith.constant 1 : i32
    scf.for %scan3A_1610 = %scan3A to %scan3A_1560 step %scan3A_1561  : i32 {
      %mul3A_1611 = arith.constant 2 : i32
      %mul3A_1612 = arith.muli %mul3A_1611, %scan3A_1610 : i32
      %mul3A_1613 = arith.constant 32 : i32
      %mul3A_1614 = arith.muli %mul3A_1612, %mul3A_1613 : i32
      %dma_wait3A_1615 = arith.constant 0 : i32
      %dma_wait3A_1616 = tpu.memref_slice %arg6[%mul3A_1614, %dma_wait3A_1615] : memref<512x64xf32, #tpu.memory_space<vmem>> -> memref<32x64xf32, #tpu.memory_space<vmem>>
      %dma_wait3A_1617 = arith.constant 0 : i32
      %dma_wait3A_1618 = arith.constant 0 : i32
      %dma_wait3A_1619 = tpu.memref_slice %arg2[%dma_wait3A_1617, %dma_wait3A_1618] : memref<1000000x64xf32, #tpu.memory_space<hbm>> -> memref<32x64xf32, #tpu.memory_space<hbm>>
      %dma_wait3A_1620 = arith.constant 0 : i32
      %dma_wait3A_1621 = tpu.memref_slice %arg6[%mul3A_1614, %dma_wait3A_1620] : memref<512x64xf32, #tpu.memory_space<vmem>> -> memref<32x64xf32, #tpu.memory_space<vmem>>
      %dma_wait3A_1622 = arith.constant 0 : i32
      %dma_wait3A_1623 = arith.constant 0 : i32
      %dma_wait3A_1624 = tpu.memref_slice %arg2[%dma_wait3A_1622, %dma_wait3A_1623] : memref<1000000x64xf32, #tpu.memory_space<hbm>> -> memref<32x64xf32, #tpu.memory_space<hbm>>
      tpu.wait_dma2 semaphore(%arg7 : memref<!tpu.dma_semaphore, #tpu.memory_space<semaphore_mem>>) src(%dma_wait3A_1624 : memref<32x64xf32, #tpu.memory_space<hbm>>) dst(%dma_wait3A_1621 : memref<32x64xf32, #tpu.memory_space<vmem>>)
      %add3A_1625 = arith.constant 4 : i32
      %add3A_1626 = arith.addi %mul3A_1612, %add3A_1625 : i32
      %mul3A_1627 = arith.constant 32 : i32
      %mul3A_1628 = arith.muli %add3A_1626, %mul3A_1627 : i32
      %add3A_1629 = arith.constant 0 : i32
      %add3A_1630 = arith.addi %mul3A_1628, %add3A_1629 : i32
      %get3A_1631 = arith.index_cast %add3A_1630 : i32 to index
      %get3A_1632 = tpu.vector_load %arg5[%get3A_1631] {strides = array<i32>} : memref<512xi32, #tpu.memory_space<vmem>>, vector<16xi32>,
      %get3A_1633 = vector.shape_cast %get3A_1632 : vector<16xi32> to vector<16xi32>
      %slice3A_1634 = vector.extract_strided_slice %get3A_1633 {offsets = [0], sizes = [1], strides = [1]} : vector<16xi32> to vector<1xi32>
      %squeeze3A_1635 = vector.extract %slice3A_1634[0] : i32 from vector<1xi32>
      %add3A_1636 = arith.constant 0 : i32
      %add3A_1637 = arith.addi %mul3A_1628, %add3A_1636 : i32
      %add3A_1638 = arith.constant 0 : i32
      %add3A_1639 = arith.addi %add3A_1637, %add3A_1638 : i32
      %dma_start3A_1640 = arith.constant 0 : i32
      %dma_start3A_1641 = tpu.memref_slice %arg6[%add3A_1639, %dma_start3A_1640] : memref<512x64xf32, #tpu.memory_space<vmem>> -> memref<1x64xf32, #tpu.memory_space<vmem>>
      %dma_start3A_1642 = arith.constant 0 : i32
      %dma_start3A_1643 = tpu.memref_slice %arg2[%squeeze3A_1635, %dma_start3A_1642] : memref<1000000x64xf32, #tpu.memory_space<hbm>> -> memref<1x64xf32, #tpu.memory_space<hbm>>
      %dma_start3A_1644 = arith.constant 0 : i32
      %dma_start3A_1645 = tpu.memref_slice %arg6[%add3A_1639, %dma_start3A_1644] : memref<512x64xf32, #tpu.memory_space<vmem>> -> memref<1x64xf32, #tpu.memory_space<vmem>>
      %dma_start3A_1646 = arith.constant 0 : i32
      %dma_start3A_1647 = tpu.memref_slice %arg2[%squeeze3A_1635, %dma_start3A_1646] : memref<1000000x64xf32, #tpu.memory_space<hbm>> -> memref<1x64xf32, #tpu.memory_space<hbm>>
      tpu.enqueue_dma source(%dma_start3A_1647 : memref<1x64xf32, #tpu.memory_space<hbm>>) target(%dma_start3A_1645 : memref<1x64xf32, #tpu.memory_space<vmem>>) target_semaphore(%arg7 : memref<!tpu.dma_semaphore, #tpu.memory_space<semaphore_mem>>)
      %slice3A_1648 = vector.extract_strided_slice %get3A_1633 {offsets = [1], sizes = [1], strides = [1]} : vector<16xi32> to vector<1xi32>
      %squeeze3A_1649 = vector.extract %slice3A_1648[0] : i32 from vector<1xi32>
      %add3A_1650 = arith.constant 0 : i32
      %add3A_1651 = arith.addi %mul3A_1628, %add3A_1650 : i32
      %add3A_1652 = arith.constant 1 : i32
      %add3A_1653 = arith.addi %add3A_1651, %add3A_1652 : i32
      %dma_start3A_1654 = arith.constant 0 : i32
      %dma_start3A_1655 = tpu.memref_slice %arg6[%add3A_1653, %dma_start3A_1654] : memref<512x64xf32, #tpu.memory_space<vmem>> -> memref<1x64xf32, #tpu.memory_space<vmem>>
      %dma_start3A_1656 = arith.constant 0 : i32
      %dma_start3A_1657 = tpu.memref_slice %arg2[%squeeze3A_1649, %dma_start3A_1656] : memref<1000000x64xf32, #tpu.memory_space<hbm>> -> memref<1x64xf32, #tpu.memory_space<hbm>>
      %dma_start3A_1658 = arith.constant 0 : i32
      %dma_start3A_1659 = tpu.memref_slice %arg6[%add3A_1653, %dma_start3A_1658] : memref<512x64xf32, #tpu.memory_space<vmem>> -> memref<1x64xf32, #tpu.memory_space<vmem>>
      %dma_start3A_1660 = arith.constant 0 : i32
      %dma_start3A_1661 = tpu.memref_slice %arg2[%squeeze3A_1649, %dma_start3A_1660] : memref<1000000x64xf32, #tpu.memory_space<hbm>> -> memref<1x64xf32, #tpu.memory_space<hbm>>
      tpu.enqueue_dma source(%dma_start3A_1661 : memref<1x64xf32, #tpu.memory_space<hbm>>) target(%dma_start3A_1659 : memref<1x64xf32, #tpu.memory_space<vmem>>) target_semaphore(%arg7 : memref<!tpu.dma_semaphore, #tpu.memory_space<semaphore_mem>>)
      %slice3A_1662 = vector.extract_strided_slice %get3A_1633 {offsets = [2], sizes = [1], strides = [1]} : vector<16xi32> to vector<1xi32>
      %squeeze3A_1663 = vector.extract %slice3A_1662[0] : i32 from vector<1xi32>
      %add3A_1664 = arith.constant 0 : i32
      %add3A_1665 = arith.addi %mul3A_1628, %add3A_1664 : i32
      %add3A_1666 = arith.constant 2 : i32
      %add3A_1667 = arith.addi %add3A_1665, %add3A_1666 : i32
      %dma_start3A_1668 = arith.constant 0 : i32
      %dma_start3A_1669 = tpu.memref_slice %arg6[%add3A_1667, %dma_start3A_1668] : memref<512x64xf32, #tpu.memory_space<vmem>> -> memref<1x64xf32, #tpu.memory_space<vmem>>
      %dma_start3A_1670 = arith.constant 0 : i32
      %dma_start3A_1671 = tpu.memref_slice %arg2[%squeeze3A_1663, %dma_start3A_1670] : memref<1000000x64xf32, #tpu.memory_space<hbm>> -> memref<1x64xf32, #tpu.memory_space<hbm>>
      %dma_start3A_1672 = arith.constant 0 : i32
      %dma_start3A_1673 = tpu.memref_slice %arg6[%add3A_1667, %dma_start3A_1672] : memref<512x64xf32, #tpu.memory_space<vmem>> -> memref<1x64xf32, #tpu.memory_space<vmem>>
      %dma_start3A_1674 = arith.constant 0 : i32
      %dma_start3A_1675 = tpu.memref_slice %arg2[%squeeze3A_1663, %dma_start3A_1674] : memref<1000000x64xf32, #tpu.memory_space<hbm>> -> memref<1x64xf32, #tpu.memory_space<hbm>>
      tpu.enqueue_dma source(%dma_start3A_1675 : memref<1x64xf32, #tpu.memory_space<hbm>>) target(%dma_start3A_1673 : memref<1x64xf32, #tpu.memory_space<vmem>>) target_semaphore(%arg7 : memref<!tpu.dma_semaphore, #tpu.memory_space<semaphore_mem>>)
      %slice3A_1676 = vector.extract_strided_slice %get3A_1633 {offsets = [3], sizes = [1], strides = [1]} : vector<16xi32> to vector<1xi32>
      %squeeze3A_1677 = vector.extract %slice3A_1676[0] : i32 from vector<1xi32>
      %add3A_1678 = arith.constant 0 : i32
      %add3A_1679 = arith.addi %mul3A_1628, %add3A_1678 : i32
      %add3A_1680 = arith.constant 3 : i32
      %add3A_1681 = arith.addi %add3A_1679, %add3A_1680 : i32
      %dma_start3A_1682 = arith.constant 0 : i32
      %dma_start3A_1683 = tpu.memref_slice %arg6[%add3A_1681, %dma_start3A_1682] : memref<512x64xf32, #tpu.memory_space<vmem>> -> memref<1x64xf32, #tpu.memory_space<vmem>>
      %dma_start3A_1684 = arith.constant 0 : i32
      %dma_start3A_1685 = tpu.memref_slice %arg2[%squeeze3A_1677, %dma_start3A_1684] : memref<1000000x64xf32, #tpu.memory_space<hbm>> -> memref<1x64xf32, #tpu.memory_space<hbm>>
      %dma_start3A_1686 = arith.constant 0 : i32
      %dma_start3A_1687 = tpu.memref_slice %arg6[%add3A_1681, %dma_start3A_1686] : memref<512x64xf32, #tpu.memory_space<vmem>> -> memref<1x64xf32, #tpu.memory_space<vmem>>
      %dma_start3A_1688 = arith.constant 0 : i32
      %dma_start3A_1689 = tpu.memref_slice %arg2[%squeeze3A_1677, %dma_start3A_1688] : memref<1000000x64xf32, #tpu.memory_space<hbm>> -> memref<1x64xf32, #tpu.memory_space<hbm>>
      tpu.enqueue_dma source(%dma_start3A_1689 : memref<1x64xf32, #tpu.memory_space<hbm>>) target(%dma_start3A_1687 : memref<1x64xf32, #tpu.memory_space<vmem>>) target_semaphore(%arg7 : memref<!tpu.dma_semaphore, #tpu.memory_space<semaphore_mem>>)
      %slice3A_1690 = vector.extract_strided_slice %get3A_1633 {offsets = [4], sizes = [1], strides = [1]} : vector<16xi32> to vector<1xi32>
      %squeeze3A_1691 = vector.extract %slice3A_1690[0] : i32 from vector<1xi32>
      %add3A_1692 = arith.constant 0 : i32
      %add3A_1693 = arith.addi %mul3A_1628, %add3A_1692 : i32
      %add3A_1694 = arith.constant 4 : i32
      %add3A_1695 = arith.addi %add3A_1693, %add3A_1694 : i32
      %dma_start3A_1696 = arith.constant 0 : i32
      %dma_start3A_1697 = tpu.memref_slice %arg6[%add3A_1695, %dma_start3A_1696] : memref<512x64xf32, #tpu.memory_space<vmem>> -> memref<1x64xf32, #tpu.memory_space<vmem>>
      %dma_start3A_1698 = arith.constant 0 : i32
      %dma_start3A_1699 = tpu.memref_slice %arg2[%squeeze3A_1691, %dma_start3A_1698] : memref<1000000x64xf32, #tpu.memory_space<hbm>> -> memref<1x64xf32, #tpu.memory_space<hbm>>
      %dma_start3A_1700 = arith.constant 0 : i32
      %dma_start3A_1701 = tpu.memref_slice %arg6[%add3A_1695, %dma_start3A_1700] : memref<512x64xf32, #tpu.memory_space<vmem>> -> memref<1x64xf32, #tpu.memory_space<vmem>>
      %dma_start3A_1702 = arith.constant 0 : i32
      %dma_start3A_1703 = tpu.memref_slice %arg2[%squeeze3A_1691, %dma_start3A_1702] : memref<1000000x64xf32, #tpu.memory_space<hbm>> -> memref<1x64xf32, #tpu.memory_space<hbm>>
      tpu.enqueue_dma source(%dma_start3A_1703 : memref<1x64xf32, #tpu.memory_space<hbm>>) target(%dma_start3A_1701 : memref<1x64xf32, #tpu.memory_space<vmem>>) target_semaphore(%arg7 : memref<!tpu.dma_semaphore, #tpu.memory_space<semaphore_mem>>)
      %slice3A_1704 = vector.extract_strided_slice %get3A_1633 {offsets = [5], sizes = [1], strides = [1]} : vector<16xi32> to vector<1xi32>
      %squeeze3A_1705 = vector.extract %slice3A_1704[0] : i32 from vector<1xi32>
      %add3A_1706 = arith.constant 0 : i32
      %add3A_1707 = arith.addi %mul3A_1628, %add3A_1706 : i32
      %add3A_1708 = arith.constant 5 : i32
      %add3A_1709 = arith.addi %add3A_1707, %add3A_1708 : i32
      %dma_start3A_1710 = arith.constant 0 : i32
      %dma_start3A_1711 = tpu.memref_slice %arg6[%add3A_1709, %dma_start3A_1710] : memref<512x64xf32, #tpu.memory_space<vmem>> -> memref<1x64xf32, #tpu.memory_space<vmem>>
      %dma_start3A_1712 = arith.constant 0 : i32
      %dma_start3A_1713 = tpu.memref_slice %arg2[%squeeze3A_1705, %dma_start3A_1712] : memref<1000000x64xf32, #tpu.memory_space<hbm>> -> memref<1x64xf32, #tpu.memory_space<hbm>>
      %dma_start3A_1714 = arith.constant 0 : i32
      %dma_start3A_1715 = tpu.memref_slice %arg6[%add3A_1709, %dma_start3A_1714] : memref<512x64xf32, #tpu.memory_space<vmem>> -> memref<1x64xf32, #tpu.memory_space<vmem>>
      %dma_start3A_1716 = arith.constant 0 : i32
      %dma_start3A_1717 = tpu.memref_slice %arg2[%squeeze3A_1705, %dma_start3A_1716] : memref<1000000x64xf32, #tpu.memory_space<hbm>> -> memref<1x64xf32, #tpu.memory_space<hbm>>
      tpu.enqueue_dma source(%dma_start3A_1717 : memref<1x64xf32, #tpu.memory_space<hbm>>) target(%dma_start3A_1715 : memref<1x64xf32, #tpu.memory_space<vmem>>) target_semaphore(%arg7 : memref<!tpu.dma_semaphore, #tpu.memory_space<semaphore_mem>>)
      %slice3A_1718 = vector.extract_strided_slice %get3A_1633 {offsets = [6], sizes = [1], strides = [1]} : vector<16xi32> to vector<1xi32>
      %squeeze3A_1719 = vector.extract %slice3A_1718[0] : i32 from vector<1xi32>
      %add3A_1720 = arith.constant 0 : i32
      %add3A_1721 = arith.addi %mul3A_1628, %add3A_1720 : i32
      %add3A_1722 = arith.constant 6 : i32
      %add3A_1723 = arith.addi %add3A_1721, %add3A_1722 : i32
      %dma_start3A_1724 = arith.constant 0 : i32
      %dma_start3A_1725 = tpu.memref_slice %arg6[%add3A_1723, %dma_start3A_1724] : memref<512x64xf32, #tpu.memory_space<vmem>> -> memref<1x64xf32, #tpu.memory_space<vmem>>
      %dma_start3A_1726 = arith.constant 0 : i32
      %dma_start3A_1727 = tpu.memref_slice %arg2[%squeeze3A_1719, %dma_start3A_1726] : memref<1000000x64xf32, #tpu.memory_space<hbm>> -> memref<1x64xf32, #tpu.memory_space<hbm>>
      %dma_start3A_1728 = arith.constant 0 : i32
      %dma_start3A_1729 = tpu.memref_slice %arg6[%add3A_1723, %dma_start3A_1728] : memref<512x64xf32, #tpu.memory_space<vmem>> -> memref<1x64xf32, #tpu.memory_space<vmem>>
      %dma_start3A_1730 = arith.constant 0 : i32
      %dma_start3A_1731 = tpu.memref_slice %arg2[%squeeze3A_1719, %dma_start3A_1730] : memref<1000000x64xf32, #tpu.memory_space<hbm>> -> memref<1x64xf32, #tpu.memory_space<hbm>>
      tpu.enqueue_dma source(%dma_start3A_1731 : memref<1x64xf32, #tpu.memory_space<hbm>>) target(%dma_start3A_1729 : memref<1x64xf32, #tpu.memory_space<vmem>>) target_semaphore(%arg7 : memref<!tpu.dma_semaphore, #tpu.memory_space<semaphore_mem>>)
      %slice3A_1732 = vector.extract_strided_slice %get3A_1633 {offsets = [7], sizes = [1], strides = [1]} : vector<16xi32> to vector<1xi32>
      %squeeze3A_1733 = vector.extract %slice3A_1732[0] : i32 from vector<1xi32>
      %add3A_1734 = arith.constant 0 : i32
      %add3A_1735 = arith.addi %mul3A_1628, %add3A_1734 : i32
      %add3A_1736 = arith.constant 7 : i32
      %add3A_1737 = arith.addi %add3A_1735, %add3A_1736 : i32
      %dma_start3A_1738 = arith.constant 0 : i32
      %dma_start3A_1739 = tpu.memref_slice %arg6[%add3A_1737, %dma_start3A_1738] : memref<512x64xf32, #tpu.memory_space<vmem>> -> memref<1x64xf32, #tpu.memory_space<vmem>>
      %dma_start3A_1740 = arith.constant 0 : i32
      %dma_start3A_1741 = tpu.memref_slice %arg2[%squeeze3A_1733, %dma_start3A_1740] : memref<1000000x64xf32, #tpu.memory_space<hbm>> -> memref<1x64xf32, #tpu.memory_space<hbm>>
      %dma_start3A_1742 = arith.constant 0 : i32
      %dma_start3A_1743 = tpu.memref_slice %arg6[%add3A_1737, %dma_start3A_1742] : memref<512x64xf32, #tpu.memory_space<vmem>> -> memref<1x64xf32, #tpu.memory_space<vmem>>
      %dma_start3A_1744 = arith.constant 0 : i32
      %dma_start3A_1745 = tpu.memref_slice %arg2[%squeeze3A_1733, %dma_start3A_1744] : memref<1000000x64xf32, #tpu.memory_space<hbm>> -> memref<1x64xf32, #tpu.memory_space<hbm>>
      tpu.enqueue_dma source(%dma_start3A_1745 : memref<1x64xf32, #tpu.memory_space<hbm>>) target(%dma_start3A_1743 : memref<1x64xf32, #tpu.memory_space<vmem>>) target_semaphore(%arg7 : memref<!tpu.dma_semaphore, #tpu.memory_space<semaphore_mem>>)
      %slice3A_1746 = vector.extract_strided_slice %get3A_1633 {offsets = [8], sizes = [1], strides = [1]} : vector<16xi32> to vector<1xi32>
      %squeeze3A_1747 = vector.extract %slice3A_1746[0] : i32 from vector<1xi32>
      %add3A_1748 = arith.constant 0 : i32
      %add3A_1749 = arith.addi %mul3A_1628, %add3A_1748 : i32
      %add3A_1750 = arith.constant 8 : i32
      %add3A_1751 = arith.addi %add3A_1749, %add3A_1750 : i32
      %dma_start3A_1752 = arith.constant 0 : i32
      %dma_start3A_1753 = tpu.memref_slice %arg6[%add3A_1751, %dma_start3A_1752] : memref<512x64xf32, #tpu.memory_space<vmem>> -> memref<1x64xf32, #tpu.memory_space<vmem>>
      %dma_start3A_1754 = arith.constant 0 : i32
      %dma_start3A_1755 = tpu.memref_slice %arg2[%squeeze3A_1747, %dma_start3A_1754] : memref<1000000x64xf32, #tpu.memory_space<hbm>> -> memref<1x64xf32, #tpu.memory_space<hbm>>
      %dma_start3A_1756 = arith.constant 0 : i32
      %dma_start3A_1757 = tpu.memref_slice %arg6[%add3A_1751, %dma_start3A_1756] : memref<512x64xf32, #tpu.memory_space<vmem>> -> memref<1x64xf32, #tpu.memory_space<vmem>>
      %dma_start3A_1758 = arith.constant 0 : i32
      %dma_start3A_1759 = tpu.memref_slice %arg2[%squeeze3A_1747, %dma_start3A_1758] : memref<1000000x64xf32, #tpu.memory_space<hbm>> -> memref<1x64xf32, #tpu.memory_space<hbm>>
      tpu.enqueue_dma source(%dma_start3A_1759 : memref<1x64xf32, #tpu.memory_space<hbm>>) target(%dma_start3A_1757 : memref<1x64xf32, #tpu.memory_space<vmem>>) target_semaphore(%arg7 : memref<!tpu.dma_semaphore, #tpu.memory_space<semaphore_mem>>)
      %slice3A_1760 = vector.extract_strided_slice %get3A_1633 {offsets = [9], sizes = [1], strides = [1]} : vector<16xi32> to vector<1xi32>
      %squeeze3A_1761 = vector.extract %slice3A_1760[0] : i32 from vector<1xi32>
      %add3A_1762 = arith.constant 0 : i32
      %add3A_1763 = arith.addi %mul3A_1628, %add3A_1762 : i32
      %add3A_1764 = arith.constant 9 : i32
      %add3A_1765 = arith.addi %add3A_1763, %add3A_1764 : i32
      %dma_start3A_1766 = arith.constant 0 : i32
      %dma_start3A_1767 = tpu.memref_slice %arg6[%add3A_1765, %dma_start3A_1766] : memref<512x64xf32, #tpu.memory_space<vmem>> -> memref<1x64xf32, #tpu.memory_space<vmem>>
      %dma_start3A_1768 = arith.constant 0 : i32
      %dma_start3A_1769 = tpu.memref_slice %arg2[%squeeze3A_1761, %dma_start3A_1768] : memref<1000000x64xf32, #tpu.memory_space<hbm>> -> memref<1x64xf32, #tpu.memory_space<hbm>>
      %dma_start3A_1770 = arith.constant 0 : i32
      %dma_start3A_1771 = tpu.memref_slice %arg6[%add3A_1765, %dma_start3A_1770] : memref<512x64xf32, #tpu.memory_space<vmem>> -> memref<1x64xf32, #tpu.memory_space<vmem>>
      %dma_start3A_1772 = arith.constant 0 : i32
      %dma_start3A_1773 = tpu.memref_slice %arg2[%squeeze3A_1761, %dma_start3A_1772] : memref<1000000x64xf32, #tpu.memory_space<hbm>> -> memref<1x64xf32, #tpu.memory_space<hbm>>
      tpu.enqueue_dma source(%dma_start3A_1773 : memref<1x64xf32, #tpu.memory_space<hbm>>) target(%dma_start3A_1771 : memref<1x64xf32, #tpu.memory_space<vmem>>) target_semaphore(%arg7 : memref<!tpu.dma_semaphore, #tpu.memory_space<semaphore_mem>>)
      %slice3A_1774 = vector.extract_strided_slice %get3A_1633 {offsets = [10], sizes = [1], strides = [1]} : vector<16xi32> to vector<1xi32>
      %squeeze3A_1775 = vector.extract %slice3A_1774[0] : i32 from vector<1xi32>
      %add3A_1776 = arith.constant 0 : i32
      %add3A_1777 = arith.addi %mul3A_1628, %add3A_1776 : i32
      %add3A_1778 = arith.constant 10 : i32
      %add3A_1779 = arith.addi %add3A_1777, %add3A_1778 : i32
      %dma_start3A_1780 = arith.constant 0 : i32
      %dma_start3A_1781 = tpu.memref_slice %arg6[%add3A_1779, %dma_start3A_1780] : memref<512x64xf32, #tpu.memory_space<vmem>> -> memref<1x64xf32, #tpu.memory_space<vmem>>
      %dma_start3A_1782 = arith.constant 0 : i32
      %dma_start3A_1783 = tpu.memref_slice %arg2[%squeeze3A_1775, %dma_start3A_1782] : memref<1000000x64xf32, #tpu.memory_space<hbm>> -> memref<1x64xf32, #tpu.memory_space<hbm>>
      %dma_start3A_1784 = arith.constant 0 : i32
      %dma_start3A_1785 = tpu.memref_slice %arg6[%add3A_1779, %dma_start3A_1784] : memref<512x64xf32, #tpu.memory_space<vmem>> -> memref<1x64xf32, #tpu.memory_space<vmem>>
      %dma_start3A_1786 = arith.constant 0 : i32
      %dma_start3A_1787 = tpu.memref_slice %arg2[%squeeze3A_1775, %dma_start3A_1786] : memref<1000000x64xf32, #tpu.memory_space<hbm>> -> memref<1x64xf32, #tpu.memory_space<hbm>>
      tpu.enqueue_dma source(%dma_start3A_1787 : memref<1x64xf32, #tpu.memory_space<hbm>>) target(%dma_start3A_1785 : memref<1x64xf32, #tpu.memory_space<vmem>>) target_semaphore(%arg7 : memref<!tpu.dma_semaphore, #tpu.memory_space<semaphore_mem>>)
      %slice3A_1788 = vector.extract_strided_slice %get3A_1633 {offsets = [11], sizes = [1], strides = [1]} : vector<16xi32> to vector<1xi32>
      %squeeze3A_1789 = vector.extract %slice3A_1788[0] : i32 from vector<1xi32>
      %add3A_1790 = arith.constant 0 : i32
      %add3A_1791 = arith.addi %mul3A_1628, %add3A_1790 : i32
      %add3A_1792 = arith.constant 11 : i32
      %add3A_1793 = arith.addi %add3A_1791, %add3A_1792 : i32
      %dma_start3A_1794 = arith.constant 0 : i32
      %dma_start3A_1795 = tpu.memref_slice %arg6[%add3A_1793, %dma_start3A_1794] : memref<512x64xf32, #tpu.memory_space<vmem>> -> memref<1x64xf32, #tpu.memory_space<vmem>>
      %dma_start3A_1796 = arith.constant 0 : i32
      %dma_start3A_1797 = tpu.memref_slice %arg2[%squeeze3A_1789, %dma_start3A_1796] : memref<1000000x64xf32, #tpu.memory_space<hbm>> -> memref<1x64xf32, #tpu.memory_space<hbm>>
      %dma_start3A_1798 = arith.constant 0 : i32
      %dma_start3A_1799 = tpu.memref_slice %arg6[%add3A_1793, %dma_start3A_1798] : memref<512x64xf32, #tpu.memory_space<vmem>> -> memref<1x64xf32, #tpu.memory_space<vmem>>
      %dma_start3A_1800 = arith.constant 0 : i32
      %dma_start3A_1801 = tpu.memref_slice %arg2[%squeeze3A_1789, %dma_start3A_1800] : memref<1000000x64xf32, #tpu.memory_space<hbm>> -> memref<1x64xf32, #tpu.memory_space<hbm>>
      tpu.enqueue_dma source(%dma_start3A_1801 : memref<1x64xf32, #tpu.memory_space<hbm>>) target(%dma_start3A_1799 : memref<1x64xf32, #tpu.memory_space<vmem>>) target_semaphore(%arg7 : memref<!tpu.dma_semaphore, #tpu.memory_space<semaphore_mem>>)
      %slice3A_1802 = vector.extract_strided_slice %get3A_1633 {offsets = [12], sizes = [1], strides = [1]} : vector<16xi32> to vector<1xi32>
      %squeeze3A_1803 = vector.extract %slice3A_1802[0] : i32 from vector<1xi32>
      %add3A_1804 = arith.constant 0 : i32
      %add3A_1805 = arith.addi %mul3A_1628, %add3A_1804 : i32
      %add3A_1806 = arith.constant 12 : i32
      %add3A_1807 = arith.addi %add3A_1805, %add3A_1806 : i32
      %dma_start3A_1808 = arith.constant 0 : i32
      %dma_start3A_1809 = tpu.memref_slice %arg6[%add3A_1807, %dma_start3A_1808] : memref<512x64xf32, #tpu.memory_space<vmem>> -> memref<1x64xf32, #tpu.memory_space<vmem>>
      %dma_start3A_1810 = arith.constant 0 : i32
      %dma_start3A_1811 = tpu.memref_slice %arg2[%squeeze3A_1803, %dma_start3A_1810] : memref<1000000x64xf32, #tpu.memory_space<hbm>> -> memref<1x64xf32, #tpu.memory_space<hbm>>
      %dma_start3A_1812 = arith.constant 0 : i32
      %dma_start3A_1813 = tpu.memref_slice %arg6[%add3A_1807, %dma_start3A_1812] : memref<512x64xf32, #tpu.memory_space<vmem>> -> memref<1x64xf32, #tpu.memory_space<vmem>>
      %dma_start3A_1814 = arith.constant 0 : i32
      %dma_start3A_1815 = tpu.memref_slice %arg2[%squeeze3A_1803, %dma_start3A_1814] : memref<1000000x64xf32, #tpu.memory_space<hbm>> -> memref<1x64xf32, #tpu.memory_space<hbm>>
      tpu.enqueue_dma source(%dma_start3A_1815 : memref<1x64xf32, #tpu.memory_space<hbm>>) target(%dma_start3A_1813 : memref<1x64xf32, #tpu.memory_space<vmem>>) target_semaphore(%arg7 : memref<!tpu.dma_semaphore, #tpu.memory_space<semaphore_mem>>)
      %slice3A_1816 = vector.extract_strided_slice %get3A_1633 {offsets = [13], sizes = [1], strides = [1]} : vector<16xi32> to vector<1xi32>
      %squeeze3A_1817 = vector.extract %slice3A_1816[0] : i32 from vector<1xi32>
      %add3A_1818 = arith.constant 0 : i32
      %add3A_1819 = arith.addi %mul3A_1628, %add3A_1818 : i32
      %add3A_1820 = arith.constant 13 : i32
      %add3A_1821 = arith.addi %add3A_1819, %add3A_1820 : i32
      %dma_start3A_1822 = arith.constant 0 : i32
      %dma_start3A_1823 = tpu.memref_slice %arg6[%add3A_1821, %dma_start3A_1822] : memref<512x64xf32, #tpu.memory_space<vmem>> -> memref<1x64xf32, #tpu.memory_space<vmem>>
      %dma_start3A_1824 = arith.constant 0 : i32
      %dma_start3A_1825 = tpu.memref_slice %arg2[%squeeze3A_1817, %dma_start3A_1824] : memref<1000000x64xf32, #tpu.memory_space<hbm>> -> memref<1x64xf32, #tpu.memory_space<hbm>>
      %dma_start3A_1826 = arith.constant 0 : i32
      %dma_start3A_1827 = tpu.memref_slice %arg6[%add3A_1821, %dma_start3A_1826] : memref<512x64xf32, #tpu.memory_space<vmem>> -> memref<1x64xf32, #tpu.memory_space<vmem>>
      %dma_start3A_1828 = arith.constant 0 : i32
      %dma_start3A_1829 = tpu.memref_slice %arg2[%squeeze3A_1817, %dma_start3A_1828] : memref<1000000x64xf32, #tpu.memory_space<hbm>> -> memref<1x64xf32, #tpu.memory_space<hbm>>
      tpu.enqueue_dma source(%dma_start3A_1829 : memref<1x64xf32, #tpu.memory_space<hbm>>) target(%dma_start3A_1827 : memref<1x64xf32, #tpu.memory_space<vmem>>) target_semaphore(%arg7 : memref<!tpu.dma_semaphore, #tpu.memory_space<semaphore_mem>>)
      %slice3A_1830 = vector.extract_strided_slice %get3A_1633 {offsets = [14], sizes = [1], strides = [1]} : vector<16xi32> to vector<1xi32>
      %squeeze3A_1831 = vector.extract %slice3A_1830[0] : i32 from vector<1xi32>
      %add3A_1832 = arith.constant 0 : i32
      %add3A_1833 = arith.addi %mul3A_1628, %add3A_1832 : i32
      %add3A_1834 = arith.constant 14 : i32
      %add3A_1835 = arith.addi %add3A_1833, %add3A_1834 : i32
      %dma_start3A_1836 = arith.constant 0 : i32
      %dma_start3A_1837 = tpu.memref_slice %arg6[%add3A_1835, %dma_start3A_1836] : memref<512x64xf32, #tpu.memory_space<vmem>> -> memref<1x64xf32, #tpu.memory_space<vmem>>
      %dma_start3A_1838 = arith.constant 0 : i32
      %dma_start3A_1839 = tpu.memref_slice %arg2[%squeeze3A_1831, %dma_start3A_1838] : memref<1000000x64xf32, #tpu.memory_space<hbm>> -> memref<1x64xf32, #tpu.memory_space<hbm>>
      %dma_start3A_1840 = arith.constant 0 : i32
      %dma_start3A_1841 = tpu.memref_slice %arg6[%add3A_1835, %dma_start3A_1840] : memref<512x64xf32, #tpu.memory_space<vmem>> -> memref<1x64xf32, #tpu.memory_space<vmem>>
      %dma_start3A_1842 = arith.constant 0 : i32
      %dma_start3A_1843 = tpu.memref_slice %arg2[%squeeze3A_1831, %dma_start3A_1842] : memref<1000000x64xf32, #tpu.memory_space<hbm>> -> memref<1x64xf32, #tpu.memory_space<hbm>>
      tpu.enqueue_dma source(%dma_start3A_1843 : memref<1x64xf32, #tpu.memory_space<hbm>>) target(%dma_start3A_1841 : memref<1x64xf32, #tpu.memory_space<vmem>>) target_semaphore(%arg7 : memref<!tpu.dma_semaphore, #tpu.memory_space<semaphore_mem>>)
      %slice3A_1844 = vector.extract_strided_slice %get3A_1633 {offsets = [15], sizes = [1], strides = [1]} : vector<16xi32> to vector<1xi32>
      %squeeze3A_1845 = vector.extract %slice3A_1844[0] : i32 from vector<1xi32>
      %add3A_1846 = arith.constant 0 : i32
      %add3A_1847 = arith.addi %mul3A_1628, %add3A_1846 : i32
      %add3A_1848 = arith.constant 15 : i32
      %add3A_1849 = arith.addi %add3A_1847, %add3A_1848 : i32
      %dma_start3A_1850 = arith.constant 0 : i32
      %dma_start3A_1851 = tpu.memref_slice %arg6[%add3A_1849, %dma_start3A_1850] : memref<512x64xf32, #tpu.memory_space<vmem>> -> memref<1x64xf32, #tpu.memory_space<vmem>>
      %dma_start3A_1852 = arith.constant 0 : i32
      %dma_start3A_1853 = tpu.memref_slice %arg2[%squeeze3A_1845, %dma_start3A_1852] : memref<1000000x64xf32, #tpu.memory_space<hbm>> -> memref<1x64xf32, #tpu.memory_space<hbm>>
      %dma_start3A_1854 = arith.constant 0 : i32
      %dma_start3A_1855 = tpu.memref_slice %arg6[%add3A_1849, %dma_start3A_1854] : memref<512x64xf32, #tpu.memory_space<vmem>> -> memref<1x64xf32, #tpu.memory_space<vmem>>
      %dma_start3A_1856 = arith.constant 0 : i32
      %dma_start3A_1857 = tpu.memref_slice %arg2[%squeeze3A_1845, %dma_start3A_1856] : memref<1000000x64xf32, #tpu.memory_space<hbm>> -> memref<1x64xf32, #tpu.memory_space<hbm>>
      tpu.enqueue_dma source(%dma_start3A_1857 : memref<1x64xf32, #tpu.memory_space<hbm>>) target(%dma_start3A_1855 : memref<1x64xf32, #tpu.memory_space<vmem>>) target_semaphore(%arg7 : memref<!tpu.dma_semaphore, #tpu.memory_space<semaphore_mem>>)
      %add3A_1858 = arith.constant 16 : i32
      %add3A_1859 = arith.addi %mul3A_1628, %add3A_1858 : i32
      %get3A_1860 = arith.index_cast %add3A_1859 : i32 to index
      %get3A_1861 = tpu.vector_load %arg5[%get3A_1860] {strides = array<i32>} : memref<512xi32, #tpu.memory_space<vmem>>, vector<16xi32>,
      %get3A_1862 = vector.shape_cast %get3A_1861 : vector<16xi32> to vector<16xi32>
      %slice3A_1863 = vector.extract_strided_slice %get3A_1862 {offsets = [0], sizes = [1], strides = [1]} : vector<16xi32> to vector<1xi32>
      %squeeze3A_1864 = vector.extract %slice3A_1863[0] : i32 from vector<1xi32>
      %add3A_1865 = arith.constant 16 : i32
      %add3A_1866 = arith.addi %mul3A_1628, %add3A_1865 : i32
      %add3A_1867 = arith.constant 0 : i32
      %add3A_1868 = arith.addi %add3A_1866, %add3A_1867 : i32
      %dma_start3A_1869 = arith.constant 0 : i32
      %dma_start3A_1870 = tpu.memref_slice %arg6[%add3A_1868, %dma_start3A_1869] : memref<512x64xf32, #tpu.memory_space<vmem>> -> memref<1x64xf32, #tpu.memory_space<vmem>>
      %dma_start3A_1871 = arith.constant 0 : i32
      %dma_start3A_1872 = tpu.memref_slice %arg2[%squeeze3A_1864, %dma_start3A_1871] : memref<1000000x64xf32, #tpu.memory_space<hbm>> -> memref<1x64xf32, #tpu.memory_space<hbm>>
      %dma_start3A_1873 = arith.constant 0 : i32
      %dma_start3A_1874 = tpu.memref_slice %arg6[%add3A_1868, %dma_start3A_1873] : memref<512x64xf32, #tpu.memory_space<vmem>> -> memref<1x64xf32, #tpu.memory_space<vmem>>
      %dma_start3A_1875 = arith.constant 0 : i32
      %dma_start3A_1876 = tpu.memref_slice %arg2[%squeeze3A_1864, %dma_start3A_1875] : memref<1000000x64xf32, #tpu.memory_space<hbm>> -> memref<1x64xf32, #tpu.memory_space<hbm>>
      tpu.enqueue_dma source(%dma_start3A_1876 : memref<1x64xf32, #tpu.memory_space<hbm>>) target(%dma_start3A_1874 : memref<1x64xf32, #tpu.memory_space<vmem>>) target_semaphore(%arg7 : memref<!tpu.dma_semaphore, #tpu.memory_space<semaphore_mem>>)
      %slice3A_1877 = vector.extract_strided_slice %get3A_1862 {offsets = [1], sizes = [1], strides = [1]} : vector<16xi32> to vector<1xi32>
      %squeeze3A_1878 = vector.extract %slice3A_1877[0] : i32 from vector<1xi32>
      %add3A_1879 = arith.constant 16 : i32
      %add3A_1880 = arith.addi %mul3A_1628, %add3A_1879 : i32
      %add3A_1881 = arith.constant 1 : i32
      %add3A_1882 = arith.addi %add3A_1880, %add3A_1881 : i32
      %dma_start3A_1883 = arith.constant 0 : i32
      %dma_start3A_1884 = tpu.memref_slice %arg6[%add3A_1882, %dma_start3A_1883] : memref<512x64xf32, #tpu.memory_space<vmem>> -> memref<1x64xf32, #tpu.memory_space<vmem>>
      %dma_start3A_1885 = arith.constant 0 : i32
      %dma_start3A_1886 = tpu.memref_slice %arg2[%squeeze3A_1878, %dma_start3A_1885] : memref<1000000x64xf32, #tpu.memory_space<hbm>> -> memref<1x64xf32, #tpu.memory_space<hbm>>
      %dma_start3A_1887 = arith.constant 0 : i32
      %dma_start3A_1888 = tpu.memref_slice %arg6[%add3A_1882, %dma_start3A_1887] : memref<512x64xf32, #tpu.memory_space<vmem>> -> memref<1x64xf32, #tpu.memory_space<vmem>>
      %dma_start3A_1889 = arith.constant 0 : i32
      %dma_start3A_1890 = tpu.memref_slice %arg2[%squeeze3A_1878, %dma_start3A_1889] : memref<1000000x64xf32, #tpu.memory_space<hbm>> -> memref<1x64xf32, #tpu.memory_space<hbm>>
      tpu.enqueue_dma source(%dma_start3A_1890 : memref<1x64xf32, #tpu.memory_space<hbm>>) target(%dma_start3A_1888 : memref<1x64xf32, #tpu.memory_space<vmem>>) target_semaphore(%arg7 : memref<!tpu.dma_semaphore, #tpu.memory_space<semaphore_mem>>)
      %slice3A_1891 = vector.extract_strided_slice %get3A_1862 {offsets = [2], sizes = [1], strides = [1]} : vector<16xi32> to vector<1xi32>
      %squeeze3A_1892 = vector.extract %slice3A_1891[0] : i32 from vector<1xi32>
      %add3A_1893 = arith.constant 16 : i32
      %add3A_1894 = arith.addi %mul3A_1628, %add3A_1893 : i32
      %add3A_1895 = arith.constant 2 : i32
      %add3A_1896 = arith.addi %add3A_1894, %add3A_1895 : i32
      %dma_start3A_1897 = arith.constant 0 : i32
      %dma_start3A_1898 = tpu.memref_slice %arg6[%add3A_1896, %dma_start3A_1897] : memref<512x64xf32, #tpu.memory_space<vmem>> -> memref<1x64xf32, #tpu.memory_space<vmem>>
      %dma_start3A_1899 = arith.constant 0 : i32
      %dma_start3A_1900 = tpu.memref_slice %arg2[%squeeze3A_1892, %dma_start3A_1899] : memref<1000000x64xf32, #tpu.memory_space<hbm>> -> memref<1x64xf32, #tpu.memory_space<hbm>>
      %dma_start3A_1901 = arith.constant 0 : i32
      %dma_start3A_1902 = tpu.memref_slice %arg6[%add3A_1896, %dma_start3A_1901] : memref<512x64xf32, #tpu.memory_space<vmem>> -> memref<1x64xf32, #tpu.memory_space<vmem>>
      %dma_start3A_1903 = arith.constant 0 : i32
      %dma_start3A_1904 = tpu.memref_slice %arg2[%squeeze3A_1892, %dma_start3A_1903] : memref<1000000x64xf32, #tpu.memory_space<hbm>> -> memref<1x64xf32, #tpu.memory_space<hbm>>
      tpu.enqueue_dma source(%dma_start3A_1904 : memref<1x64xf32, #tpu.memory_space<hbm>>) target(%dma_start3A_1902 : memref<1x64xf32, #tpu.memory_space<vmem>>) target_semaphore(%arg7 : memref<!tpu.dma_semaphore, #tpu.memory_space<semaphore_mem>>)
      %slice3A_1905 = vector.extract_strided_slice %get3A_1862 {offsets = [3], sizes = [1], strides = [1]} : vector<16xi32> to vector<1xi32>
      %squeeze3A_1906 = vector.extract %slice3A_1905[0] : i32 from vector<1xi32>
      %add3A_1907 = arith.constant 16 : i32
      %add3A_1908 = arith.addi %mul3A_1628, %add3A_1907 : i32
      %add3A_1909 = arith.constant 3 : i32
      %add3A_1910 = arith.addi %add3A_1908, %add3A_1909 : i32
      %dma_start3A_1911 = arith.constant 0 : i32
      %dma_start3A_1912 = tpu.memref_slice %arg6[%add3A_1910, %dma_start3A_1911] : memref<512x64xf32, #tpu.memory_space<vmem>> -> memref<1x64xf32, #tpu.memory_space<vmem>>
      %dma_start3A_1913 = arith.constant 0 : i32
      %dma_start3A_1914 = tpu.memref_slice %arg2[%squeeze3A_1906, %dma_start3A_1913] : memref<1000000x64xf32, #tpu.memory_space<hbm>> -> memref<1x64xf32, #tpu.memory_space<hbm>>
      %dma_start3A_1915 = arith.constant 0 : i32
      %dma_start3A_1916 = tpu.memref_slice %arg6[%add3A_1910, %dma_start3A_1915] : memref<512x64xf32, #tpu.memory_space<vmem>> -> memref<1x64xf32, #tpu.memory_space<vmem>>
      %dma_start3A_1917 = arith.constant 0 : i32
      %dma_start3A_1918 = tpu.memref_slice %arg2[%squeeze3A_1906, %dma_start3A_1917] : memref<1000000x64xf32, #tpu.memory_space<hbm>> -> memref<1x64xf32, #tpu.memory_space<hbm>>
      tpu.enqueue_dma source(%dma_start3A_1918 : memref<1x64xf32, #tpu.memory_space<hbm>>) target(%dma_start3A_1916 : memref<1x64xf32, #tpu.memory_space<vmem>>) target_semaphore(%arg7 : memref<!tpu.dma_semaphore, #tpu.memory_space<semaphore_mem>>)
      %slice3A_1919 = vector.extract_strided_slice %get3A_1862 {offsets = [4], sizes = [1], strides = [1]} : vector<16xi32> to vector<1xi32>
      %squeeze3A_1920 = vector.extract %slice3A_1919[0] : i32 from vector<1xi32>
      %add3A_1921 = arith.constant 16 : i32
      %add3A_1922 = arith.addi %mul3A_1628, %add3A_1921 : i32
      %add3A_1923 = arith.constant 4 : i32
      %add3A_1924 = arith.addi %add3A_1922, %add3A_1923 : i32
      %dma_start3A_1925 = arith.constant 0 : i32
      %dma_start3A_1926 = tpu.memref_slice %arg6[%add3A_1924, %dma_start3A_1925] : memref<512x64xf32, #tpu.memory_space<vmem>> -> memref<1x64xf32, #tpu.memory_space<vmem>>
      %dma_start3A_1927 = arith.constant 0 : i32
      %dma_start3A_1928 = tpu.memref_slice %arg2[%squeeze3A_1920, %dma_start3A_1927] : memref<1000000x64xf32, #tpu.memory_space<hbm>> -> memref<1x64xf32, #tpu.memory_space<hbm>>
      %dma_start3A_1929 = arith.constant 0 : i32
      %dma_start3A_1930 = tpu.memref_slice %arg6[%add3A_1924, %dma_start3A_1929] : memref<512x64xf32, #tpu.memory_space<vmem>> -> memref<1x64xf32, #tpu.memory_space<vmem>>
      %dma_start3A_1931 = arith.constant 0 : i32
      %dma_start3A_1932 = tpu.memref_slice %arg2[%squeeze3A_1920, %dma_start3A_1931] : memref<1000000x64xf32, #tpu.memory_space<hbm>> -> memref<1x64xf32, #tpu.memory_space<hbm>>
      tpu.enqueue_dma source(%dma_start3A_1932 : memref<1x64xf32, #tpu.memory_space<hbm>>) target(%dma_start3A_1930 : memref<1x64xf32, #tpu.memory_space<vmem>>) target_semaphore(%arg7 : memref<!tpu.dma_semaphore, #tpu.memory_space<semaphore_mem>>)
      %slice3A_1933 = vector.extract_strided_slice %get3A_1862 {offsets = [5], sizes = [1], strides = [1]} : vector<16xi32> to vector<1xi32>
      %squeeze3A_1934 = vector.extract %slice3A_1933[0] : i32 from vector<1xi32>
      %add3A_1935 = arith.constant 16 : i32
      %add3A_1936 = arith.addi %mul3A_1628, %add3A_1935 : i32
      %add3A_1937 = arith.constant 5 : i32
      %add3A_1938 = arith.addi %add3A_1936, %add3A_1937 : i32
      %dma_start3A_1939 = arith.constant 0 : i32
      %dma_start3A_1940 = tpu.memref_slice %arg6[%add3A_1938, %dma_start3A_1939] : memref<512x64xf32, #tpu.memory_space<vmem>> -> memref<1x64xf32, #tpu.memory_space<vmem>>
      %dma_start3A_1941 = arith.constant 0 : i32
      %dma_start3A_1942 = tpu.memref_slice %arg2[%squeeze3A_1934, %dma_start3A_1941] : memref<1000000x64xf32, #tpu.memory_space<hbm>> -> memref<1x64xf32, #tpu.memory_space<hbm>>
      %dma_start3A_1943 = arith.constant 0 : i32
      %dma_start3A_1944 = tpu.memref_slice %arg6[%add3A_1938, %dma_start3A_1943] : memref<512x64xf32, #tpu.memory_space<vmem>> -> memref<1x64xf32, #tpu.memory_space<vmem>>
      %dma_start3A_1945 = arith.constant 0 : i32
      %dma_start3A_1946 = tpu.memref_slice %arg2[%squeeze3A_1934, %dma_start3A_1945] : memref<1000000x64xf32, #tpu.memory_space<hbm>> -> memref<1x64xf32, #tpu.memory_space<hbm>>
      tpu.enqueue_dma source(%dma_start3A_1946 : memref<1x64xf32, #tpu.memory_space<hbm>>) target(%dma_start3A_1944 : memref<1x64xf32, #tpu.memory_space<vmem>>) target_semaphore(%arg7 : memref<!tpu.dma_semaphore, #tpu.memory_space<semaphore_mem>>)
      %slice3A_1947 = vector.extract_strided_slice %get3A_1862 {offsets = [6], sizes = [1], strides = [1]} : vector<16xi32> to vector<1xi32>
      %squeeze3A_1948 = vector.extract %slice3A_1947[0] : i32 from vector<1xi32>
      %add3A_1949 = arith.constant 16 : i32
      %add3A_1950 = arith.addi %mul3A_1628, %add3A_1949 : i32
      %add3A_1951 = arith.constant 6 : i32
      %add3A_1952 = arith.addi %add3A_1950, %add3A_1951 : i32
      %dma_start3A_1953 = arith.constant 0 : i32
      %dma_start3A_1954 = tpu.memref_slice %arg6[%add3A_1952, %dma_start3A_1953] : memref<512x64xf32, #tpu.memory_space<vmem>> -> memref<1x64xf32, #tpu.memory_space<vmem>>
      %dma_start3A_1955 = arith.constant 0 : i32
      %dma_start3A_1956 = tpu.memref_slice %arg2[%squeeze3A_1948, %dma_start3A_1955] : memref<1000000x64xf32, #tpu.memory_space<hbm>> -> memref<1x64xf32, #tpu.memory_space<hbm>>
      %dma_start3A_1957 = arith.constant 0 : i32
      %dma_start3A_1958 = tpu.memref_slice %arg6[%add3A_1952, %dma_start3A_1957] : memref<512x64xf32, #tpu.memory_space<vmem>> -> memref<1x64xf32, #tpu.memory_space<vmem>>
      %dma_start3A_1959 = arith.constant 0 : i32
      %dma_start3A_1960 = tpu.memref_slice %arg2[%squeeze3A_1948, %dma_start3A_1959] : memref<1000000x64xf32, #tpu.memory_space<hbm>> -> memref<1x64xf32, #tpu.memory_space<hbm>>
      tpu.enqueue_dma source(%dma_start3A_1960 : memref<1x64xf32, #tpu.memory_space<hbm>>) target(%dma_start3A_1958 : memref<1x64xf32, #tpu.memory_space<vmem>>) target_semaphore(%arg7 : memref<!tpu.dma_semaphore, #tpu.memory_space<semaphore_mem>>)
      %slice3A_1961 = vector.extract_strided_slice %get3A_1862 {offsets = [7], sizes = [1], strides = [1]} : vector<16xi32> to vector<1xi32>
      %squeeze3A_1962 = vector.extract %slice3A_1961[0] : i32 from vector<1xi32>
      %add3A_1963 = arith.constant 16 : i32
      %add3A_1964 = arith.addi %mul3A_1628, %add3A_1963 : i32
      %add3A_1965 = arith.constant 7 : i32
      %add3A_1966 = arith.addi %add3A_1964, %add3A_1965 : i32
      %dma_start3A_1967 = arith.constant 0 : i32
      %dma_start3A_1968 = tpu.memref_slice %arg6[%add3A_1966, %dma_start3A_1967] : memref<512x64xf32, #tpu.memory_space<vmem>> -> memref<1x64xf32, #tpu.memory_space<vmem>>
      %dma_start3A_1969 = arith.constant 0 : i32
      %dma_start3A_1970 = tpu.memref_slice %arg2[%squeeze3A_1962, %dma_start3A_1969] : memref<1000000x64xf32, #tpu.memory_space<hbm>> -> memref<1x64xf32, #tpu.memory_space<hbm>>
      %dma_start3A_1971 = arith.constant 0 : i32
      %dma_start3A_1972 = tpu.memref_slice %arg6[%add3A_1966, %dma_start3A_1971] : memref<512x64xf32, #tpu.memory_space<vmem>> -> memref<1x64xf32, #tpu.memory_space<vmem>>
      %dma_start3A_1973 = arith.constant 0 : i32
      %dma_start3A_1974 = tpu.memref_slice %arg2[%squeeze3A_1962, %dma_start3A_1973] : memref<1000000x64xf32, #tpu.memory_space<hbm>> -> memref<1x64xf32, #tpu.memory_space<hbm>>
      tpu.enqueue_dma source(%dma_start3A_1974 : memref<1x64xf32, #tpu.memory_space<hbm>>) target(%dma_start3A_1972 : memref<1x64xf32, #tpu.memory_space<vmem>>) target_semaphore(%arg7 : memref<!tpu.dma_semaphore, #tpu.memory_space<semaphore_mem>>)
      %slice3A_1975 = vector.extract_strided_slice %get3A_1862 {offsets = [8], sizes = [1], strides = [1]} : vector<16xi32> to vector<1xi32>
      %squeeze3A_1976 = vector.extract %slice3A_1975[0] : i32 from vector<1xi32>
      %add3A_1977 = arith.constant 16 : i32
      %add3A_1978 = arith.addi %mul3A_1628, %add3A_1977 : i32
      %add3A_1979 = arith.constant 8 : i32
      %add3A_1980 = arith.addi %add3A_1978, %add3A_1979 : i32
      %dma_start3A_1981 = arith.constant 0 : i32
      %dma_start3A_1982 = tpu.memref_slice %arg6[%add3A_1980, %dma_start3A_1981] : memref<512x64xf32, #tpu.memory_space<vmem>> -> memref<1x64xf32, #tpu.memory_space<vmem>>
      %dma_start3A_1983 = arith.constant 0 : i32
      %dma_start3A_1984 = tpu.memref_slice %arg2[%squeeze3A_1976, %dma_start3A_1983] : memref<1000000x64xf32, #tpu.memory_space<hbm>> -> memref<1x64xf32, #tpu.memory_space<hbm>>
      %dma_start3A_1985 = arith.constant 0 : i32
      %dma_start3A_1986 = tpu.memref_slice %arg6[%add3A_1980, %dma_start3A_1985] : memref<512x64xf32, #tpu.memory_space<vmem>> -> memref<1x64xf32, #tpu.memory_space<vmem>>
      %dma_start3A_1987 = arith.constant 0 : i32
      %dma_start3A_1988 = tpu.memref_slice %arg2[%squeeze3A_1976, %dma_start3A_1987] : memref<1000000x64xf32, #tpu.memory_space<hbm>> -> memref<1x64xf32, #tpu.memory_space<hbm>>
      tpu.enqueue_dma source(%dma_start3A_1988 : memref<1x64xf32, #tpu.memory_space<hbm>>) target(%dma_start3A_1986 : memref<1x64xf32, #tpu.memory_space<vmem>>) target_semaphore(%arg7 : memref<!tpu.dma_semaphore, #tpu.memory_space<semaphore_mem>>)
      %slice3A_1989 = vector.extract_strided_slice %get3A_1862 {offsets = [9], sizes = [1], strides = [1]} : vector<16xi32> to vector<1xi32>
      %squeeze3A_1990 = vector.extract %slice3A_1989[0] : i32 from vector<1xi32>
      %add3A_1991 = arith.constant 16 : i32
      %add3A_1992 = arith.addi %mul3A_1628, %add3A_1991 : i32
      %add3A_1993 = arith.constant 9 : i32
      %add3A_1994 = arith.addi %add3A_1992, %add3A_1993 : i32
      %dma_start3A_1995 = arith.constant 0 : i32
      %dma_start3A_1996 = tpu.memref_slice %arg6[%add3A_1994, %dma_start3A_1995] : memref<512x64xf32, #tpu.memory_space<vmem>> -> memref<1x64xf32, #tpu.memory_space<vmem>>
      %dma_start3A_1997 = arith.constant 0 : i32
      %dma_start3A_1998 = tpu.memref_slice %arg2[%squeeze3A_1990, %dma_start3A_1997] : memref<1000000x64xf32, #tpu.memory_space<hbm>> -> memref<1x64xf32, #tpu.memory_space<hbm>>
      %dma_start3A_1999 = arith.constant 0 : i32
      %dma_start3A_2000 = tpu.memref_slice %arg6[%add3A_1994, %dma_start3A_1999] : memref<512x64xf32, #tpu.memory_space<vmem>> -> memref<1x64xf32, #tpu.memory_space<vmem>>
      %dma_start3A_2001 = arith.constant 0 : i32
      %dma_start3A_2002 = tpu.memref_slice %arg2[%squeeze3A_1990, %dma_start3A_2001] : memref<1000000x64xf32, #tpu.memory_space<hbm>> -> memref<1x64xf32, #tpu.memory_space<hbm>>
      tpu.enqueue_dma source(%dma_start3A_2002 : memref<1x64xf32, #tpu.memory_space<hbm>>) target(%dma_start3A_2000 : memref<1x64xf32, #tpu.memory_space<vmem>>) target_semaphore(%arg7 : memref<!tpu.dma_semaphore, #tpu.memory_space<semaphore_mem>>)
      %slice3A_2003 = vector.extract_strided_slice %get3A_1862 {offsets = [10], sizes = [1], strides = [1]} : vector<16xi32> to vector<1xi32>
      %squeeze3A_2004 = vector.extract %slice3A_2003[0] : i32 from vector<1xi32>
      %add3A_2005 = arith.constant 16 : i32
      %add3A_2006 = arith.addi %mul3A_1628, %add3A_2005 : i32
      %add3A_2007 = arith.constant 10 : i32
      %add3A_2008 = arith.addi %add3A_2006, %add3A_2007 : i32
      %dma_start3A_2009 = arith.constant 0 : i32
      %dma_start3A_2010 = tpu.memref_slice %arg6[%add3A_2008, %dma_start3A_2009] : memref<512x64xf32, #tpu.memory_space<vmem>> -> memref<1x64xf32, #tpu.memory_space<vmem>>
      %dma_start3A_2011 = arith.constant 0 : i32
      %dma_start3A_2012 = tpu.memref_slice %arg2[%squeeze3A_2004, %dma_start3A_2011] : memref<1000000x64xf32, #tpu.memory_space<hbm>> -> memref<1x64xf32, #tpu.memory_space<hbm>>
      %dma_start3A_2013 = arith.constant 0 : i32
      %dma_start3A_2014 = tpu.memref_slice %arg6[%add3A_2008, %dma_start3A_2013] : memref<512x64xf32, #tpu.memory_space<vmem>> -> memref<1x64xf32, #tpu.memory_space<vmem>>
      %dma_start3A_2015 = arith.constant 0 : i32
      %dma_start3A_2016 = tpu.memref_slice %arg2[%squeeze3A_2004, %dma_start3A_2015] : memref<1000000x64xf32, #tpu.memory_space<hbm>> -> memref<1x64xf32, #tpu.memory_space<hbm>>
      tpu.enqueue_dma source(%dma_start3A_2016 : memref<1x64xf32, #tpu.memory_space<hbm>>) target(%dma_start3A_2014 : memref<1x64xf32, #tpu.memory_space<vmem>>) target_semaphore(%arg7 : memref<!tpu.dma_semaphore, #tpu.memory_space<semaphore_mem>>)
      %slice3A_2017 = vector.extract_strided_slice %get3A_1862 {offsets = [11], sizes = [1], strides = [1]} : vector<16xi32> to vector<1xi32>
      %squeeze3A_2018 = vector.extract %slice3A_2017[0] : i32 from vector<1xi32>
      %add3A_2019 = arith.constant 16 : i32
      %add3A_2020 = arith.addi %mul3A_1628, %add3A_2019 : i32
      %add3A_2021 = arith.constant 11 : i32
      %add3A_2022 = arith.addi %add3A_2020, %add3A_2021 : i32
      %dma_start3A_2023 = arith.constant 0 : i32
      %dma_start3A_2024 = tpu.memref_slice %arg6[%add3A_2022, %dma_start3A_2023] : memref<512x64xf32, #tpu.memory_space<vmem>> -> memref<1x64xf32, #tpu.memory_space<vmem>>
      %dma_start3A_2025 = arith.constant 0 : i32
      %dma_start3A_2026 = tpu.memref_slice %arg2[%squeeze3A_2018, %dma_start3A_2025] : memref<1000000x64xf32, #tpu.memory_space<hbm>> -> memref<1x64xf32, #tpu.memory_space<hbm>>
      %dma_start3A_2027 = arith.constant 0 : i32
      %dma_start3A_2028 = tpu.memref_slice %arg6[%add3A_2022, %dma_start3A_2027] : memref<512x64xf32, #tpu.memory_space<vmem>> -> memref<1x64xf32, #tpu.memory_space<vmem>>
      %dma_start3A_2029 = arith.constant 0 : i32
      %dma_start3A_2030 = tpu.memref_slice %arg2[%squeeze3A_2018, %dma_start3A_2029] : memref<1000000x64xf32, #tpu.memory_space<hbm>> -> memref<1x64xf32, #tpu.memory_space<hbm>>
      tpu.enqueue_dma source(%dma_start3A_2030 : memref<1x64xf32, #tpu.memory_space<hbm>>) target(%dma_start3A_2028 : memref<1x64xf32, #tpu.memory_space<vmem>>) target_semaphore(%arg7 : memref<!tpu.dma_semaphore, #tpu.memory_space<semaphore_mem>>)
      %slice3A_2031 = vector.extract_strided_slice %get3A_1862 {offsets = [12], sizes = [1], strides = [1]} : vector<16xi32> to vector<1xi32>
      %squeeze3A_2032 = vector.extract %slice3A_2031[0] : i32 from vector<1xi32>
      %add3A_2033 = arith.constant 16 : i32
      %add3A_2034 = arith.addi %mul3A_1628, %add3A_2033 : i32
      %add3A_2035 = arith.constant 12 : i32
      %add3A_2036 = arith.addi %add3A_2034, %add3A_2035 : i32
      %dma_start3A_2037 = arith.constant 0 : i32
      %dma_start3A_2038 = tpu.memref_slice %arg6[%add3A_2036, %dma_start3A_2037] : memref<512x64xf32, #tpu.memory_space<vmem>> -> memref<1x64xf32, #tpu.memory_space<vmem>>
      %dma_start3A_2039 = arith.constant 0 : i32
      %dma_start3A_2040 = tpu.memref_slice %arg2[%squeeze3A_2032, %dma_start3A_2039] : memref<1000000x64xf32, #tpu.memory_space<hbm>> -> memref<1x64xf32, #tpu.memory_space<hbm>>
      %dma_start3A_2041 = arith.constant 0 : i32
      %dma_start3A_2042 = tpu.memref_slice %arg6[%add3A_2036, %dma_start3A_2041] : memref<512x64xf32, #tpu.memory_space<vmem>> -> memref<1x64xf32, #tpu.memory_space<vmem>>
      %dma_start3A_2043 = arith.constant 0 : i32
      %dma_start3A_2044 = tpu.memref_slice %arg2[%squeeze3A_2032, %dma_start3A_2043] : memref<1000000x64xf32, #tpu.memory_space<hbm>> -> memref<1x64xf32, #tpu.memory_space<hbm>>
      tpu.enqueue_dma source(%dma_start3A_2044 : memref<1x64xf32, #tpu.memory_space<hbm>>) target(%dma_start3A_2042 : memref<1x64xf32, #tpu.memory_space<vmem>>) target_semaphore(%arg7 : memref<!tpu.dma_semaphore, #tpu.memory_space<semaphore_mem>>)
      %slice3A_2045 = vector.extract_strided_slice %get3A_1862 {offsets = [13], sizes = [1], strides = [1]} : vector<16xi32> to vector<1xi32>
      %squeeze3A_2046 = vector.extract %slice3A_2045[0] : i32 from vector<1xi32>
      %add3A_2047 = arith.constant 16 : i32
      %add3A_2048 = arith.addi %mul3A_1628, %add3A_2047 : i32
      %add3A_2049 = arith.constant 13 : i32
      %add3A_2050 = arith.addi %add3A_2048, %add3A_2049 : i32
      %dma_start3A_2051 = arith.constant 0 : i32
      %dma_start3A_2052 = tpu.memref_slice %arg6[%add3A_2050, %dma_start3A_2051] : memref<512x64xf32, #tpu.memory_space<vmem>> -> memref<1x64xf32, #tpu.memory_space<vmem>>
      %dma_start3A_2053 = arith.constant 0 : i32
      %dma_start3A_2054 = tpu.memref_slice %arg2[%squeeze3A_2046, %dma_start3A_2053] : memref<1000000x64xf32, #tpu.memory_space<hbm>> -> memref<1x64xf32, #tpu.memory_space<hbm>>
      %dma_start3A_2055 = arith.constant 0 : i32
      %dma_start3A_2056 = tpu.memref_slice %arg6[%add3A_2050, %dma_start3A_2055] : memref<512x64xf32, #tpu.memory_space<vmem>> -> memref<1x64xf32, #tpu.memory_space<vmem>>
      %dma_start3A_2057 = arith.constant 0 : i32
      %dma_start3A_2058 = tpu.memref_slice %arg2[%squeeze3A_2046, %dma_start3A_2057] : memref<1000000x64xf32, #tpu.memory_space<hbm>> -> memref<1x64xf32, #tpu.memory_space<hbm>>
      tpu.enqueue_dma source(%dma_start3A_2058 : memref<1x64xf32, #tpu.memory_space<hbm>>) target(%dma_start3A_2056 : memref<1x64xf32, #tpu.memory_space<vmem>>) target_semaphore(%arg7 : memref<!tpu.dma_semaphore, #tpu.memory_space<semaphore_mem>>)
      %slice3A_2059 = vector.extract_strided_slice %get3A_1862 {offsets = [14], sizes = [1], strides = [1]} : vector<16xi32> to vector<1xi32>
      %squeeze3A_2060 = vector.extract %slice3A_2059[0] : i32 from vector<1xi32>
      %add3A_2061 = arith.constant 16 : i32
      %add3A_2062 = arith.addi %mul3A_1628, %add3A_2061 : i32
      %add3A_2063 = arith.constant 14 : i32
      %add3A_2064 = arith.addi %add3A_2062, %add3A_2063 : i32
      %dma_start3A_2065 = arith.constant 0 : i32
      %dma_start3A_2066 = tpu.memref_slice %arg6[%add3A_2064, %dma_start3A_2065] : memref<512x64xf32, #tpu.memory_space<vmem>> -> memref<1x64xf32, #tpu.memory_space<vmem>>
      %dma_start3A_2067 = arith.constant 0 : i32
      %dma_start3A_2068 = tpu.memref_slice %arg2[%squeeze3A_2060, %dma_start3A_2067] : memref<1000000x64xf32, #tpu.memory_space<hbm>> -> memref<1x64xf32, #tpu.memory_space<hbm>>
      %dma_start3A_2069 = arith.constant 0 : i32
      %dma_start3A_2070 = tpu.memref_slice %arg6[%add3A_2064, %dma_start3A_2069] : memref<512x64xf32, #tpu.memory_space<vmem>> -> memref<1x64xf32, #tpu.memory_space<vmem>>
      %dma_start3A_2071 = arith.constant 0 : i32
      %dma_start3A_2072 = tpu.memref_slice %arg2[%squeeze3A_2060, %dma_start3A_2071] : memref<1000000x64xf32, #tpu.memory_space<hbm>> -> memref<1x64xf32, #tpu.memory_space<hbm>>
      tpu.enqueue_dma source(%dma_start3A_2072 : memref<1x64xf32, #tpu.memory_space<hbm>>) target(%dma_start3A_2070 : memref<1x64xf32, #tpu.memory_space<vmem>>) target_semaphore(%arg7 : memref<!tpu.dma_semaphore, #tpu.memory_space<semaphore_mem>>)
      %slice3A_2073 = vector.extract_strided_slice %get3A_1862 {offsets = [15], sizes = [1], strides = [1]} : vector<16xi32> to vector<1xi32>
      %squeeze3A_2074 = vector.extract %slice3A_2073[0] : i32 from vector<1xi32>
      %add3A_2075 = arith.constant 16 : i32
      %add3A_2076 = arith.addi %mul3A_1628, %add3A_2075 : i32
      %add3A_2077 = arith.constant 15 : i32
      %add3A_2078 = arith.addi %add3A_2076, %add3A_2077 : i32
      %dma_start3A_2079 = arith.constant 0 : i32
      %dma_start3A_2080 = tpu.memref_slice %arg6[%add3A_2078, %dma_start3A_2079] : memref<512x64xf32, #tpu.memory_space<vmem>> -> memref<1x64xf32, #tpu.memory_space<vmem>>
      %dma_start3A_2081 = arith.constant 0 : i32
      %dma_start3A_2082 = tpu.memref_slice %arg2[%squeeze3A_2074, %dma_start3A_2081] : memref<1000000x64xf32, #tpu.memory_space<hbm>> -> memref<1x64xf32, #tpu.memory_space<hbm>>
      %dma_start3A_2083 = arith.constant 0 : i32
      %dma_start3A_2084 = tpu.memref_slice %arg6[%add3A_2078, %dma_start3A_2083] : memref<512x64xf32, #tpu.memory_space<vmem>> -> memref<1x64xf32, #tpu.memory_space<vmem>>
      %dma_start3A_2085 = arith.constant 0 : i32
      %dma_start3A_2086 = tpu.memref_slice %arg2[%squeeze3A_2074, %dma_start3A_2085] : memref<1000000x64xf32, #tpu.memory_space<hbm>> -> memref<1x64xf32, #tpu.memory_space<hbm>>
      tpu.enqueue_dma source(%dma_start3A_2086 : memref<1x64xf32, #tpu.memory_space<hbm>>) target(%dma_start3A_2084 : memref<1x64xf32, #tpu.memory_space<vmem>>) target_semaphore(%arg7 : memref<!tpu.dma_semaphore, #tpu.memory_space<semaphore_mem>>)
      %add3A_2087 = arith.constant 1 : i32
      %add3A_2088 = arith.addi %mul3A_1612, %add3A_2087 : i32
      %mul3A_2089 = arith.constant 32 : i32
      %mul3A_2090 = arith.muli %add3A_2088, %mul3A_2089 : i32
      %dma_wait3A_2091 = arith.constant 0 : i32
      %dma_wait3A_2092 = tpu.memref_slice %arg6[%mul3A_2090, %dma_wait3A_2091] : memref<512x64xf32, #tpu.memory_space<vmem>> -> memref<32x64xf32, #tpu.memory_space<vmem>>
      %dma_wait3A_2093 = arith.constant 0 : i32
      %dma_wait3A_2094 = arith.constant 0 : i32
      %dma_wait3A_2095 = tpu.memref_slice %arg2[%dma_wait3A_2093, %dma_wait3A_2094] : memref<1000000x64xf32, #tpu.memory_space<hbm>> -> memref<32x64xf32, #tpu.memory_space<hbm>>
      %dma_wait3A_2096 = arith.constant 0 : i32
      %dma_wait3A_2097 = tpu.memref_slice %arg6[%mul3A_2090, %dma_wait3A_2096] : memref<512x64xf32, #tpu.memory_space<vmem>> -> memref<32x64xf32, #tpu.memory_space<vmem>>
      %dma_wait3A_2098 = arith.constant 0 : i32
      %dma_wait3A_2099 = arith.constant 0 : i32
      %dma_wait3A_2100 = tpu.memref_slice %arg2[%dma_wait3A_2098, %dma_wait3A_2099] : memref<1000000x64xf32, #tpu.memory_space<hbm>> -> memref<32x64xf32, #tpu.memory_space<hbm>>
      tpu.wait_dma2 semaphore(%arg8 : memref<!tpu.dma_semaphore, #tpu.memory_space<semaphore_mem>>) src(%dma_wait3A_2100 : memref<32x64xf32, #tpu.memory_space<hbm>>) dst(%dma_wait3A_2097 : memref<32x64xf32, #tpu.memory_space<vmem>>)
      %add3A_2101 = arith.constant 4 : i32
      %add3A_2102 = arith.addi %mul3A_1612, %add3A_2101 : i32
      %add3A_2103 = arith.constant 1 : i32
      %add3A_2104 = arith.addi %add3A_2102, %add3A_2103 : i32
      %mul3A_2105 = arith.constant 32 : i32
      %mul3A_2106 = arith.muli %add3A_2104, %mul3A_2105 : i32
      %add3A_2107 = arith.constant 0 : i32
      %add3A_2108 = arith.addi %mul3A_2106, %add3A_2107 : i32
      %get3A_2109 = arith.index_cast %add3A_2108 : i32 to index
      %get3A_2110 = tpu.vector_load %arg5[%get3A_2109] {strides = array<i32>} : memref<512xi32, #tpu.memory_space<vmem>>, vector<16xi32>,
      %get3A_2111 = vector.shape_cast %get3A_2110 : vector<16xi32> to vector<16xi32>
      %slice3A_2112 = vector.extract_strided_slice %get3A_2111 {offsets = [0], sizes = [1], strides = [1]} : vector<16xi32> to vector<1xi32>
      %squeeze3A_2113 = vector.extract %slice3A_2112[0] : i32 from vector<1xi32>
      %add3A_2114 = arith.constant 0 : i32
      %add3A_2115 = arith.addi %mul3A_2106, %add3A_2114 : i32
      %add3A_2116 = arith.constant 0 : i32
      %add3A_2117 = arith.addi %add3A_2115, %add3A_2116 : i32
      %dma_start3A_2118 = arith.constant 0 : i32
      %dma_start3A_2119 = tpu.memref_slice %arg6[%add3A_2117, %dma_start3A_2118] : memref<512x64xf32, #tpu.memory_space<vmem>> -> memref<1x64xf32, #tpu.memory_space<vmem>>
      %dma_start3A_2120 = arith.constant 0 : i32
      %dma_start3A_2121 = tpu.memref_slice %arg2[%squeeze3A_2113, %dma_start3A_2120] : memref<1000000x64xf32, #tpu.memory_space<hbm>> -> memref<1x64xf32, #tpu.memory_space<hbm>>
      %dma_start3A_2122 = arith.constant 0 : i32
      %dma_start3A_2123 = tpu.memref_slice %arg6[%add3A_2117, %dma_start3A_2122] : memref<512x64xf32, #tpu.memory_space<vmem>> -> memref<1x64xf32, #tpu.memory_space<vmem>>
      %dma_start3A_2124 = arith.constant 0 : i32
      %dma_start3A_2125 = tpu.memref_slice %arg2[%squeeze3A_2113, %dma_start3A_2124] : memref<1000000x64xf32, #tpu.memory_space<hbm>> -> memref<1x64xf32, #tpu.memory_space<hbm>>
      tpu.enqueue_dma source(%dma_start3A_2125 : memref<1x64xf32, #tpu.memory_space<hbm>>) target(%dma_start3A_2123 : memref<1x64xf32, #tpu.memory_space<vmem>>) target_semaphore(%arg8 : memref<!tpu.dma_semaphore, #tpu.memory_space<semaphore_mem>>)
      %slice3A_2126 = vector.extract_strided_slice %get3A_2111 {offsets = [1], sizes = [1], strides = [1]} : vector<16xi32> to vector<1xi32>
      %squeeze3A_2127 = vector.extract %slice3A_2126[0] : i32 from vector<1xi32>
      %add3A_2128 = arith.constant 0 : i32
      %add3A_2129 = arith.addi %mul3A_2106, %add3A_2128 : i32
      %add3A_2130 = arith.constant 1 : i32
      %add3A_2131 = arith.addi %add3A_2129, %add3A_2130 : i32
      %dma_start3A_2132 = arith.constant 0 : i32
      %dma_start3A_2133 = tpu.memref_slice %arg6[%add3A_2131, %dma_start3A_2132] : memref<512x64xf32, #tpu.memory_space<vmem>> -> memref<1x64xf32, #tpu.memory_space<vmem>>
      %dma_start3A_2134 = arith.constant 0 : i32
      %dma_start3A_2135 = tpu.memref_slice %arg2[%squeeze3A_2127, %dma_start3A_2134] : memref<1000000x64xf32, #tpu.memory_space<hbm>> -> memref<1x64xf32, #tpu.memory_space<hbm>>
      %dma_start3A_2136 = arith.constant 0 : i32
      %dma_start3A_2137 = tpu.memref_slice %arg6[%add3A_2131, %dma_start3A_2136] : memref<512x64xf32, #tpu.memory_space<vmem>> -> memref<1x64xf32, #tpu.memory_space<vmem>>
      %dma_start3A_2138 = arith.constant 0 : i32
      %dma_start3A_2139 = tpu.memref_slice %arg2[%squeeze3A_2127, %dma_start3A_2138] : memref<1000000x64xf32, #tpu.memory_space<hbm>> -> memref<1x64xf32, #tpu.memory_space<hbm>>
      tpu.enqueue_dma source(%dma_start3A_2139 : memref<1x64xf32, #tpu.memory_space<hbm>>) target(%dma_start3A_2137 : memref<1x64xf32, #tpu.memory_space<vmem>>) target_semaphore(%arg8 : memref<!tpu.dma_semaphore, #tpu.memory_space<semaphore_mem>>)
      %slice3A_2140 = vector.extract_strided_slice %get3A_2111 {offsets = [2], sizes = [1], strides = [1]} : vector<16xi32> to vector<1xi32>
      %squeeze3A_2141 = vector.extract %slice3A_2140[0] : i32 from vector<1xi32>
      %add3A_2142 = arith.constant 0 : i32
      %add3A_2143 = arith.addi %mul3A_2106, %add3A_2142 : i32
      %add3A_2144 = arith.constant 2 : i32
      %add3A_2145 = arith.addi %add3A_2143, %add3A_2144 : i32
      %dma_start3A_2146 = arith.constant 0 : i32
      %dma_start3A_2147 = tpu.memref_slice %arg6[%add3A_2145, %dma_start3A_2146] : memref<512x64xf32, #tpu.memory_space<vmem>> -> memref<1x64xf32, #tpu.memory_space<vmem>>
      %dma_start3A_2148 = arith.constant 0 : i32
      %dma_start3A_2149 = tpu.memref_slice %arg2[%squeeze3A_2141, %dma_start3A_2148] : memref<1000000x64xf32, #tpu.memory_space<hbm>> -> memref<1x64xf32, #tpu.memory_space<hbm>>
      %dma_start3A_2150 = arith.constant 0 : i32
      %dma_start3A_2151 = tpu.memref_slice %arg6[%add3A_2145, %dma_start3A_2150] : memref<512x64xf32, #tpu.memory_space<vmem>> -> memref<1x64xf32, #tpu.memory_space<vmem>>
      %dma_start3A_2152 = arith.constant 0 : i32
      %dma_start3A_2153 = tpu.memref_slice %arg2[%squeeze3A_2141, %dma_start3A_2152] : memref<1000000x64xf32, #tpu.memory_space<hbm>> -> memref<1x64xf32, #tpu.memory_space<hbm>>
      tpu.enqueue_dma source(%dma_start3A_2153 : memref<1x64xf32, #tpu.memory_space<hbm>>) target(%dma_start3A_2151 : memref<1x64xf32, #tpu.memory_space<vmem>>) target_semaphore(%arg8 : memref<!tpu.dma_semaphore, #tpu.memory_space<semaphore_mem>>)
      %slice3A_2154 = vector.extract_strided_slice %get3A_2111 {offsets = [3], sizes = [1], strides = [1]} : vector<16xi32> to vector<1xi32>
      %squeeze3A_2155 = vector.extract %slice3A_2154[0] : i32 from vector<1xi32>
      %add3A_2156 = arith.constant 0 : i32
      %add3A_2157 = arith.addi %mul3A_2106, %add3A_2156 : i32
      %add3A_2158 = arith.constant 3 : i32
      %add3A_2159 = arith.addi %add3A_2157, %add3A_2158 : i32
      %dma_start3A_2160 = arith.constant 0 : i32
      %dma_start3A_2161 = tpu.memref_slice %arg6[%add3A_2159, %dma_start3A_2160] : memref<512x64xf32, #tpu.memory_space<vmem>> -> memref<1x64xf32, #tpu.memory_space<vmem>>
      %dma_start3A_2162 = arith.constant 0 : i32
      %dma_start3A_2163 = tpu.memref_slice %arg2[%squeeze3A_2155, %dma_start3A_2162] : memref<1000000x64xf32, #tpu.memory_space<hbm>> -> memref<1x64xf32, #tpu.memory_space<hbm>>
      %dma_start3A_2164 = arith.constant 0 : i32
      %dma_start3A_2165 = tpu.memref_slice %arg6[%add3A_2159, %dma_start3A_2164] : memref<512x64xf32, #tpu.memory_space<vmem>> -> memref<1x64xf32, #tpu.memory_space<vmem>>
      %dma_start3A_2166 = arith.constant 0 : i32
      %dma_start3A_2167 = tpu.memref_slice %arg2[%squeeze3A_2155, %dma_start3A_2166] : memref<1000000x64xf32, #tpu.memory_space<hbm>> -> memref<1x64xf32, #tpu.memory_space<hbm>>
      tpu.enqueue_dma source(%dma_start3A_2167 : memref<1x64xf32, #tpu.memory_space<hbm>>) target(%dma_start3A_2165 : memref<1x64xf32, #tpu.memory_space<vmem>>) target_semaphore(%arg8 : memref<!tpu.dma_semaphore, #tpu.memory_space<semaphore_mem>>)
      %slice3A_2168 = vector.extract_strided_slice %get3A_2111 {offsets = [4], sizes = [1], strides = [1]} : vector<16xi32> to vector<1xi32>
      %squeeze3A_2169 = vector.extract %slice3A_2168[0] : i32 from vector<1xi32>
      %add3A_2170 = arith.constant 0 : i32
      %add3A_2171 = arith.addi %mul3A_2106, %add3A_2170 : i32
      %add3A_2172 = arith.constant 4 : i32
      %add3A_2173 = arith.addi %add3A_2171, %add3A_2172 : i32
      %dma_start3A_2174 = arith.constant 0 : i32
      %dma_start3A_2175 = tpu.memref_slice %arg6[%add3A_2173, %dma_start3A_2174] : memref<512x64xf32, #tpu.memory_space<vmem>> -> memref<1x64xf32, #tpu.memory_space<vmem>>
      %dma_start3A_2176 = arith.constant 0 : i32
      %dma_start3A_2177 = tpu.memref_slice %arg2[%squeeze3A_2169, %dma_start3A_2176] : memref<1000000x64xf32, #tpu.memory_space<hbm>> -> memref<1x64xf32, #tpu.memory_space<hbm>>
      %dma_start3A_2178 = arith.constant 0 : i32
      %dma_start3A_2179 = tpu.memref_slice %arg6[%add3A_2173, %dma_start3A_2178] : memref<512x64xf32, #tpu.memory_space<vmem>> -> memref<1x64xf32, #tpu.memory_space<vmem>>
      %dma_start3A_2180 = arith.constant 0 : i32
      %dma_start3A_2181 = tpu.memref_slice %arg2[%squeeze3A_2169, %dma_start3A_2180] : memref<1000000x64xf32, #tpu.memory_space<hbm>> -> memref<1x64xf32, #tpu.memory_space<hbm>>
      tpu.enqueue_dma source(%dma_start3A_2181 : memref<1x64xf32, #tpu.memory_space<hbm>>) target(%dma_start3A_2179 : memref<1x64xf32, #tpu.memory_space<vmem>>) target_semaphore(%arg8 : memref<!tpu.dma_semaphore, #tpu.memory_space<semaphore_mem>>)
      %slice3A_2182 = vector.extract_strided_slice %get3A_2111 {offsets = [5], sizes = [1], strides = [1]} : vector<16xi32> to vector<1xi32>
      %squeeze3A_2183 = vector.extract %slice3A_2182[0] : i32 from vector<1xi32>
      %add3A_2184 = arith.constant 0 : i32
      %add3A_2185 = arith.addi %mul3A_2106, %add3A_2184 : i32
      %add3A_2186 = arith.constant 5 : i32
      %add3A_2187 = arith.addi %add3A_2185, %add3A_2186 : i32
      %dma_start3A_2188 = arith.constant 0 : i32
      %dma_start3A_2189 = tpu.memref_slice %arg6[%add3A_2187, %dma_start3A_2188] : memref<512x64xf32, #tpu.memory_space<vmem>> -> memref<1x64xf32, #tpu.memory_space<vmem>>
      %dma_start3A_2190 = arith.constant 0 : i32
      %dma_start3A_2191 = tpu.memref_slice %arg2[%squeeze3A_2183, %dma_start3A_2190] : memref<1000000x64xf32, #tpu.memory_space<hbm>> -> memref<1x64xf32, #tpu.memory_space<hbm>>
      %dma_start3A_2192 = arith.constant 0 : i32
      %dma_start3A_2193 = tpu.memref_slice %arg6[%add3A_2187, %dma_start3A_2192] : memref<512x64xf32, #tpu.memory_space<vmem>> -> memref<1x64xf32, #tpu.memory_space<vmem>>
      %dma_start3A_2194 = arith.constant 0 : i32
      %dma_start3A_2195 = tpu.memref_slice %arg2[%squeeze3A_2183, %dma_start3A_2194] : memref<1000000x64xf32, #tpu.memory_space<hbm>> -> memref<1x64xf32, #tpu.memory_space<hbm>>
      tpu.enqueue_dma source(%dma_start3A_2195 : memref<1x64xf32, #tpu.memory_space<hbm>>) target(%dma_start3A_2193 : memref<1x64xf32, #tpu.memory_space<vmem>>) target_semaphore(%arg8 : memref<!tpu.dma_semaphore, #tpu.memory_space<semaphore_mem>>)
      %slice3A_2196 = vector.extract_strided_slice %get3A_2111 {offsets = [6], sizes = [1], strides = [1]} : vector<16xi32> to vector<1xi32>
      %squeeze3A_2197 = vector.extract %slice3A_2196[0] : i32 from vector<1xi32>
      %add3A_2198 = arith.constant 0 : i32
      %add3A_2199 = arith.addi %mul3A_2106, %add3A_2198 : i32
      %add3A_2200 = arith.constant 6 : i32
      %add3A_2201 = arith.addi %add3A_2199, %add3A_2200 : i32
      %dma_start3A_2202 = arith.constant 0 : i32
      %dma_start3A_2203 = tpu.memref_slice %arg6[%add3A_2201, %dma_start3A_2202] : memref<512x64xf32, #tpu.memory_space<vmem>> -> memref<1x64xf32, #tpu.memory_space<vmem>>
      %dma_start3A_2204 = arith.constant 0 : i32
      %dma_start3A_2205 = tpu.memref_slice %arg2[%squeeze3A_2197, %dma_start3A_2204] : memref<1000000x64xf32, #tpu.memory_space<hbm>> -> memref<1x64xf32, #tpu.memory_space<hbm>>
      %dma_start3A_2206 = arith.constant 0 : i32
      %dma_start3A_2207 = tpu.memref_slice %arg6[%add3A_2201, %dma_start3A_2206] : memref<512x64xf32, #tpu.memory_space<vmem>> -> memref<1x64xf32, #tpu.memory_space<vmem>>
      %dma_start3A_2208 = arith.constant 0 : i32
      %dma_start3A_2209 = tpu.memref_slice %arg2[%squeeze3A_2197, %dma_start3A_2208] : memref<1000000x64xf32, #tpu.memory_space<hbm>> -> memref<1x64xf32, #tpu.memory_space<hbm>>
      tpu.enqueue_dma source(%dma_start3A_2209 : memref<1x64xf32, #tpu.memory_space<hbm>>) target(%dma_start3A_2207 : memref<1x64xf32, #tpu.memory_space<vmem>>) target_semaphore(%arg8 : memref<!tpu.dma_semaphore, #tpu.memory_space<semaphore_mem>>)
      %slice3A_2210 = vector.extract_strided_slice %get3A_2111 {offsets = [7], sizes = [1], strides = [1]} : vector<16xi32> to vector<1xi32>
      %squeeze3A_2211 = vector.extract %slice3A_2210[0] : i32 from vector<1xi32>
      %add3A_2212 = arith.constant 0 : i32
      %add3A_2213 = arith.addi %mul3A_2106, %add3A_2212 : i32
      %add3A_2214 = arith.constant 7 : i32
      %add3A_2215 = arith.addi %add3A_2213, %add3A_2214 : i32
      %dma_start3A_2216 = arith.constant 0 : i32
      %dma_start3A_2217 = tpu.memref_slice %arg6[%add3A_2215, %dma_start3A_2216] : memref<512x64xf32, #tpu.memory_space<vmem>> -> memref<1x64xf32, #tpu.memory_space<vmem>>
      %dma_start3A_2218 = arith.constant 0 : i32
      %dma_start3A_2219 = tpu.memref_slice %arg2[%squeeze3A_2211, %dma_start3A_2218] : memref<1000000x64xf32, #tpu.memory_space<hbm>> -> memref<1x64xf32, #tpu.memory_space<hbm>>
      %dma_start3A_2220 = arith.constant 0 : i32
      %dma_start3A_2221 = tpu.memref_slice %arg6[%add3A_2215, %dma_start3A_2220] : memref<512x64xf32, #tpu.memory_space<vmem>> -> memref<1x64xf32, #tpu.memory_space<vmem>>
      %dma_start3A_2222 = arith.constant 0 : i32
      %dma_start3A_2223 = tpu.memref_slice %arg2[%squeeze3A_2211, %dma_start3A_2222] : memref<1000000x64xf32, #tpu.memory_space<hbm>> -> memref<1x64xf32, #tpu.memory_space<hbm>>
      tpu.enqueue_dma source(%dma_start3A_2223 : memref<1x64xf32, #tpu.memory_space<hbm>>) target(%dma_start3A_2221 : memref<1x64xf32, #tpu.memory_space<vmem>>) target_semaphore(%arg8 : memref<!tpu.dma_semaphore, #tpu.memory_space<semaphore_mem>>)
      %slice3A_2224 = vector.extract_strided_slice %get3A_2111 {offsets = [8], sizes = [1], strides = [1]} : vector<16xi32> to vector<1xi32>
      %squeeze3A_2225 = vector.extract %slice3A_2224[0] : i32 from vector<1xi32>
      %add3A_2226 = arith.constant 0 : i32
      %add3A_2227 = arith.addi %mul3A_2106, %add3A_2226 : i32
      %add3A_2228 = arith.constant 8 : i32
      %add3A_2229 = arith.addi %add3A_2227, %add3A_2228 : i32
      %dma_start3A_2230 = arith.constant 0 : i32
      %dma_start3A_2231 = tpu.memref_slice %arg6[%add3A_2229, %dma_start3A_2230] : memref<512x64xf32, #tpu.memory_space<vmem>> -> memref<1x64xf32, #tpu.memory_space<vmem>>
      %dma_start3A_2232 = arith.constant 0 : i32
      %dma_start3A_2233 = tpu.memref_slice %arg2[%squeeze3A_2225, %dma_start3A_2232] : memref<1000000x64xf32, #tpu.memory_space<hbm>> -> memref<1x64xf32, #tpu.memory_space<hbm>>
      %dma_start3A_2234 = arith.constant 0 : i32
      %dma_start3A_2235 = tpu.memref_slice %arg6[%add3A_2229, %dma_start3A_2234] : memref<512x64xf32, #tpu.memory_space<vmem>> -> memref<1x64xf32, #tpu.memory_space<vmem>>
      %dma_start3A_2236 = arith.constant 0 : i32
      %dma_start3A_2237 = tpu.memref_slice %arg2[%squeeze3A_2225, %dma_start3A_2236] : memref<1000000x64xf32, #tpu.memory_space<hbm>> -> memref<1x64xf32, #tpu.memory_space<hbm>>
      tpu.enqueue_dma source(%dma_start3A_2237 : memref<1x64xf32, #tpu.memory_space<hbm>>) target(%dma_start3A_2235 : memref<1x64xf32, #tpu.memory_space<vmem>>) target_semaphore(%arg8 : memref<!tpu.dma_semaphore, #tpu.memory_space<semaphore_mem>>)
      %slice3A_2238 = vector.extract_strided_slice %get3A_2111 {offsets = [9], sizes = [1], strides = [1]} : vector<16xi32> to vector<1xi32>
      %squeeze3A_2239 = vector.extract %slice3A_2238[0] : i32 from vector<1xi32>
      %add3A_2240 = arith.constant 0 : i32
      %add3A_2241 = arith.addi %mul3A_2106, %add3A_2240 : i32
      %add3A_2242 = arith.constant 9 : i32
      %add3A_2243 = arith.addi %add3A_2241, %add3A_2242 : i32
      %dma_start3A_2244 = arith.constant 0 : i32
      %dma_start3A_2245 = tpu.memref_slice %arg6[%add3A_2243, %dma_start3A_2244] : memref<512x64xf32, #tpu.memory_space<vmem>> -> memref<1x64xf32, #tpu.memory_space<vmem>>
      %dma_start3A_2246 = arith.constant 0 : i32
      %dma_start3A_2247 = tpu.memref_slice %arg2[%squeeze3A_2239, %dma_start3A_2246] : memref<1000000x64xf32, #tpu.memory_space<hbm>> -> memref<1x64xf32, #tpu.memory_space<hbm>>
      %dma_start3A_2248 = arith.constant 0 : i32
      %dma_start3A_2249 = tpu.memref_slice %arg6[%add3A_2243, %dma_start3A_2248] : memref<512x64xf32, #tpu.memory_space<vmem>> -> memref<1x64xf32, #tpu.memory_space<vmem>>
      %dma_start3A_2250 = arith.constant 0 : i32
      %dma_start3A_2251 = tpu.memref_slice %arg2[%squeeze3A_2239, %dma_start3A_2250] : memref<1000000x64xf32, #tpu.memory_space<hbm>> -> memref<1x64xf32, #tpu.memory_space<hbm>>
      tpu.enqueue_dma source(%dma_start3A_2251 : memref<1x64xf32, #tpu.memory_space<hbm>>) target(%dma_start3A_2249 : memref<1x64xf32, #tpu.memory_space<vmem>>) target_semaphore(%arg8 : memref<!tpu.dma_semaphore, #tpu.memory_space<semaphore_mem>>)
      %slice3A_2252 = vector.extract_strided_slice %get3A_2111 {offsets = [10], sizes = [1], strides = [1]} : vector<16xi32> to vector<1xi32>
      %squeeze3A_2253 = vector.extract %slice3A_2252[0] : i32 from vector<1xi32>
      %add3A_2254 = arith.constant 0 : i32
      %add3A_2255 = arith.addi %mul3A_2106, %add3A_2254 : i32
      %add3A_2256 = arith.constant 10 : i32
      %add3A_2257 = arith.addi %add3A_2255, %add3A_2256 : i32
      %dma_start3A_2258 = arith.constant 0 : i32
      %dma_start3A_2259 = tpu.memref_slice %arg6[%add3A_2257, %dma_start3A_2258] : memref<512x64xf32, #tpu.memory_space<vmem>> -> memref<1x64xf32, #tpu.memory_space<vmem>>
      %dma_start3A_2260 = arith.constant 0 : i32
      %dma_start3A_2261 = tpu.memref_slice %arg2[%squeeze3A_2253, %dma_start3A_2260] : memref<1000000x64xf32, #tpu.memory_space<hbm>> -> memref<1x64xf32, #tpu.memory_space<hbm>>
      %dma_start3A_2262 = arith.constant 0 : i32
      %dma_start3A_2263 = tpu.memref_slice %arg6[%add3A_2257, %dma_start3A_2262] : memref<512x64xf32, #tpu.memory_space<vmem>> -> memref<1x64xf32, #tpu.memory_space<vmem>>
      %dma_start3A_2264 = arith.constant 0 : i32
      %dma_start3A_2265 = tpu.memref_slice %arg2[%squeeze3A_2253, %dma_start3A_2264] : memref<1000000x64xf32, #tpu.memory_space<hbm>> -> memref<1x64xf32, #tpu.memory_space<hbm>>
      tpu.enqueue_dma source(%dma_start3A_2265 : memref<1x64xf32, #tpu.memory_space<hbm>>) target(%dma_start3A_2263 : memref<1x64xf32, #tpu.memory_space<vmem>>) target_semaphore(%arg8 : memref<!tpu.dma_semaphore, #tpu.memory_space<semaphore_mem>>)
      %slice3A_2266 = vector.extract_strided_slice %get3A_2111 {offsets = [11], sizes = [1], strides = [1]} : vector<16xi32> to vector<1xi32>
      %squeeze3A_2267 = vector.extract %slice3A_2266[0] : i32 from vector<1xi32>
      %add3A_2268 = arith.constant 0 : i32
      %add3A_2269 = arith.addi %mul3A_2106, %add3A_2268 : i32
      %add3A_2270 = arith.constant 11 : i32
      %add3A_2271 = arith.addi %add3A_2269, %add3A_2270 : i32
      %dma_start3A_2272 = arith.constant 0 : i32
      %dma_start3A_2273 = tpu.memref_slice %arg6[%add3A_2271, %dma_start3A_2272] : memref<512x64xf32, #tpu.memory_space<vmem>> -> memref<1x64xf32, #tpu.memory_space<vmem>>
      %dma_start3A_2274 = arith.constant 0 : i32
      %dma_start3A_2275 = tpu.memref_slice %arg2[%squeeze3A_2267, %dma_start3A_2274] : memref<1000000x64xf32, #tpu.memory_space<hbm>> -> memref<1x64xf32, #tpu.memory_space<hbm>>
      %dma_start3A_2276 = arith.constant 0 : i32
      %dma_start3A_2277 = tpu.memref_slice %arg6[%add3A_2271, %dma_start3A_2276] : memref<512x64xf32, #tpu.memory_space<vmem>> -> memref<1x64xf32, #tpu.memory_space<vmem>>
      %dma_start3A_2278 = arith.constant 0 : i32
      %dma_start3A_2279 = tpu.memref_slice %arg2[%squeeze3A_2267, %dma_start3A_2278] : memref<1000000x64xf32, #tpu.memory_space<hbm>> -> memref<1x64xf32, #tpu.memory_space<hbm>>
      tpu.enqueue_dma source(%dma_start3A_2279 : memref<1x64xf32, #tpu.memory_space<hbm>>) target(%dma_start3A_2277 : memref<1x64xf32, #tpu.memory_space<vmem>>) target_semaphore(%arg8 : memref<!tpu.dma_semaphore, #tpu.memory_space<semaphore_mem>>)
      %slice3A_2280 = vector.extract_strided_slice %get3A_2111 {offsets = [12], sizes = [1], strides = [1]} : vector<16xi32> to vector<1xi32>
      %squeeze3A_2281 = vector.extract %slice3A_2280[0] : i32 from vector<1xi32>
      %add3A_2282 = arith.constant 0 : i32
      %add3A_2283 = arith.addi %mul3A_2106, %add3A_2282 : i32
      %add3A_2284 = arith.constant 12 : i32
      %add3A_2285 = arith.addi %add3A_2283, %add3A_2284 : i32
      %dma_start3A_2286 = arith.constant 0 : i32
      %dma_start3A_2287 = tpu.memref_slice %arg6[%add3A_2285, %dma_start3A_2286] : memref<512x64xf32, #tpu.memory_space<vmem>> -> memref<1x64xf32, #tpu.memory_space<vmem>>
      %dma_start3A_2288 = arith.constant 0 : i32
      %dma_start3A_2289 = tpu.memref_slice %arg2[%squeeze3A_2281, %dma_start3A_2288] : memref<1000000x64xf32, #tpu.memory_space<hbm>> -> memref<1x64xf32, #tpu.memory_space<hbm>>
      %dma_start3A_2290 = arith.constant 0 : i32
      %dma_start3A_2291 = tpu.memref_slice %arg6[%add3A_2285, %dma_start3A_2290] : memref<512x64xf32, #tpu.memory_space<vmem>> -> memref<1x64xf32, #tpu.memory_space<vmem>>
      %dma_start3A_2292 = arith.constant 0 : i32
      %dma_start3A_2293 = tpu.memref_slice %arg2[%squeeze3A_2281, %dma_start3A_2292] : memref<1000000x64xf32, #tpu.memory_space<hbm>> -> memref<1x64xf32, #tpu.memory_space<hbm>>
      tpu.enqueue_dma source(%dma_start3A_2293 : memref<1x64xf32, #tpu.memory_space<hbm>>) target(%dma_start3A_2291 : memref<1x64xf32, #tpu.memory_space<vmem>>) target_semaphore(%arg8 : memref<!tpu.dma_semaphore, #tpu.memory_space<semaphore_mem>>)
      %slice3A_2294 = vector.extract_strided_slice %get3A_2111 {offsets = [13], sizes = [1], strides = [1]} : vector<16xi32> to vector<1xi32>
      %squeeze3A_2295 = vector.extract %slice3A_2294[0] : i32 from vector<1xi32>
      %add3A_2296 = arith.constant 0 : i32
      %add3A_2297 = arith.addi %mul3A_2106, %add3A_2296 : i32
      %add3A_2298 = arith.constant 13 : i32
      %add3A_2299 = arith.addi %add3A_2297, %add3A_2298 : i32
      %dma_start3A_2300 = arith.constant 0 : i32
      %dma_start3A_2301 = tpu.memref_slice %arg6[%add3A_2299, %dma_start3A_2300] : memref<512x64xf32, #tpu.memory_space<vmem>> -> memref<1x64xf32, #tpu.memory_space<vmem>>
      %dma_start3A_2302 = arith.constant 0 : i32
      %dma_start3A_2303 = tpu.memref_slice %arg2[%squeeze3A_2295, %dma_start3A_2302] : memref<1000000x64xf32, #tpu.memory_space<hbm>> -> memref<1x64xf32, #tpu.memory_space<hbm>>
      %dma_start3A_2304 = arith.constant 0 : i32
      %dma_start3A_2305 = tpu.memref_slice %arg6[%add3A_2299, %dma_start3A_2304] : memref<512x64xf32, #tpu.memory_space<vmem>> -> memref<1x64xf32, #tpu.memory_space<vmem>>
      %dma_start3A_2306 = arith.constant 0 : i32
      %dma_start3A_2307 = tpu.memref_slice %arg2[%squeeze3A_2295, %dma_start3A_2306] : memref<1000000x64xf32, #tpu.memory_space<hbm>> -> memref<1x64xf32, #tpu.memory_space<hbm>>
      tpu.enqueue_dma source(%dma_start3A_2307 : memref<1x64xf32, #tpu.memory_space<hbm>>) target(%dma_start3A_2305 : memref<1x64xf32, #tpu.memory_space<vmem>>) target_semaphore(%arg8 : memref<!tpu.dma_semaphore, #tpu.memory_space<semaphore_mem>>)
      %slice3A_2308 = vector.extract_strided_slice %get3A_2111 {offsets = [14], sizes = [1], strides = [1]} : vector<16xi32> to vector<1xi32>
      %squeeze3A_2309 = vector.extract %slice3A_2308[0] : i32 from vector<1xi32>
      %add3A_2310 = arith.constant 0 : i32
      %add3A_2311 = arith.addi %mul3A_2106, %add3A_2310 : i32
      %add3A_2312 = arith.constant 14 : i32
      %add3A_2313 = arith.addi %add3A_2311, %add3A_2312 : i32
      %dma_start3A_2314 = arith.constant 0 : i32
      %dma_start3A_2315 = tpu.memref_slice %arg6[%add3A_2313, %dma_start3A_2314] : memref<512x64xf32, #tpu.memory_space<vmem>> -> memref<1x64xf32, #tpu.memory_space<vmem>>
      %dma_start3A_2316 = arith.constant 0 : i32
      %dma_start3A_2317 = tpu.memref_slice %arg2[%squeeze3A_2309, %dma_start3A_2316] : memref<1000000x64xf32, #tpu.memory_space<hbm>> -> memref<1x64xf32, #tpu.memory_space<hbm>>
      %dma_start3A_2318 = arith.constant 0 : i32
      %dma_start3A_2319 = tpu.memref_slice %arg6[%add3A_2313, %dma_start3A_2318] : memref<512x64xf32, #tpu.memory_space<vmem>> -> memref<1x64xf32, #tpu.memory_space<vmem>>
      %dma_start3A_2320 = arith.constant 0 : i32
      %dma_start3A_2321 = tpu.memref_slice %arg2[%squeeze3A_2309, %dma_start3A_2320] : memref<1000000x64xf32, #tpu.memory_space<hbm>> -> memref<1x64xf32, #tpu.memory_space<hbm>>
      tpu.enqueue_dma source(%dma_start3A_2321 : memref<1x64xf32, #tpu.memory_space<hbm>>) target(%dma_start3A_2319 : memref<1x64xf32, #tpu.memory_space<vmem>>) target_semaphore(%arg8 : memref<!tpu.dma_semaphore, #tpu.memory_space<semaphore_mem>>)
      %slice3A_2322 = vector.extract_strided_slice %get3A_2111 {offsets = [15], sizes = [1], strides = [1]} : vector<16xi32> to vector<1xi32>
      %squeeze3A_2323 = vector.extract %slice3A_2322[0] : i32 from vector<1xi32>
      %add3A_2324 = arith.constant 0 : i32
      %add3A_2325 = arith.addi %mul3A_2106, %add3A_2324 : i32
      %add3A_2326 = arith.constant 15 : i32
      %add3A_2327 = arith.addi %add3A_2325, %add3A_2326 : i32
      %dma_start3A_2328 = arith.constant 0 : i32
      %dma_start3A_2329 = tpu.memref_slice %arg6[%add3A_2327, %dma_start3A_2328] : memref<512x64xf32, #tpu.memory_space<vmem>> -> memref<1x64xf32, #tpu.memory_space<vmem>>
      %dma_start3A_2330 = arith.constant 0 : i32
      %dma_start3A_2331 = tpu.memref_slice %arg2[%squeeze3A_2323, %dma_start3A_2330] : memref<1000000x64xf32, #tpu.memory_space<hbm>> -> memref<1x64xf32, #tpu.memory_space<hbm>>
      %dma_start3A_2332 = arith.constant 0 : i32
      %dma_start3A_2333 = tpu.memref_slice %arg6[%add3A_2327, %dma_start3A_2332] : memref<512x64xf32, #tpu.memory_space<vmem>> -> memref<1x64xf32, #tpu.memory_space<vmem>>
      %dma_start3A_2334 = arith.constant 0 : i32
      %dma_start3A_2335 = tpu.memref_slice %arg2[%squeeze3A_2323, %dma_start3A_2334] : memref<1000000x64xf32, #tpu.memory_space<hbm>> -> memref<1x64xf32, #tpu.memory_space<hbm>>
      tpu.enqueue_dma source(%dma_start3A_2335 : memref<1x64xf32, #tpu.memory_space<hbm>>) target(%dma_start3A_2333 : memref<1x64xf32, #tpu.memory_space<vmem>>) target_semaphore(%arg8 : memref<!tpu.dma_semaphore, #tpu.memory_space<semaphore_mem>>)
      %add3A_2336 = arith.constant 16 : i32
      %add3A_2337 = arith.addi %mul3A_2106, %add3A_2336 : i32
      %get3A_2338 = arith.index_cast %add3A_2337 : i32 to index
      %get3A_2339 = tpu.vector_load %arg5[%get3A_2338] {strides = array<i32>} : memref<512xi32, #tpu.memory_space<vmem>>, vector<16xi32>,
      %get3A_2340 = vector.shape_cast %get3A_2339 : vector<16xi32> to vector<16xi32>
      %slice3A_2341 = vector.extract_strided_slice %get3A_2340 {offsets = [0], sizes = [1], strides = [1]} : vector<16xi32> to vector<1xi32>
      %squeeze3A_2342 = vector.extract %slice3A_2341[0] : i32 from vector<1xi32>
      %add3A_2343 = arith.constant 16 : i32
      %add3A_2344 = arith.addi %mul3A_2106, %add3A_2343 : i32
      %add3A_2345 = arith.constant 0 : i32
      %add3A_2346 = arith.addi %add3A_2344, %add3A_2345 : i32
      %dma_start3A_2347 = arith.constant 0 : i32
      %dma_start3A_2348 = tpu.memref_slice %arg6[%add3A_2346, %dma_start3A_2347] : memref<512x64xf32, #tpu.memory_space<vmem>> -> memref<1x64xf32, #tpu.memory_space<vmem>>
      %dma_start3A_2349 = arith.constant 0 : i32
      %dma_start3A_2350 = tpu.memref_slice %arg2[%squeeze3A_2342, %dma_start3A_2349] : memref<1000000x64xf32, #tpu.memory_space<hbm>> -> memref<1x64xf32, #tpu.memory_space<hbm>>
      %dma_start3A_2351 = arith.constant 0 : i32
      %dma_start3A_2352 = tpu.memref_slice %arg6[%add3A_2346, %dma_start3A_2351] : memref<512x64xf32, #tpu.memory_space<vmem>> -> memref<1x64xf32, #tpu.memory_space<vmem>>
      %dma_start3A_2353 = arith.constant 0 : i32
      %dma_start3A_2354 = tpu.memref_slice %arg2[%squeeze3A_2342, %dma_start3A_2353] : memref<1000000x64xf32, #tpu.memory_space<hbm>> -> memref<1x64xf32, #tpu.memory_space<hbm>>
      tpu.enqueue_dma source(%dma_start3A_2354 : memref<1x64xf32, #tpu.memory_space<hbm>>) target(%dma_start3A_2352 : memref<1x64xf32, #tpu.memory_space<vmem>>) target_semaphore(%arg8 : memref<!tpu.dma_semaphore, #tpu.memory_space<semaphore_mem>>)
      %slice3A_2355 = vector.extract_strided_slice %get3A_2340 {offsets = [1], sizes = [1], strides = [1]} : vector<16xi32> to vector<1xi32>
      %squeeze3A_2356 = vector.extract %slice3A_2355[0] : i32 from vector<1xi32>
      %add3A_2357 = arith.constant 16 : i32
      %add3A_2358 = arith.addi %mul3A_2106, %add3A_2357 : i32
      %add3A_2359 = arith.constant 1 : i32
      %add3A_2360 = arith.addi %add3A_2358, %add3A_2359 : i32
      %dma_start3A_2361 = arith.constant 0 : i32
      %dma_start3A_2362 = tpu.memref_slice %arg6[%add3A_2360, %dma_start3A_2361] : memref<512x64xf32, #tpu.memory_space<vmem>> -> memref<1x64xf32, #tpu.memory_space<vmem>>
      %dma_start3A_2363 = arith.constant 0 : i32
      %dma_start3A_2364 = tpu.memref_slice %arg2[%squeeze3A_2356, %dma_start3A_2363] : memref<1000000x64xf32, #tpu.memory_space<hbm>> -> memref<1x64xf32, #tpu.memory_space<hbm>>
      %dma_start3A_2365 = arith.constant 0 : i32
      %dma_start3A_2366 = tpu.memref_slice %arg6[%add3A_2360, %dma_start3A_2365] : memref<512x64xf32, #tpu.memory_space<vmem>> -> memref<1x64xf32, #tpu.memory_space<vmem>>
      %dma_start3A_2367 = arith.constant 0 : i32
      %dma_start3A_2368 = tpu.memref_slice %arg2[%squeeze3A_2356, %dma_start3A_2367] : memref<1000000x64xf32, #tpu.memory_space<hbm>> -> memref<1x64xf32, #tpu.memory_space<hbm>>
      tpu.enqueue_dma source(%dma_start3A_2368 : memref<1x64xf32, #tpu.memory_space<hbm>>) target(%dma_start3A_2366 : memref<1x64xf32, #tpu.memory_space<vmem>>) target_semaphore(%arg8 : memref<!tpu.dma_semaphore, #tpu.memory_space<semaphore_mem>>)
      %slice3A_2369 = vector.extract_strided_slice %get3A_2340 {offsets = [2], sizes = [1], strides = [1]} : vector<16xi32> to vector<1xi32>
      %squeeze3A_2370 = vector.extract %slice3A_2369[0] : i32 from vector<1xi32>
      %add3A_2371 = arith.constant 16 : i32
      %add3A_2372 = arith.addi %mul3A_2106, %add3A_2371 : i32
      %add3A_2373 = arith.constant 2 : i32
      %add3A_2374 = arith.addi %add3A_2372, %add3A_2373 : i32
      %dma_start3A_2375 = arith.constant 0 : i32
      %dma_start3A_2376 = tpu.memref_slice %arg6[%add3A_2374, %dma_start3A_2375] : memref<512x64xf32, #tpu.memory_space<vmem>> -> memref<1x64xf32, #tpu.memory_space<vmem>>
      %dma_start3A_2377 = arith.constant 0 : i32
      %dma_start3A_2378 = tpu.memref_slice %arg2[%squeeze3A_2370, %dma_start3A_2377] : memref<1000000x64xf32, #tpu.memory_space<hbm>> -> memref<1x64xf32, #tpu.memory_space<hbm>>
      %dma_start3A_2379 = arith.constant 0 : i32
      %dma_start3A_2380 = tpu.memref_slice %arg6[%add3A_2374, %dma_start3A_2379] : memref<512x64xf32, #tpu.memory_space<vmem>> -> memref<1x64xf32, #tpu.memory_space<vmem>>
      %dma_start3A_2381 = arith.constant 0 : i32
      %dma_start3A_2382 = tpu.memref_slice %arg2[%squeeze3A_2370, %dma_start3A_2381] : memref<1000000x64xf32, #tpu.memory_space<hbm>> -> memref<1x64xf32, #tpu.memory_space<hbm>>
      tpu.enqueue_dma source(%dma_start3A_2382 : memref<1x64xf32, #tpu.memory_space<hbm>>) target(%dma_start3A_2380 : memref<1x64xf32, #tpu.memory_space<vmem>>) target_semaphore(%arg8 : memref<!tpu.dma_semaphore, #tpu.memory_space<semaphore_mem>>)
      %slice3A_2383 = vector.extract_strided_slice %get3A_2340 {offsets = [3], sizes = [1], strides = [1]} : vector<16xi32> to vector<1xi32>
      %squeeze3A_2384 = vector.extract %slice3A_2383[0] : i32 from vector<1xi32>
      %add3A_2385 = arith.constant 16 : i32
      %add3A_2386 = arith.addi %mul3A_2106, %add3A_2385 : i32
      %add3A_2387 = arith.constant 3 : i32
      %add3A_2388 = arith.addi %add3A_2386, %add3A_2387 : i32
      %dma_start3A_2389 = arith.constant 0 : i32
      %dma_start3A_2390 = tpu.memref_slice %arg6[%add3A_2388, %dma_start3A_2389] : memref<512x64xf32, #tpu.memory_space<vmem>> -> memref<1x64xf32, #tpu.memory_space<vmem>>
      %dma_start3A_2391 = arith.constant 0 : i32
      %dma_start3A_2392 = tpu.memref_slice %arg2[%squeeze3A_2384, %dma_start3A_2391] : memref<1000000x64xf32, #tpu.memory_space<hbm>> -> memref<1x64xf32, #tpu.memory_space<hbm>>
      %dma_start3A_2393 = arith.constant 0 : i32
      %dma_start3A_2394 = tpu.memref_slice %arg6[%add3A_2388, %dma_start3A_2393] : memref<512x64xf32, #tpu.memory_space<vmem>> -> memref<1x64xf32, #tpu.memory_space<vmem>>
      %dma_start3A_2395 = arith.constant 0 : i32
      %dma_start3A_2396 = tpu.memref_slice %arg2[%squeeze3A_2384, %dma_start3A_2395] : memref<1000000x64xf32, #tpu.memory_space<hbm>> -> memref<1x64xf32, #tpu.memory_space<hbm>>
      tpu.enqueue_dma source(%dma_start3A_2396 : memref<1x64xf32, #tpu.memory_space<hbm>>) target(%dma_start3A_2394 : memref<1x64xf32, #tpu.memory_space<vmem>>) target_semaphore(%arg8 : memref<!tpu.dma_semaphore, #tpu.memory_space<semaphore_mem>>)
      %slice3A_2397 = vector.extract_strided_slice %get3A_2340 {offsets = [4], sizes = [1], strides = [1]} : vector<16xi32> to vector<1xi32>
      %squeeze3A_2398 = vector.extract %slice3A_2397[0] : i32 from vector<1xi32>
      %add3A_2399 = arith.constant 16 : i32
      %add3A_2400 = arith.addi %mul3A_2106, %add3A_2399 : i32
      %add3A_2401 = arith.constant 4 : i32
      %add3A_2402 = arith.addi %add3A_2400, %add3A_2401 : i32
      %dma_start3A_2403 = arith.constant 0 : i32
      %dma_start3A_2404 = tpu.memref_slice %arg6[%add3A_2402, %dma_start3A_2403] : memref<512x64xf32, #tpu.memory_space<vmem>> -> memref<1x64xf32, #tpu.memory_space<vmem>>
      %dma_start3A_2405 = arith.constant 0 : i32
      %dma_start3A_2406 = tpu.memref_slice %arg2[%squeeze3A_2398, %dma_start3A_2405] : memref<1000000x64xf32, #tpu.memory_space<hbm>> -> memref<1x64xf32, #tpu.memory_space<hbm>>
      %dma_start3A_2407 = arith.constant 0 : i32
      %dma_start3A_2408 = tpu.memref_slice %arg6[%add3A_2402, %dma_start3A_2407] : memref<512x64xf32, #tpu.memory_space<vmem>> -> memref<1x64xf32, #tpu.memory_space<vmem>>
      %dma_start3A_2409 = arith.constant 0 : i32
      %dma_start3A_2410 = tpu.memref_slice %arg2[%squeeze3A_2398, %dma_start3A_2409] : memref<1000000x64xf32, #tpu.memory_space<hbm>> -> memref<1x64xf32, #tpu.memory_space<hbm>>
      tpu.enqueue_dma source(%dma_start3A_2410 : memref<1x64xf32, #tpu.memory_space<hbm>>) target(%dma_start3A_2408 : memref<1x64xf32, #tpu.memory_space<vmem>>) target_semaphore(%arg8 : memref<!tpu.dma_semaphore, #tpu.memory_space<semaphore_mem>>)
      %slice3A_2411 = vector.extract_strided_slice %get3A_2340 {offsets = [5], sizes = [1], strides = [1]} : vector<16xi32> to vector<1xi32>
      %squeeze3A_2412 = vector.extract %slice3A_2411[0] : i32 from vector<1xi32>
      %add3A_2413 = arith.constant 16 : i32
      %add3A_2414 = arith.addi %mul3A_2106, %add3A_2413 : i32
      %add3A_2415 = arith.constant 5 : i32
      %add3A_2416 = arith.addi %add3A_2414, %add3A_2415 : i32
      %dma_start3A_2417 = arith.constant 0 : i32
      %dma_start3A_2418 = tpu.memref_slice %arg6[%add3A_2416, %dma_start3A_2417] : memref<512x64xf32, #tpu.memory_space<vmem>> -> memref<1x64xf32, #tpu.memory_space<vmem>>
      %dma_start3A_2419 = arith.constant 0 : i32
      %dma_start3A_2420 = tpu.memref_slice %arg2[%squeeze3A_2412, %dma_start3A_2419] : memref<1000000x64xf32, #tpu.memory_space<hbm>> -> memref<1x64xf32, #tpu.memory_space<hbm>>
      %dma_start3A_2421 = arith.constant 0 : i32
      %dma_start3A_2422 = tpu.memref_slice %arg6[%add3A_2416, %dma_start3A_2421] : memref<512x64xf32, #tpu.memory_space<vmem>> -> memref<1x64xf32, #tpu.memory_space<vmem>>
      %dma_start3A_2423 = arith.constant 0 : i32
      %dma_start3A_2424 = tpu.memref_slice %arg2[%squeeze3A_2412, %dma_start3A_2423] : memref<1000000x64xf32, #tpu.memory_space<hbm>> -> memref<1x64xf32, #tpu.memory_space<hbm>>
      tpu.enqueue_dma source(%dma_start3A_2424 : memref<1x64xf32, #tpu.memory_space<hbm>>) target(%dma_start3A_2422 : memref<1x64xf32, #tpu.memory_space<vmem>>) target_semaphore(%arg8 : memref<!tpu.dma_semaphore, #tpu.memory_space<semaphore_mem>>)
      %slice3A_2425 = vector.extract_strided_slice %get3A_2340 {offsets = [6], sizes = [1], strides = [1]} : vector<16xi32> to vector<1xi32>
      %squeeze3A_2426 = vector.extract %slice3A_2425[0] : i32 from vector<1xi32>
      %add3A_2427 = arith.constant 16 : i32
      %add3A_2428 = arith.addi %mul3A_2106, %add3A_2427 : i32
      %add3A_2429 = arith.constant 6 : i32
      %add3A_2430 = arith.addi %add3A_2428, %add3A_2429 : i32
      %dma_start3A_2431 = arith.constant 0 : i32
      %dma_start3A_2432 = tpu.memref_slice %arg6[%add3A_2430, %dma_start3A_2431] : memref<512x64xf32, #tpu.memory_space<vmem>> -> memref<1x64xf32, #tpu.memory_space<vmem>>
      %dma_start3A_2433 = arith.constant 0 : i32
      %dma_start3A_2434 = tpu.memref_slice %arg2[%squeeze3A_2426, %dma_start3A_2433] : memref<1000000x64xf32, #tpu.memory_space<hbm>> -> memref<1x64xf32, #tpu.memory_space<hbm>>
      %dma_start3A_2435 = arith.constant 0 : i32
      %dma_start3A_2436 = tpu.memref_slice %arg6[%add3A_2430, %dma_start3A_2435] : memref<512x64xf32, #tpu.memory_space<vmem>> -> memref<1x64xf32, #tpu.memory_space<vmem>>
      %dma_start3A_2437 = arith.constant 0 : i32
      %dma_start3A_2438 = tpu.memref_slice %arg2[%squeeze3A_2426, %dma_start3A_2437] : memref<1000000x64xf32, #tpu.memory_space<hbm>> -> memref<1x64xf32, #tpu.memory_space<hbm>>
      tpu.enqueue_dma source(%dma_start3A_2438 : memref<1x64xf32, #tpu.memory_space<hbm>>) target(%dma_start3A_2436 : memref<1x64xf32, #tpu.memory_space<vmem>>) target_semaphore(%arg8 : memref<!tpu.dma_semaphore, #tpu.memory_space<semaphore_mem>>)
      %slice3A_2439 = vector.extract_strided_slice %get3A_2340 {offsets = [7], sizes = [1], strides = [1]} : vector<16xi32> to vector<1xi32>
      %squeeze3A_2440 = vector.extract %slice3A_2439[0] : i32 from vector<1xi32>
      %add3A_2441 = arith.constant 16 : i32
      %add3A_2442 = arith.addi %mul3A_2106, %add3A_2441 : i32
      %add3A_2443 = arith.constant 7 : i32
      %add3A_2444 = arith.addi %add3A_2442, %add3A_2443 : i32
      %dma_start3A_2445 = arith.constant 0 : i32
      %dma_start3A_2446 = tpu.memref_slice %arg6[%add3A_2444, %dma_start3A_2445] : memref<512x64xf32, #tpu.memory_space<vmem>> -> memref<1x64xf32, #tpu.memory_space<vmem>>
      %dma_start3A_2447 = arith.constant 0 : i32
      %dma_start3A_2448 = tpu.memref_slice %arg2[%squeeze3A_2440, %dma_start3A_2447] : memref<1000000x64xf32, #tpu.memory_space<hbm>> -> memref<1x64xf32, #tpu.memory_space<hbm>>
      %dma_start3A_2449 = arith.constant 0 : i32
      %dma_start3A_2450 = tpu.memref_slice %arg6[%add3A_2444, %dma_start3A_2449] : memref<512x64xf32, #tpu.memory_space<vmem>> -> memref<1x64xf32, #tpu.memory_space<vmem>>
      %dma_start3A_2451 = arith.constant 0 : i32
      %dma_start3A_2452 = tpu.memref_slice %arg2[%squeeze3A_2440, %dma_start3A_2451] : memref<1000000x64xf32, #tpu.memory_space<hbm>> -> memref<1x64xf32, #tpu.memory_space<hbm>>
      tpu.enqueue_dma source(%dma_start3A_2452 : memref<1x64xf32, #tpu.memory_space<hbm>>) target(%dma_start3A_2450 : memref<1x64xf32, #tpu.memory_space<vmem>>) target_semaphore(%arg8 : memref<!tpu.dma_semaphore, #tpu.memory_space<semaphore_mem>>)
      %slice3A_2453 = vector.extract_strided_slice %get3A_2340 {offsets = [8], sizes = [1], strides = [1]} : vector<16xi32> to vector<1xi32>
      %squeeze3A_2454 = vector.extract %slice3A_2453[0] : i32 from vector<1xi32>
      %add3A_2455 = arith.constant 16 : i32
      %add3A_2456 = arith.addi %mul3A_2106, %add3A_2455 : i32
      %add3A_2457 = arith.constant 8 : i32
      %add3A_2458 = arith.addi %add3A_2456, %add3A_2457 : i32
      %dma_start3A_2459 = arith.constant 0 : i32
      %dma_start3A_2460 = tpu.memref_slice %arg6[%add3A_2458, %dma_start3A_2459] : memref<512x64xf32, #tpu.memory_space<vmem>> -> memref<1x64xf32, #tpu.memory_space<vmem>>
      %dma_start3A_2461 = arith.constant 0 : i32
      %dma_start3A_2462 = tpu.memref_slice %arg2[%squeeze3A_2454, %dma_start3A_2461] : memref<1000000x64xf32, #tpu.memory_space<hbm>> -> memref<1x64xf32, #tpu.memory_space<hbm>>
      %dma_start3A_2463 = arith.constant 0 : i32
      %dma_start3A_2464 = tpu.memref_slice %arg6[%add3A_2458, %dma_start3A_2463] : memref<512x64xf32, #tpu.memory_space<vmem>> -> memref<1x64xf32, #tpu.memory_space<vmem>>
      %dma_start3A_2465 = arith.constant 0 : i32
      %dma_start3A_2466 = tpu.memref_slice %arg2[%squeeze3A_2454, %dma_start3A_2465] : memref<1000000x64xf32, #tpu.memory_space<hbm>> -> memref<1x64xf32, #tpu.memory_space<hbm>>
      tpu.enqueue_dma source(%dma_start3A_2466 : memref<1x64xf32, #tpu.memory_space<hbm>>) target(%dma_start3A_2464 : memref<1x64xf32, #tpu.memory_space<vmem>>) target_semaphore(%arg8 : memref<!tpu.dma_semaphore, #tpu.memory_space<semaphore_mem>>)
      %slice3A_2467 = vector.extract_strided_slice %get3A_2340 {offsets = [9], sizes = [1], strides = [1]} : vector<16xi32> to vector<1xi32>
      %squeeze3A_2468 = vector.extract %slice3A_2467[0] : i32 from vector<1xi32>
      %add3A_2469 = arith.constant 16 : i32
      %add3A_2470 = arith.addi %mul3A_2106, %add3A_2469 : i32
      %add3A_2471 = arith.constant 9 : i32
      %add3A_2472 = arith.addi %add3A_2470, %add3A_2471 : i32
      %dma_start3A_2473 = arith.constant 0 : i32
      %dma_start3A_2474 = tpu.memref_slice %arg6[%add3A_2472, %dma_start3A_2473] : memref<512x64xf32, #tpu.memory_space<vmem>> -> memref<1x64xf32, #tpu.memory_space<vmem>>
      %dma_start3A_2475 = arith.constant 0 : i32
      %dma_start3A_2476 = tpu.memref_slice %arg2[%squeeze3A_2468, %dma_start3A_2475] : memref<1000000x64xf32, #tpu.memory_space<hbm>> -> memref<1x64xf32, #tpu.memory_space<hbm>>
      %dma_start3A_2477 = arith.constant 0 : i32
      %dma_start3A_2478 = tpu.memref_slice %arg6[%add3A_2472, %dma_start3A_2477] : memref<512x64xf32, #tpu.memory_space<vmem>> -> memref<1x64xf32, #tpu.memory_space<vmem>>
      %dma_start3A_2479 = arith.constant 0 : i32
      %dma_start3A_2480 = tpu.memref_slice %arg2[%squeeze3A_2468, %dma_start3A_2479] : memref<1000000x64xf32, #tpu.memory_space<hbm>> -> memref<1x64xf32, #tpu.memory_space<hbm>>
      tpu.enqueue_dma source(%dma_start3A_2480 : memref<1x64xf32, #tpu.memory_space<hbm>>) target(%dma_start3A_2478 : memref<1x64xf32, #tpu.memory_space<vmem>>) target_semaphore(%arg8 : memref<!tpu.dma_semaphore, #tpu.memory_space<semaphore_mem>>)
      %slice3A_2481 = vector.extract_strided_slice %get3A_2340 {offsets = [10], sizes = [1], strides = [1]} : vector<16xi32> to vector<1xi32>
      %squeeze3A_2482 = vector.extract %slice3A_2481[0] : i32 from vector<1xi32>
      %add3A_2483 = arith.constant 16 : i32
      %add3A_2484 = arith.addi %mul3A_2106, %add3A_2483 : i32
      %add3A_2485 = arith.constant 10 : i32
      %add3A_2486 = arith.addi %add3A_2484, %add3A_2485 : i32
      %dma_start3A_2487 = arith.constant 0 : i32
      %dma_start3A_2488 = tpu.memref_slice %arg6[%add3A_2486, %dma_start3A_2487] : memref<512x64xf32, #tpu.memory_space<vmem>> -> memref<1x64xf32, #tpu.memory_space<vmem>>
      %dma_start3A_2489 = arith.constant 0 : i32
      %dma_start3A_2490 = tpu.memref_slice %arg2[%squeeze3A_2482, %dma_start3A_2489] : memref<1000000x64xf32, #tpu.memory_space<hbm>> -> memref<1x64xf32, #tpu.memory_space<hbm>>
      %dma_start3A_2491 = arith.constant 0 : i32
      %dma_start3A_2492 = tpu.memref_slice %arg6[%add3A_2486, %dma_start3A_2491] : memref<512x64xf32, #tpu.memory_space<vmem>> -> memref<1x64xf32, #tpu.memory_space<vmem>>
      %dma_start3A_2493 = arith.constant 0 : i32
      %dma_start3A_2494 = tpu.memref_slice %arg2[%squeeze3A_2482, %dma_start3A_2493] : memref<1000000x64xf32, #tpu.memory_space<hbm>> -> memref<1x64xf32, #tpu.memory_space<hbm>>
      tpu.enqueue_dma source(%dma_start3A_2494 : memref<1x64xf32, #tpu.memory_space<hbm>>) target(%dma_start3A_2492 : memref<1x64xf32, #tpu.memory_space<vmem>>) target_semaphore(%arg8 : memref<!tpu.dma_semaphore, #tpu.memory_space<semaphore_mem>>)
      %slice3A_2495 = vector.extract_strided_slice %get3A_2340 {offsets = [11], sizes = [1], strides = [1]} : vector<16xi32> to vector<1xi32>
      %squeeze3A_2496 = vector.extract %slice3A_2495[0] : i32 from vector<1xi32>
      %add3A_2497 = arith.constant 16 : i32
      %add3A_2498 = arith.addi %mul3A_2106, %add3A_2497 : i32
      %add3A_2499 = arith.constant 11 : i32
      %add3A_2500 = arith.addi %add3A_2498, %add3A_2499 : i32
      %dma_start3A_2501 = arith.constant 0 : i32
      %dma_start3A_2502 = tpu.memref_slice %arg6[%add3A_2500, %dma_start3A_2501] : memref<512x64xf32, #tpu.memory_space<vmem>> -> memref<1x64xf32, #tpu.memory_space<vmem>>
      %dma_start3A_2503 = arith.constant 0 : i32
      %dma_start3A_2504 = tpu.memref_slice %arg2[%squeeze3A_2496, %dma_start3A_2503] : memref<1000000x64xf32, #tpu.memory_space<hbm>> -> memref<1x64xf32, #tpu.memory_space<hbm>>
      %dma_start3A_2505 = arith.constant 0 : i32
      %dma_start3A_2506 = tpu.memref_slice %arg6[%add3A_2500, %dma_start3A_2505] : memref<512x64xf32, #tpu.memory_space<vmem>> -> memref<1x64xf32, #tpu.memory_space<vmem>>
      %dma_start3A_2507 = arith.constant 0 : i32
      %dma_start3A_2508 = tpu.memref_slice %arg2[%squeeze3A_2496, %dma_start3A_2507] : memref<1000000x64xf32, #tpu.memory_space<hbm>> -> memref<1x64xf32, #tpu.memory_space<hbm>>
      tpu.enqueue_dma source(%dma_start3A_2508 : memref<1x64xf32, #tpu.memory_space<hbm>>) target(%dma_start3A_2506 : memref<1x64xf32, #tpu.memory_space<vmem>>) target_semaphore(%arg8 : memref<!tpu.dma_semaphore, #tpu.memory_space<semaphore_mem>>)
      %slice3A_2509 = vector.extract_strided_slice %get3A_2340 {offsets = [12], sizes = [1], strides = [1]} : vector<16xi32> to vector<1xi32>
      %squeeze3A_2510 = vector.extract %slice3A_2509[0] : i32 from vector<1xi32>
      %add3A_2511 = arith.constant 16 : i32
      %add3A_2512 = arith.addi %mul3A_2106, %add3A_2511 : i32
      %add3A_2513 = arith.constant 12 : i32
      %add3A_2514 = arith.addi %add3A_2512, %add3A_2513 : i32
      %dma_start3A_2515 = arith.constant 0 : i32
      %dma_start3A_2516 = tpu.memref_slice %arg6[%add3A_2514, %dma_start3A_2515] : memref<512x64xf32, #tpu.memory_space<vmem>> -> memref<1x64xf32, #tpu.memory_space<vmem>>
      %dma_start3A_2517 = arith.constant 0 : i32
      %dma_start3A_2518 = tpu.memref_slice %arg2[%squeeze3A_2510, %dma_start3A_2517] : memref<1000000x64xf32, #tpu.memory_space<hbm>> -> memref<1x64xf32, #tpu.memory_space<hbm>>
      %dma_start3A_2519 = arith.constant 0 : i32
      %dma_start3A_2520 = tpu.memref_slice %arg6[%add3A_2514, %dma_start3A_2519] : memref<512x64xf32, #tpu.memory_space<vmem>> -> memref<1x64xf32, #tpu.memory_space<vmem>>
      %dma_start3A_2521 = arith.constant 0 : i32
      %dma_start3A_2522 = tpu.memref_slice %arg2[%squeeze3A_2510, %dma_start3A_2521] : memref<1000000x64xf32, #tpu.memory_space<hbm>> -> memref<1x64xf32, #tpu.memory_space<hbm>>
      tpu.enqueue_dma source(%dma_start3A_2522 : memref<1x64xf32, #tpu.memory_space<hbm>>) target(%dma_start3A_2520 : memref<1x64xf32, #tpu.memory_space<vmem>>) target_semaphore(%arg8 : memref<!tpu.dma_semaphore, #tpu.memory_space<semaphore_mem>>)
      %slice3A_2523 = vector.extract_strided_slice %get3A_2340 {offsets = [13], sizes = [1], strides = [1]} : vector<16xi32> to vector<1xi32>
      %squeeze3A_2524 = vector.extract %slice3A_2523[0] : i32 from vector<1xi32>
      %add3A_2525 = arith.constant 16 : i32
      %add3A_2526 = arith.addi %mul3A_2106, %add3A_2525 : i32
      %add3A_2527 = arith.constant 13 : i32
      %add3A_2528 = arith.addi %add3A_2526, %add3A_2527 : i32
      %dma_start3A_2529 = arith.constant 0 : i32
      %dma_start3A_2530 = tpu.memref_slice %arg6[%add3A_2528, %dma_start3A_2529] : memref<512x64xf32, #tpu.memory_space<vmem>> -> memref<1x64xf32, #tpu.memory_space<vmem>>
      %dma_start3A_2531 = arith.constant 0 : i32
      %dma_start3A_2532 = tpu.memref_slice %arg2[%squeeze3A_2524, %dma_start3A_2531] : memref<1000000x64xf32, #tpu.memory_space<hbm>> -> memref<1x64xf32, #tpu.memory_space<hbm>>
      %dma_start3A_2533 = arith.constant 0 : i32
      %dma_start3A_2534 = tpu.memref_slice %arg6[%add3A_2528, %dma_start3A_2533] : memref<512x64xf32, #tpu.memory_space<vmem>> -> memref<1x64xf32, #tpu.memory_space<vmem>>
      %dma_start3A_2535 = arith.constant 0 : i32
      %dma_start3A_2536 = tpu.memref_slice %arg2[%squeeze3A_2524, %dma_start3A_2535] : memref<1000000x64xf32, #tpu.memory_space<hbm>> -> memref<1x64xf32, #tpu.memory_space<hbm>>
      tpu.enqueue_dma source(%dma_start3A_2536 : memref<1x64xf32, #tpu.memory_space<hbm>>) target(%dma_start3A_2534 : memref<1x64xf32, #tpu.memory_space<vmem>>) target_semaphore(%arg8 : memref<!tpu.dma_semaphore, #tpu.memory_space<semaphore_mem>>)
      %slice3A_2537 = vector.extract_strided_slice %get3A_2340 {offsets = [14], sizes = [1], strides = [1]} : vector<16xi32> to vector<1xi32>
      %squeeze3A_2538 = vector.extract %slice3A_2537[0] : i32 from vector<1xi32>
      %add3A_2539 = arith.constant 16 : i32
      %add3A_2540 = arith.addi %mul3A_2106, %add3A_2539 : i32
      %add3A_2541 = arith.constant 14 : i32
      %add3A_2542 = arith.addi %add3A_2540, %add3A_2541 : i32
      %dma_start3A_2543 = arith.constant 0 : i32
      %dma_start3A_2544 = tpu.memref_slice %arg6[%add3A_2542, %dma_start3A_2543] : memref<512x64xf32, #tpu.memory_space<vmem>> -> memref<1x64xf32, #tpu.memory_space<vmem>>
      %dma_start3A_2545 = arith.constant 0 : i32
      %dma_start3A_2546 = tpu.memref_slice %arg2[%squeeze3A_2538, %dma_start3A_2545] : memref<1000000x64xf32, #tpu.memory_space<hbm>> -> memref<1x64xf32, #tpu.memory_space<hbm>>
      %dma_start3A_2547 = arith.constant 0 : i32
      %dma_start3A_2548 = tpu.memref_slice %arg6[%add3A_2542, %dma_start3A_2547] : memref<512x64xf32, #tpu.memory_space<vmem>> -> memref<1x64xf32, #tpu.memory_space<vmem>>
      %dma_start3A_2549 = arith.constant 0 : i32
      %dma_start3A_2550 = tpu.memref_slice %arg2[%squeeze3A_2538, %dma_start3A_2549] : memref<1000000x64xf32, #tpu.memory_space<hbm>> -> memref<1x64xf32, #tpu.memory_space<hbm>>
      tpu.enqueue_dma source(%dma_start3A_2550 : memref<1x64xf32, #tpu.memory_space<hbm>>) target(%dma_start3A_2548 : memref<1x64xf32, #tpu.memory_space<vmem>>) target_semaphore(%arg8 : memref<!tpu.dma_semaphore, #tpu.memory_space<semaphore_mem>>)
      %slice3A_2551 = vector.extract_strided_slice %get3A_2340 {offsets = [15], sizes = [1], strides = [1]} : vector<16xi32> to vector<1xi32>
      %squeeze3A_2552 = vector.extract %slice3A_2551[0] : i32 from vector<1xi32>
      %add3A_2553 = arith.constant 16 : i32
      %add3A_2554 = arith.addi %mul3A_2106, %add3A_2553 : i32
      %add3A_2555 = arith.constant 15 : i32
      %add3A_2556 = arith.addi %add3A_2554, %add3A_2555 : i32
      %dma_start3A_2557 = arith.constant 0 : i32
      %dma_start3A_2558 = tpu.memref_slice %arg6[%add3A_2556, %dma_start3A_2557] : memref<512x64xf32, #tpu.memory_space<vmem>> -> memref<1x64xf32, #tpu.memory_space<vmem>>
      %dma_start3A_2559 = arith.constant 0 : i32
      %dma_start3A_2560 = tpu.memref_slice %arg2[%squeeze3A_2552, %dma_start3A_2559] : memref<1000000x64xf32, #tpu.memory_space<hbm>> -> memref<1x64xf32, #tpu.memory_space<hbm>>
      %dma_start3A_2561 = arith.constant 0 : i32
      %dma_start3A_2562 = tpu.memref_slice %arg6[%add3A_2556, %dma_start3A_2561] : memref<512x64xf32, #tpu.memory_space<vmem>> -> memref<1x64xf32, #tpu.memory_space<vmem>>
      %dma_start3A_2563 = arith.constant 0 : i32
      %dma_start3A_2564 = tpu.memref_slice %arg2[%squeeze3A_2552, %dma_start3A_2563] : memref<1000000x64xf32, #tpu.memory_space<hbm>> -> memref<1x64xf32, #tpu.memory_space<hbm>>
      tpu.enqueue_dma source(%dma_start3A_2564 : memref<1x64xf32, #tpu.memory_space<hbm>>) target(%dma_start3A_2562 : memref<1x64xf32, #tpu.memory_space<vmem>>) target_semaphore(%arg8 : memref<!tpu.dma_semaphore, #tpu.memory_space<semaphore_mem>>)
    }
    %scan3A_1562 = arith.constant 6 : i32
    %dma_wait3A = arith.constant 384 : i32
    %dma_wait3A_1563 = arith.constant 0 : i32
    %dma_wait3A_1564 = tpu.memref_slice %arg6[%dma_wait3A, %dma_wait3A_1563] : memref<512x64xf32, #tpu.memory_space<vmem>> -> memref<32x64xf32, #tpu.memory_space<vmem>>
    %dma_wait3A_1565 = arith.constant 0 : i32
    %dma_wait3A_1566 = arith.constant 0 : i32
    %dma_wait3A_1567 = tpu.memref_slice %arg2[%dma_wait3A_1565, %dma_wait3A_1566] : memref<1000000x64xf32, #tpu.memory_space<hbm>> -> memref<32x64xf32, #tpu.memory_space<hbm>>
    %dma_wait3A_1568 = arith.constant 384 : i32
    %dma_wait3A_1569 = arith.constant 0 : i32
    %dma_wait3A_1570 = tpu.memref_slice %arg6[%dma_wait3A_1568, %dma_wait3A_1569] : memref<512x64xf32, #tpu.memory_space<vmem>> -> memref<32x64xf32, #tpu.memory_space<vmem>>
    %dma_wait3A_1571 = arith.constant 0 : i32
    %dma_wait3A_1572 = arith.constant 0 : i32
    %dma_wait3A_1573 = tpu.memref_slice %arg2[%dma_wait3A_1571, %dma_wait3A_1572] : memref<1000000x64xf32, #tpu.memory_space<hbm>> -> memref<32x64xf32, #tpu.memory_space<hbm>>
    tpu.wait_dma2 semaphore(%arg7 : memref<!tpu.dma_semaphore, #tpu.memory_space<semaphore_mem>>) src(%dma_wait3A_1573 : memref<32x64xf32, #tpu.memory_space<hbm>>) dst(%dma_wait3A_1570 : memref<32x64xf32, #tpu.memory_space<vmem>>)
    %dma_wait3A_1574 = arith.constant 416 : i32
    %dma_wait3A_1575 = arith.constant 0 : i32
    %dma_wait3A_1576 = tpu.memref_slice %arg6[%dma_wait3A_1574, %dma_wait3A_1575] : memref<512x64xf32, #tpu.memory_space<vmem>> -> memref<32x64xf32, #tpu.memory_space<vmem>>
    %dma_wait3A_1577 = arith.constant 0 : i32
    %dma_wait3A_1578 = arith.constant 0 : i32
    %dma_wait3A_1579 = tpu.memref_slice %arg2[%dma_wait3A_1577, %dma_wait3A_1578] : memref<1000000x64xf32, #tpu.memory_space<hbm>> -> memref<32x64xf32, #tpu.memory_space<hbm>>
    %dma_wait3A_1580 = arith.constant 416 : i32
    %dma_wait3A_1581 = arith.constant 0 : i32
    %dma_wait3A_1582 = tpu.memref_slice %arg6[%dma_wait3A_1580, %dma_wait3A_1581] : memref<512x64xf32, #tpu.memory_space<vmem>> -> memref<32x64xf32, #tpu.memory_space<vmem>>
    %dma_wait3A_1583 = arith.constant 0 : i32
    %dma_wait3A_1584 = arith.constant 0 : i32
    %dma_wait3A_1585 = tpu.memref_slice %arg2[%dma_wait3A_1583, %dma_wait3A_1584] : memref<1000000x64xf32, #tpu.memory_space<hbm>> -> memref<32x64xf32, #tpu.memory_space<hbm>>
    tpu.wait_dma2 semaphore(%arg8 : memref<!tpu.dma_semaphore, #tpu.memory_space<semaphore_mem>>) src(%dma_wait3A_1585 : memref<32x64xf32, #tpu.memory_space<hbm>>) dst(%dma_wait3A_1582 : memref<32x64xf32, #tpu.memory_space<vmem>>)
    %dma_wait3A_1586 = arith.constant 448 : i32
    %dma_wait3A_1587 = arith.constant 0 : i32
    %dma_wait3A_1588 = tpu.memref_slice %arg6[%dma_wait3A_1586, %dma_wait3A_1587] : memref<512x64xf32, #tpu.memory_space<vmem>> -> memref<32x64xf32, #tpu.memory_space<vmem>>
    %dma_wait3A_1589 = arith.constant 0 : i32
    %dma_wait3A_1590 = arith.constant 0 : i32
    %dma_wait3A_1591 = tpu.memref_slice %arg2[%dma_wait3A_1589, %dma_wait3A_1590] : memref<1000000x64xf32, #tpu.memory_space<hbm>> -> memref<32x64xf32, #tpu.memory_space<hbm>>
    %dma_wait3A_1592 = arith.constant 448 : i32
    %dma_wait3A_1593 = arith.constant 0 : i32
    %dma_wait3A_1594 = tpu.memref_slice %arg6[%dma_wait3A_1592, %dma_wait3A_1593] : memref<512x64xf32, #tpu.memory_space<vmem>> -> memref<32x64xf32, #tpu.memory_space<vmem>>
    %dma_wait3A_1595 = arith.constant 0 : i32
    %dma_wait3A_1596 = arith.constant 0 : i32
    %dma_wait3A_1597 = tpu.memref_slice %arg2[%dma_wait3A_1595, %dma_wait3A_1596] : memref<1000000x64xf32, #tpu.memory_space<hbm>> -> memref<32x64xf32, #tpu.memory_space<hbm>>
    tpu.wait_dma2 semaphore(%arg7 : memref<!tpu.dma_semaphore, #tpu.memory_space<semaphore_mem>>) src(%dma_wait3A_1597 : memref<32x64xf32, #tpu.memory_space<hbm>>) dst(%dma_wait3A_1594 : memref<32x64xf32, #tpu.memory_space<vmem>>)
    %dma_wait3A_1598 = arith.constant 480 : i32
    %dma_wait3A_1599 = arith.constant 0 : i32
    %dma_wait3A_1600 = tpu.memref_slice %arg6[%dma_wait3A_1598, %dma_wait3A_1599] : memref<512x64xf32, #tpu.memory_space<vmem>> -> memref<32x64xf32, #tpu.memory_space<vmem>>
    %dma_wait3A_1601 = arith.constant 0 : i32
    %dma_wait3A_1602 = arith.constant 0 : i32
    %dma_wait3A_1603 = tpu.memref_slice %arg2[%dma_wait3A_1601, %dma_wait3A_1602] : memref<1000000x64xf32, #tpu.memory_space<hbm>> -> memref<32x64xf32, #tpu.memory_space<hbm>>
    %dma_wait3A_1604 = arith.constant 480 : i32
    %dma_wait3A_1605 = arith.constant 0 : i32
    %dma_wait3A_1606 = tpu.memref_slice %arg6[%dma_wait3A_1604, %dma_wait3A_1605] : memref<512x64xf32, #tpu.memory_space<vmem>> -> memref<32x64xf32, #tpu.memory_space<vmem>>
    %dma_wait3A_1607 = arith.constant 0 : i32
    %dma_wait3A_1608 = arith.constant 0 : i32
    %dma_wait3A_1609 = tpu.memref_slice %arg2[%dma_wait3A_1607, %dma_wait3A_1608] : memref<1000000x64xf32, #tpu.memory_space<hbm>> -> memref<32x64xf32, #tpu.memory_space<hbm>>
    tpu.wait_dma2 semaphore(%arg8 : memref<!tpu.dma_semaphore, #tpu.memory_space<semaphore_mem>>) src(%dma_wait3A_1609 : memref<32x64xf32, #tpu.memory_space<hbm>>) dst(%dma_wait3A_1606 : memref<32x64xf32, #tpu.memory_space<vmem>>)
    "tpu.region"() ({
      %run_scoped3A = tpu.sem_alloc : memref<!tpu.dma_semaphore, #tpu.memory_space<semaphore_mem>>
      %dma_start3A_1610 = arith.constant 0 : i32
      %dma_start3A_1611 = tpu.memref_slice %arg4[%mul3A_2, %dma_start3A_1610] : memref<16384x64xf32, #tpu.memory_space<hbm>> -> memref<512x64xf32, #tpu.memory_space<hbm>>
      %dma_start3A_1612 = arith.constant 0 : i32
      %dma_start3A_1613 = tpu.memref_slice %arg4[%mul3A_2, %dma_start3A_1612] : memref<16384x64xf32, #tpu.memory_space<hbm>> -> memref<512x64xf32, #tpu.memory_space<hbm>>
      tpu.enqueue_dma source(%arg6 : memref<512x64xf32, #tpu.memory_space<vmem>>) target(%dma_start3A_1613 : memref<512x64xf32, #tpu.memory_space<hbm>>) target_semaphore(%run_scoped3A : memref<!tpu.dma_semaphore, #tpu.memory_space<semaphore_mem>>)
      %dma_wait3A_1614 = arith.constant 0 : i32
      %dma_wait3A_1615 = tpu.memref_slice %arg4[%mul3A_2, %dma_wait3A_1614] : memref<16384x64xf32, #tpu.memory_space<hbm>> -> memref<512x64xf32, #tpu.memory_space<hbm>>
      %dma_wait3A_1616 = arith.constant 0 : i32
      %dma_wait3A_1617 = tpu.memref_slice %arg4[%mul3A_2, %dma_wait3A_1616] : memref<16384x64xf32, #tpu.memory_space<hbm>> -> memref<512x64xf32, #tpu.memory_space<hbm>>
      tpu.wait_dma2 semaphore(%run_scoped3A : memref<!tpu.dma_semaphore, #tpu.memory_space<semaphore_mem>>) src(%arg6 : memref<512x64xf32, #tpu.memory_space<vmem>>) dst(%dma_wait3A_1617 : memref<512x64xf32, #tpu.memory_space<hbm>>)
      tpu.yield
    }) : () -> ()
    return
  }
}

</mosaic_0001>

<sc_bundles>
// kernel: kernel.3.cloned.1.call-start
scs
__scs_entry_jumppad:
0x0: {  	(pc) =	sbr.rel $0x88, $3  }
0x1: {  	(tag) =	ssettag $0x0;
	lr =	simm.s32 $0x1  }
0x2: {  	[smem:$0x3F9F] =	sst lr;
	_ =	strace $0xD0000000  }
0x3: {  	_ = 	snop  }
0x4: {  	_ = 	snop  }
0x5: {  	_ = 	snop  }
0x6: {  	_ = 	snop  }
0x7: {  	_ = 	snop  }
__scs_overlays_trampoline_lowered:
0x8: {  	[smem:$0x3FAE] =	sst s0  }
0x9: {  	[smem:$0x3FAF] =	sst s1  }
0xa: {  	[smem:$0x3FB0] =	sst s2  }
0xb: {  	[smem:$0x3FB1] =	sst s3  }
0xc: {  	[smem:$0x3FB2] =	sst s4  }
0xd: {  	[smem:$0x3FB3] =	sst s5  }
0xe: {  	[smem:$0x3FB4] =	sst s6  }
0xf: {  	[smem:$0x3FB5] =	sst s7  }
0x10: {  	[smem:$0x3FB6] =	sst s8  }
0x11: {  	[smem:$0x3FB7] =	sst s9;
	s0 =	simm.s32 @!p0 $0x0  }
0x12: {  	s1 =	sld [smem:$0x3F9D];
	s0 =	simm.s32 @p0 $0x1  }
0x13: {  	[smem:$0x3FB8] =	sst s0;
	s0 =	simm.s32 @!p1 $0x0  }
0x14: {  	s2 =	sld [smem:$0x3F9C];
	s0 =	simm.s32 @p1 $0x1  }
0x15: {  	[smem:$0x3FB9] =	sst s0;
	s0 =	simm.s32 @!p2 $0x0  }
0x16: {  	s3 =	sld [smem:$0x3FDB];
	s0 =	simm.s32 @p2 $0x1  }
0x17: {  	s4 =	simm.s32 $0x1BF5;
	[smem:$0x3FBB] =	sst s0  }
0x18: {  	s0 =	sld [smem:$0x3F9E];
	_ =	swait.ge [sflag:s4], $0x0  }
0x19: {  	s7 =	sld [smem:$0x3F9F]  }
0x1a: {  	s8 =	sadd.s32 $0xFFFFE003, lr  }
0x1b: {  	s9 =	sadd.s32 $0xFFFFFEF7, lr;
	s5 =	simm.s32 $0xFFFFFFFF;
	p2 =	slt.u32 s8, $0xFFFFF086  }
0x1c: {  	p1 =	slt.u32 s9, $0xF7A;
	s5 =	simm.s32 @!p2 $0x0  }
0x1d: {  	s5 =	simm.s32 @p1 $0x1;
	p0 =	seq.s32 s7, s2  }
0x1e: {  	s7 =	smul.u32 @!p0 $0xF7A, s2;
	p2 =	seq.s32 @!p0 s5, $0x0  }
0x1f: {  	s9 =	smul.u32 $0xF7A, s1;
	s8 =	simm.s32 @!p0 $0x1BF5;
	p2 =	por !p2, p0  }
0x20: {  	[sflag:s8] =	ssyncset.s32 @!p0 $0xFFFFF086;
	s6 =	sadd.s32 @!p0 s3, s7;
	s7 =	simm.s32 @!p0 $0x108  }
0x21: {  	s3 =	sadd.s32 s3, s9;
	s6 =	sadd.s32 @!p0 $0x88, s6;
	s7 =	simm.s32 @p2 $0x1082  }
0x22: {  	[simem:s7], [sflag:s8] =	dma.local @!p0 [hbm:s6], $0xF7A  }
0x23: {  	s9 =	sor.u32 $0xD0000000, s2;
	s6 =	simm.s32 $0x108;
	_ =	swait.ge @!p0 [sflag:s8], $0x0  }
0x24: {  	s3 =	sadd.s32 $0x88, s3;
	s6 =	simm.s32 @!p1 $0x1082;
	[sflag:s4] =	ssyncset.s32 $0xFFFFF086  }
0x25: {  	[simem:s6], [sflag:s4] =	dma.local [hbm:s3], $0xF7A  }
0x26: {  	[smem:$0x3F9F] =	sst s1;
	(tag) =	ssettag s2;
	_ =	strace s9  }
0x27: {  	s1 =	sld [smem:$0x3FAF]  }
0x28: {  	s2 =	sld [smem:$0x3FB0]  }
0x29: {  	s4 =	sld [smem:$0x3FB2]  }
0x2a: {  	p0 =	seq.s32 s5, $0x0;
	s5 =	sld [smem:$0x3FB3]  }
0x2b: {  	s6 =	sld [smem:$0x3FB4]  }
0x2c: {  	s7 =	sld [smem:$0x3FB5]  }
0x2d: {  	s3 =	simm.s32 $0x108;
	s8 =	sld [smem:$0x3FB6]  }
0x2e: {  	s3 =	simm.s32 @!p0 $0x1082;
	s9 =	sld [smem:$0x3FB7]  }
0x2f: {  	lr =	sadd.s32 s0, s3;
	s0 =	sld [smem:$0x3FAE]  }
0x30: {  	s3 =	sld [smem:$0x3FB1]  }
0x31: {  	[smem:$0x3FBA] =	sst s10  }
0x32: {  	s10 =	sld [smem:$0x3FB8];
	_ =	sdelay $0x3  }
0x33: {  	p0 =	seq.s32 s10, $0x1;
	s10 =	sld [smem:$0x3FBA];
	_ =	sdelay $0x3  }
0x34: {  	[smem:$0x3FBA] =	sst s10  }
0x35: {  	s10 =	sld [smem:$0x3FB9];
	_ =	sdelay $0x3  }
0x36: {  	p1 =	seq.s32 s10, $0x1;
	s10 =	sld [smem:$0x3FBA];
	_ =	sdelay $0x3  }
0x37: {  	[smem:$0x3FBA] =	sst s10  }
0x38: {  	s10 =	sld [smem:$0x3FBB]  }
0x39: {  	_ = 	snop;
	(pc) =	sbr.ind lr, $3  }
0x3a: {  	_ = 	snop  }
0x3b: {  	_ = 	snop  }
0x3c: {  	p2 =	seq.s32 s10, $0x1;
	s10 =	sld [smem:$0x3FBA]  }
0x3d: {  	_ =	shalt  }
0x3e: {  	_ =	shalt  }
0x3f: {  	_ =	shalt  }
0x40: {  	_ =	shalt  }
0x41: {  	_ =	shalt  }
0x42: {  	_ =	shalt  }
0x43: {  	_ =	shalt  }
0x44: {  	_ =	shalt  }
0x45: {  	_ =	shalt  }
0x46: {  	_ =	shalt  }
0x47: {  	_ =	shalt  }
0x48: {  	_ =	shalt  }
0x49: {  	_ =	shalt  }
0x4a: {  	_ =	shalt  }
0x4b: {  	_ =	shalt  }
0x4c: {  	_ =	shalt  }
0x4d: {  	_ =	shalt  }
0x4e: {  	_ =	shalt  }
0x4f: {  	_ =	shalt  }
0x50: {  	_ =	shalt  }
0x51: {  	_ =	shalt  }
0x52: {  	_ =	shalt  }
0x53: {  	_ =	shalt  }
0x54: {  	_ =	shalt  }
0x55: {  	_ =	shalt  }
0x56: {  	_ =	shalt  }
0x57: {  	_ =	shalt  }
0x58: {  	_ =	shalt  }
0x59: {  	_ =	shalt  }
0x5a: {  	_ =	shalt  }
0x5b: {  	_ =	shalt  }
0x5c: {  	_ =	shalt  }
0x5d: {  	_ =	shalt  }
0x5e: {  	_ =	shalt  }
0x5f: {  	_ =	shalt  }
0x60: {  	_ =	shalt  }
0x61: {  	_ =	shalt  }
0x62: {  	_ =	shalt  }
0x63: {  	_ =	shalt  }
0x64: {  	_ =	shalt  }
0x65: {  	_ =	shalt  }
0x66: {  	_ =	shalt  }
0x67: {  	_ =	shalt  }
0x68: {  	_ =	shalt  }
0x69: {  	_ =	shalt  }
0x6a: {  	_ =	shalt  }
0x6b: {  	_ =	shalt  }
0x6c: {  	_ =	shalt  }
0x6d: {  	_ =	shalt  }
0x6e: {  	_ =	shalt  }
0x6f: {  	_ =	shalt  }
0x70: {  	_ =	shalt  }
0x71: {  	_ =	shalt  }
0x72: {  	_ =	shalt  }
0x73: {  	_ =	shalt  }
0x74: {  	_ =	shalt  }
0x75: {  	_ =	shalt  }
0x76: {  	_ =	shalt  }
0x77: {  	_ =	shalt  }
0x78: {  	_ =	shalt  }
0x79: {  	_ =	shalt  }
0x7a: {  	_ =	shalt  }
0x7b: {  	_ =	shalt  }
0x7c: {  	_ =	shalt  }
0x7d: {  	_ =	shalt  }
0x7e: {  	_ =	shalt  }
0x7f: {  	_ =	shalt  }
0x80: {  	_ =	shalt  }
0x81: {  	_ =	shalt  }
0x82: {  	_ =	shalt  }
0x83: {  	_ =	shalt  }
0x84: {  	_ =	shalt  }
0x85: {  	_ =	shalt  }
0x86: {  	_ =	shalt  }
0x87: {  	_ =	shalt  }
.Lfunc_end0:
.L_simem_size_0:
called_computation_lowered:
.L_overlay_start_0:
0x88: {  	s2 =	sld [smem:$0x3FD9]  }
0x89: {  	s3 =	sld [smem:$0x3FFE];
	_ =	sdelay $0x1  }
0x8a: {  	s1 =	srdreg.scid  }
0x8b: {  	s0 =	sand.u32 $0x1, s1  }
0x8c: {  	s17 =	sshll.u32 s0, $0xA;
	s2 =	sadd.s32 s3, s2  }
0x8d: {  	s2 =	sadd.s32 s2, s17  }
0x8e: {  	[smem:$0x3FC6] =	sst s2  }
0x8f: {  	_ = 	snop  }
0x90: {  	s2 =	sld [smem:$0x3FC9];
	(tm) =	ssettm $0x1  }
0x91: {  	s18 =	sld [smem:$0x3FFB];
	_ =	sdelay $0x3  }
0x92: {  	_ =	strace s18  }
0x93: {  	s3 =	sld [smem:$0x3FFC];
	_ =	sdelay $0x3  }
0x94: {  	_ =	strace s3  }
0x95: {  	s3 =	sld [smem:$0x3FFD];
	_ =	sdelay $0x3  }
0x96: {  	_ =	strace s3  }
0x97: {  	_ =	strace $0x8FFFFFFF  }
0x98: {  	s19 =	sld [smem:$0x3FDB];
	_ =	sdelay $0x1  }
0x99: {  	s4 =	simm.s32 $_scs_section_size  }
0x9a: {  	s5 =	simm.s32 $_size__tile_overlayer_lowered;
	s6 =	simm.s32 $_tile_overlayer_lowered  }
0x9b: {  	s22 =	simm.s32 $0x1BFF;
	s21 =	sshll.u32 s6, $0x1;
	s3 =	sadd.s32 s4, s19  }
0x9c: {  	s7 =	simm.s32 $0x0;
	s20 =	sshll.u32 s5, $0x1;
	s5 =	sadd.s32 s21, s3  }
0x9d: {  	[timem:s7], [sflag:s22] =	dma.local [hbm:s5], s20  }
0x9e: {  	_ =	swait.ge [sflag:s22], s20  }
0x9f: {  	s4 =	ssub.s32 $0x0, s20;
	[sflag:s22] =	ssyncset.done $0x0  }
0xa0: {  	[sflag:s22] =	ssyncadd.s32 s4;
	_ =	sdelay $0x1  }
0xa1: {  	s23 =	simm.s32 $0x1B8B  }
0xa2: {  	_ =	swait.ge [sflag:s23], $0x1  }
0xa3: {  	[sflag:s23] =	ssyncset.done $0x0  }
0xa4: {  	s25 =	simm.s32 $0x1B8E;
	s24 =	sld [smem:$0x3FFE];
	[sflag:s23] =	ssyncadd.s32 $0xFFFFFFFF  }
0xa5: {  	s26 =	simm.s32 $execute0_lowered;
	[smem:$0x3FD2] =	sst s25  }
0xa6: {  	s5 =	sshll.u32 s26, $0x1;
	_ =	strace $0x80000046;
	[dreg:$0x1] =	wrdreg $0xFFFFFFFF  }
0xa7: {  	s28 =	simm.s32 $_size_execute0_lowered;
	s3 =	sadd.s32 s3, s5;
	[dreg:$0x0] =	wrdreg $0x0  }
0xa8: {  	s5 =	sshll.u32 s28, $0x1;
	[dreg:$0x2] =	wrdreg s3  }
0xa9: {  	[dreg:$0x3] =	wrdreg s5  }
0xaa: {  	[dreg:$0x4] =	wrdreg $0xC0  }
0xab: {  	_ =	task [dreg:s7], $0x5FFFF  }
0xac: {  	[dreg:$0x1] =	wrdreg $0xFFFFFFFF  }
0xad: {  	[dreg:$0x0] =	wrdreg $0x60  }
0xae: {  	[dreg:$0x2] =	wrdreg s24  }
0xaf: {  	[dreg:$0x3] =	wrdreg s2  }
0xb0: {  	[dreg:$0x4] =	wrdreg $0x9  }
0xb1: {  	_ =	task.clear_ibuf [dreg:s7], $0x5FFFF;
	_ =	strace $0x90000046  }
0xb2: {  	s29 =	simm.s32 $0x9;
	_ =	strace $0x80000048  }
0xb3: {  	_ =	swait.ge [sflag:s29], $0x1  }
0xb4: {  	[sflag:s29] =	ssyncadd.s32 $0xFFFFFFFF  }
0xb5: {  	_ =	strace $0x90000048  }
0xb6: {  	_ =	sfence  }
0xb7: {  	s30 =	sld [smem:$0x0];
	_ =	sdelay $0x2  }
0xb8: {  	s31 =	sshll.u32 s1, $0xD;
	s1 =	sshrl.u32 s1, $0x2  }
0xb9: {  	s3 =	sand.u32 $0x4000, s31;
	s1 =	sadd.s32 s1, s30  }
0xba: {  	s0 =	sor.u32 s3, s0;
	s1 =	sshll.u32 s1, $0x11  }
0xbb: {  	s0 =	sor.u32 s1, s0  }
0xbc: {  	s0 =	sadd.s32 $0x8F2B, s0  }
0xbd: {  	[sflag:s0] =	ssyncadd.remote.s32 $0x1  }
0xbe: {  	_ =	sfence.sel $0xFFFF  }
0xbf: {  	[dreg:$0x0] =	wrdreg $0xFFFFFFFF;
	(pc) =	sbr.abs _section_cstart, $3  }
0xc0: {  	[dreg:$0x1] =	wrdreg $0xFFFFFFFF  }
0xc1: {  	_ =	task.clear_ibuf [dreg:s7], $0x2FFFF;
	_ =	strace $0x9FFFFFFF  }
0xc2: {  	(tm) =	ssettm $0x7FFFFFFF  }
0xc3: {  	_ =	shalt  }
tec
execute0_lowered:
.L_overlay_start_1:
0x0: {  	(tag) =	ssettag $0x1  }
0x1: {  	s0 =	rddreg [dreg:$0x0]  }
0x2: {  	s1 =	rddreg [dreg:$0x1]  }
0x3: {  	s3 =	srdreg.scid;
	s2 =	simm.s32 $0x0;
	s4 =	stileid.u32  }
0x4: {  	s16 =	simm.s32 $0x1;
	s17 =	simm.s32 $0x2;
	s18 =	simm.s32 $0x0  }
0x5: {  	s3 =	sand.u32 $0x1, s3;
	[smem:$0x7FF] =	sst s2;
	s4 =	sshll.u32 s4, $0xA  }
0x6: {  	s5 =	sshll.u32 s3, $0x9;
	_ =	strace $0x80000047;
	s30 =	ssub.s32 $0x2, s3  }
0x7: {  	s3 =	sadd.s32 $0x400, s0;
	s4 =	sor.u32 s5, s4;
	s7 =	sshrl.u32 s30, $0x1  }
0x8: {  	s6 =	sshll.u32 s4, $0x4;
	s31 =	ssub.s32 s30, s7;
	s4 =	sshrl.u32 s4, $0x3  }
0x9: {  	s7 =	simm.s32 $0x3;
	s0 =	sadd.s32 s6, s0;
	s4 =	sadd.s32 s1, s4  }
0xa: {  	s6 =	smax.u32 s31, $0x1;
	s1 =	simm.s32 $0x200;
	s5 =	sadd.s32 $0xF42800, s0  }
.LBB2_1:
0xb: {  	[tilespmem:s2], [sflag:$0x3] =	stream.linear.gather [hbm4b:s4+s2], $0x200, $0x38;
	[tilespmem:$0x10200] =	vst v63  }
0xc: {  	_ =	swait.ge [sflag:s7], $0x200  }
0xd: {  	[sflag:s7] =	ssyncset.done $0x0  }
0xe: {  	[sflag:s7] =	ssyncadd.s32 $0xFFFFFE00  }
0xf: {  	v0 =	vld [tilespmem:$0x0];
	_ =	sdelay $0x4  }
0x10: {  	v0 =	vshll.u32 v0, $0x4  }
0x11: {  	(v2sf) =	vpush v0, $0x0;
	_ =	sdelay $0x1  }
0x12: {  	(v2sf) =	vpush v0, $0x1;
	_ =	sdelay $0x2  }
0x13: {  	(v2sf) =	vpush v0, $0x2;
	_ =	sdelay $0x2  }
0x14: {  	(v2sf) =	vpush v0, $0x3;
	_ =	sdelay $0x2  }
0x15: {  	(v2sf) =	vpush v0, $0x4;
	_ =	sdelay $0x2  }
0x16: {  	(v2sf) =	vpush v0, $0x5  }
0x17: {  	s0 =	spop (v2sf)  }
0x18: {  	s0 =	sand.u32 $0x1FFFFFF0, s0  }
0x19: {  	(v2sf) =	vpush v0, $0x6;
	s11 =	spop (v2sf);
	s0 =	sadd.s32 s3, s0  }
0x1a: {  	[tilespmem:s1], [sflag:$0x1] =	stream.linear.gather [hbm4b:s0+s2], $0x80, $0x38;
	[tilespmem:$0x10200] =	vst v63  }
0x1b: {  	s0 =	sand.u32 $0x1FFFFFF0, s11  }
0x1c: {  	s12 =	simm.s32 $0x280;
	(v2sf) =	vpush v0, $0x7;
	s13 =	spop (v2sf);
	s0 =	sadd.s32 s3, s0  }
0x1d: {  	[tilespmem:s12], [sflag:$0x1] =	stream.linear.gather [hbm4b:s0+s2], $0x80, $0x38;
	[tilespmem:$0x10200] =	vst v63  }
0x1e: {  	s0 =	sand.u32 $0x1FFFFFF0, s13  }
0x1f: {  	s14 =	simm.s32 $0x300;
	(v2sf) =	vpush v0, $0x8;
	s15 =	spop (v2sf);
	s0 =	sadd.s32 s3, s0  }
0x20: {  	[tilespmem:s14], [sflag:$0x1] =	stream.linear.gather [hbm4b:s0+s2], $0x80, $0x38;
	[tilespmem:$0x10200] =	vst v63  }
0x21: {  	s0 =	sand.u32 $0x1FFFFFF0, s15  }
0x22: {  	s19 =	simm.s32 $0x380;
	s20 =	spop (v2sf);
	s0 =	sadd.s32 s3, s0  }
0x23: {  	[tilespmem:s19], [sflag:$0x1] =	stream.linear.gather [hbm4b:s0+s2], $0x80, $0x38;
	[tilespmem:$0x10200] =	vst v63  }
0x24: {  	(v2sf) =	vpush v0, $0x9;
	s0 =	sand.u32 $0x1FFFFFF0, s20  }
0x25: {  	s21 =	simm.s32 $0x400;
	s22 =	spop (v2sf);
	s0 =	sadd.s32 s3, s0  }
0x26: {  	(v2sf) =	vpush v0, $0xA;
	[tilespmem:s21], [sflag:$0x1] =	stream.linear.gather [hbm4b:s0+s2], $0x80, $0x38;
	[tilespmem:$0x10200] =	vst v63  }
0x27: {  	s0 =	sand.u32 $0x1FFFFFF0, s22  }
0x28: {  	s23 =	simm.s32 $0x480;
	s24 =	spop (v2sf);
	s0 =	sadd.s32 s3, s0  }
0x29: {  	(v2sf) =	vpush v0, $0xB;
	[tilespmem:s23], [sflag:$0x1] =	stream.linear.gather [hbm4b:s0+s2], $0x80, $0x38;
	[tilespmem:$0x10200] =	vst v63  }
0x2a: {  	s0 =	sand.u32 $0x1FFFFFF0, s24  }
0x2b: {  	s25 =	simm.s32 $0x500;
	s26 =	spop (v2sf);
	s0 =	sadd.s32 s3, s0  }
0x2c: {  	(v2sf) =	vpush v0, $0xC;
	[tilespmem:s25], [sflag:$0x1] =	stream.linear.gather [hbm4b:s0+s2], $0x80, $0x38;
	[tilespmem:$0x10200] =	vst v63  }
0x2d: {  	s0 =	sand.u32 $0x1FFFFFF0, s26  }
0x2e: {  	s29 =	simm.s32 $0x580;
	s30 =	spop (v2sf);
	s0 =	sadd.s32 s3, s0  }
0x2f: {  	(v2sf) =	vpush v0, $0xD;
	[tilespmem:s29], [sflag:$0x1] =	stream.linear.gather [hbm4b:s0+s2], $0x80, $0x38;
	[tilespmem:$0x10200] =	vst v63  }
0x30: {  	s0 =	sand.u32 $0x1FFFFFF0, s30  }
0x31: {  	s31 =	simm.s32 $0x600;
	s0 =	sadd.s32 s3, s0  }
0x32: {  	[tilespmem:s31], [sflag:$0x1] =	stream.linear.gather [hbm4b:s0+s2], $0x80, $0x38;
	[tilespmem:$0x10200] =	vst v63  }
0x33: {  	s1 =	spop (v2sf)  }
0x34: {  	(v2sf) =	vpush v0, $0xE;
	s0 =	sand.u32 $0x1FFFFFF0, s1  }
0x35: {  	s8 =	simm.s32 $0x680;
	s9 =	spop (v2sf);
	s0 =	sadd.s32 s3, s0  }
0x36: {  	(v2sf) =	vpush v0, $0xF;
	[tilespmem:s8], [sflag:$0x1] =	stream.linear.gather [hbm4b:s0+s2], $0x80, $0x38;
	[tilespmem:$0x10200] =	vst v63  }
0x37: {  	s0 =	sand.u32 $0x1FFFFFF0, s9  }
0x38: {  	s10 =	simm.s32 $0x700;
	s11 =	spop (v2sf);
	s0 =	sadd.s32 s3, s0  }
0x39: {  	[tilespmem:s10], [sflag:$0x1] =	stream.linear.gather [hbm4b:s0+s2], $0x80, $0x38;
	[tilespmem:$0x10200] =	vst v63  }
0x3a: {  	s0 =	sand.u32 $0x1FFFFFF0, s11  }
0x3b: {  	s12 =	simm.s32 $0x780;
	s13 =	spop (v2sf);
	s0 =	sadd.s32 s3, s0  }
0x3c: {  	[tilespmem:s12], [sflag:$0x1] =	stream.linear.gather [hbm4b:s0+s2], $0x80, $0x38;
	[tilespmem:$0x10200] =	vst v63  }
0x3d: {  	s0 =	sand.u32 $0x1FFFFFF0, s13  }
0x3e: {  	s14 =	simm.s32 $0x800;
	s15 =	spop (v2sf);
	s0 =	sadd.s32 s3, s0  }
0x3f: {  	[tilespmem:s14], [sflag:$0x1] =	stream.linear.gather [hbm4b:s0+s2], $0x80, $0x38;
	[tilespmem:$0x10200] =	vst v63  }
0x40: {  	s0 =	sand.u32 $0x1FFFFFF0, s15  }
0x41: {  	s19 =	simm.s32 $0x880;
	s0 =	sadd.s32 s3, s0  }
0x42: {  	[tilespmem:s19], [sflag:$0x1] =	stream.linear.gather [hbm4b:s0+s2], $0x80, $0x38;
	[tilespmem:$0x10200] =	vst v63  }
0x43: {  	s20 =	spop (v2sf)  }
0x44: {  	s0 =	sand.u32 $0x1FFFFFF0, s20  }
0x45: {  	s21 =	simm.s32 $0x900;
	s22 =	spop (v2sf);
	s0 =	sadd.s32 s3, s0  }
0x46: {  	[tilespmem:s21], [sflag:$0x1] =	stream.linear.gather [hbm4b:s0+s2], $0x80, $0x38;
	[tilespmem:$0x10200] =	vst v63  }
0x47: {  	s0 =	sand.u32 $0x1FFFFFF0, s22  }
0x48: {  	s23 =	simm.s32 $0x980;
	s0 =	sadd.s32 s3, s0  }
0x49: {  	[tilespmem:s23], [sflag:$0x1] =	stream.linear.gather [hbm4b:s0+s2], $0x80, $0x38;
	[tilespmem:$0x10200] =	vst v63  }
0x4a: {  	v53 =	vld [tilespmem:$0x10];
	_ =	sdelay $0x4  }
0x4b: {  	v0 =	vshll.u32 v53, $0x4  }
0x4c: {  	(v2sf) =	vpush v0, $0x0;
	_ =	sdelay $0x1  }
0x4d: {  	(v2sf) =	vpush v0, $0x1;
	_ =	sdelay $0x2  }
0x4e: {  	(v2sf) =	vpush v0, $0x2;
	_ =	sdelay $0x2  }
0x4f: {  	(v2sf) =	vpush v0, $0x3;
	_ =	sdelay $0x2  }
0x50: {  	(v2sf) =	vpush v0, $0x4;
	_ =	sdelay $0x3  }
0x51: {  	s24 =	spop (v2sf)  }
0x52: {  	(v2sf) =	vpush v0, $0x5;
	s0 =	sand.u32 $0x1FFFFFF0, s24  }
0x53: {  	s25 =	simm.s32 $0xA00;
	s26 =	spop (v2sf);
	s0 =	sadd.s32 s3, s0  }
0x54: {  	(v2sf) =	vpush v0, $0x6;
	[tilespmem:s25], [sflag:$0x1] =	stream.linear.gather [hbm4b:s0+s2], $0x80, $0x38;
	[tilespmem:$0x10200] =	vst v63  }
0x55: {  	s0 =	sand.u32 $0x1FFFFFF0, s26  }
0x56: {  	s29 =	simm.s32 $0xA80;
	s30 =	spop (v2sf);
	s0 =	sadd.s32 s3, s0  }
0x57: {  	(v2sf) =	vpush v0, $0x7;
	[tilespmem:s29], [sflag:$0x1] =	stream.linear.gather [hbm4b:s0+s2], $0x80, $0x38;
	[tilespmem:$0x10200] =	vst v63  }
0x58: {  	s0 =	sand.u32 $0x1FFFFFF0, s30  }
0x59: {  	s31 =	simm.s32 $0xB00;
	s1 =	spop (v2sf);
	s0 =	sadd.s32 s3, s0  }
0x5a: {  	(v2sf) =	vpush v0, $0x8;
	[tilespmem:s31], [sflag:$0x1] =	stream.linear.gather [hbm4b:s0+s2], $0x80, $0x38;
	[tilespmem:$0x10200] =	vst v63  }
0x5b: {  	s0 =	sand.u32 $0x1FFFFFF0, s1  }
0x5c: {  	s8 =	simm.s32 $0xB80;
	s9 =	spop (v2sf);
	s0 =	sadd.s32 s3, s0  }
0x5d: {  	(v2sf) =	vpush v0, $0x9;
	[tilespmem:s8], [sflag:$0x1] =	stream.linear.gather [hbm4b:s0+s2], $0x80, $0x38;
	[tilespmem:$0x10200] =	vst v63  }
0x5e: {  	s0 =	sand.u32 $0x1FFFFFF0, s9  }
0x5f: {  	s10 =	simm.s32 $0xC00;
	s0 =	sadd.s32 s3, s0  }
0x60: {  	[tilespmem:s10], [sflag:$0x1] =	stream.linear.gather [hbm4b:s0+s2], $0x80, $0x38;
	[tilespmem:$0x10200] =	vst v63  }
0x61: {  	s11 =	spop (v2sf)  }
0x62: {  	(v2sf) =	vpush v0, $0xA;
	s0 =	sand.u32 $0x1FFFFFF0, s11  }
0x63: {  	s12 =	simm.s32 $0xC80;
	s13 =	spop (v2sf);
	s0 =	sadd.s32 s3, s0  }
0x64: {  	(v2sf) =	vpush v0, $0xB;
	[tilespmem:s12], [sflag:$0x1] =	stream.linear.gather [hbm4b:s0+s2], $0x80, $0x38;
	[tilespmem:$0x10200] =	vst v63  }
0x65: {  	s0 =	sand.u32 $0x1FFFFFF0, s13  }
0x66: {  	s14 =	simm.s32 $0xD00;
	s15 =	spop (v2sf);
	s0 =	sadd.s32 s3, s0  }
0x67: {  	[tilespmem:s14], [sflag:$0x1] =	stream.linear.gather [hbm4b:s0+s2], $0x80, $0x38;
	[tilespmem:$0x10200] =	vst v63  }
0x68: {  	s0 =	sand.u32 $0x1FFFFFF0, s15  }
0x69: {  	s19 =	simm.s32 $0xD80;
	s20 =	spop (v2sf);
	s0 =	sadd.s32 s3, s0  }
0x6a: {  	[tilespmem:s19], [sflag:$0x1] =	stream.linear.gather [hbm4b:s0+s2], $0x80, $0x38;
	[tilespmem:$0x10200] =	vst v63  }
0x6b: {  	s0 =	sand.u32 $0x1FFFFFF0, s20  }
0x6c: {  	s21 =	simm.s32 $0xE00;
	s22 =	spop (v2sf);
	s0 =	sadd.s32 s3, s0  }
0x6d: {  	[tilespmem:s21], [sflag:$0x1] =	stream.linear.gather [hbm4b:s0+s2], $0x80, $0x38;
	[tilespmem:$0x10200] =	vst v63  }
0x6e: {  	s0 =	sand.u32 $0x1FFFFFF0, s22  }
0x6f: {  	s23 =	simm.s32 $0xE80;
	s0 =	sadd.s32 s3, s0  }
0x70: {  	[tilespmem:s23], [sflag:$0x1] =	stream.linear.gather [hbm4b:s0+s2], $0x80, $0x38;
	[tilespmem:$0x10200] =	vst v63  }
0x71: {  	s24 =	spop (v2sf)  }
0x72: {  	s0 =	sand.u32 $0x1FFFFFF0, s24  }
0x73: {  	s25 =	simm.s32 $0xF00;
	s26 =	spop (v2sf);
	s0 =	sadd.s32 s3, s0  }
0x74: {  	[tilespmem:s25], [sflag:$0x1] =	stream.linear.gather [hbm4b:s0+s2], $0x80, $0x38;
	[tilespmem:$0x10200] =	vst v63  }
0x75: {  	s0 =	sand.u32 $0x1FFFFFF0, s26  }
0x76: {  	s29 =	simm.s32 $0xF80;
	s0 =	sadd.s32 s3, s0  }
0x77: {  	[tilespmem:s29], [sflag:$0x1] =	stream.linear.gather [hbm4b:s0+s2], $0x80, $0x38;
	[tilespmem:$0x10200] =	vst v63  }
0x78: {  	(v2sf) =	vpush v0, $0xC;
	_ =	sdelay $0x1  }
0x79: {  	(v2sf) =	vpush v0, $0xD;
	_ =	sdelay $0x2  }
0x7a: {  	(v2sf) =	vpush v0, $0xE;
	_ =	sdelay $0x2  }
0x7b: {  	(v2sf) =	vpush v0, $0xF;
	_ =	sdelay $0x6  }
0x7c: {  	s30 =	spop (v2sf)  }
0x7d: {  	s0 =	sand.u32 $0x1FFFFFF0, s30  }
0x7e: {  	s31 =	simm.s32 $0x1000;
	s1 =	spop (v2sf);
	s0 =	sadd.s32 s3, s0  }
0x7f: {  	[tilespmem:s31], [sflag:$0x1] =	stream.linear.gather [hbm4b:s0+s2], $0x80, $0x38;
	[tilespmem:$0x10200] =	vst v63  }
0x80: {  	s0 =	sand.u32 $0x1FFFFFF0, s1  }
0x81: {  	s8 =	simm.s32 $0x1080;
	s9 =	spop (v2sf);
	s0 =	sadd.s32 s3, s0  }
0x82: {  	[tilespmem:s8], [sflag:$0x1] =	stream.linear.gather [hbm4b:s0+s2], $0x80, $0x38;
	[tilespmem:$0x10200] =	vst v63  }
0x83: {  	s0 =	sand.u32 $0x1FFFFFF0, s9  }
0x84: {  	s10 =	simm.s32 $0x1100;
	s11 =	spop (v2sf);
	s0 =	sadd.s32 s3, s0  }
0x85: {  	[tilespmem:s10], [sflag:$0x1] =	stream.linear.gather [hbm4b:s0+s2], $0x80, $0x38;
	[tilespmem:$0x10200] =	vst v63  }
0x86: {  	s0 =	sand.u32 $0x1FFFFFF0, s11  }
0x87: {  	s12 =	simm.s32 $0x1180;
	s0 =	sadd.s32 s3, s0  }
0x88: {  	[tilespmem:s12], [sflag:$0x1] =	stream.linear.gather [hbm4b:s0+s2], $0x80, $0x38;
	[tilespmem:$0x10200] =	vst v63  }
0x89: {  	v54 =	vld [tilespmem:$0x20];
	_ =	sdelay $0x4  }
0x8a: {  	v0 =	vshll.u32 v54, $0x4  }
0x8b: {  	(v2sf) =	vpush v0, $0x0;
	_ =	sdelay $0x1  }
0x8c: {  	(v2sf) =	vpush v0, $0x1;
	_ =	sdelay $0x2  }
0x8d: {  	(v2sf) =	vpush v0, $0x2;
	_ =	sdelay $0x2  }
0x8e: {  	(v2sf) =	vpush v0, $0x3;
	_ =	sdelay $0x2  }
0x8f: {  	(v2sf) =	vpush v0, $0x4;
	_ =	sdelay $0x2  }
0x90: {  	(v2sf) =	vpush v0, $0x5  }
0x91: {  	s13 =	spop (v2sf)  }
0x92: {  	s0 =	sand.u32 $0x1FFFFFF0, s13  }
0x93: {  	s14 =	simm.s32 $0x1200;
	s15 =	spop (v2sf);
	s0 =	sadd.s32 s3, s0  }
0x94: {  	[tilespmem:s14], [sflag:$0x2] =	stream.linear.gather [hbm4b:s0+s2], $0x80, $0x38;
	[tilespmem:$0x10200] =	vst v63  }
0x95: {  	(v2sf) =	vpush v0, $0x6;
	s0 =	sand.u32 $0x1FFFFFF0, s15  }
0x96: {  	s19 =	simm.s32 $0x1280;
	s20 =	spop (v2sf);
	s0 =	sadd.s32 s3, s0  }
0x97: {  	(v2sf) =	vpush v0, $0x7;
	[tilespmem:s19], [sflag:$0x2] =	stream.linear.gather [hbm4b:s0+s2], $0x80, $0x38;
	[tilespmem:$0x10200] =	vst v63  }
0x98: {  	s0 =	sand.u32 $0x1FFFFFF0, s20  }
0x99: {  	s21 =	simm.s32 $0x1300;
	s22 =	spop (v2sf);
	s0 =	sadd.s32 s3, s0  }
0x9a: {  	(v2sf) =	vpush v0, $0x8;
	[tilespmem:s21], [sflag:$0x2] =	stream.linear.gather [hbm4b:s0+s2], $0x80, $0x38;
	[tilespmem:$0x10200] =	vst v63  }
0x9b: {  	s0 =	sand.u32 $0x1FFFFFF0, s22  }
0x9c: {  	s23 =	simm.s32 $0x1380;
	s24 =	spop (v2sf);
	s0 =	sadd.s32 s3, s0  }
0x9d: {  	(v2sf) =	vpush v0, $0x9;
	[tilespmem:s23], [sflag:$0x2] =	stream.linear.gather [hbm4b:s0+s2], $0x80, $0x38;
	[tilespmem:$0x10200] =	vst v63  }
0x9e: {  	s0 =	sand.u32 $0x1FFFFFF0, s24  }
0x9f: {  	s25 =	simm.s32 $0x1400;
	s26 =	spop (v2sf);
	s0 =	sadd.s32 s3, s0  }
0xa0: {  	(v2sf) =	vpush v0, $0xA;
	[tilespmem:s25], [sflag:$0x2] =	stream.linear.gather [hbm4b:s0+s2], $0x80, $0x38;
	[tilespmem:$0x10200] =	vst v63  }
0xa1: {  	s0 =	sand.u32 $0x1FFFFFF0, s26  }
0xa2: {  	s29 =	simm.s32 $0x1480;
	s0 =	sadd.s32 s3, s0  }
0xa3: {  	[tilespmem:s29], [sflag:$0x2] =	stream.linear.gather [hbm4b:s0+s2], $0x80, $0x38;
	[tilespmem:$0x10200] =	vst v63  }
0xa4: {  	s30 =	spop (v2sf)  }
0xa5: {  	(v2sf) =	vpush v0, $0xB;
	s0 =	sand.u32 $0x1FFFFFF0, s30  }
0xa6: {  	s31 =	simm.s32 $0x1500;
	s1 =	spop (v2sf);
	s0 =	sadd.s32 s3, s0  }
0xa7: {  	(v2sf) =	vpush v0, $0xC;
	[tilespmem:s31], [sflag:$0x2] =	stream.linear.gather [hbm4b:s0+s2], $0x80, $0x38;
	[tilespmem:$0x10200] =	vst v63  }
0xa8: {  	s0 =	sand.u32 $0x1FFFFFF0, s1  }
0xa9: {  	s8 =	simm.s32 $0x1580;
	s9 =	spop (v2sf);
	s0 =	sadd.s32 s3, s0  }
0xaa: {  	(v2sf) =	vpush v0, $0xD;
	[tilespmem:s8], [sflag:$0x2] =	stream.linear.gather [hbm4b:s0+s2], $0x80, $0x38;
	[tilespmem:$0x10200] =	vst v63  }
0xab: {  	s0 =	sand.u32 $0x1FFFFFF0, s9  }
0xac: {  	s10 =	simm.s32 $0x1600;
	s11 =	spop (v2sf);
	s0 =	sadd.s32 s3, s0  }
0xad: {  	(v2sf) =	vpush v0, $0xE;
	[tilespmem:s10], [sflag:$0x2] =	stream.linear.gather [hbm4b:s0+s2], $0x80, $0x38;
	[tilespmem:$0x10200] =	vst v63  }
0xae: {  	s0 =	sand.u32 $0x1FFFFFF0, s11  }
0xaf: {  	s12 =	simm.s32 $0x1680;
	s13 =	spop (v2sf);
	s0 =	sadd.s32 s3, s0  }
0xb0: {  	(v2sf) =	vpush v0, $0xF;
	[tilespmem:s12], [sflag:$0x2] =	stream.linear.gather [hbm4b:s0+s2], $0x80, $0x38;
	[tilespmem:$0x10200] =	vst v63  }
0xb1: {  	s0 =	sand.u32 $0x1FFFFFF0, s13  }
0xb2: {  	s14 =	simm.s32 $0x1700;
	s0 =	sadd.s32 s3, s0  }
0xb3: {  	[tilespmem:s14], [sflag:$0x2] =	stream.linear.gather [hbm4b:s0+s2], $0x80, $0x38;
	[tilespmem:$0x10200] =	vst v63  }
0xb4: {  	s15 =	spop (v2sf)  }
0xb5: {  	s0 =	sand.u32 $0x1FFFFFF0, s15  }
0xb6: {  	s19 =	simm.s32 $0x1780;
	s20 =	spop (v2sf);
	s0 =	sadd.s32 s3, s0  }
0xb7: {  	[tilespmem:s19], [sflag:$0x2] =	stream.linear.gather [hbm4b:s0+s2], $0x80, $0x38;
	[tilespmem:$0x10200] =	vst v63  }
0xb8: {  	s0 =	sand.u32 $0x1FFFFFF0, s20  }
0xb9: {  	s21 =	simm.s32 $0x1800;
	s22 =	spop (v2sf);
	s0 =	sadd.s32 s3, s0  }
0xba: {  	[tilespmem:s21], [sflag:$0x2] =	stream.linear.gather [hbm4b:s0+s2], $0x80, $0x38;
	[tilespmem:$0x10200] =	vst v63  }
0xbb: {  	s0 =	sand.u32 $0x1FFFFFF0, s22  }
0xbc: {  	s23 =	simm.s32 $0x1880;
	s24 =	spop (v2sf);
	s0 =	sadd.s32 s3, s0  }
0xbd: {  	[tilespmem:s23], [sflag:$0x2] =	stream.linear.gather [hbm4b:s0+s2], $0x80, $0x38;
	[tilespmem:$0x10200] =	vst v63  }
0xbe: {  	s0 =	sand.u32 $0x1FFFFFF0, s24  }
0xbf: {  	s25 =	simm.s32 $0x1900;
	s26 =	spop (v2sf);
	s0 =	sadd.s32 s3, s0  }
0xc0: {  	[tilespmem:s25], [sflag:$0x2] =	stream.linear.gather [hbm4b:s0+s2], $0x80, $0x38;
	[tilespmem:$0x10200] =	vst v63  }
0xc1: {  	s0 =	sand.u32 $0x1FFFFFF0, s26  }
0xc2: {  	s29 =	simm.s32 $0x1980;
	s0 =	sadd.s32 s3, s0  }
0xc3: {  	[tilespmem:s29], [sflag:$0x2] =	stream.linear.gather [hbm4b:s0+s2], $0x80, $0x38;
	[tilespmem:$0x10200] =	vst v63  }
0xc4: {  	v55 =	vld [tilespmem:$0x30];
	_ =	sdelay $0x4  }
0xc5: {  	v0 =	vshll.u32 v55, $0x4  }
0xc6: {  	(v2sf) =	vpush v0, $0x0;
	_ =	sdelay $0x1  }
0xc7: {  	(v2sf) =	vpush v0, $0x1;
	_ =	sdelay $0x2  }
0xc8: {  	(v2sf) =	vpush v0, $0x2;
	_ =	sdelay $0x2  }
0xc9: {  	(v2sf) =	vpush v0, $0x3;
	_ =	sdelay $0x2  }
0xca: {  	(v2sf) =	vpush v0, $0x4;
	_ =	sdelay $0x2  }
0xcb: {  	(v2sf) =	vpush v0, $0x5  }
0xcc: {  	s30 =	spop (v2sf)  }
0xcd: {  	s0 =	sand.u32 $0x1FFFFFF0, s30  }
0xce: {  	s31 =	simm.s32 $0x1A00;
	s1 =	spop (v2sf);
	s0 =	sadd.s32 s3, s0  }
0xcf: {  	[tilespmem:s31], [sflag:$0x2] =	stream.linear.gather [hbm4b:s0+s2], $0x80, $0x38;
	[tilespmem:$0x10200] =	vst v63  }
0xd0: {  	(v2sf) =	vpush v0, $0x6;
	s0 =	sand.u32 $0x1FFFFFF0, s1  }
0xd1: {  	s8 =	simm.s32 $0x1A80;
	s9 =	spop (v2sf);
	s0 =	sadd.s32 s3, s0  }
0xd2: {  	(v2sf) =	vpush v0, $0x7;
	[tilespmem:s8], [sflag:$0x2] =	stream.linear.gather [hbm4b:s0+s2], $0x80, $0x38;
	[tilespmem:$0x10200] =	vst v63  }
0xd3: {  	s0 =	sand.u32 $0x1FFFFFF0, s9  }
0xd4: {  	s10 =	simm.s32 $0x1B00;
	s11 =	spop (v2sf);
	s0 =	sadd.s32 s3, s0  }
0xd5: {  	(v2sf) =	vpush v0, $0x8;
	[tilespmem:s10], [sflag:$0x2] =	stream.linear.gather [hbm4b:s0+s2], $0x80, $0x38;
	[tilespmem:$0x10200] =	vst v63  }
0xd6: {  	s0 =	sand.u32 $0x1FFFFFF0, s11  }
0xd7: {  	s12 =	simm.s32 $0x1B80;
	s13 =	spop (v2sf);
	s0 =	sadd.s32 s3, s0  }
0xd8: {  	(v2sf) =	vpush v0, $0x9;
	[tilespmem:s12], [sflag:$0x2] =	stream.linear.gather [hbm4b:s0+s2], $0x80, $0x38;
	[tilespmem:$0x10200] =	vst v63  }
0xd9: {  	s0 =	sand.u32 $0x1FFFFFF0, s13  }
0xda: {  	s14 =	simm.s32 $0x1C00;
	s15 =	spop (v2sf);
	s0 =	sadd.s32 s3, s0  }
0xdb: {  	(v2sf) =	vpush v0, $0xA;
	[tilespmem:s14], [sflag:$0x2] =	stream.linear.gather [hbm4b:s0+s2], $0x80, $0x38;
	[tilespmem:$0x10200] =	vst v63  }
0xdc: {  	s0 =	sand.u32 $0x1FFFFFF0, s15  }
0xdd: {  	s19 =	simm.s32 $0x1C80;
	s0 =	sadd.s32 s3, s0  }
0xde: {  	[tilespmem:s19], [sflag:$0x2] =	stream.linear.gather [hbm4b:s0+s2], $0x80, $0x38;
	[tilespmem:$0x10200] =	vst v63  }
0xdf: {  	s20 =	spop (v2sf)  }
0xe0: {  	(v2sf) =	vpush v0, $0xB;
	s0 =	sand.u32 $0x1FFFFFF0, s20  }
0xe1: {  	s21 =	simm.s32 $0x1D00;
	s22 =	spop (v2sf);
	s0 =	sadd.s32 s3, s0  }
0xe2: {  	(v2sf) =	vpush v0, $0xC;
	[tilespmem:s21], [sflag:$0x2] =	stream.linear.gather [hbm4b:s0+s2], $0x80, $0x38;
	[tilespmem:$0x10200] =	vst v63  }
0xe3: {  	s0 =	sand.u32 $0x1FFFFFF0, s22  }
0xe4: {  	s23 =	simm.s32 $0x1D80;
	s24 =	spop (v2sf);
	s0 =	sadd.s32 s3, s0  }
0xe5: {  	(v2sf) =	vpush v0, $0xD;
	[tilespmem:s23], [sflag:$0x2] =	stream.linear.gather [hbm4b:s0+s2], $0x80, $0x38;
	[tilespmem:$0x10200] =	vst v63  }
0xe6: {  	s0 =	sand.u32 $0x1FFFFFF0, s24  }
0xe7: {  	s25 =	simm.s32 $0x1E00;
	s26 =	spop (v2sf);
	s0 =	sadd.s32 s3, s0  }
0xe8: {  	(v2sf) =	vpush v0, $0xE;
	[tilespmem:s25], [sflag:$0x2] =	stream.linear.gather [hbm4b:s0+s2], $0x80, $0x38;
	[tilespmem:$0x10200] =	vst v63  }
0xe9: {  	s0 =	sand.u32 $0x1FFFFFF0, s26  }
0xea: {  	s29 =	simm.s32 $0x1E80;
	s30 =	spop (v2sf);
	s0 =	sadd.s32 s3, s0  }
0xeb: {  	(v2sf) =	vpush v0, $0xF;
	[tilespmem:s29], [sflag:$0x2] =	stream.linear.gather [hbm4b:s0+s2], $0x80, $0x38;
	[tilespmem:$0x10200] =	vst v63  }
0xec: {  	s0 =	sand.u32 $0x1FFFFFF0, s30  }
0xed: {  	s31 =	simm.s32 $0x1F00;
	s0 =	sadd.s32 s3, s0  }
0xee: {  	[tilespmem:s31], [sflag:$0x2] =	stream.linear.gather [hbm4b:s0+s2], $0x80, $0x38;
	[tilespmem:$0x10200] =	vst v63  }
0xef: {  	s1 =	spop (v2sf)  }
0xf0: {  	s0 =	sand.u32 $0x1FFFFFF0, s1  }
0xf1: {  	s8 =	simm.s32 $0x1F80;
	s9 =	spop (v2sf);
	s0 =	sadd.s32 s3, s0  }
0xf2: {  	[tilespmem:s8], [sflag:$0x2] =	stream.linear.gather [hbm4b:s0+s2], $0x80, $0x38;
	[tilespmem:$0x10200] =	vst v63  }
0xf3: {  	s0 =	sand.u32 $0x1FFFFFF0, s9  }
0xf4: {  	s10 =	simm.s32 $0x2000;
	s11 =	spop (v2sf);
	s0 =	sadd.s32 s3, s0  }
0xf5: {  	[tilespmem:s10], [sflag:$0x2] =	stream.linear.gather [hbm4b:s0+s2], $0x80, $0x38;
	[tilespmem:$0x10200] =	vst v63  }
0xf6: {  	s0 =	sand.u32 $0x1FFFFFF0, s11  }
0xf7: {  	s12 =	simm.s32 $0x2080;
	s13 =	spop (v2sf);
	s0 =	sadd.s32 s3, s0  }
0xf8: {  	[tilespmem:s12], [sflag:$0x2] =	stream.linear.gather [hbm4b:s0+s2], $0x80, $0x38;
	[tilespmem:$0x10200] =	vst v63  }
0xf9: {  	s0 =	sand.u32 $0x1FFFFFF0, s13  }
0xfa: {  	s14 =	simm.s32 $0x2100;
	s15 =	spop (v2sf);
	s0 =	sadd.s32 s3, s0  }
0xfb: {  	[tilespmem:s14], [sflag:$0x2] =	stream.linear.gather [hbm4b:s0+s2], $0x80, $0x38;
	[tilespmem:$0x10200] =	vst v63  }
0xfc: {  	s0 =	sand.u32 $0x1FFFFFF0, s15  }
0xfd: {  	s19 =	simm.s32 $0x2180;
	s0 =	sadd.s32 s3, s0  }
0xfe: {  	[tilespmem:s19], [sflag:$0x2] =	stream.linear.gather [hbm4b:s0+s2], $0x80, $0x38;
	[tilespmem:$0x10200] =	vst v63  }
0xff: {  	v56 =	vld [tilespmem:$0x40];
	_ =	sdelay $0x4  }
0x100: {  	v0 =	vshll.u32 v56, $0x4  }
0x101: {  	(v2sf) =	vpush v0, $0x0;
	_ =	sdelay $0x1  }
0x102: {  	(v2sf) =	vpush v0, $0x1;
	_ =	sdelay $0x2  }
0x103: {  	(v2sf) =	vpush v0, $0x2;
	_ =	sdelay $0x2  }
0x104: {  	(v2sf) =	vpush v0, $0x3;
	_ =	sdelay $0x2  }
0x105: {  	(v2sf) =	vpush v0, $0x4;
	_ =	sdelay $0x2  }
0x106: {  	(v2sf) =	vpush v0, $0x5  }
0x107: {  	s20 =	spop (v2sf)  }
0x108: {  	s0 =	sand.u32 $0x1FFFFFF0, s20  }
0x109: {  	s21 =	simm.s32 $0x2200;
	s22 =	spop (v2sf);
	s0 =	sadd.s32 s3, s0  }
0x10a: {  	[tilespmem:s21], [sflag:$0x1] =	stream.linear.gather [hbm4b:s0+s2], $0x80, $0x38;
	[tilespmem:$0x10200] =	vst v63  }
0x10b: {  	(v2sf) =	vpush v0, $0x6;
	s0 =	sand.u32 $0x1FFFFFF0, s22  }
0x10c: {  	s23 =	simm.s32 $0x2280;
	s24 =	spop (v2sf);
	s0 =	sadd.s32 s3, s0  }
0x10d: {  	(v2sf) =	vpush v0, $0x7;
	[tilespmem:s23], [sflag:$0x1] =	stream.linear.gather [hbm4b:s0+s2], $0x80, $0x38;
	[tilespmem:$0x10200] =	vst v63  }
0x10e: {  	s0 =	sand.u32 $0x1FFFFFF0, s24  }
0x10f: {  	s25 =	simm.s32 $0x2300;
	s26 =	spop (v2sf);
	s0 =	sadd.s32 s3, s0  }
0x110: {  	(v2sf) =	vpush v0, $0x8;
	[tilespmem:s25], [sflag:$0x1] =	stream.linear.gather [hbm4b:s0+s2], $0x80, $0x38;
	[tilespmem:$0x10200] =	vst v63  }
0x111: {  	s0 =	sand.u32 $0x1FFFFFF0, s26  }
0x112: {  	s29 =	simm.s32 $0x2380;
	s30 =	spop (v2sf);
	s0 =	sadd.s32 s3, s0  }
0x113: {  	(v2sf) =	vpush v0, $0x9;
	[tilespmem:s29], [sflag:$0x1] =	stream.linear.gather [hbm4b:s0+s2], $0x80, $0x38;
	[tilespmem:$0x10200] =	vst v63  }
0x114: {  	s0 =	sand.u32 $0x1FFFFFF0, s30  }
0x115: {  	s31 =	simm.s32 $0x2400;
	s1 =	spop (v2sf);
	s0 =	sadd.s32 s3, s0  }
0x116: {  	(v2sf) =	vpush v0, $0xA;
	[tilespmem:s31], [sflag:$0x1] =	stream.linear.gather [hbm4b:s0+s2], $0x80, $0x38;
	[tilespmem:$0x10200] =	vst v63  }
0x117: {  	s0 =	sand.u32 $0x1FFFFFF0, s1  }
0x118: {  	s8 =	simm.s32 $0x2480;
	s0 =	sadd.s32 s3, s0  }
0x119: {  	[tilespmem:s8], [sflag:$0x1] =	stream.linear.gather [hbm4b:s0+s2], $0x80, $0x38;
	[tilespmem:$0x10200] =	vst v63  }
0x11a: {  	s9 =	spop (v2sf)  }
0x11b: {  	(v2sf) =	vpush v0, $0xB;
	s0 =	sand.u32 $0x1FFFFFF0, s9  }
0x11c: {  	s10 =	simm.s32 $0x2500;
	s11 =	spop (v2sf);
	s0 =	sadd.s32 s3, s0  }
0x11d: {  	(v2sf) =	vpush v0, $0xC;
	[tilespmem:s10], [sflag:$0x1] =	stream.linear.gather [hbm4b:s0+s2], $0x80, $0x38;
	[tilespmem:$0x10200] =	vst v63  }
0x11e: {  	s0 =	sand.u32 $0x1FFFFFF0, s11  }
0x11f: {  	s12 =	simm.s32 $0x2580;
	s13 =	spop (v2sf);
	s0 =	sadd.s32 s3, s0  }
0x120: {  	(v2sf) =	vpush v0, $0xD;
	[tilespmem:s12], [sflag:$0x1] =	stream.linear.gather [hbm4b:s0+s2], $0x80, $0x38;
	[tilespmem:$0x10200] =	vst v63  }
0x121: {  	s0 =	sand.u32 $0x1FFFFFF0, s13  }
0x122: {  	s14 =	simm.s32 $0x2600;
	s15 =	spop (v2sf);
	s0 =	sadd.s32 s3, s0  }
0x123: {  	(v2sf) =	vpush v0, $0xE;
	[tilespmem:s14], [sflag:$0x1] =	stream.linear.gather [hbm4b:s0+s2], $0x80, $0x38;
	[tilespmem:$0x10200] =	vst v63  }
0x124: {  	s0 =	sand.u32 $0x1FFFFFF0, s15  }
0x125: {  	s19 =	simm.s32 $0x2680;
	s20 =	spop (v2sf);
	s0 =	sadd.s32 s3, s0  }
0x126: {  	(v2sf) =	vpush v0, $0xF;
	[tilespmem:s19], [sflag:$0x1] =	stream.linear.gather [hbm4b:s0+s2], $0x80, $0x38;
	[tilespmem:$0x10200] =	vst v63  }
0x127: {  	s0 =	sand.u32 $0x1FFFFFF0, s20  }
0x128: {  	s21 =	simm.s32 $0x2700;
	s0 =	sadd.s32 s3, s0  }
0x129: {  	[tilespmem:s21], [sflag:$0x1] =	stream.linear.gather [hbm4b:s0+s2], $0x80, $0x38;
	[tilespmem:$0x10200] =	vst v63  }
0x12a: {  	s22 =	spop (v2sf)  }
0x12b: {  	s0 =	sand.u32 $0x1FFFFFF0, s22  }
0x12c: {  	s23 =	simm.s32 $0x2780;
	s24 =	spop (v2sf);
	s0 =	sadd.s32 s3, s0  }
0x12d: {  	[tilespmem:s23], [sflag:$0x1] =	stream.linear.gather [hbm4b:s0+s2], $0x80, $0x38;
	[tilespmem:$0x10200] =	vst v63  }
0x12e: {  	s0 =	sand.u32 $0x1FFFFFF0, s24  }
0x12f: {  	s25 =	simm.s32 $0x2800;
	s26 =	spop (v2sf);
	s0 =	sadd.s32 s3, s0  }
0x130: {  	[tilespmem:s25], [sflag:$0x1] =	stream.linear.gather [hbm4b:s0+s2], $0x80, $0x38;
	[tilespmem:$0x10200] =	vst v63  }
0x131: {  	s0 =	sand.u32 $0x1FFFFFF0, s26  }
0x132: {  	s29 =	simm.s32 $0x2880;
	s30 =	spop (v2sf);
	s0 =	sadd.s32 s3, s0  }
0x133: {  	[tilespmem:s29], [sflag:$0x1] =	stream.linear.gather [hbm4b:s0+s2], $0x80, $0x38;
	[tilespmem:$0x10200] =	vst v63  }
0x134: {  	s0 =	sand.u32 $0x1FFFFFF0, s30  }
0x135: {  	s31 =	simm.s32 $0x2900;
	s1 =	spop (v2sf);
	s0 =	sadd.s32 s3, s0  }
0x136: {  	[tilespmem:s31], [sflag:$0x1] =	stream.linear.gather [hbm4b:s0+s2], $0x80, $0x38;
	[tilespmem:$0x10200] =	vst v63  }
0x137: {  	s0 =	sand.u32 $0x1FFFFFF0, s1  }
0x138: {  	s8 =	simm.s32 $0x2980;
	s0 =	sadd.s32 s3, s0  }
0x139: {  	[tilespmem:s8], [sflag:$0x1] =	stream.linear.gather [hbm4b:s0+s2], $0x80, $0x38;
	[tilespmem:$0x10200] =	vst v63  }
0x13a: {  	v57 =	vld [tilespmem:$0x50];
	_ =	sdelay $0x4  }
0x13b: {  	v0 =	vshll.u32 v57, $0x4  }
0x13c: {  	(v2sf) =	vpush v0, $0x0;
	_ =	sdelay $0x1  }
0x13d: {  	(v2sf) =	vpush v0, $0x1;
	_ =	sdelay $0x2  }
0x13e: {  	(v2sf) =	vpush v0, $0x2;
	_ =	sdelay $0x2  }
0x13f: {  	(v2sf) =	vpush v0, $0x3;
	_ =	sdelay $0x2  }
0x140: {  	(v2sf) =	vpush v0, $0x4;
	_ =	sdelay $0x2  }
0x141: {  	(v2sf) =	vpush v0, $0x5  }
0x142: {  	s9 =	spop (v2sf)  }
0x143: {  	s0 =	sand.u32 $0x1FFFFFF0, s9  }
0x144: {  	s10 =	simm.s32 $0x2A00;
	s11 =	spop (v2sf);
	s0 =	sadd.s32 s3, s0  }
0x145: {  	[tilespmem:s10], [sflag:$0x1] =	stream.linear.gather [hbm4b:s0+s2], $0x80, $0x38;
	[tilespmem:$0x10200] =	vst v63  }
0x146: {  	(v2sf) =	vpush v0, $0x6;
	s0 =	sand.u32 $0x1FFFFFF0, s11  }
0x147: {  	s12 =	simm.s32 $0x2A80;
	s13 =	spop (v2sf);
	s0 =	sadd.s32 s3, s0  }
0x148: {  	(v2sf) =	vpush v0, $0x7;
	[tilespmem:s12], [sflag:$0x1] =	stream.linear.gather [hbm4b:s0+s2], $0x80, $0x38;
	[tilespmem:$0x10200] =	vst v63  }
0x149: {  	s0 =	sand.u32 $0x1FFFFFF0, s13  }
0x14a: {  	s14 =	simm.s32 $0x2B00;
	s15 =	spop (v2sf);
	s0 =	sadd.s32 s3, s0  }
0x14b: {  	(v2sf) =	vpush v0, $0x8;
	[tilespmem:s14], [sflag:$0x1] =	stream.linear.gather [hbm4b:s0+s2], $0x80, $0x38;
	[tilespmem:$0x10200] =	vst v63  }
0x14c: {  	s0 =	sand.u32 $0x1FFFFFF0, s15  }
0x14d: {  	s19 =	simm.s32 $0x2B80;
	s20 =	spop (v2sf);
	s0 =	sadd.s32 s3, s0  }
0x14e: {  	(v2sf) =	vpush v0, $0x9;
	[tilespmem:s19], [sflag:$0x1] =	stream.linear.gather [hbm4b:s0+s2], $0x80, $0x38;
	[tilespmem:$0x10200] =	vst v63  }
0x14f: {  	s0 =	sand.u32 $0x1FFFFFF0, s20  }
0x150: {  	s21 =	simm.s32 $0x2C00;
	s22 =	spop (v2sf);
	s0 =	sadd.s32 s3, s0  }
0x151: {  	(v2sf) =	vpush v0, $0xA;
	[tilespmem:s21], [sflag:$0x1] =	stream.linear.gather [hbm4b:s0+s2], $0x80, $0x38;
	[tilespmem:$0x10200] =	vst v63  }
0x152: {  	s0 =	sand.u32 $0x1FFFFFF0, s22  }
0x153: {  	s23 =	simm.s32 $0x2C80;
	s0 =	sadd.s32 s3, s0  }
0x154: {  	[tilespmem:s23], [sflag:$0x1] =	stream.linear.gather [hbm4b:s0+s2], $0x80, $0x38;
	[tilespmem:$0x10200] =	vst v63  }
0x155: {  	s24 =	spop (v2sf)  }
0x156: {  	(v2sf) =	vpush v0, $0xB;
	s0 =	sand.u32 $0x1FFFFFF0, s24  }
0x157: {  	s25 =	simm.s32 $0x2D00;
	s26 =	spop (v2sf);
	s0 =	sadd.s32 s3, s0  }
0x158: {  	(v2sf) =	vpush v0, $0xC;
	[tilespmem:s25], [sflag:$0x1] =	stream.linear.gather [hbm4b:s0+s2], $0x80, $0x38;
	[tilespmem:$0x10200] =	vst v63  }
0x159: {  	s0 =	sand.u32 $0x1FFFFFF0, s26  }
0x15a: {  	s29 =	simm.s32 $0x2D80;
	s30 =	spop (v2sf);
	s0 =	sadd.s32 s3, s0  }
0x15b: {  	(v2sf) =	vpush v0, $0xD;
	[tilespmem:s29], [sflag:$0x1] =	stream.linear.gather [hbm4b:s0+s2], $0x80, $0x38;
	[tilespmem:$0x10200] =	vst v63  }
0x15c: {  	s0 =	sand.u32 $0x1FFFFFF0, s30  }
0x15d: {  	s31 =	simm.s32 $0x2E00;
	s1 =	spop (v2sf);
	s0 =	sadd.s32 s3, s0  }
0x15e: {  	(v2sf) =	vpush v0, $0xE;
	[tilespmem:s31], [sflag:$0x1] =	stream.linear.gather [hbm4b:s0+s2], $0x80, $0x38;
	[tilespmem:$0x10200] =	vst v63  }
0x15f: {  	s0 =	sand.u32 $0x1FFFFFF0, s1  }
0x160: {  	s8 =	simm.s32 $0x2E80;
	s9 =	spop (v2sf);
	s0 =	sadd.s32 s3, s0  }
0x161: {  	(v2sf) =	vpush v0, $0xF;
	[tilespmem:s8], [sflag:$0x1] =	stream.linear.gather [hbm4b:s0+s2], $0x80, $0x38;
	[tilespmem:$0x10200] =	vst v63  }
0x162: {  	s0 =	sand.u32 $0x1FFFFFF0, s9  }
0x163: {  	s10 =	simm.s32 $0x2F00;
	s0 =	sadd.s32 s3, s0  }
0x164: {  	[tilespmem:s10], [sflag:$0x1] =	stream.linear.gather [hbm4b:s0+s2], $0x80, $0x38;
	[tilespmem:$0x10200] =	vst v63  }
0x165: {  	s11 =	spop (v2sf)  }
0x166: {  	s0 =	sand.u32 $0x1FFFFFF0, s11  }
0x167: {  	s12 =	simm.s32 $0x2F80;
	s13 =	spop (v2sf);
	s0 =	sadd.s32 s3, s0  }
0x168: {  	[tilespmem:s12], [sflag:$0x1] =	stream.linear.gather [hbm4b:s0+s2], $0x80, $0x38;
	[tilespmem:$0x10200] =	vst v63  }
0x169: {  	s0 =	sand.u32 $0x1FFFFFF0, s13  }
0x16a: {  	s14 =	simm.s32 $0x3000;
	s15 =	spop (v2sf);
	s0 =	sadd.s32 s3, s0  }
0x16b: {  	[tilespmem:s14], [sflag:$0x1] =	stream.linear.gather [hbm4b:s0+s2], $0x80, $0x38;
	[tilespmem:$0x10200] =	vst v63  }
0x16c: {  	s0 =	sand.u32 $0x1FFFFFF0, s15  }
0x16d: {  	s19 =	simm.s32 $0x3080;
	s20 =	spop (v2sf);
	s0 =	sadd.s32 s3, s0  }
0x16e: {  	[tilespmem:s19], [sflag:$0x1] =	stream.linear.gather [hbm4b:s0+s2], $0x80, $0x38;
	[tilespmem:$0x10200] =	vst v63  }
0x16f: {  	s0 =	sand.u32 $0x1FFFFFF0, s20  }
0x170: {  	s21 =	simm.s32 $0x3100;
	s22 =	spop (v2sf);
	s0 =	sadd.s32 s3, s0  }
0x171: {  	[tilespmem:s21], [sflag:$0x1] =	stream.linear.gather [hbm4b:s0+s2], $0x80, $0x38;
	[tilespmem:$0x10200] =	vst v63  }
0x172: {  	s0 =	sand.u32 $0x1FFFFFF0, s22  }
0x173: {  	s23 =	simm.s32 $0x3180;
	s0 =	sadd.s32 s3, s0  }
0x174: {  	[tilespmem:s23], [sflag:$0x1] =	stream.linear.gather [hbm4b:s0+s2], $0x80, $0x38;
	[tilespmem:$0x10200] =	vst v63  }
0x175: {  	v58 =	vld [tilespmem:$0x60];
	_ =	sdelay $0x4  }
0x176: {  	v0 =	vshll.u32 v58, $0x4  }
0x177: {  	(v2sf) =	vpush v0, $0x0;
	_ =	sdelay $0x1  }
0x178: {  	(v2sf) =	vpush v0, $0x1;
	_ =	sdelay $0x2  }
0x179: {  	(v2sf) =	vpush v0, $0x2;
	_ =	sdelay $0x2  }
0x17a: {  	(v2sf) =	vpush v0, $0x3;
	_ =	sdelay $0x2  }
0x17b: {  	(v2sf) =	vpush v0, $0x4;
	_ =	sdelay $0x2  }
0x17c: {  	(v2sf) =	vpush v0, $0x5  }
0x17d: {  	s24 =	spop (v2sf)  }
0x17e: {  	s0 =	sand.u32 $0x1FFFFFF0, s24  }
0x17f: {  	s25 =	simm.s32 $0x3200;
	s26 =	spop (v2sf);
	s0 =	sadd.s32 s3, s0  }
0x180: {  	[tilespmem:s25], [sflag:$0x2] =	stream.linear.gather [hbm4b:s0+s2], $0x80, $0x38;
	[tilespmem:$0x10200] =	vst v63  }
0x181: {  	(v2sf) =	vpush v0, $0x6;
	s0 =	sand.u32 $0x1FFFFFF0, s26  }
0x182: {  	s29 =	simm.s32 $0x3280;
	s30 =	spop (v2sf);
	s0 =	sadd.s32 s3, s0  }
0x183: {  	(v2sf) =	vpush v0, $0x7;
	[tilespmem:s29], [sflag:$0x2] =	stream.linear.gather [hbm4b:s0+s2], $0x80, $0x38;
	[tilespmem:$0x10200] =	vst v63  }
0x184: {  	s0 =	sand.u32 $0x1FFFFFF0, s30  }
0x185: {  	s31 =	simm.s32 $0x3300;
	s1 =	spop (v2sf);
	s0 =	sadd.s32 s3, s0  }
0x186: {  	(v2sf) =	vpush v0, $0x8;
	[tilespmem:s31], [sflag:$0x2] =	stream.linear.gather [hbm4b:s0+s2], $0x80, $0x38;
	[tilespmem:$0x10200] =	vst v63  }
0x187: {  	s0 =	sand.u32 $0x1FFFFFF0, s1  }
0x188: {  	s8 =	simm.s32 $0x3380;
	s9 =	spop (v2sf);
	s0 =	sadd.s32 s3, s0  }
0x189: {  	(v2sf) =	vpush v0, $0x9;
	[tilespmem:s8], [sflag:$0x2] =	stream.linear.gather [hbm4b:s0+s2], $0x80, $0x38;
	[tilespmem:$0x10200] =	vst v63  }
0x18a: {  	s0 =	sand.u32 $0x1FFFFFF0, s9  }
0x18b: {  	s10 =	simm.s32 $0x3400;
	s11 =	spop (v2sf);
	s0 =	sadd.s32 s3, s0  }
0x18c: {  	(v2sf) =	vpush v0, $0xA;
	[tilespmem:s10], [sflag:$0x2] =	stream.linear.gather [hbm4b:s0+s2], $0x80, $0x38;
	[tilespmem:$0x10200] =	vst v63  }
0x18d: {  	s0 =	sand.u32 $0x1FFFFFF0, s11  }
0x18e: {  	s12 =	simm.s32 $0x3480;
	s0 =	sadd.s32 s3, s0  }
0x18f: {  	[tilespmem:s12], [sflag:$0x2] =	stream.linear.gather [hbm4b:s0+s2], $0x80, $0x38;
	[tilespmem:$0x10200] =	vst v63  }
0x190: {  	s13 =	spop (v2sf)  }
0x191: {  	(v2sf) =	vpush v0, $0xB;
	s0 =	sand.u32 $0x1FFFFFF0, s13  }
0x192: {  	s14 =	simm.s32 $0x3500;
	s15 =	spop (v2sf);
	s0 =	sadd.s32 s3, s0  }
0x193: {  	(v2sf) =	vpush v0, $0xC;
	[tilespmem:s14], [sflag:$0x2] =	stream.linear.gather [hbm4b:s0+s2], $0x80, $0x38;
	[tilespmem:$0x10200] =	vst v63  }
0x194: {  	s0 =	sand.u32 $0x1FFFFFF0, s15  }
0x195: {  	s19 =	simm.s32 $0x3580;
	s20 =	spop (v2sf);
	s0 =	sadd.s32 s3, s0  }
0x196: {  	(v2sf) =	vpush v0, $0xD;
	[tilespmem:s19], [sflag:$0x2] =	stream.linear.gather [hbm4b:s0+s2], $0x80, $0x38;
	[tilespmem:$0x10200] =	vst v63  }
0x197: {  	s0 =	sand.u32 $0x1FFFFFF0, s20  }
0x198: {  	s21 =	simm.s32 $0x3600;
	s22 =	spop (v2sf);
	s0 =	sadd.s32 s3, s0  }
0x199: {  	(v2sf) =	vpush v0, $0xE;
	[tilespmem:s21], [sflag:$0x2] =	stream.linear.gather [hbm4b:s0+s2], $0x80, $0x38;
	[tilespmem:$0x10200] =	vst v63  }
0x19a: {  	s0 =	sand.u32 $0x1FFFFFF0, s22  }
0x19b: {  	s23 =	simm.s32 $0x3680;
	s24 =	spop (v2sf);
	s0 =	sadd.s32 s3, s0  }
0x19c: {  	(v2sf) =	vpush v0, $0xF;
	[tilespmem:s23], [sflag:$0x2] =	stream.linear.gather [hbm4b:s0+s2], $0x80, $0x38;
	[tilespmem:$0x10200] =	vst v63  }
0x19d: {  	s0 =	sand.u32 $0x1FFFFFF0, s24  }
0x19e: {  	s25 =	simm.s32 $0x3700;
	s0 =	sadd.s32 s3, s0  }
0x19f: {  	[tilespmem:s25], [sflag:$0x2] =	stream.linear.gather [hbm4b:s0+s2], $0x80, $0x38;
	[tilespmem:$0x10200] =	vst v63  }
0x1a0: {  	s26 =	spop (v2sf)  }
0x1a1: {  	s0 =	sand.u32 $0x1FFFFFF0, s26  }
0x1a2: {  	s29 =	simm.s32 $0x3780;
	s30 =	spop (v2sf);
	s0 =	sadd.s32 s3, s0  }
0x1a3: {  	[tilespmem:s29], [sflag:$0x2] =	stream.linear.gather [hbm4b:s0+s2], $0x80, $0x38;
	[tilespmem:$0x10200] =	vst v63  }
0x1a4: {  	s0 =	sand.u32 $0x1FFFFFF0, s30  }
0x1a5: {  	s31 =	simm.s32 $0x3800;
	s1 =	spop (v2sf);
	s0 =	sadd.s32 s3, s0  }
0x1a6: {  	[tilespmem:s31], [sflag:$0x2] =	stream.linear.gather [hbm4b:s0+s2], $0x80, $0x38;
	[tilespmem:$0x10200] =	vst v63  }
0x1a7: {  	s0 =	sand.u32 $0x1FFFFFF0, s1  }
0x1a8: {  	s8 =	simm.s32 $0x3880;
	s9 =	spop (v2sf);
	s0 =	sadd.s32 s3, s0  }
0x1a9: {  	[tilespmem:s8], [sflag:$0x2] =	stream.linear.gather [hbm4b:s0+s2], $0x80, $0x38;
	[tilespmem:$0x10200] =	vst v63  }
0x1aa: {  	s0 =	sand.u32 $0x1FFFFFF0, s9  }
0x1ab: {  	s10 =	simm.s32 $0x3900;
	s11 =	spop (v2sf);
	s0 =	sadd.s32 s3, s0  }
0x1ac: {  	[tilespmem:s10], [sflag:$0x2] =	stream.linear.gather [hbm4b:s0+s2], $0x80, $0x38;
	[tilespmem:$0x10200] =	vst v63  }
0x1ad: {  	s0 =	sand.u32 $0x1FFFFFF0, s11  }
0x1ae: {  	s12 =	simm.s32 $0x3980;
	s0 =	sadd.s32 s3, s0  }
0x1af: {  	[tilespmem:s12], [sflag:$0x2] =	stream.linear.gather [hbm4b:s0+s2], $0x80, $0x38;
	[tilespmem:$0x10200] =	vst v63  }
0x1b0: {  	v59 =	vld [tilespmem:$0x70];
	_ =	sdelay $0x4  }
0x1b1: {  	v0 =	vshll.u32 v59, $0x4  }
0x1b2: {  	(v2sf) =	vpush v0, $0x0;
	_ =	sdelay $0x1  }
0x1b3: {  	(v2sf) =	vpush v0, $0x1;
	_ =	sdelay $0x2  }
0x1b4: {  	(v2sf) =	vpush v0, $0x2;
	_ =	sdelay $0x2  }
0x1b5: {  	(v2sf) =	vpush v0, $0x3;
	_ =	sdelay $0x2  }
0x1b6: {  	(v2sf) =	vpush v0, $0x4;
	_ =	sdelay $0x2  }
0x1b7: {  	(v2sf) =	vpush v0, $0x5  }
0x1b8: {  	s13 =	spop (v2sf)  }
0x1b9: {  	s0 =	sand.u32 $0x1FFFFFF0, s13  }
0x1ba: {  	s14 =	simm.s32 $0x3A00;
	s15 =	spop (v2sf);
	s0 =	sadd.s32 s3, s0  }
0x1bb: {  	[tilespmem:s14], [sflag:$0x2] =	stream.linear.gather [hbm4b:s0+s2], $0x80, $0x38;
	[tilespmem:$0x10200] =	vst v63  }
0x1bc: {  	(v2sf) =	vpush v0, $0x6;
	s0 =	sand.u32 $0x1FFFFFF0, s15  }
0x1bd: {  	s19 =	simm.s32 $0x3A80;
	s20 =	spop (v2sf);
	s0 =	sadd.s32 s3, s0  }
0x1be: {  	(v2sf) =	vpush v0, $0x7;
	[tilespmem:s19], [sflag:$0x2] =	stream.linear.gather [hbm4b:s0+s2], $0x80, $0x38;
	[tilespmem:$0x10200] =	vst v63  }
0x1bf: {  	s0 =	sand.u32 $0x1FFFFFF0, s20  }
0x1c0: {  	s21 =	simm.s32 $0x3B00;
	s22 =	spop (v2sf);
	s0 =	sadd.s32 s3, s0  }
0x1c1: {  	(v2sf) =	vpush v0, $0x8;
	[tilespmem:s21], [sflag:$0x2] =	stream.linear.gather [hbm4b:s0+s2], $0x80, $0x38;
	[tilespmem:$0x10200] =	vst v63  }
0x1c2: {  	s0 =	sand.u32 $0x1FFFFFF0, s22  }
0x1c3: {  	s23 =	simm.s32 $0x3B80;
	s24 =	spop (v2sf);
	s0 =	sadd.s32 s3, s0  }
0x1c4: {  	(v2sf) =	vpush v0, $0x9;
	[tilespmem:s23], [sflag:$0x2] =	stream.linear.gather [hbm4b:s0+s2], $0x80, $0x38;
	[tilespmem:$0x10200] =	vst v63  }
0x1c5: {  	s0 =	sand.u32 $0x1FFFFFF0, s24  }
0x1c6: {  	s25 =	simm.s32 $0x3C00;
	s26 =	spop (v2sf);
	s0 =	sadd.s32 s3, s0  }
0x1c7: {  	(v2sf) =	vpush v0, $0xA;
	[tilespmem:s25], [sflag:$0x2] =	stream.linear.gather [hbm4b:s0+s2], $0x80, $0x38;
	[tilespmem:$0x10200] =	vst v63  }
0x1c8: {  	s0 =	sand.u32 $0x1FFFFFF0, s26  }
0x1c9: {  	s29 =	simm.s32 $0x3C80;
	s0 =	sadd.s32 s3, s0  }
0x1ca: {  	[tilespmem:s29], [sflag:$0x2] =	stream.linear.gather [hbm4b:s0+s2], $0x80, $0x38;
	[tilespmem:$0x10200] =	vst v63  }
0x1cb: {  	s30 =	spop (v2sf)  }
0x1cc: {  	(v2sf) =	vpush v0, $0xB;
	s0 =	sand.u32 $0x1FFFFFF0, s30  }
0x1cd: {  	s31 =	simm.s32 $0x3D00;
	s1 =	spop (v2sf);
	s0 =	sadd.s32 s3, s0  }
0x1ce: {  	(v2sf) =	vpush v0, $0xC;
	[tilespmem:s31], [sflag:$0x2] =	stream.linear.gather [hbm4b:s0+s2], $0x80, $0x38;
	[tilespmem:$0x10200] =	vst v63  }
0x1cf: {  	s0 =	sand.u32 $0x1FFFFFF0, s1  }
0x1d0: {  	s8 =	simm.s32 $0x3D80;
	s9 =	spop (v2sf);
	s0 =	sadd.s32 s3, s0  }
0x1d1: {  	(v2sf) =	vpush v0, $0xD;
	[tilespmem:s8], [sflag:$0x2] =	stream.linear.gather [hbm4b:s0+s2], $0x80, $0x38;
	[tilespmem:$0x10200] =	vst v63  }
0x1d2: {  	s0 =	sand.u32 $0x1FFFFFF0, s9  }
0x1d3: {  	s10 =	simm.s32 $0x3E00;
	s11 =	spop (v2sf);
	s0 =	sadd.s32 s3, s0  }
0x1d4: {  	(v2sf) =	vpush v0, $0xE;
	[tilespmem:s10], [sflag:$0x2] =	stream.linear.gather [hbm4b:s0+s2], $0x80, $0x38;
	[tilespmem:$0x10200] =	vst v63  }
0x1d5: {  	s0 =	sand.u32 $0x1FFFFFF0, s11  }
0x1d6: {  	s12 =	simm.s32 $0x3E80;
	s13 =	spop (v2sf);
	s0 =	sadd.s32 s3, s0  }
0x1d7: {  	(v2sf) =	vpush v0, $0xF;
	[tilespmem:s12], [sflag:$0x2] =	stream.linear.gather [hbm4b:s0+s2], $0x80, $0x38;
	[tilespmem:$0x10200] =	vst v63  }
0x1d8: {  	s0 =	sand.u32 $0x1FFFFFF0, s13  }
0x1d9: {  	s14 =	simm.s32 $0x3F00;
	s0 =	sadd.s32 s3, s0  }
0x1da: {  	[tilespmem:s14], [sflag:$0x2] =	stream.linear.gather [hbm4b:s0+s2], $0x80, $0x38;
	[tilespmem:$0x10200] =	vst v63  }
0x1db: {  	s15 =	spop (v2sf)  }
0x1dc: {  	s0 =	sand.u32 $0x1FFFFFF0, s15  }
0x1dd: {  	s19 =	simm.s32 $0x3F80;
	s20 =	spop (v2sf);
	s0 =	sadd.s32 s3, s0  }
0x1de: {  	[tilespmem:s19], [sflag:$0x2] =	stream.linear.gather [hbm4b:s0+s2], $0x80, $0x38;
	[tilespmem:$0x10200] =	vst v63  }
0x1df: {  	s0 =	sand.u32 $0x1FFFFFF0, s20  }
0x1e0: {  	s21 =	simm.s32 $0x4000;
	s22 =	spop (v2sf);
	s0 =	sadd.s32 s3, s0  }
0x1e1: {  	[tilespmem:s21], [sflag:$0x2] =	stream.linear.gather [hbm4b:s0+s2], $0x80, $0x38;
	[tilespmem:$0x10200] =	vst v63  }
0x1e2: {  	s0 =	sand.u32 $0x1FFFFFF0, s22  }
0x1e3: {  	s23 =	simm.s32 $0x4080;
	s24 =	spop (v2sf);
	s0 =	sadd.s32 s3, s0  }
0x1e4: {  	[tilespmem:s23], [sflag:$0x2] =	stream.linear.gather [hbm4b:s0+s2], $0x80, $0x38;
	[tilespmem:$0x10200] =	vst v63  }
0x1e5: {  	s0 =	sand.u32 $0x1FFFFFF0, s24  }
0x1e6: {  	s25 =	simm.s32 $0x4100;
	s26 =	spop (v2sf);
	s0 =	sadd.s32 s3, s0  }
0x1e7: {  	[tilespmem:s25], [sflag:$0x2] =	stream.linear.gather [hbm4b:s0+s2], $0x80, $0x38;
	[tilespmem:$0x10200] =	vst v63  }
0x1e8: {  	s0 =	sand.u32 $0x1FFFFFF0, s26  }
0x1e9: {  	s29 =	simm.s32 $0x4180;
	s0 =	sadd.s32 s3, s0  }
0x1ea: {  	[tilespmem:s29], [sflag:$0x2] =	stream.linear.gather [hbm4b:s0+s2], $0x80, $0x38;
	[tilespmem:$0x10200] =	vst v63  }
0x1eb: {  	s30 =	simm.s32 $0x80;
	s19 =	simm.s32 $0x0;
	_ =	swait.ge [sflag:s16], $0x1000  }
0x1ec: {  	s19 =	sand.u32 $0x40, s19;
	s0 =	sand.u32 $0x380, s30;
	[sflag:s16] =	ssyncset.done $0x0  }
0x1ed: {  	s0 =	sor.u32 s19, s0;
	[sflag:s16] =	ssyncadd.s32 $0xFFFFF000  }
0x1ee: {  	v60 =	vld [tilespmem:s0+$0x0];
	_ =	sdelay $0x4  }
0x1ef: {  	v0 =	vshll.u32 v60, $0x4  }
0x1f0: {  	(v2sf) =	vpush v0, $0x1  }
0x1f1: {  	(v2sf) =	vpush v0, $0x0;
	_ =	sdelay $0x1  }
0x1f2: {  	(v2sf) =	vpush v0, $0x2;
	_ =	sdelay $0x1  }
0x1f3: {  	(v2sf) =	vpush v0, $0x3  }
0x1f4: {  	(v2sf) =	vpush v0, $0x4;
	_ =	sdelay $0x1  }
0x1f5: {  	(v2sf) =	vpush v0, $0x5;
	_ =	sdelay $0x1  }
0x1f6: {  	(v2sf) =	vpush v0, $0x6;
	_ =	sdelay $0x1  }
0x1f7: {  	(v2sf) =	vpush v0, $0x7  }
0x1f8: {  	s31 =	simm.s32 $0x4400;
	s8 =	simm.s32 $0x4300  }
0x1f9: {  	s10 =	simm.s32 $0x4380;
	s12 =	simm.s32 $0x4580;
	s14 =	simm.s32 $0x4600;
	(v2sf) =	vpush v0, $0x8  }
0x1fa: {  	s21 =	simm.s32 $0x4680;
	s23 =	simm.s32 $0x4200;
	s20 =	spop (v2sf)  }
0x1fb: {  	s24 =	simm.s32 $0x4280;
	s25 =	simm.s32 $0x4480;
	(v2sf) =	vpush v0, $0x9;
	s22 =	spop (v2sf)  }
0x1fc: {  	s19 =	simm.s32 $0x4700;
	s20 =	sand.u32 $0x1FFFFFF0, s20;
	s22 =	sand.u32 $0x1FFFFFF0, s22  }
0x1fd: {  	(v2sf) =	vpush v0, $0xA;
	s1 =	spop (v2sf);
	s20 =	sadd.s32 s3, s20;
	s22 =	sadd.s32 s3, s22  }
0x1fe: {  	[tilespmem:s23], [sflag:$0x1] =	stream.linear.gather [hbm4b:s22+s2], $0x80, $0x38;
	[tilespmem:$0x10200] =	vst v63  }
0x1ff: {  	s9 =	spop (v2sf);
	s22 =	simm.s32 $0x4500;
	s23 =	sand.u32 $0x1FFFFFF0, s1  }
0x200: {  	s26 =	spop (v2sf);
	s1 =	simm.s32 $0x4780;
	s23 =	sadd.s32 s3, s23  }
0x201: {  	(v2sf) =	vpush v0, $0xB;
	[tilespmem:s24], [sflag:$0x1] =	stream.linear.gather [hbm4b:s20+s2], $0x80, $0x38;
	[tilespmem:$0x10200] =	vst v63  }
0x202: {  	s11 =	sand.u32 $0x1FFFFFF0, s26;
	s13 =	spop (v2sf);
	s24 =	sand.u32 $0x1FFFFFF0, s9  }
0x203: {  	(v2sf) =	vpush v0, $0xC;
	[tilespmem:s8], [sflag:$0x1] =	stream.linear.gather [hbm4b:s23+s2], $0x80, $0x38;
	[tilespmem:$0x10200] =	vst v63  }
0x204: {  	s15 =	sand.u32 $0x1FFFFFF0, s13;
	s26 =	spop (v2sf);
	s24 =	sadd.s32 s3, s24  }
0x205: {  	(v2sf) =	vpush v0, $0xD;
	[tilespmem:s10], [sflag:$0x1] =	stream.linear.gather [hbm4b:s24+s2], $0x80, $0x38;
	[tilespmem:$0x10200] =	vst v63  }
0x206: {  	s9 =	simm.s32 $0x4800;
	s29 =	spop (v2sf);
	s23 =	sadd.s32 s3, s11  }
0x207: {  	(v2sf) =	vpush v0, $0xE;
	[tilespmem:s31], [sflag:$0x1] =	stream.linear.gather [hbm4b:s23+s2], $0x80, $0x38;
	[tilespmem:$0x10200] =	vst v63  }
0x208: {  	s24 =	sand.u32 $0x1FFFFFF0, s26;
	s23 =	sadd.s32 s3, s15;
	s31 =	spop (v2sf)  }
0x209: {  	(v2sf) =	vpush v0, $0xF;
	[tilespmem:s25], [sflag:$0x1] =	stream.linear.gather [hbm4b:s23+s2], $0x80, $0x38;
	[tilespmem:$0x10200] =	vst v63  }
0x20a: {  	s30 =	sand.u32 $0x1FFFFFF0, s29;
	s24 =	sadd.s32 s3, s24;
	s8 =	spop (v2sf)  }
0x20b: {  	[tilespmem:s22], [sflag:$0x1] =	stream.linear.gather [hbm4b:s24+s2], $0x80, $0x38;
	[tilespmem:$0x10200] =	vst v63  }
0x20c: {  	s10 =	sand.u32 $0x1FFFFFF0, s31;
	s23 =	sadd.s32 s3, s30;
	s11 =	spop (v2sf)  }
0x20d: {  	[tilespmem:s12], [sflag:$0x1] =	stream.linear.gather [hbm4b:s23+s2], $0x80, $0x38;
	[tilespmem:$0x10200] =	vst v63  }
0x20e: {  	s24 =	sand.u32 $0x1FFFFFF0, s8;
	s8 =	simm.s32 $0x4880;
	s23 =	sadd.s32 s3, s10  }
0x20f: {  	[tilespmem:s14], [sflag:$0x1] =	stream.linear.gather [hbm4b:s23+s2], $0x80, $0x38;
	[tilespmem:$0x10200] =	vst v63  }
0x210: {  	s13 =	sand.u32 $0x1FFFFFF0, s11;
	s12 =	spop (v2sf);
	s14 =	sadd.s32 s3, s24  }
0x211: {  	[tilespmem:s21], [sflag:$0x1] =	stream.linear.gather [hbm4b:s14+s2], $0x80, $0x38;
	[tilespmem:$0x10200] =	vst v63  }
0x212: {  	s0 =	sadd.s32 s3, s13;
	s15 =	spop (v2sf);
	s23 =	sand.u32 $0x1FFFFFF0, s12  }
0x213: {  	[tilespmem:s19], [sflag:$0x1] =	stream.linear.gather [hbm4b:s0+s2], $0x80, $0x38;
	[tilespmem:$0x10200] =	vst v63  }
0x214: {  	s25 =	spop (v2sf);
	s26 =	sand.u32 $0x1FFFFFF0, s15;
	s29 =	sadd.s32 s3, s23  }
0x215: {  	[tilespmem:s1], [sflag:$0x1] =	stream.linear.gather [hbm4b:s29+s2], $0x80, $0x38;
	[tilespmem:$0x10200] =	vst v63  }
0x216: {  	s30 =	spop (v2sf);
	s31 =	sand.u32 $0x1FFFFFF0, s25;
	s0 =	sadd.s32 s3, s26  }
0x217: {  	[tilespmem:s9], [sflag:$0x1] =	stream.linear.gather [hbm4b:s0+s2], $0x80, $0x38;
	[tilespmem:$0x10200] =	vst v63  }
0x218: {  	s21 =	sand.u32 $0x1FFFFFF0, s30;
	s19 =	sadd.s32 s3, s31;
	s1 =	spop (v2sf)  }
0x219: {  	[tilespmem:s8], [sflag:$0x1] =	stream.linear.gather [hbm4b:s19+s2], $0x80, $0x38;
	[tilespmem:$0x10200] =	vst v63  }
0x21a: {  	s10 =	sadd.s32 s3, s21;
	s0 =	sand.u32 $0x1FFFFFF0, s1;
	s9 =	simm.s32 $0x4900  }
0x21b: {  	[tilespmem:s9], [sflag:$0x1] =	stream.linear.gather [hbm4b:s10+s2], $0x80, $0x38;
	[tilespmem:$0x10200] =	vst v63  }
0x21c: {  	s11 =	simm.s32 $0x4980;
	s0 =	sadd.s32 s3, s0;
	s19 =	simm.s32 $0xB0  }
0x21d: {  	[tilespmem:s11], [sflag:$0x1] =	stream.linear.gather [hbm4b:s0+s2], $0x80, $0x38;
	[tilespmem:$0x10200] =	vst v63  }
0x21e: {  	v61 =	vld [tilespmem:s19+$0xFFFFFFE0];
	_ =	sdelay $0x4  }
0x21f: {  	v0 =	vshll.u32 v61, $0x4  }
0x220: {  	(v2sf) =	vpush v0, $0x0  }
0x221: {  	(v2sf) =	vpush v0, $0x1  }
0x222: {  	(v2sf) =	vpush v0, $0x2;
	_ =	sdelay $0x1  }
0x223: {  	(v2sf) =	vpush v0, $0x3  }
0x224: {  	(v2sf) =	vpush v0, $0x4;
	_ =	sdelay $0x1  }
0x225: {  	(v2sf) =	vpush v0, $0x5  }
0x226: {  	(v2sf) =	vpush v0, $0x6;
	_ =	sdelay $0x1  }
0x227: {  	(v2sf) =	vpush v0, $0x7;
	_ =	sdelay $0x2  }
0x228: {  	s20 =	simm.s32 $0x5080;
	s22 =	simm.s32 $0x4F00  }
0x229: {  	s13 =	simm.s32 $0x4A00;
	s24 =	simm.s32 $0x4A80;
	s30 =	simm.s32 $0x4B00  }
0x22a: {  	s21 =	simm.s32 $0x5000;
	s1 =	simm.s32 $0x4B80;
	s12 =	spop (v2sf)  }
0x22b: {  	s10 =	simm.s32 $0x4C00;
	(v2sf) =	vpush v0, $0x8;
	s23 =	sand.u32 $0x1FFFFFF0, s12;
	s14 =	spop (v2sf)  }
0x22c: {  	s23 =	sadd.s32 s3, s23;
	s25 =	sand.u32 $0x1FFFFFF0, s14;
	s15 =	spop (v2sf)  }
0x22d: {  	(v2sf) =	vpush v0, $0x9;
	[tilespmem:s13], [sflag:$0x1] =	stream.linear.gather [hbm4b:s23+s2], $0x80, $0x38;
	[tilespmem:$0x10200] =	vst v63  }
0x22e: {  	s0 =	simm.s32 $0x4E80;
	s25 =	sadd.s32 s3, s25;
	s31 =	spop (v2sf)  }
0x22f: {  	(v2sf) =	vpush v0, $0xA;
	s29 =	sand.u32 $0x1FFFFFF0, s15;
	s13 =	simm.s32 $0x4C80;
	s8 =	spop (v2sf)  }
0x230: {  	[tilespmem:s24], [sflag:$0x1] =	stream.linear.gather [hbm4b:s25+s2], $0x80, $0x38;
	[tilespmem:$0x10200] =	vst v63  }
0x231: {  	(v2sf) =	vpush v0, $0xB;
	s15 =	simm.s32 $0x4D00;
	s24 =	sand.u32 $0x1FFFFFF0, s31;
	s9 =	spop (v2sf)  }
0x232: {  	s25 =	sadd.s32 s3, s29;
	s24 =	sadd.s32 s3, s24;
	s14 =	spop (v2sf)  }
0x233: {  	(v2sf) =	vpush v0, $0xC;
	[tilespmem:s30], [sflag:$0x1] =	stream.linear.gather [hbm4b:s25+s2], $0x80, $0x38;
	[tilespmem:$0x10200] =	vst v63  }
0x234: {  	s12 =	sand.u32 $0x1FFFFFF0, s9;
	s25 =	sand.u32 $0x1FFFFFF0, s8;
	s26 =	spop (v2sf)  }
0x235: {  	(v2sf) =	vpush v0, $0xD;
	[tilespmem:s1], [sflag:$0x1] =	stream.linear.gather [hbm4b:s24+s2], $0x80, $0x38;
	[tilespmem:$0x10200] =	vst v63  }
0x236: {  	s30 =	simm.s32 $0x4D80;
	s11 =	sadd.s32 s3, s25;
	s24 =	sand.u32 $0x1FFFFFF0, s14  }
0x237: {  	(v2sf) =	vpush v0, $0xE;
	[tilespmem:s10], [sflag:$0x1] =	stream.linear.gather [hbm4b:s11+s2], $0x80, $0x38;
	[tilespmem:$0x10200] =	vst v63  }
0x238: {  	s8 =	simm.s32 $0x4E00;
	s25 =	sadd.s32 s3, s12;
	s24 =	sadd.s32 s3, s24  }
0x239: {  	(v2sf) =	vpush v0, $0xF;
	[tilespmem:s13], [sflag:$0x1] =	stream.linear.gather [hbm4b:s25+s2], $0x80, $0x38;
	[tilespmem:$0x10200] =	vst v63  }
0x23a: {  	s10 =	simm.s32 $0x4F80;
	s25 =	sand.u32 $0x1FFFFFF0, s26;
	s29 =	spop (v2sf)  }
0x23b: {  	[tilespmem:s15], [sflag:$0x1] =	stream.linear.gather [hbm4b:s24+s2], $0x80, $0x38;
	[tilespmem:$0x10200] =	vst v63  }
0x23c: {  	s31 =	sadd.s32 s3, s25;
	s1 =	sand.u32 $0x1FFFFFF0, s29;
	s9 =	spop (v2sf)  }
0x23d: {  	[tilespmem:s30], [sflag:$0x1] =	stream.linear.gather [hbm4b:s31+s2], $0x80, $0x38;
	[tilespmem:$0x10200] =	vst v63  }
0x23e: {  	s25 =	sadd.s32 s3, s1;
	s24 =	sand.u32 $0x1FFFFFF0, s9;
	s11 =	spop (v2sf)  }
0x23f: {  	[tilespmem:s8], [sflag:$0x1] =	stream.linear.gather [hbm4b:s25+s2], $0x80, $0x38;
	[tilespmem:$0x10200] =	vst v63  }
0x240: {  	s24 =	sadd.s32 s3, s24;
	s12 =	spop (v2sf);
	s25 =	sand.u32 $0x1FFFFFF0, s11  }
0x241: {  	[tilespmem:s0], [sflag:$0x1] =	stream.linear.gather [hbm4b:s24+s2], $0x80, $0x38;
	[tilespmem:$0x10200] =	vst v63  }
0x242: {  	s14 =	sand.u32 $0x1FFFFFF0, s12;
	s15 =	spop (v2sf);
	s13 =	sadd.s32 s3, s25  }
0x243: {  	[tilespmem:s22], [sflag:$0x1] =	stream.linear.gather [hbm4b:s13+s2], $0x80, $0x38;
	[tilespmem:$0x10200] =	vst v63  }
0x244: {  	s25 =	spop (v2sf);
	s24 =	sand.u32 $0x1FFFFFF0, s15;
	s22 =	sadd.s32 s3, s14  }
0x245: {  	[tilespmem:s10], [sflag:$0x1] =	stream.linear.gather [hbm4b:s22+s2], $0x80, $0x38;
	[tilespmem:$0x10200] =	vst v63  }
0x246: {  	s29 =	sand.u32 $0x1FFFFFF0, s25;
	s30 =	spop (v2sf);
	s26 =	sadd.s32 s3, s24  }
0x247: {  	[tilespmem:s21], [sflag:$0x1] =	stream.linear.gather [hbm4b:s26+s2], $0x80, $0x38;
	[tilespmem:$0x10200] =	vst v63  }
0x248: {  	s31 =	sadd.s32 s3, s29;
	s1 =	sand.u32 $0x1FFFFFF0, s30;
	s8 =	spop (v2sf)  }
0x249: {  	[tilespmem:s20], [sflag:$0x1] =	stream.linear.gather [hbm4b:s31+s2], $0x80, $0x38;
	[tilespmem:$0x10200] =	vst v63  }
0x24a: {  	s9 =	simm.s32 $0x5100;
	s11 =	sand.u32 $0x1FFFFFF0, s8;
	s10 =	sadd.s32 s3, s1  }
0x24b: {  	[tilespmem:s9], [sflag:$0x1] =	stream.linear.gather [hbm4b:s10+s2], $0x80, $0x38;
	[tilespmem:$0x10200] =	vst v63  }
0x24c: {  	s12 =	simm.s32 $0x5180;
	s13 =	sadd.s32 s3, s11  }
0x24d: {  	[tilespmem:s12], [sflag:$0x1] =	stream.linear.gather [hbm4b:s13+s2], $0x80, $0x38;
	[tilespmem:$0x10200] =	vst v63  }
0x24e: {  	_ =	swait.ge [sflag:s17], $0x1000  }
0x24f: {  	[sflag:s17] =	ssyncset.done $0x0  }
0x250: {  	[sflag:s17] =	ssyncadd.s32 $0xFFFFF000  }
0x251: {  	v62 =	vld [tilespmem:s19+$0xFFFFFFF0];
	_ =	sdelay $0x4  }
0x252: {  	v0 =	vshll.u32 v62, $0x4  }
0x253: {  	(v2sf) =	vpush v0, $0x0  }
0x254: {  	(v2sf) =	vpush v0, $0x1  }
0x255: {  	(v2sf) =	vpush v0, $0x2;
	_ =	sdelay $0x1  }
0x256: {  	(v2sf) =	vpush v0, $0x3  }
0x257: {  	(v2sf) =	vpush v0, $0x4;
	_ =	sdelay $0x1  }
0x258: {  	(v2sf) =	vpush v0, $0x5  }
0x259: {  	(v2sf) =	vpush v0, $0x6;
	_ =	sdelay $0x1  }
0x25a: {  	(v2sf) =	vpush v0, $0x7;
	_ =	sdelay $0x2  }
0x25b: {  	s0 =	simm.s32 $0x5680;
	s15 =	simm.s32 $0x5200  }
0x25c: {  	s30 =	simm.s32 $0x5280;
	s8 =	simm.s32 $0x5300;
	s22 =	simm.s32 $0x5700  }
0x25d: {  	s21 =	simm.s32 $0x5800;
	s20 =	simm.s32 $0x5880;
	s14 =	spop (v2sf)  }
0x25e: {  	s10 =	simm.s32 $0x5380;
	(v2sf) =	vpush v0, $0x8;
	s23 =	sand.u32 $0x1FFFFFF0, s14;
	s26 =	spop (v2sf)  }
0x25f: {  	s13 =	simm.s32 $0x5400;
	s23 =	sadd.s32 s3, s23;
	s29 =	spop (v2sf)  }
0x260: {  	(v2sf) =	vpush v0, $0x9;
	[tilespmem:s15], [sflag:$0x2] =	stream.linear.gather [hbm4b:s23+s2], $0x80, $0x38;
	[tilespmem:$0x10200] =	vst v63  }
0x261: {  	s25 =	sand.u32 $0x1FFFFFF0, s26;
	s26 =	simm.s32 $0x5480;
	s9 =	spop (v2sf)  }
0x262: {  	(v2sf) =	vpush v0, $0xA;
	s31 =	sadd.s32 s3, s25;
	s1 =	sand.u32 $0x1FFFFFF0, s29;
	s11 =	spop (v2sf)  }
0x263: {  	[tilespmem:s30], [sflag:$0x2] =	stream.linear.gather [hbm4b:s31+s2], $0x80, $0x38;
	[tilespmem:$0x10200] =	vst v63  }
0x264: {  	(v2sf) =	vpush v0, $0xB;
	s25 =	sadd.s32 s3, s1;
	s24 =	sand.u32 $0x1FFFFFF0, s9;
	s12 =	spop (v2sf)  }
0x265: {  	s24 =	sadd.s32 s3, s24;
	s30 =	simm.s32 $0x5500;
	s29 =	spop (v2sf)  }
0x266: {  	(v2sf) =	vpush v0, $0xC;
	[tilespmem:s8], [sflag:$0x2] =	stream.linear.gather [hbm4b:s25+s2], $0x80, $0x38;
	[tilespmem:$0x10200] =	vst v63  }
0x267: {  	s15 =	sand.u32 $0x1FFFFFF0, s12;
	s25 =	sand.u32 $0x1FFFFFF0, s11;
	s31 =	spop (v2sf)  }
0x268: {  	(v2sf) =	vpush v0, $0xD;
	[tilespmem:s10], [sflag:$0x2] =	stream.linear.gather [hbm4b:s24+s2], $0x80, $0x38;
	[tilespmem:$0x10200] =	vst v63  }
0x269: {  	s8 =	simm.s32 $0x5580;
	s14 =	sadd.s32 s3, s25;
	s24 =	sand.u32 $0x1FFFFFF0, s29  }
0x26a: {  	(v2sf) =	vpush v0, $0xE;
	[tilespmem:s13], [sflag:$0x2] =	stream.linear.gather [hbm4b:s14+s2], $0x80, $0x38;
	[tilespmem:$0x10200] =	vst v63  }
0x26b: {  	s11 =	simm.s32 $0x5600;
	s25 =	sadd.s32 s3, s15;
	s24 =	sadd.s32 s3, s24  }
0x26c: {  	(v2sf) =	vpush v0, $0xF;
	[tilespmem:s26], [sflag:$0x2] =	stream.linear.gather [hbm4b:s25+s2], $0x80, $0x38;
	[tilespmem:$0x10200] =	vst v63  }
0x26d: {  	s13 =	simm.s32 $0x5780;
	s25 =	sand.u32 $0x1FFFFFF0, s31;
	s1 =	spop (v2sf)  }
0x26e: {  	[tilespmem:s30], [sflag:$0x2] =	stream.linear.gather [hbm4b:s24+s2], $0x80, $0x38;
	[tilespmem:$0x10200] =	vst v63  }
0x26f: {  	s9 =	sadd.s32 s3, s25;
	s10 =	sand.u32 $0x1FFFFFF0, s1;
	s12 =	spop (v2sf)  }
0x270: {  	[tilespmem:s8], [sflag:$0x2] =	stream.linear.gather [hbm4b:s9+s2], $0x80, $0x38;
	[tilespmem:$0x10200] =	vst v63  }
0x271: {  	s25 =	sadd.s32 s3, s10;
	s24 =	sand.u32 $0x1FFFFFF0, s12;
	s14 =	spop (v2sf)  }
0x272: {  	[tilespmem:s11], [sflag:$0x2] =	stream.linear.gather [hbm4b:s25+s2], $0x80, $0x38;
	[tilespmem:$0x10200] =	vst v63  }
0x273: {  	s24 =	sadd.s32 s3, s24;
	s15 =	spop (v2sf);
	s25 =	sand.u32 $0x1FFFFFF0, s14  }
0x274: {  	[tilespmem:s0], [sflag:$0x2] =	stream.linear.gather [hbm4b:s24+s2], $0x80, $0x38;
	[tilespmem:$0x10200] =	vst v63  }
0x275: {  	s26 =	spop (v2sf);
	s24 =	sadd.s32 s3, s25;
	s25 =	sand.u32 $0x1FFFFFF0, s15  }
0x276: {  	[tilespmem:s22], [sflag:$0x2] =	stream.linear.gather [hbm4b:s24+s2], $0x80, $0x38;
	[tilespmem:$0x10200] =	vst v63  }
0x277: {  	s30 =	sand.u32 $0x1FFFFFF0, s26;
	s31 =	spop (v2sf);
	s29 =	sadd.s32 s3, s25  }
0x278: {  	[tilespmem:s13], [sflag:$0x2] =	stream.linear.gather [hbm4b:s29+s2], $0x80, $0x38;
	[tilespmem:$0x10200] =	vst v63  }
0x279: {  	s1 =	sadd.s32 s3, s30;
	s8 =	sand.u32 $0x1FFFFFF0, s31;
	s9 =	spop (v2sf)  }
0x27a: {  	[tilespmem:s21], [sflag:$0x2] =	stream.linear.gather [hbm4b:s1+s2], $0x80, $0x38;
	[tilespmem:$0x10200] =	vst v63  }
0x27b: {  	s10 =	sadd.s32 s3, s8;
	s11 =	sand.u32 $0x1FFFFFF0, s9;
	s12 =	spop (v2sf)  }
0x27c: {  	[tilespmem:s20], [sflag:$0x2] =	stream.linear.gather [hbm4b:s10+s2], $0x80, $0x38;
	[tilespmem:$0x10200] =	vst v63  }
0x27d: {  	s14 =	sadd.s32 s3, s11;
	s15 =	sand.u32 $0x1FFFFFF0, s12;
	s13 =	simm.s32 $0x5900  }
0x27e: {  	[tilespmem:s13], [sflag:$0x2] =	stream.linear.gather [hbm4b:s14+s2], $0x80, $0x38;
	[tilespmem:$0x10200] =	vst v63  }
0x27f: {  	s22 =	simm.s32 $0x5980;
	s23 =	sadd.s32 s3, s15  }
0x280: {  	[tilespmem:s22], [sflag:$0x2] =	stream.linear.gather [hbm4b:s23+s2], $0x80, $0x38;
	[tilespmem:$0x10200] =	vst v63  }
0x281: {  	v63 =	vld [tilespmem:s19+$0x0];
	_ =	sdelay $0x4  }
0x282: {  	v0 =	vshll.u32 v63, $0x4  }
0x283: {  	(v2sf) =	vpush v0, $0x0  }
0x284: {  	(v2sf) =	vpush v0, $0x1  }
0x285: {  	(v2sf) =	vpush v0, $0x2;
	_ =	sdelay $0x1  }
0x286: {  	(v2sf) =	vpush v0, $0x3  }
0x287: {  	(v2sf) =	vpush v0, $0x4;
	_ =	sdelay $0x1  }
0x288: {  	(v2sf) =	vpush v0, $0x5;
	_ =	sdelay $0x1  }
0x289: {  	(v2sf) =	vpush v0, $0x6;
	_ =	sdelay $0x2  }
0x28a: {  	s25 =	simm.s32 $0x5A00  }
0x28b: {  	s8 =	simm.s32 $0x5B00;
	s11 =	simm.s32 $0x5B80;
	s29 =	simm.s32 $0x5A80;
	(v2sf) =	vpush v0, $0x7  }
0x28c: {  	s21 =	simm.s32 $0x6000;
	s20 =	simm.s32 $0x0;
	s13 =	simm.s32 $0x5C00  }
0x28d: {  	s22 =	simm.s32 $0x5E80;
	s23 =	simm.s32 $0x5D00;
	s24 =	spop (v2sf);
	(v2sf) =	vpush v0, $0x8  }
0x28e: {  	s19 =	simm.s32 $0x8000;
	s0 =	sand.u32 $0x1FFFFFF0, s24;
	s26 =	spop (v2sf)  }
0x28f: {  	(v2sf) =	vpush v0, $0x9;
	s0 =	sadd.s32 s3, s0;
	s30 =	sand.u32 $0x1FFFFFF0, s26;
	s31 =	spop (v2sf)  }
0x290: {  	[tilespmem:s25], [sflag:$0x2] =	stream.linear.gather [hbm4b:s0+s2], $0x80, $0x38;
	[tilespmem:$0x10200] =	vst v63  }
0x291: {  	(v2sf) =	vpush v0, $0xA;
	s24 =	sadd.s32 s3, s30;
	s25 =	sand.u32 $0x1FFFFFF0, s31;
	s1 =	spop (v2sf)  }
0x292: {  	s30 =	simm.s32 $0x5D80;
	s9 =	sadd.s32 s3, s25;
	s12 =	spop (v2sf)  }
0x293: {  	[tilespmem:s29], [sflag:$0x2] =	stream.linear.gather [hbm4b:s24+s2], $0x80, $0x38;
	[tilespmem:$0x10200] =	vst v63  }
0x294: {  	(v2sf) =	vpush v0, $0xB;
	s10 =	sand.u32 $0x1FFFFFF0, s1;
	s1 =	simm.s32 $0x5E00;
	s14 =	spop (v2sf)  }
0x295: {  	[tilespmem:s8], [sflag:$0x2] =	stream.linear.gather [hbm4b:s9+s2], $0x80, $0x38;
	[tilespmem:$0x10200] =	vst v63  }
0x296: {  	(v2sf) =	vpush v0, $0xC;
	s25 =	sadd.s32 s3, s10;
	s24 =	sand.u32 $0x1FFFFFF0, s12;
	s15 =	spop (v2sf)  }
0x297: {  	[tilespmem:s11], [sflag:$0x2] =	stream.linear.gather [hbm4b:s25+s2], $0x80, $0x38;
	[tilespmem:$0x10200] =	vst v63  }
0x298: {  	(v2sf) =	vpush v0, $0xD;
	s24 =	sadd.s32 s3, s24;
	s29 =	sand.u32 $0x1FFFFFF0, s15;
	s25 =	sand.u32 $0x1FFFFFF0, s14  }
0x299: {  	[tilespmem:s13], [sflag:$0x2] =	stream.linear.gather [hbm4b:s24+s2], $0x80, $0x38;
	[tilespmem:$0x10200] =	vst v63  }
0x29a: {  	s31 =	spop (v2sf);
	s25 =	sadd.s32 s3, s25;
	s24 =	simm.s32 $0x5C80  }
0x29b: {  	[tilespmem:s24], [sflag:$0x2] =	stream.linear.gather [hbm4b:s25+s2], $0x80, $0x38;
	[tilespmem:$0x10200] =	vst v63  }
0x29c: {  	s25 =	sadd.s32 s3, s29;
	s24 =	sand.u32 $0x1FFFFFF0, s31;
	s8 =	spop (v2sf);
	(v2sf) =	vpush v0, $0xE  }
0x29d: {  	[tilespmem:s23], [sflag:$0x2] =	stream.linear.gather [hbm4b:s25+s2], $0x80, $0x38;
	[tilespmem:$0x10200] =	vst v63  }
0x29e: {  	s24 =	sadd.s32 s3, s24;
	s25 =	sand.u32 $0x1FFFFFF0, s8;
	s9 =	spop (v2sf);
	(v2sf) =	vpush v0, $0xF  }
0x29f: {  	[tilespmem:s30], [sflag:$0x2] =	stream.linear.gather [hbm4b:s24+s2], $0x80, $0x38;
	[tilespmem:$0x10200] =	vst v63  }
0x2a0: {  	s10 =	sadd.s32 s3, s25;
	s11 =	sand.u32 $0x1FFFFFF0, s9;
	s12 =	spop (v2sf)  }
0x2a1: {  	s25 =	simm.s32 $0x5F00;
	s30 =	simm.s32 $0x5F80;
	s24 =	simm.s32 $0x6100  }
0x2a2: {  	[tilespmem:s1], [sflag:$0x2] =	stream.linear.gather [hbm4b:s10+s2], $0x80, $0x38;
	[tilespmem:$0x10200] =	vst v63  }
0x2a3: {  	s13 =	sadd.s32 s3, s11;
	s14 =	sand.u32 $0x1FFFFFF0, s12;
	s15 =	spop (v2sf)  }
0x2a4: {  	[tilespmem:s22], [sflag:$0x2] =	stream.linear.gather [hbm4b:s13+s2], $0x80, $0x38;
	[tilespmem:$0x10200] =	vst v63  }
0x2a5: {  	s26 =	sadd.s32 s3, s14;
	s29 =	sand.u32 $0x1FFFFFF0, s15;
	s31 =	spop (v2sf)  }
0x2a6: {  	[tilespmem:s25], [sflag:$0x2] =	stream.linear.gather [hbm4b:s26+s2], $0x80, $0x38;
	[tilespmem:$0x10200] =	vst v63  }
0x2a7: {  	s23 =	sadd.s32 s3, s29;
	s0 =	sand.u32 $0x1FFFFFF0, s31;
	s28 =	spop (v2sf)  }
0x2a8: {  	[tilespmem:s30], [sflag:$0x2] =	stream.linear.gather [hbm4b:s23+s2], $0x80, $0x38;
	[tilespmem:$0x10200] =	vst v63  }
0x2a9: {  	s22 =	simm.s32 $0xF0;
	s25 =	simm.s32 $0x6080;
	s23 =	simm.s32 $0xC0  }
.LBB2_2:
0x2aa: {  	s0 =	sadd.s32 s3, s0  }
0x2ab: {  	s26 =	sand.u32 $0x1FFFFFF0, s28;
	s28 =	spop (v2sf);
	s29 =	smov.u32 s19  }
0x2ac: {  	[tilespmem:s21], [sflag:$0x2] =	stream.linear.gather [hbm4b:s0+s2], $0x80, $0x38;
	[tilespmem:$0x10200] =	vst v63  }
0x2ad: {  	s0 =	sadd.s32 s3, s26;
	s21 =	sand.u32 $0x1FFFFFF0, s28;
	s26 =	spop (v2sf)  }
0x2ae: {  	[tilespmem:s25], [sflag:$0x2] =	stream.linear.gather [hbm4b:s0+s2], $0x80, $0x38;
	[tilespmem:$0x10200] =	vst v63  }
0x2af: {  	s21 =	sadd.s32 s3, s21;
	s0 =	sadd.s32 $0xFFFFFF80, s23;
	s25 =	sand.u32 $0x1FFFFFF0, s26  }
0x2b0: {  	[tilespmem:s24], [sflag:$0x2] =	stream.linear.gather [hbm4b:s21+s2], $0x80, $0x38;
	[tilespmem:$0x10200] =	vst v63  }
0x2b1: {  	s20 =	sadd.s32 $0x6180, s20;
	s0 =	sand.u32 $0x40, s0;
	s21 =	sadd.s32 s3, s25  }
0x2b2: {  	[tilespmem:s20], [sflag:$0x2] =	stream.linear.gather [hbm4b:s21+s2], $0x80, $0x38;
	[tilespmem:$0x10200] =	vst v63  }
0x2b3: {  	p0 =	sne.s32 s19, $0x28000;
	s19 =	sadd.s32 $0x8000, s19;
	_ =	swait.ge [sflag:s16], $0x1000  }
0x2b4: {  	s20 =	sand.u32 $0x380, s23;
	[sflag:s16] =	ssyncset.done $0x0  }
0x2b5: {  	s0 =	sor.u32 s0, s20;
	[sflag:s16] =	ssyncadd.s32 $0xFFFFF000  }
0x2b6: {  	v0 =	vld [tilespmem:s0+$0x0];
	_ =	sdelay $0x4  }
0x2b7: {  	v0 =	vshll.u32 v0, $0x4  }
0x2b8: {  	(v2sf) =	vpush v0, $0x1  }
0x2b9: {  	(v2sf) =	vpush v0, $0x0  }
0x2ba: {  	(v2sf) =	vpush v0, $0x2  }
0x2bb: {  	(v2sf) =	vpush v0, $0x3;
	_ =	sdelay $0x1  }
0x2bc: {  	(v2sf) =	vpush v0, $0x4;
	_ =	sdelay $0x1  }
0x2bd: {  	(v2sf) =	vpush v0, $0x5;
	_ =	sdelay $0x1  }
0x2be: {  	(v2sf) =	vpush v0, $0x6  }
0x2bf: {  	s20 =	sshra.s32 s29, $0x2  }
0x2c0: {  	s25 =	sadd.s32 $0x4680, s20;
	s24 =	sadd.s32 $0x4700, s20;
	s0 =	sadd.s32 $0x4400, s20;
	(v2sf) =	vpush v0, $0x7  }
0x2c1: {  	s1 =	sadd.s32 $0x4200, s20;
	s9 =	sadd.s32 $0x4280, s20;
	s10 =	sadd.s32 $0x4480, s20  }
0x2c2: {  	s31 =	sadd.s32 $0x4500, s20;
	s30 =	sadd.s32 $0x4580, s20;
	s21 =	sadd.s32 $0x6000, s20;
	(v2sf) =	vpush v0, $0x8  }
0x2c3: {  	s29 =	sadd.s32 $0x4600, s20  }
0x2c4: {  	s11 =	sadd.s32 $0x4380, s20;
	s26 =	sadd.s32 $0x4780, s20;
	s28 =	spop (v2sf);
	(v2sf) =	vpush v0, $0x9  }
0x2c5: {  	s13 =	sadd.s32 $0x4300, s20;
	s12 =	sand.u32 $0x1FFFFFF0, s28;
	s28 =	spop (v2sf)  }
0x2c6: {  	s14 =	sand.u32 $0x1FFFFFF0, s28;
	s28 =	sadd.s32 $0x4800, s20;
	s15 =	spop (v2sf);
	(v2sf) =	vpush v0, $0xA  }
0x2c7: {  	s14 =	sadd.s32 s3, s14;
	s15 =	sand.u32 $0x1FFFFFF0, s15;
	s8 =	spop (v2sf)  }
0x2c8: {  	[tilespmem:s1], [sflag:$0x1] =	stream.linear.gather [hbm4b:s14+s2], $0x80, $0x38;
	(v2sf) =	vpush v0, $0xB;
	[tilespmem:$0x10200] =	vst v63  }
0x2c9: {  	s1 =	sadd.s32 s3, s12;
	s8 =	sand.u32 $0x1FFFFFF0, s8;
	s12 =	spop (v2sf)  }
0x2ca: {  	[tilespmem:s9], [sflag:$0x1] =	stream.linear.gather [hbm4b:s1+s2], $0x80, $0x38;
	(v2sf) =	vpush v0, $0xC;
	[tilespmem:$0x10200] =	vst v63  }
0x2cb: {  	s1 =	sadd.s32 s3, s15;
	s9 =	sand.u32 $0x1FFFFFF0, s12;
	s12 =	spop (v2sf)  }
0x2cc: {  	[tilespmem:s13], [sflag:$0x1] =	stream.linear.gather [hbm4b:s1+s2], $0x80, $0x38;
	(v2sf) =	vpush v0, $0xD;
	[tilespmem:$0x10200] =	vst v63  }
0x2cd: {  	s1 =	sadd.s32 s3, s8;
	s8 =	sand.u32 $0x1FFFFFF0, s12;
	s12 =	spop (v2sf)  }
0x2ce: {  	[tilespmem:s11], [sflag:$0x1] =	stream.linear.gather [hbm4b:s1+s2], $0x80, $0x38;
	(v2sf) =	vpush v0, $0xE;
	[tilespmem:$0x10200] =	vst v63  }
0x2cf: {  	s1 =	sadd.s32 s3, s9;
	s9 =	sand.u32 $0x1FFFFFF0, s12;
	s11 =	spop (v2sf)  }
0x2d0: {  	[tilespmem:s0], [sflag:$0x1] =	stream.linear.gather [hbm4b:s1+s2], $0x80, $0x38;
	(v2sf) =	vpush v0, $0xF;
	[tilespmem:$0x10200] =	vst v63  }
0x2d1: {  	s0 =	sadd.s32 s3, s8;
	s1 =	sand.u32 $0x1FFFFFF0, s11;
	s8 =	spop (v2sf)  }
0x2d2: {  	[tilespmem:s10], [sflag:$0x1] =	stream.linear.gather [hbm4b:s0+s2], $0x80, $0x38;
	[tilespmem:$0x10200] =	vst v63  }
0x2d3: {  	s0 =	sadd.s32 s3, s9;
	s8 =	sand.u32 $0x1FFFFFF0, s8;
	s9 =	spop (v2sf)  }
0x2d4: {  	[tilespmem:s31], [sflag:$0x1] =	stream.linear.gather [hbm4b:s0+s2], $0x80, $0x38;
	[tilespmem:$0x10200] =	vst v63  }
0x2d5: {  	s0 =	sadd.s32 s3, s1;
	s1 =	sand.u32 $0x1FFFFFF0, s9;
	s9 =	spop (v2sf)  }
0x2d6: {  	[tilespmem:s30], [sflag:$0x1] =	stream.linear.gather [hbm4b:s0+s2], $0x80, $0x38;
	[tilespmem:$0x10200] =	vst v63  }
0x2d7: {  	s0 =	sadd.s32 s3, s8;
	s8 =	sand.u32 $0x1FFFFFF0, s9;
	s9 =	spop (v2sf)  }
0x2d8: {  	[tilespmem:s29], [sflag:$0x1] =	stream.linear.gather [hbm4b:s0+s2], $0x80, $0x38;
	[tilespmem:$0x10200] =	vst v63  }
0x2d9: {  	s0 =	sadd.s32 s3, s1;
	s1 =	sand.u32 $0x1FFFFFF0, s9;
	s9 =	spop (v2sf)  }
0x2da: {  	[tilespmem:s25], [sflag:$0x1] =	stream.linear.gather [hbm4b:s0+s2], $0x80, $0x38;
	[tilespmem:$0x10200] =	vst v63  }
0x2db: {  	s0 =	sadd.s32 s3, s8;
	s8 =	sand.u32 $0x1FFFFFF0, s9;
	s9 =	spop (v2sf)  }
0x2dc: {  	[tilespmem:s24], [sflag:$0x1] =	stream.linear.gather [hbm4b:s0+s2], $0x80, $0x38;
	[tilespmem:$0x10200] =	vst v63  }
0x2dd: {  	s0 =	sadd.s32 s3, s1;
	s1 =	sand.u32 $0x1FFFFFF0, s9;
	s9 =	spop (v2sf)  }
0x2de: {  	[tilespmem:s26], [sflag:$0x1] =	stream.linear.gather [hbm4b:s0+s2], $0x80, $0x38;
	[tilespmem:$0x10200] =	vst v63  }
0x2df: {  	s0 =	sadd.s32 s3, s8;
	s8 =	sand.u32 $0x1FFFFFF0, s9;
	s9 =	spop (v2sf)  }
0x2e0: {  	[tilespmem:s28], [sflag:$0x1] =	stream.linear.gather [hbm4b:s0+s2], $0x80, $0x38;
	[tilespmem:$0x10200] =	vst v63  }
0x2e1: {  	s1 =	sadd.s32 s3, s1;
	s0 =	sadd.s32 $0x4880, s20;
	s9 =	sand.u32 $0x1FFFFFF0, s9  }
0x2e2: {  	[tilespmem:s0], [sflag:$0x1] =	stream.linear.gather [hbm4b:s1+s2], $0x80, $0x38;
	[tilespmem:$0x10200] =	vst v63  }
0x2e3: {  	s0 =	sadd.s32 $0x4900, s20;
	s1 =	sadd.s32 s3, s8  }
0x2e4: {  	[tilespmem:s0], [sflag:$0x1] =	stream.linear.gather [hbm4b:s1+s2], $0x80, $0x38;
	[tilespmem:$0x10200] =	vst v63  }
0x2e5: {  	s0 =	sadd.s32 $0x4980, s20;
	s1 =	sadd.s32 s3, s9  }
0x2e6: {  	[tilespmem:s0], [sflag:$0x1] =	stream.linear.gather [hbm4b:s1+s2], $0x80, $0x38;
	[tilespmem:$0x10200] =	vst v63  }
0x2e7: {  	v0 =	vld [tilespmem:s22+$0xFFFFFFE0];
	_ =	sdelay $0x4  }
0x2e8: {  	v0 =	vshll.u32 v0, $0x4  }
0x2e9: {  	(v2sf) =	vpush v0, $0x0  }
0x2ea: {  	(v2sf) =	vpush v0, $0x1  }
0x2eb: {  	(v2sf) =	vpush v0, $0x2;
	_ =	sdelay $0x1  }
0x2ec: {  	(v2sf) =	vpush v0, $0x3;
	_ =	sdelay $0x1  }
0x2ed: {  	(v2sf) =	vpush v0, $0x4;
	_ =	sdelay $0x1  }
0x2ee: {  	(v2sf) =	vpush v0, $0x5;
	_ =	sdelay $0x1  }
0x2ef: {  	(v2sf) =	vpush v0, $0x6  }
0x2f0: {  	s25 =	sadd.s32 $0x5000, s20;
	s24 =	sadd.s32 $0x5080, s20  }
0x2f1: {  	s29 =	sadd.s32 $0x4E80, s20;
	s26 =	sadd.s32 $0x4F80, s20;
	s28 =	sadd.s32 $0x4F00, s20;
	(v2sf) =	vpush v0, $0x7  }
0x2f2: {  	s31 =	sadd.s32 $0x4D80, s20;
	s30 =	sadd.s32 $0x4E00, s20;
	s0 =	sadd.s32 $0x4D00, s20  }
0x2f3: {  	s8 =	sadd.s32 $0x4C00, s20;
	s9 =	sadd.s32 $0x4C80, s20;
	s1 =	sadd.s32 $0x4B80, s20;
	(v2sf) =	vpush v0, $0x8  }
0x2f4: {  	s11 =	sadd.s32 $0x4B00, s20;
	s10 =	sadd.s32 $0x4A80, s20;
	s12 =	spop (v2sf)  }
0x2f5: {  	s13 =	sadd.s32 $0x4A00, s20;
	s12 =	sand.u32 $0x1FFFFFF0, s12;
	s14 =	spop (v2sf);
	(v2sf) =	vpush v0, $0x9  }
0x2f6: {  	s12 =	sadd.s32 s3, s12;
	s14 =	sand.u32 $0x1FFFFFF0, s14;
	s15 =	spop (v2sf)  }
0x2f7: {  	[tilespmem:s13], [sflag:$0x1] =	stream.linear.gather [hbm4b:s12+s2], $0x80, $0x38;
	(v2sf) =	vpush v0, $0xA;
	[tilespmem:$0x10200] =	vst v63  }
0x2f8: {  	s12 =	sadd.s32 s3, s14;
	s13 =	sand.u32 $0x1FFFFFF0, s15;
	s14 =	spop (v2sf)  }
0x2f9: {  	[tilespmem:s10], [sflag:$0x1] =	stream.linear.gather [hbm4b:s12+s2], $0x80, $0x38;
	(v2sf) =	vpush v0, $0xB;
	[tilespmem:$0x10200] =	vst v63  }
0x2fa: {  	s10 =	sadd.s32 s3, s13;
	s12 =	sand.u32 $0x1FFFFFF0, s14;
	s13 =	spop (v2sf)  }
0x2fb: {  	[tilespmem:s11], [sflag:$0x1] =	stream.linear.gather [hbm4b:s10+s2], $0x80, $0x38;
	(v2sf) =	vpush v0, $0xC;
	[tilespmem:$0x10200] =	vst v63  }
0x2fc: {  	s10 =	sadd.s32 s3, s12;
	s11 =	sand.u32 $0x1FFFFFF0, s13;
	s12 =	spop (v2sf)  }
0x2fd: {  	[tilespmem:s1], [sflag:$0x1] =	stream.linear.gather [hbm4b:s10+s2], $0x80, $0x38;
	(v2sf) =	vpush v0, $0xD;
	[tilespmem:$0x10200] =	vst v63  }
0x2fe: {  	s1 =	sadd.s32 s3, s11;
	s10 =	sand.u32 $0x1FFFFFF0, s12;
	s11 =	spop (v2sf)  }
0x2ff: {  	[tilespmem:s8], [sflag:$0x1] =	stream.linear.gather [hbm4b:s1+s2], $0x80, $0x38;
	(v2sf) =	vpush v0, $0xE;
	[tilespmem:$0x10200] =	vst v63  }
0x300: {  	s1 =	sadd.s32 s3, s10;
	s8 =	sand.u32 $0x1FFFFFF0, s11;
	s10 =	spop (v2sf)  }
0x301: {  	[tilespmem:s9], [sflag:$0x1] =	stream.linear.gather [hbm4b:s1+s2], $0x80, $0x38;
	(v2sf) =	vpush v0, $0xF;
	[tilespmem:$0x10200] =	vst v63  }
0x302: {  	s1 =	sadd.s32 s3, s8;
	s8 =	sand.u32 $0x1FFFFFF0, s10;
	s9 =	spop (v2sf)  }
0x303: {  	[tilespmem:s0], [sflag:$0x1] =	stream.linear.gather [hbm4b:s1+s2], $0x80, $0x38;
	[tilespmem:$0x10200] =	vst v63  }
0x304: {  	s0 =	sadd.s32 s3, s8;
	s1 =	sand.u32 $0x1FFFFFF0, s9;
	s8 =	spop (v2sf)  }
0x305: {  	[tilespmem:s31], [sflag:$0x1] =	stream.linear.gather [hbm4b:s0+s2], $0x80, $0x38;
	[tilespmem:$0x10200] =	vst v63  }
0x306: {  	s0 =	sadd.s32 s3, s1;
	s1 =	sand.u32 $0x1FFFFFF0, s8;
	s8 =	spop (v2sf)  }
0x307: {  	[tilespmem:s30], [sflag:$0x1] =	stream.linear.gather [hbm4b:s0+s2], $0x80, $0x38;
	[tilespmem:$0x10200] =	vst v63  }
0x308: {  	s0 =	sadd.s32 s3, s1;
	s1 =	sand.u32 $0x1FFFFFF0, s8;
	s8 =	spop (v2sf)  }
0x309: {  	[tilespmem:s29], [sflag:$0x1] =	stream.linear.gather [hbm4b:s0+s2], $0x80, $0x38;
	[tilespmem:$0x10200] =	vst v63  }
0x30a: {  	s0 =	sadd.s32 s3, s1;
	s1 =	sand.u32 $0x1FFFFFF0, s8;
	s8 =	spop (v2sf)  }
0x30b: {  	[tilespmem:s28], [sflag:$0x1] =	stream.linear.gather [hbm4b:s0+s2], $0x80, $0x38;
	[tilespmem:$0x10200] =	vst v63  }
0x30c: {  	s0 =	sadd.s32 s3, s1;
	s1 =	sand.u32 $0x1FFFFFF0, s8;
	s8 =	spop (v2sf)  }
0x30d: {  	[tilespmem:s26], [sflag:$0x1] =	stream.linear.gather [hbm4b:s0+s2], $0x80, $0x38;
	[tilespmem:$0x10200] =	vst v63  }
0x30e: {  	s0 =	sadd.s32 s3, s1;
	s1 =	sand.u32 $0x1FFFFFF0, s8;
	s8 =	spop (v2sf)  }
0x30f: {  	[tilespmem:s25], [sflag:$0x1] =	stream.linear.gather [hbm4b:s0+s2], $0x80, $0x38;
	[tilespmem:$0x10200] =	vst v63  }
0x310: {  	s0 =	sadd.s32 s3, s1;
	s1 =	sand.u32 $0x1FFFFFF0, s8;
	s8 =	spop (v2sf)  }
0x311: {  	[tilespmem:s24], [sflag:$0x1] =	stream.linear.gather [hbm4b:s0+s2], $0x80, $0x38;
	[tilespmem:$0x10200] =	vst v63  }
0x312: {  	s1 =	sadd.s32 s3, s1;
	s0 =	sadd.s32 $0x5100, s20;
	s8 =	sand.u32 $0x1FFFFFF0, s8  }
0x313: {  	[tilespmem:s0], [sflag:$0x1] =	stream.linear.gather [hbm4b:s1+s2], $0x80, $0x38;
	[tilespmem:$0x10200] =	vst v63  }
0x314: {  	s0 =	sadd.s32 $0x5180, s20;
	s1 =	sadd.s32 s3, s8  }
0x315: {  	[tilespmem:s0], [sflag:$0x1] =	stream.linear.gather [hbm4b:s1+s2], $0x80, $0x38;
	[tilespmem:$0x10200] =	vst v63  }
0x316: {  	_ =	swait.ge [sflag:s17], $0x1000  }
0x317: {  	[sflag:s17] =	ssyncset.done $0x0  }
0x318: {  	[sflag:s17] =	ssyncadd.s32 $0xFFFFF000  }
0x319: {  	v0 =	vld [tilespmem:s22+$0xFFFFFFF0];
	_ =	sdelay $0x4  }
0x31a: {  	v0 =	vshll.u32 v0, $0x4  }
0x31b: {  	(v2sf) =	vpush v0, $0x0  }
0x31c: {  	(v2sf) =	vpush v0, $0x1  }
0x31d: {  	(v2sf) =	vpush v0, $0x2;
	_ =	sdelay $0x1  }
0x31e: {  	(v2sf) =	vpush v0, $0x3;
	_ =	sdelay $0x1  }
0x31f: {  	(v2sf) =	vpush v0, $0x4;
	_ =	sdelay $0x1  }
0x320: {  	(v2sf) =	vpush v0, $0x5;
	_ =	sdelay $0x1  }
0x321: {  	(v2sf) =	vpush v0, $0x6  }
0x322: {  	s25 =	sadd.s32 $0x5800, s20;
	s24 =	sadd.s32 $0x5880, s20  }
0x323: {  	s29 =	sadd.s32 $0x5680, s20;
	s28 =	sadd.s32 $0x5700, s20;
	s26 =	sadd.s32 $0x5780, s20;
	(v2sf) =	vpush v0, $0x7  }
0x324: {  	s31 =	sadd.s32 $0x5580, s20;
	s30 =	sadd.s32 $0x5600, s20;
	s0 =	sadd.s32 $0x5500, s20  }
0x325: {  	s9 =	sadd.s32 $0x5480, s20;
	s8 =	sadd.s32 $0x5400, s20;
	s1 =	sadd.s32 $0x5380, s20;
	(v2sf) =	vpush v0, $0x8  }
0x326: {  	s11 =	sadd.s32 $0x5300, s20;
	s10 =	sadd.s32 $0x5280, s20;
	s12 =	spop (v2sf)  }
0x327: {  	s13 =	sadd.s32 $0x5200, s20;
	s12 =	sand.u32 $0x1FFFFFF0, s12;
	s14 =	spop (v2sf);
	(v2sf) =	vpush v0, $0x9  }
0x328: {  	s12 =	sadd.s32 s3, s12;
	s14 =	sand.u32 $0x1FFFFFF0, s14;
	s15 =	spop (v2sf)  }
0x329: {  	[tilespmem:s13], [sflag:$0x2] =	stream.linear.gather [hbm4b:s12+s2], $0x80, $0x38;
	(v2sf) =	vpush v0, $0xA;
	[tilespmem:$0x10200] =	vst v63  }
0x32a: {  	s12 =	sadd.s32 s3, s14;
	s13 =	sand.u32 $0x1FFFFFF0, s15;
	s14 =	spop (v2sf)  }
0x32b: {  	[tilespmem:s10], [sflag:$0x2] =	stream.linear.gather [hbm4b:s12+s2], $0x80, $0x38;
	(v2sf) =	vpush v0, $0xB;
	[tilespmem:$0x10200] =	vst v63  }
0x32c: {  	s10 =	sadd.s32 s3, s13;
	s12 =	sand.u32 $0x1FFFFFF0, s14;
	s13 =	spop (v2sf)  }
0x32d: {  	[tilespmem:s11], [sflag:$0x2] =	stream.linear.gather [hbm4b:s10+s2], $0x80, $0x38;
	(v2sf) =	vpush v0, $0xC;
	[tilespmem:$0x10200] =	vst v63  }
0x32e: {  	s10 =	sadd.s32 s3, s12;
	s11 =	sand.u32 $0x1FFFFFF0, s13;
	s12 =	spop (v2sf)  }
0x32f: {  	[tilespmem:s1], [sflag:$0x2] =	stream.linear.gather [hbm4b:s10+s2], $0x80, $0x38;
	(v2sf) =	vpush v0, $0xD;
	[tilespmem:$0x10200] =	vst v63  }
0x330: {  	s1 =	sadd.s32 s3, s11;
	s10 =	sand.u32 $0x1FFFFFF0, s12;
	s11 =	spop (v2sf)  }
0x331: {  	[tilespmem:s8], [sflag:$0x2] =	stream.linear.gather [hbm4b:s1+s2], $0x80, $0x38;
	(v2sf) =	vpush v0, $0xE;
	[tilespmem:$0x10200] =	vst v63  }
0x332: {  	s1 =	sadd.s32 s3, s10;
	s8 =	sand.u32 $0x1FFFFFF0, s11;
	s10 =	spop (v2sf)  }
0x333: {  	[tilespmem:s9], [sflag:$0x2] =	stream.linear.gather [hbm4b:s1+s2], $0x80, $0x38;
	(v2sf) =	vpush v0, $0xF;
	[tilespmem:$0x10200] =	vst v63  }
0x334: {  	s1 =	sadd.s32 s3, s8;
	s8 =	sand.u32 $0x1FFFFFF0, s10;
	s9 =	spop (v2sf)  }
0x335: {  	[tilespmem:s0], [sflag:$0x2] =	stream.linear.gather [hbm4b:s1+s2], $0x80, $0x38;
	[tilespmem:$0x10200] =	vst v63  }
0x336: {  	s0 =	sadd.s32 s3, s8;
	s1 =	sand.u32 $0x1FFFFFF0, s9;
	s8 =	spop (v2sf)  }
0x337: {  	[tilespmem:s31], [sflag:$0x2] =	stream.linear.gather [hbm4b:s0+s2], $0x80, $0x38;
	[tilespmem:$0x10200] =	vst v63  }
0x338: {  	s0 =	sadd.s32 s3, s1;
	s1 =	sand.u32 $0x1FFFFFF0, s8;
	s8 =	spop (v2sf)  }
0x339: {  	[tilespmem:s30], [sflag:$0x2] =	stream.linear.gather [hbm4b:s0+s2], $0x80, $0x38;
	[tilespmem:$0x10200] =	vst v63  }
0x33a: {  	s0 =	sadd.s32 s3, s1;
	s1 =	sand.u32 $0x1FFFFFF0, s8;
	s8 =	spop (v2sf)  }
0x33b: {  	[tilespmem:s29], [sflag:$0x2] =	stream.linear.gather [hbm4b:s0+s2], $0x80, $0x38;
	[tilespmem:$0x10200] =	vst v63  }
0x33c: {  	s0 =	sadd.s32 s3, s1;
	s1 =	sand.u32 $0x1FFFFFF0, s8;
	s8 =	spop (v2sf)  }
0x33d: {  	[tilespmem:s28], [sflag:$0x2] =	stream.linear.gather [hbm4b:s0+s2], $0x80, $0x38;
	[tilespmem:$0x10200] =	vst v63  }
0x33e: {  	s0 =	sadd.s32 s3, s1;
	s1 =	sand.u32 $0x1FFFFFF0, s8;
	s8 =	spop (v2sf)  }
0x33f: {  	[tilespmem:s26], [sflag:$0x2] =	stream.linear.gather [hbm4b:s0+s2], $0x80, $0x38;
	[tilespmem:$0x10200] =	vst v63  }
0x340: {  	s0 =	sadd.s32 s3, s1;
	s1 =	sand.u32 $0x1FFFFFF0, s8;
	s8 =	spop (v2sf)  }
0x341: {  	[tilespmem:s25], [sflag:$0x2] =	stream.linear.gather [hbm4b:s0+s2], $0x80, $0x38;
	[tilespmem:$0x10200] =	vst v63  }
0x342: {  	s0 =	sadd.s32 s3, s1;
	s1 =	sand.u32 $0x1FFFFFF0, s8;
	s8 =	spop (v2sf)  }
0x343: {  	[tilespmem:s24], [sflag:$0x2] =	stream.linear.gather [hbm4b:s0+s2], $0x80, $0x38;
	[tilespmem:$0x10200] =	vst v63  }
0x344: {  	s1 =	sadd.s32 s3, s1;
	s0 =	sadd.s32 $0x5900, s20;
	s8 =	sand.u32 $0x1FFFFFF0, s8  }
0x345: {  	[tilespmem:s0], [sflag:$0x2] =	stream.linear.gather [hbm4b:s1+s2], $0x80, $0x38;
	[tilespmem:$0x10200] =	vst v63  }
0x346: {  	s0 =	sadd.s32 $0x5980, s20;
	s1 =	sadd.s32 s3, s8  }
0x347: {  	[tilespmem:s0], [sflag:$0x2] =	stream.linear.gather [hbm4b:s1+s2], $0x80, $0x38;
	[tilespmem:$0x10200] =	vst v63  }
0x348: {  	v0 =	vld [tilespmem:s22+$0x0];
	_ =	sdelay $0x4  }
0x349: {  	v0 =	vshll.u32 v0, $0x4  }
0x34a: {  	(v2sf) =	vpush v0, $0x0  }
0x34b: {  	(v2sf) =	vpush v0, $0x1  }
0x34c: {  	(v2sf) =	vpush v0, $0x2;
	_ =	sdelay $0x1  }
0x34d: {  	(v2sf) =	vpush v0, $0x3;
	_ =	sdelay $0x1  }
0x34e: {  	(v2sf) =	vpush v0, $0x4;
	_ =	sdelay $0x1  }
0x34f: {  	(v2sf) =	vpush v0, $0x5;
	_ =	sdelay $0x1  }
0x350: {  	s22 =	sadd.s32 $0x40, s22;
	(v2sf) =	vpush v0, $0x6  }
0x351: {  	s23 =	sadd.s32 $0x40, s23;
	s25 =	sadd.s32 $0x6080, s20;
	s24 =	sadd.s32 $0x6100, s20  }
0x352: {  	s29 =	sadd.s32 $0x5E80, s20;
	s28 =	sadd.s32 $0x5F00, s20;
	s26 =	sadd.s32 $0x5F80, s20;
	(v2sf) =	vpush v0, $0x7  }
0x353: {  	s31 =	sadd.s32 $0x5D80, s20;
	s30 =	sadd.s32 $0x5E00, s20;
	s0 =	sadd.s32 $0x5D00, s20  }
0x354: {  	s9 =	sadd.s32 $0x5C80, s20;
	s8 =	sadd.s32 $0x5C00, s20;
	s1 =	sadd.s32 $0x5B80, s20;
	(v2sf) =	vpush v0, $0x8  }
0x355: {  	s11 =	sadd.s32 $0x5B00, s20;
	s10 =	sadd.s32 $0x5A80, s20;
	s12 =	spop (v2sf)  }
0x356: {  	s13 =	sadd.s32 $0x5A00, s20;
	s12 =	sand.u32 $0x1FFFFFF0, s12;
	s14 =	spop (v2sf);
	(v2sf) =	vpush v0, $0x9  }
0x357: {  	s12 =	sadd.s32 s3, s12;
	s14 =	sand.u32 $0x1FFFFFF0, s14;
	s15 =	spop (v2sf)  }
0x358: {  	[tilespmem:s13], [sflag:$0x2] =	stream.linear.gather [hbm4b:s12+s2], $0x80, $0x38;
	(v2sf) =	vpush v0, $0xA;
	[tilespmem:$0x10200] =	vst v63  }
0x359: {  	s12 =	sadd.s32 s3, s14;
	s13 =	sand.u32 $0x1FFFFFF0, s15;
	s14 =	spop (v2sf)  }
0x35a: {  	[tilespmem:s10], [sflag:$0x2] =	stream.linear.gather [hbm4b:s12+s2], $0x80, $0x38;
	(v2sf) =	vpush v0, $0xB;
	[tilespmem:$0x10200] =	vst v63  }
0x35b: {  	s10 =	sadd.s32 s3, s13;
	s12 =	sand.u32 $0x1FFFFFF0, s14;
	s13 =	spop (v2sf)  }
0x35c: {  	[tilespmem:s11], [sflag:$0x2] =	stream.linear.gather [hbm4b:s10+s2], $0x80, $0x38;
	(v2sf) =	vpush v0, $0xC;
	[tilespmem:$0x10200] =	vst v63  }
0x35d: {  	s10 =	sadd.s32 s3, s12;
	s11 =	sand.u32 $0x1FFFFFF0, s13;
	s12 =	spop (v2sf)  }
0x35e: {  	[tilespmem:s1], [sflag:$0x2] =	stream.linear.gather [hbm4b:s10+s2], $0x80, $0x38;
	(v2sf) =	vpush v0, $0xD;
	[tilespmem:$0x10200] =	vst v63  }
0x35f: {  	s1 =	sadd.s32 s3, s11;
	s10 =	sand.u32 $0x1FFFFFF0, s12;
	s11 =	spop (v2sf)  }
0x360: {  	[tilespmem:s8], [sflag:$0x2] =	stream.linear.gather [hbm4b:s1+s2], $0x80, $0x38;
	(v2sf) =	vpush v0, $0xE;
	[tilespmem:$0x10200] =	vst v63  }
0x361: {  	s1 =	sadd.s32 s3, s10;
	s8 =	sand.u32 $0x1FFFFFF0, s11;
	s10 =	spop (v2sf)  }
0x362: {  	[tilespmem:s9], [sflag:$0x2] =	stream.linear.gather [hbm4b:s1+s2], $0x80, $0x38;
	(v2sf) =	vpush v0, $0xF;
	[tilespmem:$0x10200] =	vst v63  }
0x363: {  	s1 =	sadd.s32 s3, s8;
	s8 =	sand.u32 $0x1FFFFFF0, s10;
	s9 =	spop (v2sf)  }
0x364: {  	[tilespmem:s0], [sflag:$0x2] =	stream.linear.gather [hbm4b:s1+s2], $0x80, $0x38;
	[tilespmem:$0x10200] =	vst v63  }
0x365: {  	s0 =	sadd.s32 s3, s8;
	s1 =	sand.u32 $0x1FFFFFF0, s9;
	s8 =	spop (v2sf)  }
0x366: {  	[tilespmem:s31], [sflag:$0x2] =	stream.linear.gather [hbm4b:s0+s2], $0x80, $0x38;
	[tilespmem:$0x10200] =	vst v63  }
0x367: {  	s0 =	sadd.s32 s3, s1;
	s1 =	sand.u32 $0x1FFFFFF0, s8;
	s8 =	spop (v2sf)  }
0x368: {  	[tilespmem:s30], [sflag:$0x2] =	stream.linear.gather [hbm4b:s0+s2], $0x80, $0x38;
	[tilespmem:$0x10200] =	vst v63  }
0x369: {  	s0 =	sadd.s32 s3, s1;
	s1 =	sand.u32 $0x1FFFFFF0, s8;
	s8 =	spop (v2sf)  }
0x36a: {  	[tilespmem:s29], [sflag:$0x2] =	stream.linear.gather [hbm4b:s0+s2], $0x80, $0x38;
	[tilespmem:$0x10200] =	vst v63  }
.Ltmp0:
0x36b: {  	_ = 	snop;
	(pc) =	sbr.rel @p0 .LBB2_2-.Ltmp0, $4  }
0x36c: {  	s0 =	sadd.s32 s3, s1;
	s1 =	sand.u32 $0x1FFFFFF0, s8;
	s8 =	spop (v2sf)  }
0x36d: {  	[tilespmem:s28], [sflag:$0x2] =	stream.linear.gather [hbm4b:s0+s2], $0x80, $0x38;
	[tilespmem:$0x10200] =	vst v63  }
0x36e: {  	s1 =	sadd.s32 s3, s1;
	s0 =	sand.u32 $0x1FFFFFF0, s8;
	s28 =	spop (v2sf)  }
0x36f: {  	[tilespmem:s26], [sflag:$0x2] =	stream.linear.gather [hbm4b:s1+s2], $0x80, $0x38;
	[tilespmem:$0x10200] =	vst v63  }
0x370: {  	s0 =	sadd.s32 s3, s0;
	s1 =	sand.u32 $0x1FFFFFF0, s28;
	s8 =	spop (v2sf)  }
0x371: {  	[tilespmem:s21], [sflag:$0x2] =	stream.linear.gather [hbm4b:s0+s2], $0x80, $0x38;
	[tilespmem:$0x10200] =	vst v63  }
0x372: {  	s23 =	sadd.s32 s3, s1;
	s26 =	sand.u32 $0x1FFFFFF0, s8;
	s28 =	spop (v2sf)  }
0x373: {  	[tilespmem:s25], [sflag:$0x2] =	stream.linear.gather [hbm4b:s23+s2], $0x80, $0x38;
	[tilespmem:$0x10200] =	vst v63  }
0x374: {  	s29 =	sadd.s32 s3, s26;
	s30 =	sand.u32 $0x1FFFFFF0, s28  }
0x375: {  	[tilespmem:s24], [sflag:$0x2] =	stream.linear.gather [hbm4b:s29+s2], $0x80, $0x38;
	[tilespmem:$0x10200] =	vst v63  }
0x376: {  	s31 =	sadd.s32 $0x6180, s20;
	s1 =	sadd.s32 s3, s30  }
0x377: {  	[tilespmem:s31], [sflag:$0x2] =	stream.linear.gather [hbm4b:s1+s2], $0x80, $0x38;
	[tilespmem:$0x10200] =	vst v63  }
0x378: {  	_ =	swait.ge [sflag:s16], $0x1000  }
0x379: {  	[sflag:s16] =	ssyncset.done $0x0  }
0x37a: {  	[sflag:s16] =	ssyncadd.s32 $0xFFFFF000  }
0x37b: {  	_ =	swait.ge [sflag:s17], $0x1000  }
0x37c: {  	[sflag:s17] =	ssyncset.done $0x0  }
0x37d: {  	[sflag:s17] =	ssyncadd.s32 $0xFFFFF000  }
0x37e: {  	_ =	swait.ge [sflag:s16], $0x1000  }
0x37f: {  	[sflag:s16] =	ssyncset.done $0x0  }
0x380: {  	[sflag:s16] =	ssyncadd.s32 $0xFFFFF000  }
0x381: {  	s18 =	sadd.s32 $0x1, s18;
	_ =	swait.ge [sflag:s17], $0x1000  }
0x382: {  	p0 =	sne.s32 s18, s6;
	[sflag:s17] =	ssyncset.done $0x0  }
.Ltmp1:
0x383: {  	s1 =	simm.s32 $0x200;
	[sflag:s17] =	ssyncadd.s32 $0xFFFFF000;
	(pc) =	sbr.rel @p0 .LBB2_1-.Ltmp1, $4  }
0x384: {  	[hbm4b:s5+s2] =	stream.linear.scatter [tilespmem:s1], [sflag:$0x3], $0x10000, $0x38;
	[tilespmem:$0x10200] =	vst v63  }
0x385: {  	_ =	swait.ge [sflag:s7], $0x10000  }
0x386: {  	[sflag:s7] =	ssyncset.done $0x0  }
0x387: {  	[sflag:s7] =	ssyncadd.s32 $0xFFFF0000  }
0x388: {  	_ =	sfence.sel $0x180000  }
0x389: {  	[bflag:$0x0] =	sbarrier.arrive $0xFFFF  }
0x38a: {  	_ =	strace $0x90000047  }
0x38b: {  	s0 =	stileid.u32;
	[bflag:$0x2] =	sbarrier.arrive $0xFFFF  }
0x38c: {  	p0 =	sne.s32 s0, $0x0;
	s0 =	rddreg [dreg:$0x2]  }
0x38d: {  	s0 =	sadd.s32 @!p0 $0x100000, s0  }
0x38e: {  	[sflag:s0] =	ssyncadd.tile.s32 @!p0 $0x1;
	_ =	shalt  }
.Lfunc_end2:
_tile_overlayer_lowered:
.L_overlay_start_2:
0x38f: {  	(tag) =	ssettag $0x2  }
0x390: {  	s0 =	rddreg [dreg:$0x0];
	s2 =	stileid.u32  }
0x391: {  	s1 =	rddreg [dreg:$0x1];
	p0 =	sne.s32 s2, $0x0  }
0x392: {  	s3 =	rddreg [dreg:$0x2];
	[bflag:$0x3] =	sbarrier.arrive $0xFFFF;
	s2 =	simm.s32 @!p0 $0x1C03  }
0x393: {  	[timem:s3], [sflag:s2] =	dma.local @!p0 [hbm:s0], s1  }
0x394: {  	s0 =	simm.s32 @!p0 $0x3  }
0x395: {  	_ =	swait.ge @!p0 [sflag:s0], s1  }
0x396: {  	s1 =	ssub.s32 @!p0 $0x0, s1;
	[sflag:s0] =	ssyncset.done @!p0 $0x0  }
0x397: {  	[sflag:s0] =	ssyncadd.s32 @!p0 s1  }
0x398: {  	[bflag:$0x3] =	sbarrier.arrive $0xFFFF  }
0x399: {  	_ =	shalt  }

</sc_bundles>
